<compile_context>
chip_gen: v7x
topology: tpu7x:2x2x1
jax: 0.10.2.dev20260603
libtpu: 0.0.44.dev20260713+nightly
codegen_flags: <defaults>
</compile_context>

<pallas_src>
import functools

import jax
import jax.numpy as jnp
from jax import lax
from jax.experimental import pallas as pl
from jax.experimental.pallas import tpu as pltpu
from jax.experimental.pallas import tpu_sc as plsc

N_NODES = 10000
D_IN = 128
D_H = 256
D_OUT = 128
E_TOTAL = 320000

NC = 2
NS = 16
NW = NC * NS

CHUNK = 128
TOT_CHUNKS = 2560
E_PAD = TOT_CHUNKS * CHUNK
PHASE = 16
C0_AGG, C1_AGG = 144, 16
C_DEG = TOT_CHUNKS // NW
ACC_ROWS = 10240
ROWS_PER_TILE = ACC_ROWS // NS

BN_EPS = 1e-5
ROW_BLK = 2000
GRID = N_NODES // ROW_BLK


NBUF = 2

_MESH = plsc.VectorSubcoreMesh(
    core_axis_name="c", subcore_axis_name="s", num_cores=NC, num_subcores=NS)


def _make_sc_agg(d_feat):

  @functools.partial(
      pl.kernel,
      out_type=jax.ShapeDtypeStruct((NC, ACC_ROWS, d_feat), jnp.float32),
      mesh=_MESH,
      scratch_types=(
          [pltpu.VMEM((PHASE, CHUNK), jnp.int32),
           pltpu.VMEM((PHASE, CHUNK), jnp.int32),
           pltpu.VMEM((8 * NW + 16, ), jnp.int32)]
          + [pltpu.VMEM((CHUNK, d_feat), jnp.float32)] * NBUF
          + [pltpu.SemaphoreType.DMA] * (2 * NBUF)
          + [pltpu.VMEM_SHARED((ACC_ROWS, d_feat), jnp.float32)]
      ),
  )
  def agg(feat_hbm, rows_hbm, cols_hbm, zeros_hbm, splits_hbm, out_hbm,
          ridx_v, cidx_v, splits_v, *rest):
    bufs = rest[:NBUF]
    gsems = rest[NBUF:2 * NBUF]
    ssems = rest[2 * NBUF:3 * NBUF]
    acc_sh = rest[3 * NBUF]
    cid = lax.axis_index("c")
    sid = lax.axis_index("s")
    wid = cid * NS + sid
    pltpu.sync_copy(splits_hbm, splits_v)
    pltpu.sync_copy(zeros_hbm, bufs[0])
    for r in range(ROWS_PER_TILE // CHUNK):
      pltpu.sync_copy(
          bufs[0],
          acc_sh.at[pl.ds(sid * ROWS_PER_TILE + r * CHUNK, CHUNK)])
    plsc.subcore_barrier()

    def body(k, carry):
      base = k * NBUF
      gds = [pltpu.async_copy(feat_hbm.at[ridx_v.at[base + b]],
                              bufs[b], gsems[b])
             for b in range(NBUF)]
      sds = []
      for b in range(NBUF):
        gds[b].wait()
        sds.append(pltpu.async_copy(bufs[b], acc_sh.at[cidx_v.at[base + b]],
                                    ssems[b], add=True))
      for b in range(NBUF):
        sds[b].wait()
      return carry

    ent = splits_v[pl.ds(8 * wid, 16)]
    my_base = ent[0]
    my_count = ent[1]

    def phase_body(p, carry):
      chunk_base = pl.multiple_of(my_base + p * PHASE, 8)
      pltpu.sync_copy(rows_hbm.at[pl.ds(chunk_base, PHASE)], ridx_v)
      pltpu.sync_copy(cols_hbm.at[pl.ds(chunk_base, PHASE)], cidx_v)
      lax.fori_loop(0, PHASE // NBUF, body, 0)
      return carry

    lax.fori_loop(0, my_count // PHASE, phase_body, 0)
    plsc.subcore_barrier()
    pltpu.sync_copy(acc_sh.at[pl.ds(sid * ROWS_PER_TILE, ROWS_PER_TILE)],
                    out_hbm.at[cid, pl.ds(sid * ROWS_PER_TILE, ROWS_PER_TILE)])

  return agg


_sc_agg_feat = _make_sc_agg(D_IN)



def _prep_body(degp_ref, x_ref, xs_ref, dinv_ref):
  d = degp_ref[0, :, 0:1] + degp_ref[1, :, 0:1] + 1.0
  dinv = lax.rsqrt(d)
  dinv_ref[...] = dinv
  xs_ref[...] = x_ref[...] * dinv


def _tc_prep(degp, x):
  return pl.pallas_call(
      _prep_body,
      grid=(GRID,),
      in_specs=[
          pl.BlockSpec((NC, ROW_BLK, D_IN), lambda i: (0, i, 0)),
          pl.BlockSpec((ROW_BLK, D_IN), lambda i: (i, 0)),
      ],
      out_specs=[
          pl.BlockSpec((ROW_BLK, D_IN), lambda i: (i, 0)),
          pl.BlockSpec((ROW_BLK, 1), lambda i: (i, 0)),
      ],
      out_shape=[
          jax.ShapeDtypeStruct((N_NODES, D_IN), jnp.float32),
          jax.ShapeDtypeStruct((N_NODES, 1), jnp.float32),
      ],
  )(degp, x)


def _l1_body(a1_ref, xs_ref, dinv_ref, w1_ref, b1_ref, out_ref, stats_ref):
  z = dinv_ref[...] * (a1_ref[0] + a1_ref[1] + xs_ref[...])
  o = jnp.dot(z, w1_ref[...], preferred_element_type=jnp.float32) + b1_ref[...]
  out_ref[...] = o

  @pl.when(pl.program_id(0) == 0)
  def _():
    stats_ref[...] = jnp.zeros_like(stats_ref)

  stats_ref[0:1, :] += jnp.sum(o, axis=0, keepdims=True)
  stats_ref[1:2, :] += jnp.sum(o * o, axis=0, keepdims=True)


def _tc_layer1(a1, xs, dinv, W1, b1):
  return pl.pallas_call(
      _l1_body,
      grid=(GRID,),
      in_specs=[
          pl.BlockSpec((NC, ROW_BLK, D_IN), lambda i: (0, i, 0)),
          pl.BlockSpec((ROW_BLK, D_IN), lambda i: (i, 0)),
          pl.BlockSpec((ROW_BLK, 1), lambda i: (i, 0)),
          pl.BlockSpec((D_IN, D_H), lambda i: (0, 0)),
          pl.BlockSpec((1, D_H), lambda i: (0, 0)),
      ],
      out_specs=[
          pl.BlockSpec((ROW_BLK, D_H), lambda i: (i, 0)),
          pl.BlockSpec((8, D_H), lambda i: (0, 0)),
      ],
      out_shape=[
          jax.ShapeDtypeStruct((N_NODES, D_H), jnp.float32),
          jax.ShapeDtypeStruct((8, D_H), jnp.float32),
      ],
  )(a1, xs, dinv, W1, b1.reshape(1, D_H))


def _l2_body(o1_ref, stats_ref, gamma_ref, beta_ref, dinv_ref, w2_ref, out_ref):
  inv_n = 1.0 / N_NODES
  mean = stats_ref[0:1, :] * inv_n
  var = stats_ref[1:2, :] * inv_n - mean * mean
  s = gamma_ref[...] * lax.rsqrt(var + BN_EPS)
  t = beta_ref[...] - mean * s
  h = jnp.maximum(o1_ref[...] * s + t, 0.0)
  out_ref[...] = (
      jnp.dot(h, w2_ref[...], preferred_element_type=jnp.float32)
      * dinv_ref[...])


def _tc_layer2(out1, stats, gamma, beta, dinv, W2):
  return pl.pallas_call(
      _l2_body,
      grid=(GRID,),
      in_specs=[
          pl.BlockSpec((ROW_BLK, D_H), lambda i: (i, 0)),
          pl.BlockSpec((8, D_H), lambda i: (0, 0)),
          pl.BlockSpec((1, D_H), lambda i: (0, 0)),
          pl.BlockSpec((1, D_H), lambda i: (0, 0)),
          pl.BlockSpec((ROW_BLK, 1), lambda i: (i, 0)),
          pl.BlockSpec((D_H, D_OUT), lambda i: (0, 0)),
      ],
      out_specs=pl.BlockSpec((ROW_BLK, D_OUT), lambda i: (i, 0)),
      out_shape=jax.ShapeDtypeStruct((N_NODES, D_OUT), jnp.float32),
  )(out1, stats, gamma.reshape(1, D_H), beta.reshape(1, D_H), dinv, W2)


def _fin_body(a2_ref, tp_ref, dinv_ref, b2_ref, out_ref):
  out_ref[...] = (dinv_ref[...] * (a2_ref[0] + a2_ref[1] + tp_ref[...])
                  + b2_ref[...])


def _tc_final(a2, tp, dinv, b2):
  return pl.pallas_call(
      _fin_body,
      grid=(GRID,),
      in_specs=[
          pl.BlockSpec((NC, ROW_BLK, D_OUT), lambda i: (0, i, 0)),
          pl.BlockSpec((ROW_BLK, D_OUT), lambda i: (i, 0)),
          pl.BlockSpec((ROW_BLK, 1), lambda i: (i, 0)),
          pl.BlockSpec((1, D_OUT), lambda i: (0, 0)),
      ],
      out_specs=pl.BlockSpec((ROW_BLK, D_OUT), lambda i: (i, 0)),
      out_shape=jax.ShapeDtypeStruct((N_NODES, D_OUT), jnp.float32),
  )(a2, tp, dinv, b2.reshape(1, D_OUT))


def _split_table(c0, c1):
  base = []
  for cid in range(NC):
    c = c0 if cid == 0 else c1
    start = 0 if cid == 0 else NS * c0
    for sid in range(NS):
      base.extend([start + sid * c, c, 0, 0, 0, 0, 0, 0])
  base.extend([0] * 16)
  assert NS * (c0 + c1) == TOT_CHUNKS
  return jnp.asarray(base, dtype=jnp.int32)


def kernel(x, edge_index, W1, b1, gamma, beta, W2, b2):
  rows = edge_index[0].astype(jnp.int32)
  cols = edge_index[1].astype(jnp.int32)
  n_pad = E_PAD - E_TOTAL
  rows_p = jnp.concatenate(
      [rows, jnp.zeros((n_pad,), jnp.int32)]).reshape(TOT_CHUNKS, CHUNK)
  cols_p = jnp.concatenate(
      [cols, jnp.full((n_pad,), N_NODES, jnp.int32)]).reshape(TOT_CHUNKS, CHUNK)

  zeros128 = jnp.zeros((CHUNK, D_IN), jnp.float32)
  ones128 = jnp.ones((N_NODES, D_IN), jnp.float32)
  splits_deg = _split_table(C_DEG, C_DEG)
  splits_agg = _split_table(C0_AGG, C1_AGG)

  tile_of_chunk = jnp.arange(TOT_CHUNKS, dtype=jnp.int32) // C_DEG
  rows_deg = (jnp.arange(CHUNK, dtype=jnp.int32)[None, :]
              + CHUNK * tile_of_chunk[:, None])
  degp = _sc_agg_feat(ones128, rows_deg, cols_p, zeros128, splits_deg)
  xs, dinv = _tc_prep(degp, x)
  a1 = _sc_agg_feat(xs, rows_p, cols_p, zeros128, splits_agg)
  out1, stats = _tc_layer1(a1, xs, dinv, W1, b1)
  tp = _tc_layer2(out1, stats, gamma, beta, dinv, W2)
  a2 = _sc_agg_feat(tp, rows_p, cols_p, zeros128, splits_agg)
  return _tc_final(a2, tp, dinv, b2)

# --- scband reference (transcript-rebuilt; emitter-appended) ---
"""Pipeline reference for scband-gcn-14877766714047 (READ-ONLY COPY).

The authoritative reference and input builder live on the scoring server;
editing this copy changes nothing except your own understanding.
"""

import jax, jax.numpy as jnp
import numpy as np

N = 10000
E = 320000
D_IN = 128
D_H = 256
D_OUT = 128


def _glorot(key, shape):
    fan_in, fan_out = shape[0], shape[1]
    limit = float(np.sqrt(6.0 / (fan_in + fan_out)))
    return jax.random.uniform(key, shape, dtype=jnp.float32, minval=-limit, maxval=limit)


def setup_inputs(seed: int = 0) -> dict:
    key = jax.random.key(seed)
    ks = jax.random.split(key, 8)
    x = jax.random.normal(ks[0], (N, D_IN), dtype=jnp.float32)
    edge_index = jax.random.randint(ks[1], (2, E), 0, N, dtype=jnp.int32).astype(jnp.int64)
    W1 = _glorot(ks[2], (D_IN, D_H))
    b1 = jnp.zeros((D_H,), dtype=jnp.float32)
    gamma = jnp.ones((D_H,), dtype=jnp.float32)
    beta = jnp.zeros((D_H,), dtype=jnp.float32)
    W2 = _glorot(ks[3], (D_H, D_OUT))
    b2 = jnp.zeros((D_OUT,), dtype=jnp.float32)
    return {"x": x, "edge_index": edge_index, "W1": W1, "b1": b1, "gamma": gamma, "beta": beta, "W2": W2, "b2": b2}


def _gcn_conv(x, edge_index, W, b):
    # PyG GCNConv: add self loops, symmetric normalization, linear, scatter-add aggregate, bias
    num_nodes = x.shape[0]
    row = edge_index[0]  # source
    col = edge_index[1]  # target (aggregation index)
    loop = jnp.arange(num_nodes, dtype=row.dtype)
    row = jnp.concatenate([row, loop])
    col = jnp.concatenate([col, loop])
    edge_weight = jnp.ones((row.shape[0],), dtype=x.dtype)
    deg = jnp.zeros((num_nodes,), dtype=x.dtype).at[col].add(edge_weight)
    deg_inv_sqrt = jnp.where(deg > 0, jax.lax.rsqrt(jnp.maximum(deg, 1e-12)), 0.0)
    norm = deg_inv_sqrt[row] * edge_weight * deg_inv_sqrt[col]
    h = x @ W
    msg = h[row] * norm[:, None]
    out = jnp.zeros((num_nodes, W.shape[1]), dtype=x.dtype).at[col].add(msg)
    return out + b


def _batch_norm(x, gamma, beta, eps=1e-5):
    mean = jnp.mean(x, axis=0)
    var = jnp.var(x, axis=0)
    return (x - mean) * jax.lax.rsqrt(var + eps) * gamma + beta


def reference(x, edge_index, W1, b1, gamma, beta, W2, b2):
    h = _gcn_conv(x, edge_index, W1, b1)
    h = _batch_norm(h, gamma, beta)
    h = jax.nn.relu(h)
    # dropout is identity at inference
    out = _gcn_conv(h, edge_index, W2, b2)
    return out

if __name__ == "__main__":
    import jax
    _d = setup_inputs()
    print(jax.jit(kernel)(*tuple(_d.values())))

</pallas_src>

<mosaic_0001>
#map = affine_map<(d0, d1) -> (0, 0)>
#map1 = affine_map<(d0, d1) -> (0)>
#map2 = affine_map<(d0, d1) -> (0, 0, 0)>
module attributes {stable_mosaic.version = 14 : i64} {
  func.func @agg(%arg0: i32, %arg1: i32, %arg2: memref<10000x128xf32, #tpu.memory_space<hbm>>, %arg3: memref<2560x128xi32, #tpu.memory_space<hbm>>, %arg4: memref<2560x128xi32, #tpu.memory_space<hbm>>, %arg5: memref<128x128xf32, #tpu.memory_space<hbm>>, %arg6: memref<272xi32, #tpu.memory_space<hbm>>, %arg7: memref<2x10240x128xf32, #tpu.memory_space<hbm>>, %arg8: memref<16x128xi32, #tpu.memory_space<vmem>>, %arg9: memref<16x128xi32, #tpu.memory_space<vmem>>, %arg10: memref<272xi32, #tpu.memory_space<vmem>>, %arg11: memref<128x128xf32, #tpu.memory_space<vmem>>, %arg12: memref<128x128xf32, #tpu.memory_space<vmem>>, %arg13: memref<!tpu.dma_semaphore, #tpu.memory_space<semaphore_mem>>, %arg14: memref<!tpu.dma_semaphore, #tpu.memory_space<semaphore_mem>>, %arg15: memref<!tpu.dma_semaphore, #tpu.memory_space<semaphore_mem>>, %arg16: memref<!tpu.dma_semaphore, #tpu.memory_space<semaphore_mem>>, %arg17: memref<10240x128xf32, #tpu.memory_space<vmem_shared>>) attributes {dimension_semantics = [#tpu.dimension_semantics<core_parallel>, #tpu.dimension_semantics<subcore_parallel>], iteration_bounds = array<i64: 2, 16>, scalar_prefetch = 0 : i64, scratch_operands = 10 : i64, tpu.core_type = #tpu.core_type<sc_vector_subcore>, window_params = [{transform_indices = #map}, {transform_indices = #map}, {transform_indices = #map}, {transform_indices = #map}, {transform_indices = #map1}, {transform_indices = #map2}]} {
    %mul3A = arith.constant 16 : i32
    %mul3A_0 = arith.muli %arg0, %mul3A : i32
    %add3A = arith.addi %mul3A_0, %arg1 : i32
    "tpu.region"() ({
      %run_scoped3A = tpu.sem_alloc : memref<!tpu.dma_semaphore, #tpu.memory_space<semaphore_mem>>
      tpu.enqueue_dma source(%arg6 : memref<272xi32, #tpu.memory_space<hbm>>) target(%arg10 : memref<272xi32, #tpu.memory_space<vmem>>) target_semaphore(%run_scoped3A : memref<!tpu.dma_semaphore, #tpu.memory_space<semaphore_mem>>)
      tpu.wait_dma2 semaphore(%run_scoped3A : memref<!tpu.dma_semaphore, #tpu.memory_space<semaphore_mem>>) src(%arg6 : memref<272xi32, #tpu.memory_space<hbm>>) dst(%arg10 : memref<272xi32, #tpu.memory_space<vmem>>)
      tpu.yield
    }) : () -> ()
    "tpu.region"() ({
      %run_scoped3A = tpu.sem_alloc : memref<!tpu.dma_semaphore, #tpu.memory_space<semaphore_mem>>
      tpu.enqueue_dma source(%arg5 : memref<128x128xf32, #tpu.memory_space<hbm>>) target(%arg11 : memref<128x128xf32, #tpu.memory_space<vmem>>) target_semaphore(%run_scoped3A : memref<!tpu.dma_semaphore, #tpu.memory_space<semaphore_mem>>)
      tpu.wait_dma2 semaphore(%run_scoped3A : memref<!tpu.dma_semaphore, #tpu.memory_space<semaphore_mem>>) src(%arg5 : memref<128x128xf32, #tpu.memory_space<hbm>>) dst(%arg11 : memref<128x128xf32, #tpu.memory_space<vmem>>)
      tpu.yield
    }) : () -> ()
    %mul3A_1 = arith.constant 640 : i32
    %mul3A_2 = arith.muli %arg1, %mul3A_1 : i32
    %add3A_3 = arith.constant 0 : i32
    %add3A_4 = arith.addi %mul3A_2, %add3A_3 : i32
    "tpu.region"() ({
      %run_scoped3A = tpu.sem_alloc : memref<!tpu.dma_semaphore, #tpu.memory_space<semaphore_mem>>
      %dma_start3A = arith.constant 0 : i32
      %dma_start3A_57 = tpu.memref_slice %arg17[%add3A_4, %dma_start3A] : memref<10240x128xf32, #tpu.memory_space<vmem_shared>> -> memref<128x128xf32, #tpu.memory_space<vmem_shared>>
      %dma_start3A_58 = arith.constant 0 : i32
      %dma_start3A_59 = tpu.memref_slice %arg17[%add3A_4, %dma_start3A_58] : memref<10240x128xf32, #tpu.memory_space<vmem_shared>> -> memref<128x128xf32, #tpu.memory_space<vmem_shared>>
      tpu.enqueue_dma source(%arg11 : memref<128x128xf32, #tpu.memory_space<vmem>>) target(%dma_start3A_59 : memref<128x128xf32, #tpu.memory_space<vmem_shared>>) target_semaphore(%run_scoped3A : memref<!tpu.dma_semaphore, #tpu.memory_space<semaphore_mem>>)
      %dma_wait3A = arith.constant 0 : i32
      %dma_wait3A_60 = tpu.memref_slice %arg17[%add3A_4, %dma_wait3A] : memref<10240x128xf32, #tpu.memory_space<vmem_shared>> -> memref<128x128xf32, #tpu.memory_space<vmem_shared>>
      %dma_wait3A_61 = arith.constant 0 : i32
      %dma_wait3A_62 = tpu.memref_slice %arg17[%add3A_4, %dma_wait3A_61] : memref<10240x128xf32, #tpu.memory_space<vmem_shared>> -> memref<128x128xf32, #tpu.memory_space<vmem_shared>>
      tpu.wait_dma2 semaphore(%run_scoped3A : memref<!tpu.dma_semaphore, #tpu.memory_space<semaphore_mem>>) src(%arg11 : memref<128x128xf32, #tpu.memory_space<vmem>>) dst(%dma_wait3A_62 : memref<128x128xf32, #tpu.memory_space<vmem_shared>>)
      tpu.yield
    }) : () -> ()
    %mul3A_5 = arith.constant 640 : i32
    %mul3A_6 = arith.muli %arg1, %mul3A_5 : i32
    %add3A_7 = arith.constant 128 : i32
    %add3A_8 = arith.addi %mul3A_6, %add3A_7 : i32
    "tpu.region"() ({
      %run_scoped3A = tpu.sem_alloc : memref<!tpu.dma_semaphore, #tpu.memory_space<semaphore_mem>>
      %dma_start3A = arith.constant 0 : i32
      %dma_start3A_57 = tpu.memref_slice %arg17[%add3A_8, %dma_start3A] : memref<10240x128xf32, #tpu.memory_space<vmem_shared>> -> memref<128x128xf32, #tpu.memory_space<vmem_shared>>
      %dma_start3A_58 = arith.constant 0 : i32
      %dma_start3A_59 = tpu.memref_slice %arg17[%add3A_8, %dma_start3A_58] : memref<10240x128xf32, #tpu.memory_space<vmem_shared>> -> memref<128x128xf32, #tpu.memory_space<vmem_shared>>
      tpu.enqueue_dma source(%arg11 : memref<128x128xf32, #tpu.memory_space<vmem>>) target(%dma_start3A_59 : memref<128x128xf32, #tpu.memory_space<vmem_shared>>) target_semaphore(%run_scoped3A : memref<!tpu.dma_semaphore, #tpu.memory_space<semaphore_mem>>)
      %dma_wait3A = arith.constant 0 : i32
      %dma_wait3A_60 = tpu.memref_slice %arg17[%add3A_8, %dma_wait3A] : memref<10240x128xf32, #tpu.memory_space<vmem_shared>> -> memref<128x128xf32, #tpu.memory_space<vmem_shared>>
      %dma_wait3A_61 = arith.constant 0 : i32
      %dma_wait3A_62 = tpu.memref_slice %arg17[%add3A_8, %dma_wait3A_61] : memref<10240x128xf32, #tpu.memory_space<vmem_shared>> -> memref<128x128xf32, #tpu.memory_space<vmem_shared>>
      tpu.wait_dma2 semaphore(%run_scoped3A : memref<!tpu.dma_semaphore, #tpu.memory_space<semaphore_mem>>) src(%arg11 : memref<128x128xf32, #tpu.memory_space<vmem>>) dst(%dma_wait3A_62 : memref<128x128xf32, #tpu.memory_space<vmem_shared>>)
      tpu.yield
    }) : () -> ()
    %mul3A_9 = arith.constant 640 : i32
    %mul3A_10 = arith.muli %arg1, %mul3A_9 : i32
    %add3A_11 = arith.constant 256 : i32
    %add3A_12 = arith.addi %mul3A_10, %add3A_11 : i32
    "tpu.region"() ({
      %run_scoped3A = tpu.sem_alloc : memref<!tpu.dma_semaphore, #tpu.memory_space<semaphore_mem>>
      %dma_start3A = arith.constant 0 : i32
      %dma_start3A_57 = tpu.memref_slice %arg17[%add3A_12, %dma_start3A] : memref<10240x128xf32, #tpu.memory_space<vmem_shared>> -> memref<128x128xf32, #tpu.memory_space<vmem_shared>>
      %dma_start3A_58 = arith.constant 0 : i32
      %dma_start3A_59 = tpu.memref_slice %arg17[%add3A_12, %dma_start3A_58] : memref<10240x128xf32, #tpu.memory_space<vmem_shared>> -> memref<128x128xf32, #tpu.memory_space<vmem_shared>>
      tpu.enqueue_dma source(%arg11 : memref<128x128xf32, #tpu.memory_space<vmem>>) target(%dma_start3A_59 : memref<128x128xf32, #tpu.memory_space<vmem_shared>>) target_semaphore(%run_scoped3A : memref<!tpu.dma_semaphore, #tpu.memory_space<semaphore_mem>>)
      %dma_wait3A = arith.constant 0 : i32
      %dma_wait3A_60 = tpu.memref_slice %arg17[%add3A_12, %dma_wait3A] : memref<10240x128xf32, #tpu.memory_space<vmem_shared>> -> memref<128x128xf32, #tpu.memory_space<vmem_shared>>
      %dma_wait3A_61 = arith.constant 0 : i32
      %dma_wait3A_62 = tpu.memref_slice %arg17[%add3A_12, %dma_wait3A_61] : memref<10240x128xf32, #tpu.memory_space<vmem_shared>> -> memref<128x128xf32, #tpu.memory_space<vmem_shared>>
      tpu.wait_dma2 semaphore(%run_scoped3A : memref<!tpu.dma_semaphore, #tpu.memory_space<semaphore_mem>>) src(%arg11 : memref<128x128xf32, #tpu.memory_space<vmem>>) dst(%dma_wait3A_62 : memref<128x128xf32, #tpu.memory_space<vmem_shared>>)
      tpu.yield
    }) : () -> ()
    %mul3A_13 = arith.constant 640 : i32
    %mul3A_14 = arith.muli %arg1, %mul3A_13 : i32
    %add3A_15 = arith.constant 384 : i32
    %add3A_16 = arith.addi %mul3A_14, %add3A_15 : i32
    "tpu.region"() ({
      %run_scoped3A = tpu.sem_alloc : memref<!tpu.dma_semaphore, #tpu.memory_space<semaphore_mem>>
      %dma_start3A = arith.constant 0 : i32
      %dma_start3A_57 = tpu.memref_slice %arg17[%add3A_16, %dma_start3A] : memref<10240x128xf32, #tpu.memory_space<vmem_shared>> -> memref<128x128xf32, #tpu.memory_space<vmem_shared>>
      %dma_start3A_58 = arith.constant 0 : i32
      %dma_start3A_59 = tpu.memref_slice %arg17[%add3A_16, %dma_start3A_58] : memref<10240x128xf32, #tpu.memory_space<vmem_shared>> -> memref<128x128xf32, #tpu.memory_space<vmem_shared>>
      tpu.enqueue_dma source(%arg11 : memref<128x128xf32, #tpu.memory_space<vmem>>) target(%dma_start3A_59 : memref<128x128xf32, #tpu.memory_space<vmem_shared>>) target_semaphore(%run_scoped3A : memref<!tpu.dma_semaphore, #tpu.memory_space<semaphore_mem>>)
      %dma_wait3A = arith.constant 0 : i32
      %dma_wait3A_60 = tpu.memref_slice %arg17[%add3A_16, %dma_wait3A] : memref<10240x128xf32, #tpu.memory_space<vmem_shared>> -> memref<128x128xf32, #tpu.memory_space<vmem_shared>>
      %dma_wait3A_61 = arith.constant 0 : i32
      %dma_wait3A_62 = tpu.memref_slice %arg17[%add3A_16, %dma_wait3A_61] : memref<10240x128xf32, #tpu.memory_space<vmem_shared>> -> memref<128x128xf32, #tpu.memory_space<vmem_shared>>
      tpu.wait_dma2 semaphore(%run_scoped3A : memref<!tpu.dma_semaphore, #tpu.memory_space<semaphore_mem>>) src(%arg11 : memref<128x128xf32, #tpu.memory_space<vmem>>) dst(%dma_wait3A_62 : memref<128x128xf32, #tpu.memory_space<vmem_shared>>)
      tpu.yield
    }) : () -> ()
    %mul3A_17 = arith.constant 640 : i32
    %mul3A_18 = arith.muli %arg1, %mul3A_17 : i32
    %add3A_19 = arith.constant 512 : i32
    %add3A_20 = arith.addi %mul3A_18, %add3A_19 : i32
    "tpu.region"() ({
      %run_scoped3A = tpu.sem_alloc : memref<!tpu.dma_semaphore, #tpu.memory_space<semaphore_mem>>
      %dma_start3A = arith.constant 0 : i32
      %dma_start3A_57 = tpu.memref_slice %arg17[%add3A_20, %dma_start3A] : memref<10240x128xf32, #tpu.memory_space<vmem_shared>> -> memref<128x128xf32, #tpu.memory_space<vmem_shared>>
      %dma_start3A_58 = arith.constant 0 : i32
      %dma_start3A_59 = tpu.memref_slice %arg17[%add3A_20, %dma_start3A_58] : memref<10240x128xf32, #tpu.memory_space<vmem_shared>> -> memref<128x128xf32, #tpu.memory_space<vmem_shared>>
      tpu.enqueue_dma source(%arg11 : memref<128x128xf32, #tpu.memory_space<vmem>>) target(%dma_start3A_59 : memref<128x128xf32, #tpu.memory_space<vmem_shared>>) target_semaphore(%run_scoped3A : memref<!tpu.dma_semaphore, #tpu.memory_space<semaphore_mem>>)
      %dma_wait3A = arith.constant 0 : i32
      %dma_wait3A_60 = tpu.memref_slice %arg17[%add3A_20, %dma_wait3A] : memref<10240x128xf32, #tpu.memory_space<vmem_shared>> -> memref<128x128xf32, #tpu.memory_space<vmem_shared>>
      %dma_wait3A_61 = arith.constant 0 : i32
      %dma_wait3A_62 = tpu.memref_slice %arg17[%add3A_20, %dma_wait3A_61] : memref<10240x128xf32, #tpu.memory_space<vmem_shared>> -> memref<128x128xf32, #tpu.memory_space<vmem_shared>>
      tpu.wait_dma2 semaphore(%run_scoped3A : memref<!tpu.dma_semaphore, #tpu.memory_space<semaphore_mem>>) src(%arg11 : memref<128x128xf32, #tpu.memory_space<vmem>>) dst(%dma_wait3A_62 : memref<128x128xf32, #tpu.memory_space<vmem_shared>>)
      tpu.yield
    }) : () -> ()
    %barrier3A = arith.constant 0 : index
    tpu.barrier barrier_id(%barrier3A)
    %mul3A_21 = arith.constant 8 : i32
    %mul3A_22 = arith.muli %mul3A_21, %add3A : i32
    %get3A = arith.index_cast %mul3A_22 : i32 to index
    %get3A_23 = tpu.vector_load %arg10[%get3A] {strides = array<i32>} : memref<272xi32, #tpu.memory_space<vmem>>, vector<16xi32>,
    %get3A_24 = vector.shape_cast %get3A_23 : vector<16xi32> to vector<16xi32>
    %slice3A = vector.extract_strided_slice %get3A_24 {offsets = [0], sizes = [1], strides = [1]} : vector<16xi32> to vector<1xi32>
    %squeeze3A = vector.extract %slice3A[0] : i32 from vector<1xi32>
    %slice3A_25 = vector.extract_strided_slice %get3A_24 {offsets = [1], sizes = [1], strides = [1]} : vector<16xi32> to vector<1xi32>
    %squeeze3A_26 = vector.extract %slice3A_25[0] : i32 from vector<1xi32>
    %jit3A = arith.constant 16 : i32
    %div3A = arith.divsi %squeeze3A_26, %jit3A : i32
    %sign3A = arith.constant 0 : i32
    %sign3A_27 = arith.cmpi sgt, %squeeze3A_26, %sign3A : i32
    %sign3A_28 = arith.extui %sign3A_27 : i1 to i32
    %sign3A_29 = arith.constant 0 : i32
    %sign3A_30 = arith.cmpi slt, %squeeze3A_26, %sign3A_29 : i32
    %sign3A_31 = arith.extui %sign3A_30 : i1 to i32
    %sign3A_32 = arith.subi %sign3A_28, %sign3A_31 : i32
    %sign3A_33 = arith.constant 0 : i32
    %sign3A_34 = arith.cmpi sgt, %jit3A, %sign3A_33 : i32
    %sign3A_35 = arith.extui %sign3A_34 : i1 to i32
    %sign3A_36 = arith.constant 0 : i32
    %sign3A_37 = arith.cmpi slt, %jit3A, %sign3A_36 : i32
    %sign3A_38 = arith.extui %sign3A_37 : i1 to i32
    %sign3A_39 = arith.subi %sign3A_35, %sign3A_38 : i32
    %ne3A = arith.cmpi ne, %sign3A_32, %sign3A_39 : i32
    %rem3A = arith.remsi %squeeze3A_26, %jit3A : i32
    %ne3A_40 = arith.constant 0 : i32
    %ne3A_41 = arith.cmpi ne, %rem3A, %ne3A_40 : i32
    %and3A = arith.andi %ne3A, %ne3A_41 : i1
    %sub3A = arith.constant 1 : i32
    %sub3A_42 = arith.subi %div3A, %sub3A : i32
    %select_n3A = arith.select %and3A, %sub3A_42, %div3A : i32
    %while3A = arith.constant 0 : i32
    %while3A_43 = arith.constant 0 : i32
    %while3A_44 = arith.subi %select_n3A, %while3A_43 : i32
    %while3A_45 = arith.addi %while3A_43, %while3A_44 : i32
    %while3A_46 = arith.constant 1 : i32
    %while3A_47 = arith.divsi %while3A_44, %while3A_46 : i32
    %while3A_48 = arith.muli %while3A_47, %while3A_46 : i32
    %while3A_49 = arith.addi %while3A_43, %while3A_48 : i32
    %while3A_50 = arith.constant 1 : i32
    scf.for %while3A_57 = %while3A_43 to %while3A_49 step %while3A_50  : i32 {
      %mul3A_58 = arith.constant 16 : i32
      %mul3A_59 = arith.muli %while3A_57, %mul3A_58 : i32
      %add3A_60 = arith.addi %squeeze3A, %mul3A_59 : i32
      %multiple_of3A = tpu.assume_multiple %add3A_60, 8 : i32
      "tpu.region"() ({
        %run_scoped3A = tpu.sem_alloc : memref<!tpu.dma_semaphore, #tpu.memory_space<semaphore_mem>>
        %dma_start3A = arith.constant 0 : i32
        %dma_start3A_66 = tpu.memref_slice %arg3[%multiple_of3A, %dma_start3A] : memref<2560x128xi32, #tpu.memory_space<hbm>> -> memref<16x128xi32, #tpu.memory_space<hbm>>
        %dma_start3A_67 = arith.constant 0 : i32
        %dma_start3A_68 = tpu.memref_slice %arg3[%multiple_of3A, %dma_start3A_67] : memref<2560x128xi32, #tpu.memory_space<hbm>> -> memref<16x128xi32, #tpu.memory_space<hbm>>
        tpu.enqueue_dma source(%dma_start3A_68 : memref<16x128xi32, #tpu.memory_space<hbm>>) target(%arg8 : memref<16x128xi32, #tpu.memory_space<vmem>>) target_semaphore(%run_scoped3A : memref<!tpu.dma_semaphore, #tpu.memory_space<semaphore_mem>>)
        %dma_wait3A = arith.constant 0 : i32
        %dma_wait3A_69 = tpu.memref_slice %arg3[%multiple_of3A, %dma_wait3A] : memref<2560x128xi32, #tpu.memory_space<hbm>> -> memref<16x128xi32, #tpu.memory_space<hbm>>
        %dma_wait3A_70 = arith.constant 0 : i32
        %dma_wait3A_71 = tpu.memref_slice %arg3[%multiple_of3A, %dma_wait3A_70] : memref<2560x128xi32, #tpu.memory_space<hbm>> -> memref<16x128xi32, #tpu.memory_space<hbm>>
        tpu.wait_dma2 semaphore(%run_scoped3A : memref<!tpu.dma_semaphore, #tpu.memory_space<semaphore_mem>>) src(%dma_wait3A_71 : memref<16x128xi32, #tpu.memory_space<hbm>>) dst(%arg8 : memref<16x128xi32, #tpu.memory_space<vmem>>)
        tpu.yield
      }) : () -> ()
      "tpu.region"() ({
        %run_scoped3A = tpu.sem_alloc : memref<!tpu.dma_semaphore, #tpu.memory_space<semaphore_mem>>
        %dma_start3A = arith.constant 0 : i32
        %dma_start3A_66 = tpu.memref_slice %arg4[%multiple_of3A, %dma_start3A] : memref<2560x128xi32, #tpu.memory_space<hbm>> -> memref<16x128xi32, #tpu.memory_space<hbm>>
        %dma_start3A_67 = arith.constant 0 : i32
        %dma_start3A_68 = tpu.memref_slice %arg4[%multiple_of3A, %dma_start3A_67] : memref<2560x128xi32, #tpu.memory_space<hbm>> -> memref<16x128xi32, #tpu.memory_space<hbm>>
        tpu.enqueue_dma source(%dma_start3A_68 : memref<16x128xi32, #tpu.memory_space<hbm>>) target(%arg9 : memref<16x128xi32, #tpu.memory_space<vmem>>) target_semaphore(%run_scoped3A : memref<!tpu.dma_semaphore, #tpu.memory_space<semaphore_mem>>)
        %dma_wait3A = arith.constant 0 : i32
        %dma_wait3A_69 = tpu.memref_slice %arg4[%multiple_of3A, %dma_wait3A] : memref<2560x128xi32, #tpu.memory_space<hbm>> -> memref<16x128xi32, #tpu.memory_space<hbm>>
        %dma_wait3A_70 = arith.constant 0 : i32
        %dma_wait3A_71 = tpu.memref_slice %arg4[%multiple_of3A, %dma_wait3A_70] : memref<2560x128xi32, #tpu.memory_space<hbm>> -> memref<16x128xi32, #tpu.memory_space<hbm>>
        tpu.wait_dma2 semaphore(%run_scoped3A : memref<!tpu.dma_semaphore, #tpu.memory_space<semaphore_mem>>) src(%dma_wait3A_71 : memref<16x128xi32, #tpu.memory_space<hbm>>) dst(%arg9 : memref<16x128xi32, #tpu.memory_space<vmem>>)
        tpu.yield
      }) : () -> ()
      %scan3A = arith.constant 0 : i32
      %scan3A_61 = arith.constant 0 : i32
      %scan3A_62 = arith.constant 8 : i32
      %scan3A_63 = arith.addi %scan3A_61, %scan3A_62 : i32
      %scan3A_64 = arith.constant 1 : i32
      scf.for %scan3A_66 = %scan3A_61 to %scan3A_63 step %scan3A_64  : i32 {
        %mul3A_67 = arith.constant 2 : i32
        %mul3A_68 = arith.muli %scan3A_66, %mul3A_67 : i32
        %add3A_69 = arith.constant 0 : i32
        %add3A_70 = arith.addi %mul3A_68, %add3A_69 : i32
        %dma_start3A = arith.constant 0 : i32
        %dma_start3A_71 = tpu.memref_slice %arg8[%add3A_70, %dma_start3A] : memref<16x128xi32, #tpu.memory_space<vmem>> -> memref<1x128xi32, #tpu.memory_space<vmem>>
        %dma_start3A_72 = tpu.memref_squeeze %dma_start3A_71 : memref<1x128xi32, #tpu.memory_space<vmem>> -> memref<128xi32, #tpu.memory_space<vmem>>
        %dma_start3A_73 = arith.constant 0 : i32
        %dma_start3A_74 = arith.constant 0 : i32
        %dma_start3A_75 = tpu.memref_slice %arg2[%dma_start3A_73, %dma_start3A_74] : memref<10000x128xf32, #tpu.memory_space<hbm>> -> memref<10000x128xf32, #tpu.memory_space<hbm>>
        tpu.enqueue_indirect_dma source(%dma_start3A_75 : memref<10000x128xf32, #tpu.memory_space<hbm>>) target(%arg11 : memref<128x128xf32, #tpu.memory_space<vmem>>) offsets(%dma_start3A_72 : memref<128xi32, #tpu.memory_space<vmem>>) semaphore(%arg13 : memref<!tpu.dma_semaphore, #tpu.memory_space<semaphore_mem>>)
        %add3A_76 = arith.constant 1 : i32
        %add3A_77 = arith.addi %mul3A_68, %add3A_76 : i32
        %dma_start3A_78 = arith.constant 0 : i32
        %dma_start3A_79 = tpu.memref_slice %arg8[%add3A_77, %dma_start3A_78] : memref<16x128xi32, #tpu.memory_space<vmem>> -> memref<1x128xi32, #tpu.memory_space<vmem>>
        %dma_start3A_80 = tpu.memref_squeeze %dma_start3A_79 : memref<1x128xi32, #tpu.memory_space<vmem>> -> memref<128xi32, #tpu.memory_space<vmem>>
        %dma_start3A_81 = arith.constant 0 : i32
        %dma_start3A_82 = arith.constant 0 : i32
        %dma_start3A_83 = tpu.memref_slice %arg2[%dma_start3A_81, %dma_start3A_82] : memref<10000x128xf32, #tpu.memory_space<hbm>> -> memref<10000x128xf32, #tpu.memory_space<hbm>>
        tpu.enqueue_indirect_dma source(%dma_start3A_83 : memref<10000x128xf32, #tpu.memory_space<hbm>>) target(%arg12 : memref<128x128xf32, #tpu.memory_space<vmem>>) offsets(%dma_start3A_80 : memref<128xi32, #tpu.memory_space<vmem>>) semaphore(%arg14 : memref<!tpu.dma_semaphore, #tpu.memory_space<semaphore_mem>>)
        %dma_wait3A = arith.constant 0 : i32
        %dma_wait3A_84 = tpu.memref_slice %arg8[%add3A_70, %dma_wait3A] : memref<16x128xi32, #tpu.memory_space<vmem>> -> memref<1x128xi32, #tpu.memory_space<vmem>>
        %dma_wait3A_85 = tpu.memref_squeeze %dma_wait3A_84 : memref<1x128xi32, #tpu.memory_space<vmem>> -> memref<128xi32, #tpu.memory_space<vmem>>
        %dma_wait3A_86 = arith.constant 0 : i32
        %dma_wait3A_87 = arith.constant 0 : i32
        %dma_wait3A_88 = tpu.memref_slice %arg2[%dma_wait3A_86, %dma_wait3A_87] : memref<10000x128xf32, #tpu.memory_space<hbm>> -> memref<10000x128xf32, #tpu.memory_space<hbm>>
        tpu.wait_indirect_dma semaphore(%arg13 : memref<!tpu.dma_semaphore, #tpu.memory_space<semaphore_mem>>) src(%dma_wait3A_88 : memref<10000x128xf32, #tpu.memory_space<hbm>>) dst(%arg11 : memref<128x128xf32, #tpu.memory_space<vmem>>)
        %add3A_89 = arith.constant 0 : i32
        %add3A_90 = arith.addi %mul3A_68, %add3A_89 : i32
        %dma_start3A_91 = arith.constant 0 : i32
        %dma_start3A_92 = tpu.memref_slice %arg9[%add3A_90, %dma_start3A_91] : memref<16x128xi32, #tpu.memory_space<vmem>> -> memref<1x128xi32, #tpu.memory_space<vmem>>
        %dma_start3A_93 = tpu.memref_squeeze %dma_start3A_92 : memref<1x128xi32, #tpu.memory_space<vmem>> -> memref<128xi32, #tpu.memory_space<vmem>>
        %dma_start3A_94 = arith.constant 0 : i32
        %dma_start3A_95 = arith.constant 0 : i32
        %dma_start3A_96 = tpu.memref_slice %arg17[%dma_start3A_94, %dma_start3A_95] : memref<10240x128xf32, #tpu.memory_space<vmem_shared>> -> memref<10240x128xf32, #tpu.memory_space<vmem_shared>>
        tpu.enqueue_indirect_dma source(%arg11 : memref<128x128xf32, #tpu.memory_space<vmem>>) target(%dma_start3A_96 : memref<10240x128xf32, #tpu.memory_space<vmem_shared>>) offsets(%dma_start3A_93 : memref<128xi32, #tpu.memory_space<vmem>>) semaphore(%arg15 : memref<!tpu.dma_semaphore, #tpu.memory_space<semaphore_mem>>) {add = true}
        %dma_wait3A_97 = arith.constant 0 : i32
        %dma_wait3A_98 = tpu.memref_slice %arg8[%add3A_77, %dma_wait3A_97] : memref<16x128xi32, #tpu.memory_space<vmem>> -> memref<1x128xi32, #tpu.memory_space<vmem>>
        %dma_wait3A_99 = tpu.memref_squeeze %dma_wait3A_98 : memref<1x128xi32, #tpu.memory_space<vmem>> -> memref<128xi32, #tpu.memory_space<vmem>>
        %dma_wait3A_100 = arith.constant 0 : i32
        %dma_wait3A_101 = arith.constant 0 : i32
        %dma_wait3A_102 = tpu.memref_slice %arg2[%dma_wait3A_100, %dma_wait3A_101] : memref<10000x128xf32, #tpu.memory_space<hbm>> -> memref<10000x128xf32, #tpu.memory_space<hbm>>
        tpu.wait_indirect_dma semaphore(%arg14 : memref<!tpu.dma_semaphore, #tpu.memory_space<semaphore_mem>>) src(%dma_wait3A_102 : memref<10000x128xf32, #tpu.memory_space<hbm>>) dst(%arg12 : memref<128x128xf32, #tpu.memory_space<vmem>>)
        %add3A_103 = arith.constant 1 : i32
        %add3A_104 = arith.addi %mul3A_68, %add3A_103 : i32
        %dma_start3A_105 = arith.constant 0 : i32
        %dma_start3A_106 = tpu.memref_slice %arg9[%add3A_104, %dma_start3A_105] : memref<16x128xi32, #tpu.memory_space<vmem>> -> memref<1x128xi32, #tpu.memory_space<vmem>>
        %dma_start3A_107 = tpu.memref_squeeze %dma_start3A_106 : memref<1x128xi32, #tpu.memory_space<vmem>> -> memref<128xi32, #tpu.memory_space<vmem>>
        %dma_start3A_108 = arith.constant 0 : i32
        %dma_start3A_109 = arith.constant 0 : i32
        %dma_start3A_110 = tpu.memref_slice %arg17[%dma_start3A_108, %dma_start3A_109] : memref<10240x128xf32, #tpu.memory_space<vmem_shared>> -> memref<10240x128xf32, #tpu.memory_space<vmem_shared>>
        tpu.enqueue_indirect_dma source(%arg12 : memref<128x128xf32, #tpu.memory_space<vmem>>) target(%dma_start3A_110 : memref<10240x128xf32, #tpu.memory_space<vmem_shared>>) offsets(%dma_start3A_107 : memref<128xi32, #tpu.memory_space<vmem>>) semaphore(%arg16 : memref<!tpu.dma_semaphore, #tpu.memory_space<semaphore_mem>>) {add = true}
        %dma_wait3A_111 = arith.constant 0 : i32
        %dma_wait3A_112 = tpu.memref_slice %arg9[%add3A_90, %dma_wait3A_111] : memref<16x128xi32, #tpu.memory_space<vmem>> -> memref<1x128xi32, #tpu.memory_space<vmem>>
        %dma_wait3A_113 = tpu.memref_squeeze %dma_wait3A_112 : memref<1x128xi32, #tpu.memory_space<vmem>> -> memref<128xi32, #tpu.memory_space<vmem>>
        %dma_wait3A_114 = arith.constant 0 : i32
        %dma_wait3A_115 = arith.constant 0 : i32
        %dma_wait3A_116 = tpu.memref_slice %arg17[%dma_wait3A_114, %dma_wait3A_115] : memref<10240x128xf32, #tpu.memory_space<vmem_shared>> -> memref<10240x128xf32, #tpu.memory_space<vmem_shared>>
        tpu.wait_indirect_dma semaphore(%arg15 : memref<!tpu.dma_semaphore, #tpu.memory_space<semaphore_mem>>) src(%arg11 : memref<128x128xf32, #tpu.memory_space<vmem>>) dst(%dma_wait3A_116 : memref<10240x128xf32, #tpu.memory_space<vmem_shared>>)
        %dma_wait3A_117 = arith.constant 0 : i32
        %dma_wait3A_118 = tpu.memref_slice %arg9[%add3A_104, %dma_wait3A_117] : memref<16x128xi32, #tpu.memory_space<vmem>> -> memref<1x128xi32, #tpu.memory_space<vmem>>
        %dma_wait3A_119 = tpu.memref_squeeze %dma_wait3A_118 : memref<1x128xi32, #tpu.memory_space<vmem>> -> memref<128xi32, #tpu.memory_space<vmem>>
        %dma_wait3A_120 = arith.constant 0 : i32
        %dma_wait3A_121 = arith.constant 0 : i32
        %dma_wait3A_122 = tpu.memref_slice %arg17[%dma_wait3A_120, %dma_wait3A_121] : memref<10240x128xf32, #tpu.memory_space<vmem_shared>> -> memref<10240x128xf32, #tpu.memory_space<vmem_shared>>
        tpu.wait_indirect_dma semaphore(%arg16 : memref<!tpu.dma_semaphore, #tpu.memory_space<semaphore_mem>>) src(%arg12 : memref<128x128xf32, #tpu.memory_space<vmem>>) dst(%dma_wait3A_122 : memref<10240x128xf32, #tpu.memory_space<vmem_shared>>)
      }
      %scan3A_65 = arith.constant 8 : i32
    }
    %while3A_51 = arith.constant 1 : i32
    scf.for %while3A_57 = %while3A_49 to %while3A_45 step %while3A_51  : i32 {
      %mul3A_58 = arith.constant 16 : i32
      %mul3A_59 = arith.muli %while3A_57, %mul3A_58 : i32
      %add3A_60 = arith.addi %squeeze3A, %mul3A_59 : i32
      %multiple_of3A = tpu.assume_multiple %add3A_60, 8 : i32
      "tpu.region"() ({
        %run_scoped3A = tpu.sem_alloc : memref<!tpu.dma_semaphore, #tpu.memory_space<semaphore_mem>>
        %dma_start3A = arith.constant 0 : i32
        %dma_start3A_66 = tpu.memref_slice %arg3[%multiple_of3A, %dma_start3A] : memref<2560x128xi32, #tpu.memory_space<hbm>> -> memref<16x128xi32, #tpu.memory_space<hbm>>
        %dma_start3A_67 = arith.constant 0 : i32
        %dma_start3A_68 = tpu.memref_slice %arg3[%multiple_of3A, %dma_start3A_67] : memref<2560x128xi32, #tpu.memory_space<hbm>> -> memref<16x128xi32, #tpu.memory_space<hbm>>
        tpu.enqueue_dma source(%dma_start3A_68 : memref<16x128xi32, #tpu.memory_space<hbm>>) target(%arg8 : memref<16x128xi32, #tpu.memory_space<vmem>>) target_semaphore(%run_scoped3A : memref<!tpu.dma_semaphore, #tpu.memory_space<semaphore_mem>>)
        %dma_wait3A = arith.constant 0 : i32
        %dma_wait3A_69 = tpu.memref_slice %arg3[%multiple_of3A, %dma_wait3A] : memref<2560x128xi32, #tpu.memory_space<hbm>> -> memref<16x128xi32, #tpu.memory_space<hbm>>
        %dma_wait3A_70 = arith.constant 0 : i32
        %dma_wait3A_71 = tpu.memref_slice %arg3[%multiple_of3A, %dma_wait3A_70] : memref<2560x128xi32, #tpu.memory_space<hbm>> -> memref<16x128xi32, #tpu.memory_space<hbm>>
        tpu.wait_dma2 semaphore(%run_scoped3A : memref<!tpu.dma_semaphore, #tpu.memory_space<semaphore_mem>>) src(%dma_wait3A_71 : memref<16x128xi32, #tpu.memory_space<hbm>>) dst(%arg8 : memref<16x128xi32, #tpu.memory_space<vmem>>)
        tpu.yield
      }) : () -> ()
      "tpu.region"() ({
        %run_scoped3A = tpu.sem_alloc : memref<!tpu.dma_semaphore, #tpu.memory_space<semaphore_mem>>
        %dma_start3A = arith.constant 0 : i32
        %dma_start3A_66 = tpu.memref_slice %arg4[%multiple_of3A, %dma_start3A] : memref<2560x128xi32, #tpu.memory_space<hbm>> -> memref<16x128xi32, #tpu.memory_space<hbm>>
        %dma_start3A_67 = arith.constant 0 : i32
        %dma_start3A_68 = tpu.memref_slice %arg4[%multiple_of3A, %dma_start3A_67] : memref<2560x128xi32, #tpu.memory_space<hbm>> -> memref<16x128xi32, #tpu.memory_space<hbm>>
        tpu.enqueue_dma source(%dma_start3A_68 : memref<16x128xi32, #tpu.memory_space<hbm>>) target(%arg9 : memref<16x128xi32, #tpu.memory_space<vmem>>) target_semaphore(%run_scoped3A : memref<!tpu.dma_semaphore, #tpu.memory_space<semaphore_mem>>)
        %dma_wait3A = arith.constant 0 : i32
        %dma_wait3A_69 = tpu.memref_slice %arg4[%multiple_of3A, %dma_wait3A] : memref<2560x128xi32, #tpu.memory_space<hbm>> -> memref<16x128xi32, #tpu.memory_space<hbm>>
        %dma_wait3A_70 = arith.constant 0 : i32
        %dma_wait3A_71 = tpu.memref_slice %arg4[%multiple_of3A, %dma_wait3A_70] : memref<2560x128xi32, #tpu.memory_space<hbm>> -> memref<16x128xi32, #tpu.memory_space<hbm>>
        tpu.wait_dma2 semaphore(%run_scoped3A : memref<!tpu.dma_semaphore, #tpu.memory_space<semaphore_mem>>) src(%dma_wait3A_71 : memref<16x128xi32, #tpu.memory_space<hbm>>) dst(%arg9 : memref<16x128xi32, #tpu.memory_space<vmem>>)
        tpu.yield
      }) : () -> ()
      %scan3A = arith.constant 0 : i32
      %scan3A_61 = arith.constant 0 : i32
      %scan3A_62 = arith.constant 8 : i32
      %scan3A_63 = arith.addi %scan3A_61, %scan3A_62 : i32
      %scan3A_64 = arith.constant 1 : i32
      scf.for %scan3A_66 = %scan3A_61 to %scan3A_63 step %scan3A_64  : i32 {
        %mul3A_67 = arith.constant 2 : i32
        %mul3A_68 = arith.muli %scan3A_66, %mul3A_67 : i32
        %add3A_69 = arith.constant 0 : i32
        %add3A_70 = arith.addi %mul3A_68, %add3A_69 : i32
        %dma_start3A = arith.constant 0 : i32
        %dma_start3A_71 = tpu.memref_slice %arg8[%add3A_70, %dma_start3A] : memref<16x128xi32, #tpu.memory_space<vmem>> -> memref<1x128xi32, #tpu.memory_space<vmem>>
        %dma_start3A_72 = tpu.memref_squeeze %dma_start3A_71 : memref<1x128xi32, #tpu.memory_space<vmem>> -> memref<128xi32, #tpu.memory_space<vmem>>
        %dma_start3A_73 = arith.constant 0 : i32
        %dma_start3A_74 = arith.constant 0 : i32
        %dma_start3A_75 = tpu.memref_slice %arg2[%dma_start3A_73, %dma_start3A_74] : memref<10000x128xf32, #tpu.memory_space<hbm>> -> memref<10000x128xf32, #tpu.memory_space<hbm>>
        tpu.enqueue_indirect_dma source(%dma_start3A_75 : memref<10000x128xf32, #tpu.memory_space<hbm>>) target(%arg11 : memref<128x128xf32, #tpu.memory_space<vmem>>) offsets(%dma_start3A_72 : memref<128xi32, #tpu.memory_space<vmem>>) semaphore(%arg13 : memref<!tpu.dma_semaphore, #tpu.memory_space<semaphore_mem>>)
        %add3A_76 = arith.constant 1 : i32
        %add3A_77 = arith.addi %mul3A_68, %add3A_76 : i32
        %dma_start3A_78 = arith.constant 0 : i32
        %dma_start3A_79 = tpu.memref_slice %arg8[%add3A_77, %dma_start3A_78] : memref<16x128xi32, #tpu.memory_space<vmem>> -> memref<1x128xi32, #tpu.memory_space<vmem>>
        %dma_start3A_80 = tpu.memref_squeeze %dma_start3A_79 : memref<1x128xi32, #tpu.memory_space<vmem>> -> memref<128xi32, #tpu.memory_space<vmem>>
        %dma_start3A_81 = arith.constant 0 : i32
        %dma_start3A_82 = arith.constant 0 : i32
        %dma_start3A_83 = tpu.memref_slice %arg2[%dma_start3A_81, %dma_start3A_82] : memref<10000x128xf32, #tpu.memory_space<hbm>> -> memref<10000x128xf32, #tpu.memory_space<hbm>>
        tpu.enqueue_indirect_dma source(%dma_start3A_83 : memref<10000x128xf32, #tpu.memory_space<hbm>>) target(%arg12 : memref<128x128xf32, #tpu.memory_space<vmem>>) offsets(%dma_start3A_80 : memref<128xi32, #tpu.memory_space<vmem>>) semaphore(%arg14 : memref<!tpu.dma_semaphore, #tpu.memory_space<semaphore_mem>>)
        %dma_wait3A = arith.constant 0 : i32
        %dma_wait3A_84 = tpu.memref_slice %arg8[%add3A_70, %dma_wait3A] : memref<16x128xi32, #tpu.memory_space<vmem>> -> memref<1x128xi32, #tpu.memory_space<vmem>>
        %dma_wait3A_85 = tpu.memref_squeeze %dma_wait3A_84 : memref<1x128xi32, #tpu.memory_space<vmem>> -> memref<128xi32, #tpu.memory_space<vmem>>
        %dma_wait3A_86 = arith.constant 0 : i32
        %dma_wait3A_87 = arith.constant 0 : i32
        %dma_wait3A_88 = tpu.memref_slice %arg2[%dma_wait3A_86, %dma_wait3A_87] : memref<10000x128xf32, #tpu.memory_space<hbm>> -> memref<10000x128xf32, #tpu.memory_space<hbm>>
        tpu.wait_indirect_dma semaphore(%arg13 : memref<!tpu.dma_semaphore, #tpu.memory_space<semaphore_mem>>) src(%dma_wait3A_88 : memref<10000x128xf32, #tpu.memory_space<hbm>>) dst(%arg11 : memref<128x128xf32, #tpu.memory_space<vmem>>)
        %add3A_89 = arith.constant 0 : i32
        %add3A_90 = arith.addi %mul3A_68, %add3A_89 : i32
        %dma_start3A_91 = arith.constant 0 : i32
        %dma_start3A_92 = tpu.memref_slice %arg9[%add3A_90, %dma_start3A_91] : memref<16x128xi32, #tpu.memory_space<vmem>> -> memref<1x128xi32, #tpu.memory_space<vmem>>
        %dma_start3A_93 = tpu.memref_squeeze %dma_start3A_92 : memref<1x128xi32, #tpu.memory_space<vmem>> -> memref<128xi32, #tpu.memory_space<vmem>>
        %dma_start3A_94 = arith.constant 0 : i32
        %dma_start3A_95 = arith.constant 0 : i32
        %dma_start3A_96 = tpu.memref_slice %arg17[%dma_start3A_94, %dma_start3A_95] : memref<10240x128xf32, #tpu.memory_space<vmem_shared>> -> memref<10240x128xf32, #tpu.memory_space<vmem_shared>>
        tpu.enqueue_indirect_dma source(%arg11 : memref<128x128xf32, #tpu.memory_space<vmem>>) target(%dma_start3A_96 : memref<10240x128xf32, #tpu.memory_space<vmem_shared>>) offsets(%dma_start3A_93 : memref<128xi32, #tpu.memory_space<vmem>>) semaphore(%arg15 : memref<!tpu.dma_semaphore, #tpu.memory_space<semaphore_mem>>) {add = true}
        %dma_wait3A_97 = arith.constant 0 : i32
        %dma_wait3A_98 = tpu.memref_slice %arg8[%add3A_77, %dma_wait3A_97] : memref<16x128xi32, #tpu.memory_space<vmem>> -> memref<1x128xi32, #tpu.memory_space<vmem>>
        %dma_wait3A_99 = tpu.memref_squeeze %dma_wait3A_98 : memref<1x128xi32, #tpu.memory_space<vmem>> -> memref<128xi32, #tpu.memory_space<vmem>>
        %dma_wait3A_100 = arith.constant 0 : i32
        %dma_wait3A_101 = arith.constant 0 : i32
        %dma_wait3A_102 = tpu.memref_slice %arg2[%dma_wait3A_100, %dma_wait3A_101] : memref<10000x128xf32, #tpu.memory_space<hbm>> -> memref<10000x128xf32, #tpu.memory_space<hbm>>
        tpu.wait_indirect_dma semaphore(%arg14 : memref<!tpu.dma_semaphore, #tpu.memory_space<semaphore_mem>>) src(%dma_wait3A_102 : memref<10000x128xf32, #tpu.memory_space<hbm>>) dst(%arg12 : memref<128x128xf32, #tpu.memory_space<vmem>>)
        %add3A_103 = arith.constant 1 : i32
        %add3A_104 = arith.addi %mul3A_68, %add3A_103 : i32
        %dma_start3A_105 = arith.constant 0 : i32
        %dma_start3A_106 = tpu.memref_slice %arg9[%add3A_104, %dma_start3A_105] : memref<16x128xi32, #tpu.memory_space<vmem>> -> memref<1x128xi32, #tpu.memory_space<vmem>>
        %dma_start3A_107 = tpu.memref_squeeze %dma_start3A_106 : memref<1x128xi32, #tpu.memory_space<vmem>> -> memref<128xi32, #tpu.memory_space<vmem>>
        %dma_start3A_108 = arith.constant 0 : i32
        %dma_start3A_109 = arith.constant 0 : i32
        %dma_start3A_110 = tpu.memref_slice %arg17[%dma_start3A_108, %dma_start3A_109] : memref<10240x128xf32, #tpu.memory_space<vmem_shared>> -> memref<10240x128xf32, #tpu.memory_space<vmem_shared>>
        tpu.enqueue_indirect_dma source(%arg12 : memref<128x128xf32, #tpu.memory_space<vmem>>) target(%dma_start3A_110 : memref<10240x128xf32, #tpu.memory_space<vmem_shared>>) offsets(%dma_start3A_107 : memref<128xi32, #tpu.memory_space<vmem>>) semaphore(%arg16 : memref<!tpu.dma_semaphore, #tpu.memory_space<semaphore_mem>>) {add = true}
        %dma_wait3A_111 = arith.constant 0 : i32
        %dma_wait3A_112 = tpu.memref_slice %arg9[%add3A_90, %dma_wait3A_111] : memref<16x128xi32, #tpu.memory_space<vmem>> -> memref<1x128xi32, #tpu.memory_space<vmem>>
        %dma_wait3A_113 = tpu.memref_squeeze %dma_wait3A_112 : memref<1x128xi32, #tpu.memory_space<vmem>> -> memref<128xi32, #tpu.memory_space<vmem>>
        %dma_wait3A_114 = arith.constant 0 : i32
        %dma_wait3A_115 = arith.constant 0 : i32
        %dma_wait3A_116 = tpu.memref_slice %arg17[%dma_wait3A_114, %dma_wait3A_115] : memref<10240x128xf32, #tpu.memory_space<vmem_shared>> -> memref<10240x128xf32, #tpu.memory_space<vmem_shared>>
        tpu.wait_indirect_dma semaphore(%arg15 : memref<!tpu.dma_semaphore, #tpu.memory_space<semaphore_mem>>) src(%arg11 : memref<128x128xf32, #tpu.memory_space<vmem>>) dst(%dma_wait3A_116 : memref<10240x128xf32, #tpu.memory_space<vmem_shared>>)
        %dma_wait3A_117 = arith.constant 0 : i32
        %dma_wait3A_118 = tpu.memref_slice %arg9[%add3A_104, %dma_wait3A_117] : memref<16x128xi32, #tpu.memory_space<vmem>> -> memref<1x128xi32, #tpu.memory_space<vmem>>
        %dma_wait3A_119 = tpu.memref_squeeze %dma_wait3A_118 : memref<1x128xi32, #tpu.memory_space<vmem>> -> memref<128xi32, #tpu.memory_space<vmem>>
        %dma_wait3A_120 = arith.constant 0 : i32
        %dma_wait3A_121 = arith.constant 0 : i32
        %dma_wait3A_122 = tpu.memref_slice %arg17[%dma_wait3A_120, %dma_wait3A_121] : memref<10240x128xf32, #tpu.memory_space<vmem_shared>> -> memref<10240x128xf32, #tpu.memory_space<vmem_shared>>
        tpu.wait_indirect_dma semaphore(%arg16 : memref<!tpu.dma_semaphore, #tpu.memory_space<semaphore_mem>>) src(%arg12 : memref<128x128xf32, #tpu.memory_space<vmem>>) dst(%dma_wait3A_122 : memref<10240x128xf32, #tpu.memory_space<vmem_shared>>)
      }
      %scan3A_65 = arith.constant 8 : i32
    }
    %barrier3A_52 = arith.constant 0 : index
    tpu.barrier barrier_id(%barrier3A_52)
    %mul3A_53 = arith.constant 640 : i32
    %mul3A_54 = arith.muli %arg1, %mul3A_53 : i32
    %mul3A_55 = arith.constant 640 : i32
    %mul3A_56 = arith.muli %arg1, %mul3A_55 : i32
    "tpu.region"() ({
      %run_scoped3A = tpu.sem_alloc : memref<!tpu.dma_semaphore, #tpu.memory_space<semaphore_mem>>
      %dma_start3A = arith.constant 0 : i32
      %dma_start3A_57 = tpu.memref_slice %arg7[%arg0, %mul3A_56, %dma_start3A] : memref<2x10240x128xf32, #tpu.memory_space<hbm>> -> memref<1x640x128xf32, #tpu.memory_space<hbm>>
      %dma_start3A_58 = tpu.memref_squeeze %dma_start3A_57 : memref<1x640x128xf32, #tpu.memory_space<hbm>> -> memref<640x128xf32, #tpu.memory_space<hbm>>
      %dma_start3A_59 = arith.constant 0 : i32
      %dma_start3A_60 = tpu.memref_slice %arg17[%mul3A_54, %dma_start3A_59] : memref<10240x128xf32, #tpu.memory_space<vmem_shared>> -> memref<640x128xf32, #tpu.memory_space<vmem_shared>>
      tpu.enqueue_dma source(%dma_start3A_60 : memref<640x128xf32, #tpu.memory_space<vmem_shared>>) target(%dma_start3A_58 : memref<640x128xf32, #tpu.memory_space<hbm>>) target_semaphore(%run_scoped3A : memref<!tpu.dma_semaphore, #tpu.memory_space<semaphore_mem>>)
      %dma_wait3A = arith.constant 0 : i32
      %dma_wait3A_61 = tpu.memref_slice %arg7[%arg0, %mul3A_56, %dma_wait3A] : memref<2x10240x128xf32, #tpu.memory_space<hbm>> -> memref<1x640x128xf32, #tpu.memory_space<hbm>>
      %dma_wait3A_62 = tpu.memref_squeeze %dma_wait3A_61 : memref<1x640x128xf32, #tpu.memory_space<hbm>> -> memref<640x128xf32, #tpu.memory_space<hbm>>
      %dma_wait3A_63 = arith.constant 0 : i32
      %dma_wait3A_64 = tpu.memref_slice %arg17[%mul3A_54, %dma_wait3A_63] : memref<10240x128xf32, #tpu.memory_space<vmem_shared>> -> memref<640x128xf32, #tpu.memory_space<vmem_shared>>
      tpu.wait_dma2 semaphore(%run_scoped3A : memref<!tpu.dma_semaphore, #tpu.memory_space<semaphore_mem>>) src(%dma_wait3A_64 : memref<640x128xf32, #tpu.memory_space<vmem_shared>>) dst(%dma_wait3A_62 : memref<640x128xf32, #tpu.memory_space<hbm>>)
      tpu.yield
    }) : () -> ()
    return
  }
}

#map = affine_map<(d0, d1) -> (0, 0)>
#map1 = affine_map<(d0, d1) -> (0)>
#map2 = affine_map<(d0, d1) -> (0, 0, 0)>
module attributes {stable_mosaic.version = 14 : i64} {
  func.func @agg(%arg0: i32, %arg1: i32, %arg2: memref<10000x128xf32, #tpu.memory_space<hbm>>, %arg3: memref<2560x128xi32, #tpu.memory_space<hbm>>, %arg4: memref<2560x128xi32, #tpu.memory_space<hbm>>, %arg5: memref<128x128xf32, #tpu.memory_space<hbm>>, %arg6: memref<272xi32, #tpu.memory_space<hbm>>, %arg7: memref<2x10240x128xf32, #tpu.memory_space<hbm>>, %arg8: memref<16x128xi32, #tpu.memory_space<vmem>>, %arg9: memref<16x128xi32, #tpu.memory_space<vmem>>, %arg10: memref<272xi32, #tpu.memory_space<vmem>>, %arg11: memref<128x128xf32, #tpu.memory_space<vmem>>, %arg12: memref<128x128xf32, #tpu.memory_space<vmem>>, %arg13: memref<!tpu.dma_semaphore, #tpu.memory_space<semaphore_mem>>, %arg14: memref<!tpu.dma_semaphore, #tpu.memory_space<semaphore_mem>>, %arg15: memref<!tpu.dma_semaphore, #tpu.memory_space<semaphore_mem>>, %arg16: memref<!tpu.dma_semaphore, #tpu.memory_space<semaphore_mem>>, %arg17: memref<10240x128xf32, #tpu.memory_space<vmem_shared>>) attributes {dimension_semantics = [#tpu.dimension_semantics<core_parallel>, #tpu.dimension_semantics<subcore_parallel>], iteration_bounds = array<i64: 2, 16>, scalar_prefetch = 0 : i64, scratch_operands = 10 : i64, tpu.core_type = #tpu.core_type<sc_vector_subcore>, window_params = [{transform_indices = #map}, {transform_indices = #map}, {transform_indices = #map}, {transform_indices = #map}, {transform_indices = #map1}, {transform_indices = #map2}]} {
    %mul3A = arith.constant 16 : i32
    %mul3A_0 = arith.muli %arg0, %mul3A : i32
    %add3A = arith.addi %mul3A_0, %arg1 : i32
    "tpu.region"() ({
      %run_scoped3A = tpu.sem_alloc : memref<!tpu.dma_semaphore, #tpu.memory_space<semaphore_mem>>
      tpu.enqueue_dma source(%arg6 : memref<272xi32, #tpu.memory_space<hbm>>) target(%arg10 : memref<272xi32, #tpu.memory_space<vmem>>) target_semaphore(%run_scoped3A : memref<!tpu.dma_semaphore, #tpu.memory_space<semaphore_mem>>)
      tpu.wait_dma2 semaphore(%run_scoped3A : memref<!tpu.dma_semaphore, #tpu.memory_space<semaphore_mem>>) src(%arg6 : memref<272xi32, #tpu.memory_space<hbm>>) dst(%arg10 : memref<272xi32, #tpu.memory_space<vmem>>)
      tpu.yield
    }) : () -> ()
    "tpu.region"() ({
      %run_scoped3A = tpu.sem_alloc : memref<!tpu.dma_semaphore, #tpu.memory_space<semaphore_mem>>
      tpu.enqueue_dma source(%arg5 : memref<128x128xf32, #tpu.memory_space<hbm>>) target(%arg11 : memref<128x128xf32, #tpu.memory_space<vmem>>) target_semaphore(%run_scoped3A : memref<!tpu.dma_semaphore, #tpu.memory_space<semaphore_mem>>)
      tpu.wait_dma2 semaphore(%run_scoped3A : memref<!tpu.dma_semaphore, #tpu.memory_space<semaphore_mem>>) src(%arg5 : memref<128x128xf32, #tpu.memory_space<hbm>>) dst(%arg11 : memref<128x128xf32, #tpu.memory_space<vmem>>)
      tpu.yield
    }) : () -> ()
    %mul3A_1 = arith.constant 640 : i32
    %mul3A_2 = arith.muli %arg1, %mul3A_1 : i32
    %add3A_3 = arith.constant 0 : i32
    %add3A_4 = arith.addi %mul3A_2, %add3A_3 : i32
    "tpu.region"() ({
      %run_scoped3A = tpu.sem_alloc : memref<!tpu.dma_semaphore, #tpu.memory_space<semaphore_mem>>
      %dma_start3A = arith.constant 0 : i32
      %dma_start3A_57 = tpu.memref_slice %arg17[%add3A_4, %dma_start3A] : memref<10240x128xf32, #tpu.memory_space<vmem_shared>> -> memref<128x128xf32, #tpu.memory_space<vmem_shared>>
      %dma_start3A_58 = arith.constant 0 : i32
      %dma_start3A_59 = tpu.memref_slice %arg17[%add3A_4, %dma_start3A_58] : memref<10240x128xf32, #tpu.memory_space<vmem_shared>> -> memref<128x128xf32, #tpu.memory_space<vmem_shared>>
      tpu.enqueue_dma source(%arg11 : memref<128x128xf32, #tpu.memory_space<vmem>>) target(%dma_start3A_59 : memref<128x128xf32, #tpu.memory_space<vmem_shared>>) target_semaphore(%run_scoped3A : memref<!tpu.dma_semaphore, #tpu.memory_space<semaphore_mem>>)
      %dma_wait3A = arith.constant 0 : i32
      %dma_wait3A_60 = tpu.memref_slice %arg17[%add3A_4, %dma_wait3A] : memref<10240x128xf32, #tpu.memory_space<vmem_shared>> -> memref<128x128xf32, #tpu.memory_space<vmem_shared>>
      %dma_wait3A_61 = arith.constant 0 : i32
      %dma_wait3A_62 = tpu.memref_slice %arg17[%add3A_4, %dma_wait3A_61] : memref<10240x128xf32, #tpu.memory_space<vmem_shared>> -> memref<128x128xf32, #tpu.memory_space<vmem_shared>>
      tpu.wait_dma2 semaphore(%run_scoped3A : memref<!tpu.dma_semaphore, #tpu.memory_space<semaphore_mem>>) src(%arg11 : memref<128x128xf32, #tpu.memory_space<vmem>>) dst(%dma_wait3A_62 : memref<128x128xf32, #tpu.memory_space<vmem_shared>>)
      tpu.yield
    }) : () -> ()
    %mul3A_5 = arith.constant 640 : i32
    %mul3A_6 = arith.muli %arg1, %mul3A_5 : i32
    %add3A_7 = arith.constant 128 : i32
    %add3A_8 = arith.addi %mul3A_6, %add3A_7 : i32
    "tpu.region"() ({
      %run_scoped3A = tpu.sem_alloc : memref<!tpu.dma_semaphore, #tpu.memory_space<semaphore_mem>>
      %dma_start3A = arith.constant 0 : i32
      %dma_start3A_57 = tpu.memref_slice %arg17[%add3A_8, %dma_start3A] : memref<10240x128xf32, #tpu.memory_space<vmem_shared>> -> memref<128x128xf32, #tpu.memory_space<vmem_shared>>
      %dma_start3A_58 = arith.constant 0 : i32
      %dma_start3A_59 = tpu.memref_slice %arg17[%add3A_8, %dma_start3A_58] : memref<10240x128xf32, #tpu.memory_space<vmem_shared>> -> memref<128x128xf32, #tpu.memory_space<vmem_shared>>
      tpu.enqueue_dma source(%arg11 : memref<128x128xf32, #tpu.memory_space<vmem>>) target(%dma_start3A_59 : memref<128x128xf32, #tpu.memory_space<vmem_shared>>) target_semaphore(%run_scoped3A : memref<!tpu.dma_semaphore, #tpu.memory_space<semaphore_mem>>)
      %dma_wait3A = arith.constant 0 : i32
      %dma_wait3A_60 = tpu.memref_slice %arg17[%add3A_8, %dma_wait3A] : memref<10240x128xf32, #tpu.memory_space<vmem_shared>> -> memref<128x128xf32, #tpu.memory_space<vmem_shared>>
      %dma_wait3A_61 = arith.constant 0 : i32
      %dma_wait3A_62 = tpu.memref_slice %arg17[%add3A_8, %dma_wait3A_61] : memref<10240x128xf32, #tpu.memory_space<vmem_shared>> -> memref<128x128xf32, #tpu.memory_space<vmem_shared>>
      tpu.wait_dma2 semaphore(%run_scoped3A : memref<!tpu.dma_semaphore, #tpu.memory_space<semaphore_mem>>) src(%arg11 : memref<128x128xf32, #tpu.memory_space<vmem>>) dst(%dma_wait3A_62 : memref<128x128xf32, #tpu.memory_space<vmem_shared>>)
      tpu.yield
    }) : () -> ()
    %mul3A_9 = arith.constant 640 : i32
    %mul3A_10 = arith.muli %arg1, %mul3A_9 : i32
    %add3A_11 = arith.constant 256 : i32
    %add3A_12 = arith.addi %mul3A_10, %add3A_11 : i32
    "tpu.region"() ({
      %run_scoped3A = tpu.sem_alloc : memref<!tpu.dma_semaphore, #tpu.memory_space<semaphore_mem>>
      %dma_start3A = arith.constant 0 : i32
      %dma_start3A_57 = tpu.memref_slice %arg17[%add3A_12, %dma_start3A] : memref<10240x128xf32, #tpu.memory_space<vmem_shared>> -> memref<128x128xf32, #tpu.memory_space<vmem_shared>>
      %dma_start3A_58 = arith.constant 0 : i32
      %dma_start3A_59 = tpu.memref_slice %arg17[%add3A_12, %dma_start3A_58] : memref<10240x128xf32, #tpu.memory_space<vmem_shared>> -> memref<128x128xf32, #tpu.memory_space<vmem_shared>>
      tpu.enqueue_dma source(%arg11 : memref<128x128xf32, #tpu.memory_space<vmem>>) target(%dma_start3A_59 : memref<128x128xf32, #tpu.memory_space<vmem_shared>>) target_semaphore(%run_scoped3A : memref<!tpu.dma_semaphore, #tpu.memory_space<semaphore_mem>>)
      %dma_wait3A = arith.constant 0 : i32
      %dma_wait3A_60 = tpu.memref_slice %arg17[%add3A_12, %dma_wait3A] : memref<10240x128xf32, #tpu.memory_space<vmem_shared>> -> memref<128x128xf32, #tpu.memory_space<vmem_shared>>
      %dma_wait3A_61 = arith.constant 0 : i32
      %dma_wait3A_62 = tpu.memref_slice %arg17[%add3A_12, %dma_wait3A_61] : memref<10240x128xf32, #tpu.memory_space<vmem_shared>> -> memref<128x128xf32, #tpu.memory_space<vmem_shared>>
      tpu.wait_dma2 semaphore(%run_scoped3A : memref<!tpu.dma_semaphore, #tpu.memory_space<semaphore_mem>>) src(%arg11 : memref<128x128xf32, #tpu.memory_space<vmem>>) dst(%dma_wait3A_62 : memref<128x128xf32, #tpu.memory_space<vmem_shared>>)
      tpu.yield
    }) : () -> ()
    %mul3A_13 = arith.constant 640 : i32
    %mul3A_14 = arith.muli %arg1, %mul3A_13 : i32
    %add3A_15 = arith.constant 384 : i32
    %add3A_16 = arith.addi %mul3A_14, %add3A_15 : i32
    "tpu.region"() ({
      %run_scoped3A = tpu.sem_alloc : memref<!tpu.dma_semaphore, #tpu.memory_space<semaphore_mem>>
      %dma_start3A = arith.constant 0 : i32
      %dma_start3A_57 = tpu.memref_slice %arg17[%add3A_16, %dma_start3A] : memref<10240x128xf32, #tpu.memory_space<vmem_shared>> -> memref<128x128xf32, #tpu.memory_space<vmem_shared>>
      %dma_start3A_58 = arith.constant 0 : i32
      %dma_start3A_59 = tpu.memref_slice %arg17[%add3A_16, %dma_start3A_58] : memref<10240x128xf32, #tpu.memory_space<vmem_shared>> -> memref<128x128xf32, #tpu.memory_space<vmem_shared>>
      tpu.enqueue_dma source(%arg11 : memref<128x128xf32, #tpu.memory_space<vmem>>) target(%dma_start3A_59 : memref<128x128xf32, #tpu.memory_space<vmem_shared>>) target_semaphore(%run_scoped3A : memref<!tpu.dma_semaphore, #tpu.memory_space<semaphore_mem>>)
      %dma_wait3A = arith.constant 0 : i32
      %dma_wait3A_60 = tpu.memref_slice %arg17[%add3A_16, %dma_wait3A] : memref<10240x128xf32, #tpu.memory_space<vmem_shared>> -> memref<128x128xf32, #tpu.memory_space<vmem_shared>>
      %dma_wait3A_61 = arith.constant 0 : i32
      %dma_wait3A_62 = tpu.memref_slice %arg17[%add3A_16, %dma_wait3A_61] : memref<10240x128xf32, #tpu.memory_space<vmem_shared>> -> memref<128x128xf32, #tpu.memory_space<vmem_shared>>
      tpu.wait_dma2 semaphore(%run_scoped3A : memref<!tpu.dma_semaphore, #tpu.memory_space<semaphore_mem>>) src(%arg11 : memref<128x128xf32, #tpu.memory_space<vmem>>) dst(%dma_wait3A_62 : memref<128x128xf32, #tpu.memory_space<vmem_shared>>)
      tpu.yield
    }) : () -> ()
    %mul3A_17 = arith.constant 640 : i32
    %mul3A_18 = arith.muli %arg1, %mul3A_17 : i32
    %add3A_19 = arith.constant 512 : i32
    %add3A_20 = arith.addi %mul3A_18, %add3A_19 : i32
    "tpu.region"() ({
      %run_scoped3A = tpu.sem_alloc : memref<!tpu.dma_semaphore, #tpu.memory_space<semaphore_mem>>
      %dma_start3A = arith.constant 0 : i32
      %dma_start3A_57 = tpu.memref_slice %arg17[%add3A_20, %dma_start3A] : memref<10240x128xf32, #tpu.memory_space<vmem_shared>> -> memref<128x128xf32, #tpu.memory_space<vmem_shared>>
      %dma_start3A_58 = arith.constant 0 : i32
      %dma_start3A_59 = tpu.memref_slice %arg17[%add3A_20, %dma_start3A_58] : memref<10240x128xf32, #tpu.memory_space<vmem_shared>> -> memref<128x128xf32, #tpu.memory_space<vmem_shared>>
      tpu.enqueue_dma source(%arg11 : memref<128x128xf32, #tpu.memory_space<vmem>>) target(%dma_start3A_59 : memref<128x128xf32, #tpu.memory_space<vmem_shared>>) target_semaphore(%run_scoped3A : memref<!tpu.dma_semaphore, #tpu.memory_space<semaphore_mem>>)
      %dma_wait3A = arith.constant 0 : i32
      %dma_wait3A_60 = tpu.memref_slice %arg17[%add3A_20, %dma_wait3A] : memref<10240x128xf32, #tpu.memory_space<vmem_shared>> -> memref<128x128xf32, #tpu.memory_space<vmem_shared>>
      %dma_wait3A_61 = arith.constant 0 : i32
      %dma_wait3A_62 = tpu.memref_slice %arg17[%add3A_20, %dma_wait3A_61] : memref<10240x128xf32, #tpu.memory_space<vmem_shared>> -> memref<128x128xf32, #tpu.memory_space<vmem_shared>>
      tpu.wait_dma2 semaphore(%run_scoped3A : memref<!tpu.dma_semaphore, #tpu.memory_space<semaphore_mem>>) src(%arg11 : memref<128x128xf32, #tpu.memory_space<vmem>>) dst(%dma_wait3A_62 : memref<128x128xf32, #tpu.memory_space<vmem_shared>>)
      tpu.yield
    }) : () -> ()
    %barrier3A = arith.constant 0 : index
    tpu.barrier barrier_id(%barrier3A)
    %mul3A_21 = arith.constant 8 : i32
    %mul3A_22 = arith.muli %mul3A_21, %add3A : i32
    %get3A = arith.index_cast %mul3A_22 : i32 to index
    %get3A_23 = tpu.vector_load %arg10[%get3A] {strides = array<i32>} : memref<272xi32, #tpu.memory_space<vmem>>, vector<16xi32>,
    %get3A_24 = vector.shape_cast %get3A_23 : vector<16xi32> to vector<16xi32>
    %slice3A = vector.extract_strided_slice %get3A_24 {offsets = [0], sizes = [1], strides = [1]} : vector<16xi32> to vector<1xi32>
    %squeeze3A = vector.extract %slice3A[0] : i32 from vector<1xi32>
    %slice3A_25 = vector.extract_strided_slice %get3A_24 {offsets = [1], sizes = [1], strides = [1]} : vector<16xi32> to vector<1xi32>
    %squeeze3A_26 = vector.extract %slice3A_25[0] : i32 from vector<1xi32>
    %jit3A = arith.constant 16 : i32
    %div3A = arith.divsi %squeeze3A_26, %jit3A : i32
    %sign3A = arith.constant 0 : i32
    %sign3A_27 = arith.cmpi sgt, %squeeze3A_26, %sign3A : i32
    %sign3A_28 = arith.extui %sign3A_27 : i1 to i32
    %sign3A_29 = arith.constant 0 : i32
    %sign3A_30 = arith.cmpi slt, %squeeze3A_26, %sign3A_29 : i32
    %sign3A_31 = arith.extui %sign3A_30 : i1 to i32
    %sign3A_32 = arith.subi %sign3A_28, %sign3A_31 : i32
    %sign3A_33 = arith.constant 0 : i32
    %sign3A_34 = arith.cmpi sgt, %jit3A, %sign3A_33 : i32
    %sign3A_35 = arith.extui %sign3A_34 : i1 to i32
    %sign3A_36 = arith.constant 0 : i32
    %sign3A_37 = arith.cmpi slt, %jit3A, %sign3A_36 : i32
    %sign3A_38 = arith.extui %sign3A_37 : i1 to i32
    %sign3A_39 = arith.subi %sign3A_35, %sign3A_38 : i32
    %ne3A = arith.cmpi ne, %sign3A_32, %sign3A_39 : i32
    %rem3A = arith.remsi %squeeze3A_26, %jit3A : i32
    %ne3A_40 = arith.constant 0 : i32
    %ne3A_41 = arith.cmpi ne, %rem3A, %ne3A_40 : i32
    %and3A = arith.andi %ne3A, %ne3A_41 : i1
    %sub3A = arith.constant 1 : i32
    %sub3A_42 = arith.subi %div3A, %sub3A : i32
    %select_n3A = arith.select %and3A, %sub3A_42, %div3A : i32
    %while3A = arith.constant 0 : i32
    %while3A_43 = arith.constant 0 : i32
    %while3A_44 = arith.subi %select_n3A, %while3A_43 : i32
    %while3A_45 = arith.addi %while3A_43, %while3A_44 : i32
    %while3A_46 = arith.constant 1 : i32
    %while3A_47 = arith.divsi %while3A_44, %while3A_46 : i32
    %while3A_48 = arith.muli %while3A_47, %while3A_46 : i32
    %while3A_49 = arith.addi %while3A_43, %while3A_48 : i32
    %while3A_50 = arith.constant 1 : i32
    scf.for %while3A_57 = %while3A_43 to %while3A_49 step %while3A_50  : i32 {
      %mul3A_58 = arith.constant 16 : i32
      %mul3A_59 = arith.muli %while3A_57, %mul3A_58 : i32
      %add3A_60 = arith.addi %squeeze3A, %mul3A_59 : i32
      %multiple_of3A = tpu.assume_multiple %add3A_60, 8 : i32
      "tpu.region"() ({
        %run_scoped3A = tpu.sem_alloc : memref<!tpu.dma_semaphore, #tpu.memory_space<semaphore_mem>>
        %dma_start3A = arith.constant 0 : i32
        %dma_start3A_66 = tpu.memref_slice %arg3[%multiple_of3A, %dma_start3A] : memref<2560x128xi32, #tpu.memory_space<hbm>> -> memref<16x128xi32, #tpu.memory_space<hbm>>
        %dma_start3A_67 = arith.constant 0 : i32
        %dma_start3A_68 = tpu.memref_slice %arg3[%multiple_of3A, %dma_start3A_67] : memref<2560x128xi32, #tpu.memory_space<hbm>> -> memref<16x128xi32, #tpu.memory_space<hbm>>
        tpu.enqueue_dma source(%dma_start3A_68 : memref<16x128xi32, #tpu.memory_space<hbm>>) target(%arg8 : memref<16x128xi32, #tpu.memory_space<vmem>>) target_semaphore(%run_scoped3A : memref<!tpu.dma_semaphore, #tpu.memory_space<semaphore_mem>>)
        %dma_wait3A = arith.constant 0 : i32
        %dma_wait3A_69 = tpu.memref_slice %arg3[%multiple_of3A, %dma_wait3A] : memref<2560x128xi32, #tpu.memory_space<hbm>> -> memref<16x128xi32, #tpu.memory_space<hbm>>
        %dma_wait3A_70 = arith.constant 0 : i32
        %dma_wait3A_71 = tpu.memref_slice %arg3[%multiple_of3A, %dma_wait3A_70] : memref<2560x128xi32, #tpu.memory_space<hbm>> -> memref<16x128xi32, #tpu.memory_space<hbm>>
        tpu.wait_dma2 semaphore(%run_scoped3A : memref<!tpu.dma_semaphore, #tpu.memory_space<semaphore_mem>>) src(%dma_wait3A_71 : memref<16x128xi32, #tpu.memory_space<hbm>>) dst(%arg8 : memref<16x128xi32, #tpu.memory_space<vmem>>)
        tpu.yield
      }) : () -> ()
      "tpu.region"() ({
        %run_scoped3A = tpu.sem_alloc : memref<!tpu.dma_semaphore, #tpu.memory_space<semaphore_mem>>
        %dma_start3A = arith.constant 0 : i32
        %dma_start3A_66 = tpu.memref_slice %arg4[%multiple_of3A, %dma_start3A] : memref<2560x128xi32, #tpu.memory_space<hbm>> -> memref<16x128xi32, #tpu.memory_space<hbm>>
        %dma_start3A_67 = arith.constant 0 : i32
        %dma_start3A_68 = tpu.memref_slice %arg4[%multiple_of3A, %dma_start3A_67] : memref<2560x128xi32, #tpu.memory_space<hbm>> -> memref<16x128xi32, #tpu.memory_space<hbm>>
        tpu.enqueue_dma source(%dma_start3A_68 : memref<16x128xi32, #tpu.memory_space<hbm>>) target(%arg9 : memref<16x128xi32, #tpu.memory_space<vmem>>) target_semaphore(%run_scoped3A : memref<!tpu.dma_semaphore, #tpu.memory_space<semaphore_mem>>)
        %dma_wait3A = arith.constant 0 : i32
        %dma_wait3A_69 = tpu.memref_slice %arg4[%multiple_of3A, %dma_wait3A] : memref<2560x128xi32, #tpu.memory_space<hbm>> -> memref<16x128xi32, #tpu.memory_space<hbm>>
        %dma_wait3A_70 = arith.constant 0 : i32
        %dma_wait3A_71 = tpu.memref_slice %arg4[%multiple_of3A, %dma_wait3A_70] : memref<2560x128xi32, #tpu.memory_space<hbm>> -> memref<16x128xi32, #tpu.memory_space<hbm>>
        tpu.wait_dma2 semaphore(%run_scoped3A : memref<!tpu.dma_semaphore, #tpu.memory_space<semaphore_mem>>) src(%dma_wait3A_71 : memref<16x128xi32, #tpu.memory_space<hbm>>) dst(%arg9 : memref<16x128xi32, #tpu.memory_space<vmem>>)
        tpu.yield
      }) : () -> ()
      %scan3A = arith.constant 0 : i32
      %scan3A_61 = arith.constant 0 : i32
      %scan3A_62 = arith.constant 8 : i32
      %scan3A_63 = arith.addi %scan3A_61, %scan3A_62 : i32
      %scan3A_64 = arith.constant 1 : i32
      scf.for %scan3A_66 = %scan3A_61 to %scan3A_63 step %scan3A_64  : i32 {
        %mul3A_67 = arith.constant 2 : i32
        %mul3A_68 = arith.muli %scan3A_66, %mul3A_67 : i32
        %add3A_69 = arith.constant 0 : i32
        %add3A_70 = arith.addi %mul3A_68, %add3A_69 : i32
        %dma_start3A = arith.constant 0 : i32
        %dma_start3A_71 = tpu.memref_slice %arg8[%add3A_70, %dma_start3A] : memref<16x128xi32, #tpu.memory_space<vmem>> -> memref<1x128xi32, #tpu.memory_space<vmem>>
        %dma_start3A_72 = tpu.memref_squeeze %dma_start3A_71 : memref<1x128xi32, #tpu.memory_space<vmem>> -> memref<128xi32, #tpu.memory_space<vmem>>
        %dma_start3A_73 = arith.constant 0 : i32
        %dma_start3A_74 = arith.constant 0 : i32
        %dma_start3A_75 = tpu.memref_slice %arg2[%dma_start3A_73, %dma_start3A_74] : memref<10000x128xf32, #tpu.memory_space<hbm>> -> memref<10000x128xf32, #tpu.memory_space<hbm>>
        tpu.enqueue_indirect_dma source(%dma_start3A_75 : memref<10000x128xf32, #tpu.memory_space<hbm>>) target(%arg11 : memref<128x128xf32, #tpu.memory_space<vmem>>) offsets(%dma_start3A_72 : memref<128xi32, #tpu.memory_space<vmem>>) semaphore(%arg13 : memref<!tpu.dma_semaphore, #tpu.memory_space<semaphore_mem>>)
        %add3A_76 = arith.constant 1 : i32
        %add3A_77 = arith.addi %mul3A_68, %add3A_76 : i32
        %dma_start3A_78 = arith.constant 0 : i32
        %dma_start3A_79 = tpu.memref_slice %arg8[%add3A_77, %dma_start3A_78] : memref<16x128xi32, #tpu.memory_space<vmem>> -> memref<1x128xi32, #tpu.memory_space<vmem>>
        %dma_start3A_80 = tpu.memref_squeeze %dma_start3A_79 : memref<1x128xi32, #tpu.memory_space<vmem>> -> memref<128xi32, #tpu.memory_space<vmem>>
        %dma_start3A_81 = arith.constant 0 : i32
        %dma_start3A_82 = arith.constant 0 : i32
        %dma_start3A_83 = tpu.memref_slice %arg2[%dma_start3A_81, %dma_start3A_82] : memref<10000x128xf32, #tpu.memory_space<hbm>> -> memref<10000x128xf32, #tpu.memory_space<hbm>>
        tpu.enqueue_indirect_dma source(%dma_start3A_83 : memref<10000x128xf32, #tpu.memory_space<hbm>>) target(%arg12 : memref<128x128xf32, #tpu.memory_space<vmem>>) offsets(%dma_start3A_80 : memref<128xi32, #tpu.memory_space<vmem>>) semaphore(%arg14 : memref<!tpu.dma_semaphore, #tpu.memory_space<semaphore_mem>>)
        %dma_wait3A = arith.constant 0 : i32
        %dma_wait3A_84 = tpu.memref_slice %arg8[%add3A_70, %dma_wait3A] : memref<16x128xi32, #tpu.memory_space<vmem>> -> memref<1x128xi32, #tpu.memory_space<vmem>>
        %dma_wait3A_85 = tpu.memref_squeeze %dma_wait3A_84 : memref<1x128xi32, #tpu.memory_space<vmem>> -> memref<128xi32, #tpu.memory_space<vmem>>
        %dma_wait3A_86 = arith.constant 0 : i32
        %dma_wait3A_87 = arith.constant 0 : i32
        %dma_wait3A_88 = tpu.memref_slice %arg2[%dma_wait3A_86, %dma_wait3A_87] : memref<10000x128xf32, #tpu.memory_space<hbm>> -> memref<10000x128xf32, #tpu.memory_space<hbm>>
        tpu.wait_indirect_dma semaphore(%arg13 : memref<!tpu.dma_semaphore, #tpu.memory_space<semaphore_mem>>) src(%dma_wait3A_88 : memref<10000x128xf32, #tpu.memory_space<hbm>>) dst(%arg11 : memref<128x128xf32, #tpu.memory_space<vmem>>)
        %add3A_89 = arith.constant 0 : i32
        %add3A_90 = arith.addi %mul3A_68, %add3A_89 : i32
        %dma_start3A_91 = arith.constant 0 : i32
        %dma_start3A_92 = tpu.memref_slice %arg9[%add3A_90, %dma_start3A_91] : memref<16x128xi32, #tpu.memory_space<vmem>> -> memref<1x128xi32, #tpu.memory_space<vmem>>
        %dma_start3A_93 = tpu.memref_squeeze %dma_start3A_92 : memref<1x128xi32, #tpu.memory_space<vmem>> -> memref<128xi32, #tpu.memory_space<vmem>>
        %dma_start3A_94 = arith.constant 0 : i32
        %dma_start3A_95 = arith.constant 0 : i32
        %dma_start3A_96 = tpu.memref_slice %arg17[%dma_start3A_94, %dma_start3A_95] : memref<10240x128xf32, #tpu.memory_space<vmem_shared>> -> memref<10240x128xf32, #tpu.memory_space<vmem_shared>>
        tpu.enqueue_indirect_dma source(%arg11 : memref<128x128xf32, #tpu.memory_space<vmem>>) target(%dma_start3A_96 : memref<10240x128xf32, #tpu.memory_space<vmem_shared>>) offsets(%dma_start3A_93 : memref<128xi32, #tpu.memory_space<vmem>>) semaphore(%arg15 : memref<!tpu.dma_semaphore, #tpu.memory_space<semaphore_mem>>) {add = true}
        %dma_wait3A_97 = arith.constant 0 : i32
        %dma_wait3A_98 = tpu.memref_slice %arg8[%add3A_77, %dma_wait3A_97] : memref<16x128xi32, #tpu.memory_space<vmem>> -> memref<1x128xi32, #tpu.memory_space<vmem>>
        %dma_wait3A_99 = tpu.memref_squeeze %dma_wait3A_98 : memref<1x128xi32, #tpu.memory_space<vmem>> -> memref<128xi32, #tpu.memory_space<vmem>>
        %dma_wait3A_100 = arith.constant 0 : i32
        %dma_wait3A_101 = arith.constant 0 : i32
        %dma_wait3A_102 = tpu.memref_slice %arg2[%dma_wait3A_100, %dma_wait3A_101] : memref<10000x128xf32, #tpu.memory_space<hbm>> -> memref<10000x128xf32, #tpu.memory_space<hbm>>
        tpu.wait_indirect_dma semaphore(%arg14 : memref<!tpu.dma_semaphore, #tpu.memory_space<semaphore_mem>>) src(%dma_wait3A_102 : memref<10000x128xf32, #tpu.memory_space<hbm>>) dst(%arg12 : memref<128x128xf32, #tpu.memory_space<vmem>>)
        %add3A_103 = arith.constant 1 : i32
        %add3A_104 = arith.addi %mul3A_68, %add3A_103 : i32
        %dma_start3A_105 = arith.constant 0 : i32
        %dma_start3A_106 = tpu.memref_slice %arg9[%add3A_104, %dma_start3A_105] : memref<16x128xi32, #tpu.memory_space<vmem>> -> memref<1x128xi32, #tpu.memory_space<vmem>>
        %dma_start3A_107 = tpu.memref_squeeze %dma_start3A_106 : memref<1x128xi32, #tpu.memory_space<vmem>> -> memref<128xi32, #tpu.memory_space<vmem>>
        %dma_start3A_108 = arith.constant 0 : i32
        %dma_start3A_109 = arith.constant 0 : i32
        %dma_start3A_110 = tpu.memref_slice %arg17[%dma_start3A_108, %dma_start3A_109] : memref<10240x128xf32, #tpu.memory_space<vmem_shared>> -> memref<10240x128xf32, #tpu.memory_space<vmem_shared>>
        tpu.enqueue_indirect_dma source(%arg12 : memref<128x128xf32, #tpu.memory_space<vmem>>) target(%dma_start3A_110 : memref<10240x128xf32, #tpu.memory_space<vmem_shared>>) offsets(%dma_start3A_107 : memref<128xi32, #tpu.memory_space<vmem>>) semaphore(%arg16 : memref<!tpu.dma_semaphore, #tpu.memory_space<semaphore_mem>>) {add = true}
        %dma_wait3A_111 = arith.constant 0 : i32
        %dma_wait3A_112 = tpu.memref_slice %arg9[%add3A_90, %dma_wait3A_111] : memref<16x128xi32, #tpu.memory_space<vmem>> -> memref<1x128xi32, #tpu.memory_space<vmem>>
        %dma_wait3A_113 = tpu.memref_squeeze %dma_wait3A_112 : memref<1x128xi32, #tpu.memory_space<vmem>> -> memref<128xi32, #tpu.memory_space<vmem>>
        %dma_wait3A_114 = arith.constant 0 : i32
        %dma_wait3A_115 = arith.constant 0 : i32
        %dma_wait3A_116 = tpu.memref_slice %arg17[%dma_wait3A_114, %dma_wait3A_115] : memref<10240x128xf32, #tpu.memory_space<vmem_shared>> -> memref<10240x128xf32, #tpu.memory_space<vmem_shared>>
        tpu.wait_indirect_dma semaphore(%arg15 : memref<!tpu.dma_semaphore, #tpu.memory_space<semaphore_mem>>) src(%arg11 : memref<128x128xf32, #tpu.memory_space<vmem>>) dst(%dma_wait3A_116 : memref<10240x128xf32, #tpu.memory_space<vmem_shared>>)
        %dma_wait3A_117 = arith.constant 0 : i32
        %dma_wait3A_118 = tpu.memref_slice %arg9[%add3A_104, %dma_wait3A_117] : memref<16x128xi32, #tpu.memory_space<vmem>> -> memref<1x128xi32, #tpu.memory_space<vmem>>
        %dma_wait3A_119 = tpu.memref_squeeze %dma_wait3A_118 : memref<1x128xi32, #tpu.memory_space<vmem>> -> memref<128xi32, #tpu.memory_space<vmem>>
        %dma_wait3A_120 = arith.constant 0 : i32
        %dma_wait3A_121 = arith.constant 0 : i32
        %dma_wait3A_122 = tpu.memref_slice %arg17[%dma_wait3A_120, %dma_wait3A_121] : memref<10240x128xf32, #tpu.memory_space<vmem_shared>> -> memref<10240x128xf32, #tpu.memory_space<vmem_shared>>
        tpu.wait_indirect_dma semaphore(%arg16 : memref<!tpu.dma_semaphore, #tpu.memory_space<semaphore_mem>>) src(%arg12 : memref<128x128xf32, #tpu.memory_space<vmem>>) dst(%dma_wait3A_122 : memref<10240x128xf32, #tpu.memory_space<vmem_shared>>)
      }
      %scan3A_65 = arith.constant 8 : i32
    }
    %while3A_51 = arith.constant 1 : i32
    scf.for %while3A_57 = %while3A_49 to %while3A_45 step %while3A_51  : i32 {
      %mul3A_58 = arith.constant 16 : i32
      %mul3A_59 = arith.muli %while3A_57, %mul3A_58 : i32
      %add3A_60 = arith.addi %squeeze3A, %mul3A_59 : i32
      %multiple_of3A = tpu.assume_multiple %add3A_60, 8 : i32
      "tpu.region"() ({
        %run_scoped3A = tpu.sem_alloc : memref<!tpu.dma_semaphore, #tpu.memory_space<semaphore_mem>>
        %dma_start3A = arith.constant 0 : i32
        %dma_start3A_66 = tpu.memref_slice %arg3[%multiple_of3A, %dma_start3A] : memref<2560x128xi32, #tpu.memory_space<hbm>> -> memref<16x128xi32, #tpu.memory_space<hbm>>
        %dma_start3A_67 = arith.constant 0 : i32
        %dma_start3A_68 = tpu.memref_slice %arg3[%multiple_of3A, %dma_start3A_67] : memref<2560x128xi32, #tpu.memory_space<hbm>> -> memref<16x128xi32, #tpu.memory_space<hbm>>
        tpu.enqueue_dma source(%dma_start3A_68 : memref<16x128xi32, #tpu.memory_space<hbm>>) target(%arg8 : memref<16x128xi32, #tpu.memory_space<vmem>>) target_semaphore(%run_scoped3A : memref<!tpu.dma_semaphore, #tpu.memory_space<semaphore_mem>>)
        %dma_wait3A = arith.constant 0 : i32
        %dma_wait3A_69 = tpu.memref_slice %arg3[%multiple_of3A, %dma_wait3A] : memref<2560x128xi32, #tpu.memory_space<hbm>> -> memref<16x128xi32, #tpu.memory_space<hbm>>
        %dma_wait3A_70 = arith.constant 0 : i32
        %dma_wait3A_71 = tpu.memref_slice %arg3[%multiple_of3A, %dma_wait3A_70] : memref<2560x128xi32, #tpu.memory_space<hbm>> -> memref<16x128xi32, #tpu.memory_space<hbm>>
        tpu.wait_dma2 semaphore(%run_scoped3A : memref<!tpu.dma_semaphore, #tpu.memory_space<semaphore_mem>>) src(%dma_wait3A_71 : memref<16x128xi32, #tpu.memory_space<hbm>>) dst(%arg8 : memref<16x128xi32, #tpu.memory_space<vmem>>)
        tpu.yield
      }) : () -> ()
      "tpu.region"() ({
        %run_scoped3A = tpu.sem_alloc : memref<!tpu.dma_semaphore, #tpu.memory_space<semaphore_mem>>
        %dma_start3A = arith.constant 0 : i32
        %dma_start3A_66 = tpu.memref_slice %arg4[%multiple_of3A, %dma_start3A] : memref<2560x128xi32, #tpu.memory_space<hbm>> -> memref<16x128xi32, #tpu.memory_space<hbm>>
        %dma_start3A_67 = arith.constant 0 : i32
        %dma_start3A_68 = tpu.memref_slice %arg4[%multiple_of3A, %dma_start3A_67] : memref<2560x128xi32, #tpu.memory_space<hbm>> -> memref<16x128xi32, #tpu.memory_space<hbm>>
        tpu.enqueue_dma source(%dma_start3A_68 : memref<16x128xi32, #tpu.memory_space<hbm>>) target(%arg9 : memref<16x128xi32, #tpu.memory_space<vmem>>) target_semaphore(%run_scoped3A : memref<!tpu.dma_semaphore, #tpu.memory_space<semaphore_mem>>)
        %dma_wait3A = arith.constant 0 : i32
        %dma_wait3A_69 = tpu.memref_slice %arg4[%multiple_of3A, %dma_wait3A] : memref<2560x128xi32, #tpu.memory_space<hbm>> -> memref<16x128xi32, #tpu.memory_space<hbm>>
        %dma_wait3A_70 = arith.constant 0 : i32
        %dma_wait3A_71 = tpu.memref_slice %arg4[%multiple_of3A, %dma_wait3A_70] : memref<2560x128xi32, #tpu.memory_space<hbm>> -> memref<16x128xi32, #tpu.memory_space<hbm>>
        tpu.wait_dma2 semaphore(%run_scoped3A : memref<!tpu.dma_semaphore, #tpu.memory_space<semaphore_mem>>) src(%dma_wait3A_71 : memref<16x128xi32, #tpu.memory_space<hbm>>) dst(%arg9 : memref<16x128xi32, #tpu.memory_space<vmem>>)
        tpu.yield
      }) : () -> ()
      %scan3A = arith.constant 0 : i32
      %scan3A_61 = arith.constant 0 : i32
      %scan3A_62 = arith.constant 8 : i32
      %scan3A_63 = arith.addi %scan3A_61, %scan3A_62 : i32
      %scan3A_64 = arith.constant 1 : i32
      scf.for %scan3A_66 = %scan3A_61 to %scan3A_63 step %scan3A_64  : i32 {
        %mul3A_67 = arith.constant 2 : i32
        %mul3A_68 = arith.muli %scan3A_66, %mul3A_67 : i32
        %add3A_69 = arith.constant 0 : i32
        %add3A_70 = arith.addi %mul3A_68, %add3A_69 : i32
        %dma_start3A = arith.constant 0 : i32
        %dma_start3A_71 = tpu.memref_slice %arg8[%add3A_70, %dma_start3A] : memref<16x128xi32, #tpu.memory_space<vmem>> -> memref<1x128xi32, #tpu.memory_space<vmem>>
        %dma_start3A_72 = tpu.memref_squeeze %dma_start3A_71 : memref<1x128xi32, #tpu.memory_space<vmem>> -> memref<128xi32, #tpu.memory_space<vmem>>
        %dma_start3A_73 = arith.constant 0 : i32
        %dma_start3A_74 = arith.constant 0 : i32
        %dma_start3A_75 = tpu.memref_slice %arg2[%dma_start3A_73, %dma_start3A_74] : memref<10000x128xf32, #tpu.memory_space<hbm>> -> memref<10000x128xf32, #tpu.memory_space<hbm>>
        tpu.enqueue_indirect_dma source(%dma_start3A_75 : memref<10000x128xf32, #tpu.memory_space<hbm>>) target(%arg11 : memref<128x128xf32, #tpu.memory_space<vmem>>) offsets(%dma_start3A_72 : memref<128xi32, #tpu.memory_space<vmem>>) semaphore(%arg13 : memref<!tpu.dma_semaphore, #tpu.memory_space<semaphore_mem>>)
        %add3A_76 = arith.constant 1 : i32
        %add3A_77 = arith.addi %mul3A_68, %add3A_76 : i32
        %dma_start3A_78 = arith.constant 0 : i32
        %dma_start3A_79 = tpu.memref_slice %arg8[%add3A_77, %dma_start3A_78] : memref<16x128xi32, #tpu.memory_space<vmem>> -> memref<1x128xi32, #tpu.memory_space<vmem>>
        %dma_start3A_80 = tpu.memref_squeeze %dma_start3A_79 : memref<1x128xi32, #tpu.memory_space<vmem>> -> memref<128xi32, #tpu.memory_space<vmem>>
        %dma_start3A_81 = arith.constant 0 : i32
        %dma_start3A_82 = arith.constant 0 : i32
        %dma_start3A_83 = tpu.memref_slice %arg2[%dma_start3A_81, %dma_start3A_82] : memref<10000x128xf32, #tpu.memory_space<hbm>> -> memref<10000x128xf32, #tpu.memory_space<hbm>>
        tpu.enqueue_indirect_dma source(%dma_start3A_83 : memref<10000x128xf32, #tpu.memory_space<hbm>>) target(%arg12 : memref<128x128xf32, #tpu.memory_space<vmem>>) offsets(%dma_start3A_80 : memref<128xi32, #tpu.memory_space<vmem>>) semaphore(%arg14 : memref<!tpu.dma_semaphore, #tpu.memory_space<semaphore_mem>>)
        %dma_wait3A = arith.constant 0 : i32
        %dma_wait3A_84 = tpu.memref_slice %arg8[%add3A_70, %dma_wait3A] : memref<16x128xi32, #tpu.memory_space<vmem>> -> memref<1x128xi32, #tpu.memory_space<vmem>>
        %dma_wait3A_85 = tpu.memref_squeeze %dma_wait3A_84 : memref<1x128xi32, #tpu.memory_space<vmem>> -> memref<128xi32, #tpu.memory_space<vmem>>
        %dma_wait3A_86 = arith.constant 0 : i32
        %dma_wait3A_87 = arith.constant 0 : i32
        %dma_wait3A_88 = tpu.memref_slice %arg2[%dma_wait3A_86, %dma_wait3A_87] : memref<10000x128xf32, #tpu.memory_space<hbm>> -> memref<10000x128xf32, #tpu.memory_space<hbm>>
        tpu.wait_indirect_dma semaphore(%arg13 : memref<!tpu.dma_semaphore, #tpu.memory_space<semaphore_mem>>) src(%dma_wait3A_88 : memref<10000x128xf32, #tpu.memory_space<hbm>>) dst(%arg11 : memref<128x128xf32, #tpu.memory_space<vmem>>)
        %add3A_89 = arith.constant 0 : i32
        %add3A_90 = arith.addi %mul3A_68, %add3A_89 : i32
        %dma_start3A_91 = arith.constant 0 : i32
        %dma_start3A_92 = tpu.memref_slice %arg9[%add3A_90, %dma_start3A_91] : memref<16x128xi32, #tpu.memory_space<vmem>> -> memref<1x128xi32, #tpu.memory_space<vmem>>
        %dma_start3A_93 = tpu.memref_squeeze %dma_start3A_92 : memref<1x128xi32, #tpu.memory_space<vmem>> -> memref<128xi32, #tpu.memory_space<vmem>>
        %dma_start3A_94 = arith.constant 0 : i32
        %dma_start3A_95 = arith.constant 0 : i32
        %dma_start3A_96 = tpu.memref_slice %arg17[%dma_start3A_94, %dma_start3A_95] : memref<10240x128xf32, #tpu.memory_space<vmem_shared>> -> memref<10240x128xf32, #tpu.memory_space<vmem_shared>>
        tpu.enqueue_indirect_dma source(%arg11 : memref<128x128xf32, #tpu.memory_space<vmem>>) target(%dma_start3A_96 : memref<10240x128xf32, #tpu.memory_space<vmem_shared>>) offsets(%dma_start3A_93 : memref<128xi32, #tpu.memory_space<vmem>>) semaphore(%arg15 : memref<!tpu.dma_semaphore, #tpu.memory_space<semaphore_mem>>) {add = true}
        %dma_wait3A_97 = arith.constant 0 : i32
        %dma_wait3A_98 = tpu.memref_slice %arg8[%add3A_77, %dma_wait3A_97] : memref<16x128xi32, #tpu.memory_space<vmem>> -> memref<1x128xi32, #tpu.memory_space<vmem>>
        %dma_wait3A_99 = tpu.memref_squeeze %dma_wait3A_98 : memref<1x128xi32, #tpu.memory_space<vmem>> -> memref<128xi32, #tpu.memory_space<vmem>>
        %dma_wait3A_100 = arith.constant 0 : i32
        %dma_wait3A_101 = arith.constant 0 : i32
        %dma_wait3A_102 = tpu.memref_slice %arg2[%dma_wait3A_100, %dma_wait3A_101] : memref<10000x128xf32, #tpu.memory_space<hbm>> -> memref<10000x128xf32, #tpu.memory_space<hbm>>
        tpu.wait_indirect_dma semaphore(%arg14 : memref<!tpu.dma_semaphore, #tpu.memory_space<semaphore_mem>>) src(%dma_wait3A_102 : memref<10000x128xf32, #tpu.memory_space<hbm>>) dst(%arg12 : memref<128x128xf32, #tpu.memory_space<vmem>>)
        %add3A_103 = arith.constant 1 : i32
        %add3A_104 = arith.addi %mul3A_68, %add3A_103 : i32
        %dma_start3A_105 = arith.constant 0 : i32
        %dma_start3A_106 = tpu.memref_slice %arg9[%add3A_104, %dma_start3A_105] : memref<16x128xi32, #tpu.memory_space<vmem>> -> memref<1x128xi32, #tpu.memory_space<vmem>>
        %dma_start3A_107 = tpu.memref_squeeze %dma_start3A_106 : memref<1x128xi32, #tpu.memory_space<vmem>> -> memref<128xi32, #tpu.memory_space<vmem>>
        %dma_start3A_108 = arith.constant 0 : i32
        %dma_start3A_109 = arith.constant 0 : i32
        %dma_start3A_110 = tpu.memref_slice %arg17[%dma_start3A_108, %dma_start3A_109] : memref<10240x128xf32, #tpu.memory_space<vmem_shared>> -> memref<10240x128xf32, #tpu.memory_space<vmem_shared>>
        tpu.enqueue_indirect_dma source(%arg12 : memref<128x128xf32, #tpu.memory_space<vmem>>) target(%dma_start3A_110 : memref<10240x128xf32, #tpu.memory_space<vmem_shared>>) offsets(%dma_start3A_107 : memref<128xi32, #tpu.memory_space<vmem>>) semaphore(%arg16 : memref<!tpu.dma_semaphore, #tpu.memory_space<semaphore_mem>>) {add = true}
        %dma_wait3A_111 = arith.constant 0 : i32
        %dma_wait3A_112 = tpu.memref_slice %arg9[%add3A_90, %dma_wait3A_111] : memref<16x128xi32, #tpu.memory_space<vmem>> -> memref<1x128xi32, #tpu.memory_space<vmem>>
        %dma_wait3A_113 = tpu.memref_squeeze %dma_wait3A_112 : memref<1x128xi32, #tpu.memory_space<vmem>> -> memref<128xi32, #tpu.memory_space<vmem>>
        %dma_wait3A_114 = arith.constant 0 : i32
        %dma_wait3A_115 = arith.constant 0 : i32
        %dma_wait3A_116 = tpu.memref_slice %arg17[%dma_wait3A_114, %dma_wait3A_115] : memref<10240x128xf32, #tpu.memory_space<vmem_shared>> -> memref<10240x128xf32, #tpu.memory_space<vmem_shared>>
        tpu.wait_indirect_dma semaphore(%arg15 : memref<!tpu.dma_semaphore, #tpu.memory_space<semaphore_mem>>) src(%arg11 : memref<128x128xf32, #tpu.memory_space<vmem>>) dst(%dma_wait3A_116 : memref<10240x128xf32, #tpu.memory_space<vmem_shared>>)
        %dma_wait3A_117 = arith.constant 0 : i32
        %dma_wait3A_118 = tpu.memref_slice %arg9[%add3A_104, %dma_wait3A_117] : memref<16x128xi32, #tpu.memory_space<vmem>> -> memref<1x128xi32, #tpu.memory_space<vmem>>
        %dma_wait3A_119 = tpu.memref_squeeze %dma_wait3A_118 : memref<1x128xi32, #tpu.memory_space<vmem>> -> memref<128xi32, #tpu.memory_space<vmem>>
        %dma_wait3A_120 = arith.constant 0 : i32
        %dma_wait3A_121 = arith.constant 0 : i32
        %dma_wait3A_122 = tpu.memref_slice %arg17[%dma_wait3A_120, %dma_wait3A_121] : memref<10240x128xf32, #tpu.memory_space<vmem_shared>> -> memref<10240x128xf32, #tpu.memory_space<vmem_shared>>
        tpu.wait_indirect_dma semaphore(%arg16 : memref<!tpu.dma_semaphore, #tpu.memory_space<semaphore_mem>>) src(%arg12 : memref<128x128xf32, #tpu.memory_space<vmem>>) dst(%dma_wait3A_122 : memref<10240x128xf32, #tpu.memory_space<vmem_shared>>)
      }
      %scan3A_65 = arith.constant 8 : i32
    }
    %barrier3A_52 = arith.constant 0 : index
    tpu.barrier barrier_id(%barrier3A_52)
    %mul3A_53 = arith.constant 640 : i32
    %mul3A_54 = arith.muli %arg1, %mul3A_53 : i32
    %mul3A_55 = arith.constant 640 : i32
    %mul3A_56 = arith.muli %arg1, %mul3A_55 : i32
    "tpu.region"() ({
      %run_scoped3A = tpu.sem_alloc : memref<!tpu.dma_semaphore, #tpu.memory_space<semaphore_mem>>
      %dma_start3A = arith.constant 0 : i32
      %dma_start3A_57 = tpu.memref_slice %arg7[%arg0, %mul3A_56, %dma_start3A] : memref<2x10240x128xf32, #tpu.memory_space<hbm>> -> memref<1x640x128xf32, #tpu.memory_space<hbm>>
      %dma_start3A_58 = tpu.memref_squeeze %dma_start3A_57 : memref<1x640x128xf32, #tpu.memory_space<hbm>> -> memref<640x128xf32, #tpu.memory_space<hbm>>
      %dma_start3A_59 = arith.constant 0 : i32
      %dma_start3A_60 = tpu.memref_slice %arg17[%mul3A_54, %dma_start3A_59] : memref<10240x128xf32, #tpu.memory_space<vmem_shared>> -> memref<640x128xf32, #tpu.memory_space<vmem_shared>>
      tpu.enqueue_dma source(%dma_start3A_60 : memref<640x128xf32, #tpu.memory_space<vmem_shared>>) target(%dma_start3A_58 : memref<640x128xf32, #tpu.memory_space<hbm>>) target_semaphore(%run_scoped3A : memref<!tpu.dma_semaphore, #tpu.memory_space<semaphore_mem>>)
      %dma_wait3A = arith.constant 0 : i32
      %dma_wait3A_61 = tpu.memref_slice %arg7[%arg0, %mul3A_56, %dma_wait3A] : memref<2x10240x128xf32, #tpu.memory_space<hbm>> -> memref<1x640x128xf32, #tpu.memory_space<hbm>>
      %dma_wait3A_62 = tpu.memref_squeeze %dma_wait3A_61 : memref<1x640x128xf32, #tpu.memory_space<hbm>> -> memref<640x128xf32, #tpu.memory_space<hbm>>
      %dma_wait3A_63 = arith.constant 0 : i32
      %dma_wait3A_64 = tpu.memref_slice %arg17[%mul3A_54, %dma_wait3A_63] : memref<10240x128xf32, #tpu.memory_space<vmem_shared>> -> memref<640x128xf32, #tpu.memory_space<vmem_shared>>
      tpu.wait_dma2 semaphore(%run_scoped3A : memref<!tpu.dma_semaphore, #tpu.memory_space<semaphore_mem>>) src(%dma_wait3A_64 : memref<640x128xf32, #tpu.memory_space<vmem_shared>>) dst(%dma_wait3A_62 : memref<640x128xf32, #tpu.memory_space<hbm>>)
      tpu.yield
    }) : () -> ()
    return
  }
}

#map = affine_map<(d0, d1) -> (0, 0)>
#map1 = affine_map<(d0, d1) -> (0)>
#map2 = affine_map<(d0, d1) -> (0, 0, 0)>
module attributes {stable_mosaic.version = 14 : i64} {
  func.func @agg(%arg0: i32, %arg1: i32, %arg2: memref<10000x128xf32, #tpu.memory_space<hbm>>, %arg3: memref<2560x128xi32, #tpu.memory_space<hbm>>, %arg4: memref<2560x128xi32, #tpu.memory_space<hbm>>, %arg5: memref<128x128xf32, #tpu.memory_space<hbm>>, %arg6: memref<272xi32, #tpu.memory_space<hbm>>, %arg7: memref<2x10240x128xf32, #tpu.memory_space<hbm>>, %arg8: memref<16x128xi32, #tpu.memory_space<vmem>>, %arg9: memref<16x128xi32, #tpu.memory_space<vmem>>, %arg10: memref<272xi32, #tpu.memory_space<vmem>>, %arg11: memref<128x128xf32, #tpu.memory_space<vmem>>, %arg12: memref<128x128xf32, #tpu.memory_space<vmem>>, %arg13: memref<!tpu.dma_semaphore, #tpu.memory_space<semaphore_mem>>, %arg14: memref<!tpu.dma_semaphore, #tpu.memory_space<semaphore_mem>>, %arg15: memref<!tpu.dma_semaphore, #tpu.memory_space<semaphore_mem>>, %arg16: memref<!tpu.dma_semaphore, #tpu.memory_space<semaphore_mem>>, %arg17: memref<10240x128xf32, #tpu.memory_space<vmem_shared>>) attributes {dimension_semantics = [#tpu.dimension_semantics<core_parallel>, #tpu.dimension_semantics<subcore_parallel>], iteration_bounds = array<i64: 2, 16>, scalar_prefetch = 0 : i64, scratch_operands = 10 : i64, tpu.core_type = #tpu.core_type<sc_vector_subcore>, window_params = [{transform_indices = #map}, {transform_indices = #map}, {transform_indices = #map}, {transform_indices = #map}, {transform_indices = #map1}, {transform_indices = #map2}]} {
    %mul3A = arith.constant 16 : i32
    %mul3A_0 = arith.muli %arg0, %mul3A : i32
    %add3A = arith.addi %mul3A_0, %arg1 : i32
    "tpu.region"() ({
      %run_scoped3A = tpu.sem_alloc : memref<!tpu.dma_semaphore, #tpu.memory_space<semaphore_mem>>
      tpu.enqueue_dma source(%arg6 : memref<272xi32, #tpu.memory_space<hbm>>) target(%arg10 : memref<272xi32, #tpu.memory_space<vmem>>) target_semaphore(%run_scoped3A : memref<!tpu.dma_semaphore, #tpu.memory_space<semaphore_mem>>)
      tpu.wait_dma2 semaphore(%run_scoped3A : memref<!tpu.dma_semaphore, #tpu.memory_space<semaphore_mem>>) src(%arg6 : memref<272xi32, #tpu.memory_space<hbm>>) dst(%arg10 : memref<272xi32, #tpu.memory_space<vmem>>)
      tpu.yield
    }) : () -> ()
    "tpu.region"() ({
      %run_scoped3A = tpu.sem_alloc : memref<!tpu.dma_semaphore, #tpu.memory_space<semaphore_mem>>
      tpu.enqueue_dma source(%arg5 : memref<128x128xf32, #tpu.memory_space<hbm>>) target(%arg11 : memref<128x128xf32, #tpu.memory_space<vmem>>) target_semaphore(%run_scoped3A : memref<!tpu.dma_semaphore, #tpu.memory_space<semaphore_mem>>)
      tpu.wait_dma2 semaphore(%run_scoped3A : memref<!tpu.dma_semaphore, #tpu.memory_space<semaphore_mem>>) src(%arg5 : memref<128x128xf32, #tpu.memory_space<hbm>>) dst(%arg11 : memref<128x128xf32, #tpu.memory_space<vmem>>)
      tpu.yield
    }) : () -> ()
    %mul3A_1 = arith.constant 640 : i32
    %mul3A_2 = arith.muli %arg1, %mul3A_1 : i32
    %add3A_3 = arith.constant 0 : i32
    %add3A_4 = arith.addi %mul3A_2, %add3A_3 : i32
    "tpu.region"() ({
      %run_scoped3A = tpu.sem_alloc : memref<!tpu.dma_semaphore, #tpu.memory_space<semaphore_mem>>
      %dma_start3A = arith.constant 0 : i32
      %dma_start3A_57 = tpu.memref_slice %arg17[%add3A_4, %dma_start3A] : memref<10240x128xf32, #tpu.memory_space<vmem_shared>> -> memref<128x128xf32, #tpu.memory_space<vmem_shared>>
      %dma_start3A_58 = arith.constant 0 : i32
      %dma_start3A_59 = tpu.memref_slice %arg17[%add3A_4, %dma_start3A_58] : memref<10240x128xf32, #tpu.memory_space<vmem_shared>> -> memref<128x128xf32, #tpu.memory_space<vmem_shared>>
      tpu.enqueue_dma source(%arg11 : memref<128x128xf32, #tpu.memory_space<vmem>>) target(%dma_start3A_59 : memref<128x128xf32, #tpu.memory_space<vmem_shared>>) target_semaphore(%run_scoped3A : memref<!tpu.dma_semaphore, #tpu.memory_space<semaphore_mem>>)
      %dma_wait3A = arith.constant 0 : i32
      %dma_wait3A_60 = tpu.memref_slice %arg17[%add3A_4, %dma_wait3A] : memref<10240x128xf32, #tpu.memory_space<vmem_shared>> -> memref<128x128xf32, #tpu.memory_space<vmem_shared>>
      %dma_wait3A_61 = arith.constant 0 : i32
      %dma_wait3A_62 = tpu.memref_slice %arg17[%add3A_4, %dma_wait3A_61] : memref<10240x128xf32, #tpu.memory_space<vmem_shared>> -> memref<128x128xf32, #tpu.memory_space<vmem_shared>>
      tpu.wait_dma2 semaphore(%run_scoped3A : memref<!tpu.dma_semaphore, #tpu.memory_space<semaphore_mem>>) src(%arg11 : memref<128x128xf32, #tpu.memory_space<vmem>>) dst(%dma_wait3A_62 : memref<128x128xf32, #tpu.memory_space<vmem_shared>>)
      tpu.yield
    }) : () -> ()
    %mul3A_5 = arith.constant 640 : i32
    %mul3A_6 = arith.muli %arg1, %mul3A_5 : i32
    %add3A_7 = arith.constant 128 : i32
    %add3A_8 = arith.addi %mul3A_6, %add3A_7 : i32
    "tpu.region"() ({
      %run_scoped3A = tpu.sem_alloc : memref<!tpu.dma_semaphore, #tpu.memory_space<semaphore_mem>>
      %dma_start3A = arith.constant 0 : i32
      %dma_start3A_57 = tpu.memref_slice %arg17[%add3A_8, %dma_start3A] : memref<10240x128xf32, #tpu.memory_space<vmem_shared>> -> memref<128x128xf32, #tpu.memory_space<vmem_shared>>
      %dma_start3A_58 = arith.constant 0 : i32
      %dma_start3A_59 = tpu.memref_slice %arg17[%add3A_8, %dma_start3A_58] : memref<10240x128xf32, #tpu.memory_space<vmem_shared>> -> memref<128x128xf32, #tpu.memory_space<vmem_shared>>
      tpu.enqueue_dma source(%arg11 : memref<128x128xf32, #tpu.memory_space<vmem>>) target(%dma_start3A_59 : memref<128x128xf32, #tpu.memory_space<vmem_shared>>) target_semaphore(%run_scoped3A : memref<!tpu.dma_semaphore, #tpu.memory_space<semaphore_mem>>)
      %dma_wait3A = arith.constant 0 : i32
      %dma_wait3A_60 = tpu.memref_slice %arg17[%add3A_8, %dma_wait3A] : memref<10240x128xf32, #tpu.memory_space<vmem_shared>> -> memref<128x128xf32, #tpu.memory_space<vmem_shared>>
      %dma_wait3A_61 = arith.constant 0 : i32
      %dma_wait3A_62 = tpu.memref_slice %arg17[%add3A_8, %dma_wait3A_61] : memref<10240x128xf32, #tpu.memory_space<vmem_shared>> -> memref<128x128xf32, #tpu.memory_space<vmem_shared>>
      tpu.wait_dma2 semaphore(%run_scoped3A : memref<!tpu.dma_semaphore, #tpu.memory_space<semaphore_mem>>) src(%arg11 : memref<128x128xf32, #tpu.memory_space<vmem>>) dst(%dma_wait3A_62 : memref<128x128xf32, #tpu.memory_space<vmem_shared>>)
      tpu.yield
    }) : () -> ()
    %mul3A_9 = arith.constant 640 : i32
    %mul3A_10 = arith.muli %arg1, %mul3A_9 : i32
    %add3A_11 = arith.constant 256 : i32
    %add3A_12 = arith.addi %mul3A_10, %add3A_11 : i32
    "tpu.region"() ({
      %run_scoped3A = tpu.sem_alloc : memref<!tpu.dma_semaphore, #tpu.memory_space<semaphore_mem>>
      %dma_start3A = arith.constant 0 : i32
      %dma_start3A_57 = tpu.memref_slice %arg17[%add3A_12, %dma_start3A] : memref<10240x128xf32, #tpu.memory_space<vmem_shared>> -> memref<128x128xf32, #tpu.memory_space<vmem_shared>>
      %dma_start3A_58 = arith.constant 0 : i32
      %dma_start3A_59 = tpu.memref_slice %arg17[%add3A_12, %dma_start3A_58] : memref<10240x128xf32, #tpu.memory_space<vmem_shared>> -> memref<128x128xf32, #tpu.memory_space<vmem_shared>>
      tpu.enqueue_dma source(%arg11 : memref<128x128xf32, #tpu.memory_space<vmem>>) target(%dma_start3A_59 : memref<128x128xf32, #tpu.memory_space<vmem_shared>>) target_semaphore(%run_scoped3A : memref<!tpu.dma_semaphore, #tpu.memory_space<semaphore_mem>>)
      %dma_wait3A = arith.constant 0 : i32
      %dma_wait3A_60 = tpu.memref_slice %arg17[%add3A_12, %dma_wait3A] : memref<10240x128xf32, #tpu.memory_space<vmem_shared>> -> memref<128x128xf32, #tpu.memory_space<vmem_shared>>
      %dma_wait3A_61 = arith.constant 0 : i32
      %dma_wait3A_62 = tpu.memref_slice %arg17[%add3A_12, %dma_wait3A_61] : memref<10240x128xf32, #tpu.memory_space<vmem_shared>> -> memref<128x128xf32, #tpu.memory_space<vmem_shared>>
      tpu.wait_dma2 semaphore(%run_scoped3A : memref<!tpu.dma_semaphore, #tpu.memory_space<semaphore_mem>>) src(%arg11 : memref<128x128xf32, #tpu.memory_space<vmem>>) dst(%dma_wait3A_62 : memref<128x128xf32, #tpu.memory_space<vmem_shared>>)
      tpu.yield
    }) : () -> ()
    %mul3A_13 = arith.constant 640 : i32
    %mul3A_14 = arith.muli %arg1, %mul3A_13 : i32
    %add3A_15 = arith.constant 384 : i32
    %add3A_16 = arith.addi %mul3A_14, %add3A_15 : i32
    "tpu.region"() ({
      %run_scoped3A = tpu.sem_alloc : memref<!tpu.dma_semaphore, #tpu.memory_space<semaphore_mem>>
      %dma_start3A = arith.constant 0 : i32
      %dma_start3A_57 = tpu.memref_slice %arg17[%add3A_16, %dma_start3A] : memref<10240x128xf32, #tpu.memory_space<vmem_shared>> -> memref<128x128xf32, #tpu.memory_space<vmem_shared>>
      %dma_start3A_58 = arith.constant 0 : i32
      %dma_start3A_59 = tpu.memref_slice %arg17[%add3A_16, %dma_start3A_58] : memref<10240x128xf32, #tpu.memory_space<vmem_shared>> -> memref<128x128xf32, #tpu.memory_space<vmem_shared>>
      tpu.enqueue_dma source(%arg11 : memref<128x128xf32, #tpu.memory_space<vmem>>) target(%dma_start3A_59 : memref<128x128xf32, #tpu.memory_space<vmem_shared>>) target_semaphore(%run_scoped3A : memref<!tpu.dma_semaphore, #tpu.memory_space<semaphore_mem>>)
      %dma_wait3A = arith.constant 0 : i32
      %dma_wait3A_60 = tpu.memref_slice %arg17[%add3A_16, %dma_wait3A] : memref<10240x128xf32, #tpu.memory_space<vmem_shared>> -> memref<128x128xf32, #tpu.memory_space<vmem_shared>>
      %dma_wait3A_61 = arith.constant 0 : i32
      %dma_wait3A_62 = tpu.memref_slice %arg17[%add3A_16, %dma_wait3A_61] : memref<10240x128xf32, #tpu.memory_space<vmem_shared>> -> memref<128x128xf32, #tpu.memory_space<vmem_shared>>
      tpu.wait_dma2 semaphore(%run_scoped3A : memref<!tpu.dma_semaphore, #tpu.memory_space<semaphore_mem>>) src(%arg11 : memref<128x128xf32, #tpu.memory_space<vmem>>) dst(%dma_wait3A_62 : memref<128x128xf32, #tpu.memory_space<vmem_shared>>)
      tpu.yield
    }) : () -> ()
    %mul3A_17 = arith.constant 640 : i32
    %mul3A_18 = arith.muli %arg1, %mul3A_17 : i32
    %add3A_19 = arith.constant 512 : i32
    %add3A_20 = arith.addi %mul3A_18, %add3A_19 : i32
    "tpu.region"() ({
      %run_scoped3A = tpu.sem_alloc : memref<!tpu.dma_semaphore, #tpu.memory_space<semaphore_mem>>
      %dma_start3A = arith.constant 0 : i32
      %dma_start3A_57 = tpu.memref_slice %arg17[%add3A_20, %dma_start3A] : memref<10240x128xf32, #tpu.memory_space<vmem_shared>> -> memref<128x128xf32, #tpu.memory_space<vmem_shared>>
      %dma_start3A_58 = arith.constant 0 : i32
      %dma_start3A_59 = tpu.memref_slice %arg17[%add3A_20, %dma_start3A_58] : memref<10240x128xf32, #tpu.memory_space<vmem_shared>> -> memref<128x128xf32, #tpu.memory_space<vmem_shared>>
      tpu.enqueue_dma source(%arg11 : memref<128x128xf32, #tpu.memory_space<vmem>>) target(%dma_start3A_59 : memref<128x128xf32, #tpu.memory_space<vmem_shared>>) target_semaphore(%run_scoped3A : memref<!tpu.dma_semaphore, #tpu.memory_space<semaphore_mem>>)
      %dma_wait3A = arith.constant 0 : i32
      %dma_wait3A_60 = tpu.memref_slice %arg17[%add3A_20, %dma_wait3A] : memref<10240x128xf32, #tpu.memory_space<vmem_shared>> -> memref<128x128xf32, #tpu.memory_space<vmem_shared>>
      %dma_wait3A_61 = arith.constant 0 : i32
      %dma_wait3A_62 = tpu.memref_slice %arg17[%add3A_20, %dma_wait3A_61] : memref<10240x128xf32, #tpu.memory_space<vmem_shared>> -> memref<128x128xf32, #tpu.memory_space<vmem_shared>>
      tpu.wait_dma2 semaphore(%run_scoped3A : memref<!tpu.dma_semaphore, #tpu.memory_space<semaphore_mem>>) src(%arg11 : memref<128x128xf32, #tpu.memory_space<vmem>>) dst(%dma_wait3A_62 : memref<128x128xf32, #tpu.memory_space<vmem_shared>>)
      tpu.yield
    }) : () -> ()
    %barrier3A = arith.constant 0 : index
    tpu.barrier barrier_id(%barrier3A)
    %mul3A_21 = arith.constant 8 : i32
    %mul3A_22 = arith.muli %mul3A_21, %add3A : i32
    %get3A = arith.index_cast %mul3A_22 : i32 to index
    %get3A_23 = tpu.vector_load %arg10[%get3A] {strides = array<i32>} : memref<272xi32, #tpu.memory_space<vmem>>, vector<16xi32>,
    %get3A_24 = vector.shape_cast %get3A_23 : vector<16xi32> to vector<16xi32>
    %slice3A = vector.extract_strided_slice %get3A_24 {offsets = [0], sizes = [1], strides = [1]} : vector<16xi32> to vector<1xi32>
    %squeeze3A = vector.extract %slice3A[0] : i32 from vector<1xi32>
    %slice3A_25 = vector.extract_strided_slice %get3A_24 {offsets = [1], sizes = [1], strides = [1]} : vector<16xi32> to vector<1xi32>
    %squeeze3A_26 = vector.extract %slice3A_25[0] : i32 from vector<1xi32>
    %jit3A = arith.constant 16 : i32
    %div3A = arith.divsi %squeeze3A_26, %jit3A : i32
    %sign3A = arith.constant 0 : i32
    %sign3A_27 = arith.cmpi sgt, %squeeze3A_26, %sign3A : i32
    %sign3A_28 = arith.extui %sign3A_27 : i1 to i32
    %sign3A_29 = arith.constant 0 : i32
    %sign3A_30 = arith.cmpi slt, %squeeze3A_26, %sign3A_29 : i32
    %sign3A_31 = arith.extui %sign3A_30 : i1 to i32
    %sign3A_32 = arith.subi %sign3A_28, %sign3A_31 : i32
    %sign3A_33 = arith.constant 0 : i32
    %sign3A_34 = arith.cmpi sgt, %jit3A, %sign3A_33 : i32
    %sign3A_35 = arith.extui %sign3A_34 : i1 to i32
    %sign3A_36 = arith.constant 0 : i32
    %sign3A_37 = arith.cmpi slt, %jit3A, %sign3A_36 : i32
    %sign3A_38 = arith.extui %sign3A_37 : i1 to i32
    %sign3A_39 = arith.subi %sign3A_35, %sign3A_38 : i32
    %ne3A = arith.cmpi ne, %sign3A_32, %sign3A_39 : i32
    %rem3A = arith.remsi %squeeze3A_26, %jit3A : i32
    %ne3A_40 = arith.constant 0 : i32
    %ne3A_41 = arith.cmpi ne, %rem3A, %ne3A_40 : i32
    %and3A = arith.andi %ne3A, %ne3A_41 : i1
    %sub3A = arith.constant 1 : i32
    %sub3A_42 = arith.subi %div3A, %sub3A : i32
    %select_n3A = arith.select %and3A, %sub3A_42, %div3A : i32
    %while3A = arith.constant 0 : i32
    %while3A_43 = arith.constant 0 : i32
    %while3A_44 = arith.subi %select_n3A, %while3A_43 : i32
    %while3A_45 = arith.addi %while3A_43, %while3A_44 : i32
    %while3A_46 = arith.constant 1 : i32
    %while3A_47 = arith.divsi %while3A_44, %while3A_46 : i32
    %while3A_48 = arith.muli %while3A_47, %while3A_46 : i32
    %while3A_49 = arith.addi %while3A_43, %while3A_48 : i32
    %while3A_50 = arith.constant 1 : i32
    scf.for %while3A_57 = %while3A_43 to %while3A_49 step %while3A_50  : i32 {
      %mul3A_58 = arith.constant 16 : i32
      %mul3A_59 = arith.muli %while3A_57, %mul3A_58 : i32
      %add3A_60 = arith.addi %squeeze3A, %mul3A_59 : i32
      %multiple_of3A = tpu.assume_multiple %add3A_60, 8 : i32
      "tpu.region"() ({
        %run_scoped3A = tpu.sem_alloc : memref<!tpu.dma_semaphore, #tpu.memory_space<semaphore_mem>>
        %dma_start3A = arith.constant 0 : i32
        %dma_start3A_66 = tpu.memref_slice %arg3[%multiple_of3A, %dma_start3A] : memref<2560x128xi32, #tpu.memory_space<hbm>> -> memref<16x128xi32, #tpu.memory_space<hbm>>
        %dma_start3A_67 = arith.constant 0 : i32
        %dma_start3A_68 = tpu.memref_slice %arg3[%multiple_of3A, %dma_start3A_67] : memref<2560x128xi32, #tpu.memory_space<hbm>> -> memref<16x128xi32, #tpu.memory_space<hbm>>
        tpu.enqueue_dma source(%dma_start3A_68 : memref<16x128xi32, #tpu.memory_space<hbm>>) target(%arg8 : memref<16x128xi32, #tpu.memory_space<vmem>>) target_semaphore(%run_scoped3A : memref<!tpu.dma_semaphore, #tpu.memory_space<semaphore_mem>>)
        %dma_wait3A = arith.constant 0 : i32
        %dma_wait3A_69 = tpu.memref_slice %arg3[%multiple_of3A, %dma_wait3A] : memref<2560x128xi32, #tpu.memory_space<hbm>> -> memref<16x128xi32, #tpu.memory_space<hbm>>
        %dma_wait3A_70 = arith.constant 0 : i32
        %dma_wait3A_71 = tpu.memref_slice %arg3[%multiple_of3A, %dma_wait3A_70] : memref<2560x128xi32, #tpu.memory_space<hbm>> -> memref<16x128xi32, #tpu.memory_space<hbm>>
        tpu.wait_dma2 semaphore(%run_scoped3A : memref<!tpu.dma_semaphore, #tpu.memory_space<semaphore_mem>>) src(%dma_wait3A_71 : memref<16x128xi32, #tpu.memory_space<hbm>>) dst(%arg8 : memref<16x128xi32, #tpu.memory_space<vmem>>)
        tpu.yield
      }) : () -> ()
      "tpu.region"() ({
        %run_scoped3A = tpu.sem_alloc : memref<!tpu.dma_semaphore, #tpu.memory_space<semaphore_mem>>
        %dma_start3A = arith.constant 0 : i32
        %dma_start3A_66 = tpu.memref_slice %arg4[%multiple_of3A, %dma_start3A] : memref<2560x128xi32, #tpu.memory_space<hbm>> -> memref<16x128xi32, #tpu.memory_space<hbm>>
        %dma_start3A_67 = arith.constant 0 : i32
        %dma_start3A_68 = tpu.memref_slice %arg4[%multiple_of3A, %dma_start3A_67] : memref<2560x128xi32, #tpu.memory_space<hbm>> -> memref<16x128xi32, #tpu.memory_space<hbm>>
        tpu.enqueue_dma source(%dma_start3A_68 : memref<16x128xi32, #tpu.memory_space<hbm>>) target(%arg9 : memref<16x128xi32, #tpu.memory_space<vmem>>) target_semaphore(%run_scoped3A : memref<!tpu.dma_semaphore, #tpu.memory_space<semaphore_mem>>)
        %dma_wait3A = arith.constant 0 : i32
        %dma_wait3A_69 = tpu.memref_slice %arg4[%multiple_of3A, %dma_wait3A] : memref<2560x128xi32, #tpu.memory_space<hbm>> -> memref<16x128xi32, #tpu.memory_space<hbm>>
        %dma_wait3A_70 = arith.constant 0 : i32
        %dma_wait3A_71 = tpu.memref_slice %arg4[%multiple_of3A, %dma_wait3A_70] : memref<2560x128xi32, #tpu.memory_space<hbm>> -> memref<16x128xi32, #tpu.memory_space<hbm>>
        tpu.wait_dma2 semaphore(%run_scoped3A : memref<!tpu.dma_semaphore, #tpu.memory_space<semaphore_mem>>) src(%dma_wait3A_71 : memref<16x128xi32, #tpu.memory_space<hbm>>) dst(%arg9 : memref<16x128xi32, #tpu.memory_space<vmem>>)
        tpu.yield
      }) : () -> ()
      %scan3A = arith.constant 0 : i32
      %scan3A_61 = arith.constant 0 : i32
      %scan3A_62 = arith.constant 8 : i32
      %scan3A_63 = arith.addi %scan3A_61, %scan3A_62 : i32
      %scan3A_64 = arith.constant 1 : i32
      scf.for %scan3A_66 = %scan3A_61 to %scan3A_63 step %scan3A_64  : i32 {
        %mul3A_67 = arith.constant 2 : i32
        %mul3A_68 = arith.muli %scan3A_66, %mul3A_67 : i32
        %add3A_69 = arith.constant 0 : i32
        %add3A_70 = arith.addi %mul3A_68, %add3A_69 : i32
        %dma_start3A = arith.constant 0 : i32
        %dma_start3A_71 = tpu.memref_slice %arg8[%add3A_70, %dma_start3A] : memref<16x128xi32, #tpu.memory_space<vmem>> -> memref<1x128xi32, #tpu.memory_space<vmem>>
        %dma_start3A_72 = tpu.memref_squeeze %dma_start3A_71 : memref<1x128xi32, #tpu.memory_space<vmem>> -> memref<128xi32, #tpu.memory_space<vmem>>
        %dma_start3A_73 = arith.constant 0 : i32
        %dma_start3A_74 = arith.constant 0 : i32
        %dma_start3A_75 = tpu.memref_slice %arg2[%dma_start3A_73, %dma_start3A_74] : memref<10000x128xf32, #tpu.memory_space<hbm>> -> memref<10000x128xf32, #tpu.memory_space<hbm>>
        tpu.enqueue_indirect_dma source(%dma_start3A_75 : memref<10000x128xf32, #tpu.memory_space<hbm>>) target(%arg11 : memref<128x128xf32, #tpu.memory_space<vmem>>) offsets(%dma_start3A_72 : memref<128xi32, #tpu.memory_space<vmem>>) semaphore(%arg13 : memref<!tpu.dma_semaphore, #tpu.memory_space<semaphore_mem>>)
        %add3A_76 = arith.constant 1 : i32
        %add3A_77 = arith.addi %mul3A_68, %add3A_76 : i32
        %dma_start3A_78 = arith.constant 0 : i32
        %dma_start3A_79 = tpu.memref_slice %arg8[%add3A_77, %dma_start3A_78] : memref<16x128xi32, #tpu.memory_space<vmem>> -> memref<1x128xi32, #tpu.memory_space<vmem>>
        %dma_start3A_80 = tpu.memref_squeeze %dma_start3A_79 : memref<1x128xi32, #tpu.memory_space<vmem>> -> memref<128xi32, #tpu.memory_space<vmem>>
        %dma_start3A_81 = arith.constant 0 : i32
        %dma_start3A_82 = arith.constant 0 : i32
        %dma_start3A_83 = tpu.memref_slice %arg2[%dma_start3A_81, %dma_start3A_82] : memref<10000x128xf32, #tpu.memory_space<hbm>> -> memref<10000x128xf32, #tpu.memory_space<hbm>>
        tpu.enqueue_indirect_dma source(%dma_start3A_83 : memref<10000x128xf32, #tpu.memory_space<hbm>>) target(%arg12 : memref<128x128xf32, #tpu.memory_space<vmem>>) offsets(%dma_start3A_80 : memref<128xi32, #tpu.memory_space<vmem>>) semaphore(%arg14 : memref<!tpu.dma_semaphore, #tpu.memory_space<semaphore_mem>>)
        %dma_wait3A = arith.constant 0 : i32
        %dma_wait3A_84 = tpu.memref_slice %arg8[%add3A_70, %dma_wait3A] : memref<16x128xi32, #tpu.memory_space<vmem>> -> memref<1x128xi32, #tpu.memory_space<vmem>>
        %dma_wait3A_85 = tpu.memref_squeeze %dma_wait3A_84 : memref<1x128xi32, #tpu.memory_space<vmem>> -> memref<128xi32, #tpu.memory_space<vmem>>
        %dma_wait3A_86 = arith.constant 0 : i32
        %dma_wait3A_87 = arith.constant 0 : i32
        %dma_wait3A_88 = tpu.memref_slice %arg2[%dma_wait3A_86, %dma_wait3A_87] : memref<10000x128xf32, #tpu.memory_space<hbm>> -> memref<10000x128xf32, #tpu.memory_space<hbm>>
        tpu.wait_indirect_dma semaphore(%arg13 : memref<!tpu.dma_semaphore, #tpu.memory_space<semaphore_mem>>) src(%dma_wait3A_88 : memref<10000x128xf32, #tpu.memory_space<hbm>>) dst(%arg11 : memref<128x128xf32, #tpu.memory_space<vmem>>)
        %add3A_89 = arith.constant 0 : i32
        %add3A_90 = arith.addi %mul3A_68, %add3A_89 : i32
        %dma_start3A_91 = arith.constant 0 : i32
        %dma_start3A_92 = tpu.memref_slice %arg9[%add3A_90, %dma_start3A_91] : memref<16x128xi32, #tpu.memory_space<vmem>> -> memref<1x128xi32, #tpu.memory_space<vmem>>
        %dma_start3A_93 = tpu.memref_squeeze %dma_start3A_92 : memref<1x128xi32, #tpu.memory_space<vmem>> -> memref<128xi32, #tpu.memory_space<vmem>>
        %dma_start3A_94 = arith.constant 0 : i32
        %dma_start3A_95 = arith.constant 0 : i32
        %dma_start3A_96 = tpu.memref_slice %arg17[%dma_start3A_94, %dma_start3A_95] : memref<10240x128xf32, #tpu.memory_space<vmem_shared>> -> memref<10240x128xf32, #tpu.memory_space<vmem_shared>>
        tpu.enqueue_indirect_dma source(%arg11 : memref<128x128xf32, #tpu.memory_space<vmem>>) target(%dma_start3A_96 : memref<10240x128xf32, #tpu.memory_space<vmem_shared>>) offsets(%dma_start3A_93 : memref<128xi32, #tpu.memory_space<vmem>>) semaphore(%arg15 : memref<!tpu.dma_semaphore, #tpu.memory_space<semaphore_mem>>) {add = true}
        %dma_wait3A_97 = arith.constant 0 : i32
        %dma_wait3A_98 = tpu.memref_slice %arg8[%add3A_77, %dma_wait3A_97] : memref<16x128xi32, #tpu.memory_space<vmem>> -> memref<1x128xi32, #tpu.memory_space<vmem>>
        %dma_wait3A_99 = tpu.memref_squeeze %dma_wait3A_98 : memref<1x128xi32, #tpu.memory_space<vmem>> -> memref<128xi32, #tpu.memory_space<vmem>>
        %dma_wait3A_100 = arith.constant 0 : i32
        %dma_wait3A_101 = arith.constant 0 : i32
        %dma_wait3A_102 = tpu.memref_slice %arg2[%dma_wait3A_100, %dma_wait3A_101] : memref<10000x128xf32, #tpu.memory_space<hbm>> -> memref<10000x128xf32, #tpu.memory_space<hbm>>
        tpu.wait_indirect_dma semaphore(%arg14 : memref<!tpu.dma_semaphore, #tpu.memory_space<semaphore_mem>>) src(%dma_wait3A_102 : memref<10000x128xf32, #tpu.memory_space<hbm>>) dst(%arg12 : memref<128x128xf32, #tpu.memory_space<vmem>>)
        %add3A_103 = arith.constant 1 : i32
        %add3A_104 = arith.addi %mul3A_68, %add3A_103 : i32
        %dma_start3A_105 = arith.constant 0 : i32
        %dma_start3A_106 = tpu.memref_slice %arg9[%add3A_104, %dma_start3A_105] : memref<16x128xi32, #tpu.memory_space<vmem>> -> memref<1x128xi32, #tpu.memory_space<vmem>>
        %dma_start3A_107 = tpu.memref_squeeze %dma_start3A_106 : memref<1x128xi32, #tpu.memory_space<vmem>> -> memref<128xi32, #tpu.memory_space<vmem>>
        %dma_start3A_108 = arith.constant 0 : i32
        %dma_start3A_109 = arith.constant 0 : i32
        %dma_start3A_110 = tpu.memref_slice %arg17[%dma_start3A_108, %dma_start3A_109] : memref<10240x128xf32, #tpu.memory_space<vmem_shared>> -> memref<10240x128xf32, #tpu.memory_space<vmem_shared>>
        tpu.enqueue_indirect_dma source(%arg12 : memref<128x128xf32, #tpu.memory_space<vmem>>) target(%dma_start3A_110 : memref<10240x128xf32, #tpu.memory_space<vmem_shared>>) offsets(%dma_start3A_107 : memref<128xi32, #tpu.memory_space<vmem>>) semaphore(%arg16 : memref<!tpu.dma_semaphore, #tpu.memory_space<semaphore_mem>>) {add = true}
        %dma_wait3A_111 = arith.constant 0 : i32
        %dma_wait3A_112 = tpu.memref_slice %arg9[%add3A_90, %dma_wait3A_111] : memref<16x128xi32, #tpu.memory_space<vmem>> -> memref<1x128xi32, #tpu.memory_space<vmem>>
        %dma_wait3A_113 = tpu.memref_squeeze %dma_wait3A_112 : memref<1x128xi32, #tpu.memory_space<vmem>> -> memref<128xi32, #tpu.memory_space<vmem>>
        %dma_wait3A_114 = arith.constant 0 : i32
        %dma_wait3A_115 = arith.constant 0 : i32
        %dma_wait3A_116 = tpu.memref_slice %arg17[%dma_wait3A_114, %dma_wait3A_115] : memref<10240x128xf32, #tpu.memory_space<vmem_shared>> -> memref<10240x128xf32, #tpu.memory_space<vmem_shared>>
        tpu.wait_indirect_dma semaphore(%arg15 : memref<!tpu.dma_semaphore, #tpu.memory_space<semaphore_mem>>) src(%arg11 : memref<128x128xf32, #tpu.memory_space<vmem>>) dst(%dma_wait3A_116 : memref<10240x128xf32, #tpu.memory_space<vmem_shared>>)
        %dma_wait3A_117 = arith.constant 0 : i32
        %dma_wait3A_118 = tpu.memref_slice %arg9[%add3A_104, %dma_wait3A_117] : memref<16x128xi32, #tpu.memory_space<vmem>> -> memref<1x128xi32, #tpu.memory_space<vmem>>
        %dma_wait3A_119 = tpu.memref_squeeze %dma_wait3A_118 : memref<1x128xi32, #tpu.memory_space<vmem>> -> memref<128xi32, #tpu.memory_space<vmem>>
        %dma_wait3A_120 = arith.constant 0 : i32
        %dma_wait3A_121 = arith.constant 0 : i32
        %dma_wait3A_122 = tpu.memref_slice %arg17[%dma_wait3A_120, %dma_wait3A_121] : memref<10240x128xf32, #tpu.memory_space<vmem_shared>> -> memref<10240x128xf32, #tpu.memory_space<vmem_shared>>
        tpu.wait_indirect_dma semaphore(%arg16 : memref<!tpu.dma_semaphore, #tpu.memory_space<semaphore_mem>>) src(%arg12 : memref<128x128xf32, #tpu.memory_space<vmem>>) dst(%dma_wait3A_122 : memref<10240x128xf32, #tpu.memory_space<vmem_shared>>)
      }
      %scan3A_65 = arith.constant 8 : i32
    }
    %while3A_51 = arith.constant 1 : i32
    scf.for %while3A_57 = %while3A_49 to %while3A_45 step %while3A_51  : i32 {
      %mul3A_58 = arith.constant 16 : i32
      %mul3A_59 = arith.muli %while3A_57, %mul3A_58 : i32
      %add3A_60 = arith.addi %squeeze3A, %mul3A_59 : i32
      %multiple_of3A = tpu.assume_multiple %add3A_60, 8 : i32
      "tpu.region"() ({
        %run_scoped3A = tpu.sem_alloc : memref<!tpu.dma_semaphore, #tpu.memory_space<semaphore_mem>>
        %dma_start3A = arith.constant 0 : i32
        %dma_start3A_66 = tpu.memref_slice %arg3[%multiple_of3A, %dma_start3A] : memref<2560x128xi32, #tpu.memory_space<hbm>> -> memref<16x128xi32, #tpu.memory_space<hbm>>
        %dma_start3A_67 = arith.constant 0 : i32
        %dma_start3A_68 = tpu.memref_slice %arg3[%multiple_of3A, %dma_start3A_67] : memref<2560x128xi32, #tpu.memory_space<hbm>> -> memref<16x128xi32, #tpu.memory_space<hbm>>
        tpu.enqueue_dma source(%dma_start3A_68 : memref<16x128xi32, #tpu.memory_space<hbm>>) target(%arg8 : memref<16x128xi32, #tpu.memory_space<vmem>>) target_semaphore(%run_scoped3A : memref<!tpu.dma_semaphore, #tpu.memory_space<semaphore_mem>>)
        %dma_wait3A = arith.constant 0 : i32
        %dma_wait3A_69 = tpu.memref_slice %arg3[%multiple_of3A, %dma_wait3A] : memref<2560x128xi32, #tpu.memory_space<hbm>> -> memref<16x128xi32, #tpu.memory_space<hbm>>
        %dma_wait3A_70 = arith.constant 0 : i32
        %dma_wait3A_71 = tpu.memref_slice %arg3[%multiple_of3A, %dma_wait3A_70] : memref<2560x128xi32, #tpu.memory_space<hbm>> -> memref<16x128xi32, #tpu.memory_space<hbm>>
        tpu.wait_dma2 semaphore(%run_scoped3A : memref<!tpu.dma_semaphore, #tpu.memory_space<semaphore_mem>>) src(%dma_wait3A_71 : memref<16x128xi32, #tpu.memory_space<hbm>>) dst(%arg8 : memref<16x128xi32, #tpu.memory_space<vmem>>)
        tpu.yield
      }) : () -> ()
      "tpu.region"() ({
        %run_scoped3A = tpu.sem_alloc : memref<!tpu.dma_semaphore, #tpu.memory_space<semaphore_mem>>
        %dma_start3A = arith.constant 0 : i32
        %dma_start3A_66 = tpu.memref_slice %arg4[%multiple_of3A, %dma_start3A] : memref<2560x128xi32, #tpu.memory_space<hbm>> -> memref<16x128xi32, #tpu.memory_space<hbm>>
        %dma_start3A_67 = arith.constant 0 : i32
        %dma_start3A_68 = tpu.memref_slice %arg4[%multiple_of3A, %dma_start3A_67] : memref<2560x128xi32, #tpu.memory_space<hbm>> -> memref<16x128xi32, #tpu.memory_space<hbm>>
        tpu.enqueue_dma source(%dma_start3A_68 : memref<16x128xi32, #tpu.memory_space<hbm>>) target(%arg9 : memref<16x128xi32, #tpu.memory_space<vmem>>) target_semaphore(%run_scoped3A : memref<!tpu.dma_semaphore, #tpu.memory_space<semaphore_mem>>)
        %dma_wait3A = arith.constant 0 : i32
        %dma_wait3A_69 = tpu.memref_slice %arg4[%multiple_of3A, %dma_wait3A] : memref<2560x128xi32, #tpu.memory_space<hbm>> -> memref<16x128xi32, #tpu.memory_space<hbm>>
        %dma_wait3A_70 = arith.constant 0 : i32
        %dma_wait3A_71 = tpu.memref_slice %arg4[%multiple_of3A, %dma_wait3A_70] : memref<2560x128xi32, #tpu.memory_space<hbm>> -> memref<16x128xi32, #tpu.memory_space<hbm>>
        tpu.wait_dma2 semaphore(%run_scoped3A : memref<!tpu.dma_semaphore, #tpu.memory_space<semaphore_mem>>) src(%dma_wait3A_71 : memref<16x128xi32, #tpu.memory_space<hbm>>) dst(%arg9 : memref<16x128xi32, #tpu.memory_space<vmem>>)
        tpu.yield
      }) : () -> ()
      %scan3A = arith.constant 0 : i32
      %scan3A_61 = arith.constant 0 : i32
      %scan3A_62 = arith.constant 8 : i32
      %scan3A_63 = arith.addi %scan3A_61, %scan3A_62 : i32
      %scan3A_64 = arith.constant 1 : i32
      scf.for %scan3A_66 = %scan3A_61 to %scan3A_63 step %scan3A_64  : i32 {
        %mul3A_67 = arith.constant 2 : i32
        %mul3A_68 = arith.muli %scan3A_66, %mul3A_67 : i32
        %add3A_69 = arith.constant 0 : i32
        %add3A_70 = arith.addi %mul3A_68, %add3A_69 : i32
        %dma_start3A = arith.constant 0 : i32
        %dma_start3A_71 = tpu.memref_slice %arg8[%add3A_70, %dma_start3A] : memref<16x128xi32, #tpu.memory_space<vmem>> -> memref<1x128xi32, #tpu.memory_space<vmem>>
        %dma_start3A_72 = tpu.memref_squeeze %dma_start3A_71 : memref<1x128xi32, #tpu.memory_space<vmem>> -> memref<128xi32, #tpu.memory_space<vmem>>
        %dma_start3A_73 = arith.constant 0 : i32
        %dma_start3A_74 = arith.constant 0 : i32
        %dma_start3A_75 = tpu.memref_slice %arg2[%dma_start3A_73, %dma_start3A_74] : memref<10000x128xf32, #tpu.memory_space<hbm>> -> memref<10000x128xf32, #tpu.memory_space<hbm>>
        tpu.enqueue_indirect_dma source(%dma_start3A_75 : memref<10000x128xf32, #tpu.memory_space<hbm>>) target(%arg11 : memref<128x128xf32, #tpu.memory_space<vmem>>) offsets(%dma_start3A_72 : memref<128xi32, #tpu.memory_space<vmem>>) semaphore(%arg13 : memref<!tpu.dma_semaphore, #tpu.memory_space<semaphore_mem>>)
        %add3A_76 = arith.constant 1 : i32
        %add3A_77 = arith.addi %mul3A_68, %add3A_76 : i32
        %dma_start3A_78 = arith.constant 0 : i32
        %dma_start3A_79 = tpu.memref_slice %arg8[%add3A_77, %dma_start3A_78] : memref<16x128xi32, #tpu.memory_space<vmem>> -> memref<1x128xi32, #tpu.memory_space<vmem>>
        %dma_start3A_80 = tpu.memref_squeeze %dma_start3A_79 : memref<1x128xi32, #tpu.memory_space<vmem>> -> memref<128xi32, #tpu.memory_space<vmem>>
        %dma_start3A_81 = arith.constant 0 : i32
        %dma_start3A_82 = arith.constant 0 : i32
        %dma_start3A_83 = tpu.memref_slice %arg2[%dma_start3A_81, %dma_start3A_82] : memref<10000x128xf32, #tpu.memory_space<hbm>> -> memref<10000x128xf32, #tpu.memory_space<hbm>>
        tpu.enqueue_indirect_dma source(%dma_start3A_83 : memref<10000x128xf32, #tpu.memory_space<hbm>>) target(%arg12 : memref<128x128xf32, #tpu.memory_space<vmem>>) offsets(%dma_start3A_80 : memref<128xi32, #tpu.memory_space<vmem>>) semaphore(%arg14 : memref<!tpu.dma_semaphore, #tpu.memory_space<semaphore_mem>>)
        %dma_wait3A = arith.constant 0 : i32
        %dma_wait3A_84 = tpu.memref_slice %arg8[%add3A_70, %dma_wait3A] : memref<16x128xi32, #tpu.memory_space<vmem>> -> memref<1x128xi32, #tpu.memory_space<vmem>>
        %dma_wait3A_85 = tpu.memref_squeeze %dma_wait3A_84 : memref<1x128xi32, #tpu.memory_space<vmem>> -> memref<128xi32, #tpu.memory_space<vmem>>
        %dma_wait3A_86 = arith.constant 0 : i32
        %dma_wait3A_87 = arith.constant 0 : i32
        %dma_wait3A_88 = tpu.memref_slice %arg2[%dma_wait3A_86, %dma_wait3A_87] : memref<10000x128xf32, #tpu.memory_space<hbm>> -> memref<10000x128xf32, #tpu.memory_space<hbm>>
        tpu.wait_indirect_dma semaphore(%arg13 : memref<!tpu.dma_semaphore, #tpu.memory_space<semaphore_mem>>) src(%dma_wait3A_88 : memref<10000x128xf32, #tpu.memory_space<hbm>>) dst(%arg11 : memref<128x128xf32, #tpu.memory_space<vmem>>)
        %add3A_89 = arith.constant 0 : i32
        %add3A_90 = arith.addi %mul3A_68, %add3A_89 : i32
        %dma_start3A_91 = arith.constant 0 : i32
        %dma_start3A_92 = tpu.memref_slice %arg9[%add3A_90, %dma_start3A_91] : memref<16x128xi32, #tpu.memory_space<vmem>> -> memref<1x128xi32, #tpu.memory_space<vmem>>
        %dma_start3A_93 = tpu.memref_squeeze %dma_start3A_92 : memref<1x128xi32, #tpu.memory_space<vmem>> -> memref<128xi32, #tpu.memory_space<vmem>>
        %dma_start3A_94 = arith.constant 0 : i32
        %dma_start3A_95 = arith.constant 0 : i32
        %dma_start3A_96 = tpu.memref_slice %arg17[%dma_start3A_94, %dma_start3A_95] : memref<10240x128xf32, #tpu.memory_space<vmem_shared>> -> memref<10240x128xf32, #tpu.memory_space<vmem_shared>>
        tpu.enqueue_indirect_dma source(%arg11 : memref<128x128xf32, #tpu.memory_space<vmem>>) target(%dma_start3A_96 : memref<10240x128xf32, #tpu.memory_space<vmem_shared>>) offsets(%dma_start3A_93 : memref<128xi32, #tpu.memory_space<vmem>>) semaphore(%arg15 : memref<!tpu.dma_semaphore, #tpu.memory_space<semaphore_mem>>) {add = true}
        %dma_wait3A_97 = arith.constant 0 : i32
        %dma_wait3A_98 = tpu.memref_slice %arg8[%add3A_77, %dma_wait3A_97] : memref<16x128xi32, #tpu.memory_space<vmem>> -> memref<1x128xi32, #tpu.memory_space<vmem>>
        %dma_wait3A_99 = tpu.memref_squeeze %dma_wait3A_98 : memref<1x128xi32, #tpu.memory_space<vmem>> -> memref<128xi32, #tpu.memory_space<vmem>>
        %dma_wait3A_100 = arith.constant 0 : i32
        %dma_wait3A_101 = arith.constant 0 : i32
        %dma_wait3A_102 = tpu.memref_slice %arg2[%dma_wait3A_100, %dma_wait3A_101] : memref<10000x128xf32, #tpu.memory_space<hbm>> -> memref<10000x128xf32, #tpu.memory_space<hbm>>
        tpu.wait_indirect_dma semaphore(%arg14 : memref<!tpu.dma_semaphore, #tpu.memory_space<semaphore_mem>>) src(%dma_wait3A_102 : memref<10000x128xf32, #tpu.memory_space<hbm>>) dst(%arg12 : memref<128x128xf32, #tpu.memory_space<vmem>>)
        %add3A_103 = arith.constant 1 : i32
        %add3A_104 = arith.addi %mul3A_68, %add3A_103 : i32
        %dma_start3A_105 = arith.constant 0 : i32
        %dma_start3A_106 = tpu.memref_slice %arg9[%add3A_104, %dma_start3A_105] : memref<16x128xi32, #tpu.memory_space<vmem>> -> memref<1x128xi32, #tpu.memory_space<vmem>>
        %dma_start3A_107 = tpu.memref_squeeze %dma_start3A_106 : memref<1x128xi32, #tpu.memory_space<vmem>> -> memref<128xi32, #tpu.memory_space<vmem>>
        %dma_start3A_108 = arith.constant 0 : i32
        %dma_start3A_109 = arith.constant 0 : i32
        %dma_start3A_110 = tpu.memref_slice %arg17[%dma_start3A_108, %dma_start3A_109] : memref<10240x128xf32, #tpu.memory_space<vmem_shared>> -> memref<10240x128xf32, #tpu.memory_space<vmem_shared>>
        tpu.enqueue_indirect_dma source(%arg12 : memref<128x128xf32, #tpu.memory_space<vmem>>) target(%dma_start3A_110 : memref<10240x128xf32, #tpu.memory_space<vmem_shared>>) offsets(%dma_start3A_107 : memref<128xi32, #tpu.memory_space<vmem>>) semaphore(%arg16 : memref<!tpu.dma_semaphore, #tpu.memory_space<semaphore_mem>>) {add = true}
        %dma_wait3A_111 = arith.constant 0 : i32
        %dma_wait3A_112 = tpu.memref_slice %arg9[%add3A_90, %dma_wait3A_111] : memref<16x128xi32, #tpu.memory_space<vmem>> -> memref<1x128xi32, #tpu.memory_space<vmem>>
        %dma_wait3A_113 = tpu.memref_squeeze %dma_wait3A_112 : memref<1x128xi32, #tpu.memory_space<vmem>> -> memref<128xi32, #tpu.memory_space<vmem>>
        %dma_wait3A_114 = arith.constant 0 : i32
        %dma_wait3A_115 = arith.constant 0 : i32
        %dma_wait3A_116 = tpu.memref_slice %arg17[%dma_wait3A_114, %dma_wait3A_115] : memref<10240x128xf32, #tpu.memory_space<vmem_shared>> -> memref<10240x128xf32, #tpu.memory_space<vmem_shared>>
        tpu.wait_indirect_dma semaphore(%arg15 : memref<!tpu.dma_semaphore, #tpu.memory_space<semaphore_mem>>) src(%arg11 : memref<128x128xf32, #tpu.memory_space<vmem>>) dst(%dma_wait3A_116 : memref<10240x128xf32, #tpu.memory_space<vmem_shared>>)
        %dma_wait3A_117 = arith.constant 0 : i32
        %dma_wait3A_118 = tpu.memref_slice %arg9[%add3A_104, %dma_wait3A_117] : memref<16x128xi32, #tpu.memory_space<vmem>> -> memref<1x128xi32, #tpu.memory_space<vmem>>
        %dma_wait3A_119 = tpu.memref_squeeze %dma_wait3A_118 : memref<1x128xi32, #tpu.memory_space<vmem>> -> memref<128xi32, #tpu.memory_space<vmem>>
        %dma_wait3A_120 = arith.constant 0 : i32
        %dma_wait3A_121 = arith.constant 0 : i32
        %dma_wait3A_122 = tpu.memref_slice %arg17[%dma_wait3A_120, %dma_wait3A_121] : memref<10240x128xf32, #tpu.memory_space<vmem_shared>> -> memref<10240x128xf32, #tpu.memory_space<vmem_shared>>
        tpu.wait_indirect_dma semaphore(%arg16 : memref<!tpu.dma_semaphore, #tpu.memory_space<semaphore_mem>>) src(%arg12 : memref<128x128xf32, #tpu.memory_space<vmem>>) dst(%dma_wait3A_122 : memref<10240x128xf32, #tpu.memory_space<vmem_shared>>)
      }
      %scan3A_65 = arith.constant 8 : i32
    }
    %barrier3A_52 = arith.constant 0 : index
    tpu.barrier barrier_id(%barrier3A_52)
    %mul3A_53 = arith.constant 640 : i32
    %mul3A_54 = arith.muli %arg1, %mul3A_53 : i32
    %mul3A_55 = arith.constant 640 : i32
    %mul3A_56 = arith.muli %arg1, %mul3A_55 : i32
    "tpu.region"() ({
      %run_scoped3A = tpu.sem_alloc : memref<!tpu.dma_semaphore, #tpu.memory_space<semaphore_mem>>
      %dma_start3A = arith.constant 0 : i32
      %dma_start3A_57 = tpu.memref_slice %arg7[%arg0, %mul3A_56, %dma_start3A] : memref<2x10240x128xf32, #tpu.memory_space<hbm>> -> memref<1x640x128xf32, #tpu.memory_space<hbm>>
      %dma_start3A_58 = tpu.memref_squeeze %dma_start3A_57 : memref<1x640x128xf32, #tpu.memory_space<hbm>> -> memref<640x128xf32, #tpu.memory_space<hbm>>
      %dma_start3A_59 = arith.constant 0 : i32
      %dma_start3A_60 = tpu.memref_slice %arg17[%mul3A_54, %dma_start3A_59] : memref<10240x128xf32, #tpu.memory_space<vmem_shared>> -> memref<640x128xf32, #tpu.memory_space<vmem_shared>>
      tpu.enqueue_dma source(%dma_start3A_60 : memref<640x128xf32, #tpu.memory_space<vmem_shared>>) target(%dma_start3A_58 : memref<640x128xf32, #tpu.memory_space<hbm>>) target_semaphore(%run_scoped3A : memref<!tpu.dma_semaphore, #tpu.memory_space<semaphore_mem>>)
      %dma_wait3A = arith.constant 0 : i32
      %dma_wait3A_61 = tpu.memref_slice %arg7[%arg0, %mul3A_56, %dma_wait3A] : memref<2x10240x128xf32, #tpu.memory_space<hbm>> -> memref<1x640x128xf32, #tpu.memory_space<hbm>>
      %dma_wait3A_62 = tpu.memref_squeeze %dma_wait3A_61 : memref<1x640x128xf32, #tpu.memory_space<hbm>> -> memref<640x128xf32, #tpu.memory_space<hbm>>
      %dma_wait3A_63 = arith.constant 0 : i32
      %dma_wait3A_64 = tpu.memref_slice %arg17[%mul3A_54, %dma_wait3A_63] : memref<10240x128xf32, #tpu.memory_space<vmem_shared>> -> memref<640x128xf32, #tpu.memory_space<vmem_shared>>
      tpu.wait_dma2 semaphore(%run_scoped3A : memref<!tpu.dma_semaphore, #tpu.memory_space<semaphore_mem>>) src(%dma_wait3A_64 : memref<640x128xf32, #tpu.memory_space<vmem_shared>>) dst(%dma_wait3A_62 : memref<640x128xf32, #tpu.memory_space<hbm>>)
      tpu.yield
    }) : () -> ()
    return
  }
}

module attributes {stable_mosaic.version = 14 : i64} {
  func.func @_prep_body(%arg0: i32, %arg1: memref<2x2000x128xf32, #tpu.memory_space<vmem>>, %arg2: memref<2000x128xf32, #tpu.memory_space<vmem>>, %arg3: memref<2000x128xf32, #tpu.memory_space<vmem>>, %arg4: memref<2000x1xf32, #tpu.memory_space<vmem>>) attributes {dimension_semantics = [#tpu.dimension_semantics<arbitrary>], iteration_bounds = array<i64: 5>, scalar_prefetch = 0 : i64, scratch_operands = 0 : i64, tpu.core_type = #tpu.core_type<tc>, window_params = [{transform_indices = @transform_0, window_bounds = array<i64: 2, 2000, 128>}, {transform_indices = @transform_1, window_bounds = array<i64: 2000, 128>}, {transform_indices = @transform_2, window_bounds = array<i64: 2000, 128>}, {transform_indices = @transform_3, window_bounds = array<i64: 2000, 1>}]} {
    %get3A = arith.constant 0 : index
    %get3A_0 = arith.constant 0 : index
    %get3A_1 = arith.constant 0 : index
    %get3A_2 = vector.load %arg1[%get3A, %get3A_0, %get3A_1] : memref<2x2000x128xf32, #tpu.memory_space<vmem>>, vector<1x2000x1xf32>
    %get3A_3 = vector.shape_cast %get3A_2 : vector<1x2000x1xf32> to vector<2000x1xf32>
    %get3A_4 = arith.constant 1 : index
    %get3A_5 = arith.constant 0 : index
    %get3A_6 = arith.constant 0 : index
    %get3A_7 = vector.load %arg1[%get3A_4, %get3A_5, %get3A_6] : memref<2x2000x128xf32, #tpu.memory_space<vmem>>, vector<1x2000x1xf32>
    %get3A_8 = vector.shape_cast %get3A_7 : vector<1x2000x1xf32> to vector<2000x1xf32>
    %add3A = arith.addf %get3A_3, %get3A_8 : vector<2000x1xf32>
    %add3A_9 = arith.constant 1.000000e+00 : f32
    %add3A_10 = vector.broadcast %add3A_9 : f32 to vector<2000x1xf32>
    %add3A_11 = arith.addf %add3A, %add3A_10 : vector<2000x1xf32>
    %rsqrt3A = math.rsqrt %add3A_11 : vector<2000x1xf32>
    %swap3A = arith.constant 0 : index
    %swap3A_12 = arith.constant 0 : index
    %swap3A_13 = vector.load %arg4[%swap3A, %swap3A_12] : memref<2000x1xf32, #tpu.memory_space<vmem>>, vector<2000x1xf32>
    tpu.vector_store %arg4[%swap3A, %swap3A_12], %rsqrt3A {strides = array<i32>} : memref<2000x1xf32, #tpu.memory_space<vmem>>, vector<2000x1xf32>,
    %get3A_14 = arith.constant 0 : index
    %get3A_15 = arith.constant 0 : index
    %get3A_16 = vector.load %arg2[%get3A_14, %get3A_15] : memref<2000x128xf32, #tpu.memory_space<vmem>>, vector<2000x128xf32>
    %mul3A = vector.broadcast %rsqrt3A : vector<2000x1xf32> to vector<2000x128xf32>
    %mul3A_17 = arith.mulf %get3A_16, %mul3A : vector<2000x128xf32>
    %swap3A_18 = arith.constant 0 : index
    %swap3A_19 = arith.constant 0 : index
    %swap3A_20 = vector.load %arg3[%swap3A_18, %swap3A_19] : memref<2000x128xf32, #tpu.memory_space<vmem>>, vector<2000x128xf32>
    tpu.vector_store %arg3[%swap3A_18, %swap3A_19], %mul3A_17 {strides = array<i32>} : memref<2000x128xf32, #tpu.memory_space<vmem>>, vector<2000x128xf32>,
    return
  }
  func.func @transform_0(%arg0: i32) -> (i32, i32, i32) {
    %c0_i32 = arith.constant 0 : i32
    %c0_i32_0 = arith.constant 0 : i32
    %c0_i32_1 = arith.constant 0 : i32
    return %c0_i32, %arg0, %c0_i32_0 : i32, i32, i32
  }
  func.func @transform_1(%arg0: i32) -> (i32, i32) {
    %c0_i32 = arith.constant 0 : i32
    %c0_i32_0 = arith.constant 0 : i32
    return %arg0, %c0_i32 : i32, i32
  }
  func.func @transform_2(%arg0: i32) -> (i32, i32) {
    %c0_i32 = arith.constant 0 : i32
    %c0_i32_0 = arith.constant 0 : i32
    return %arg0, %c0_i32 : i32, i32
  }
  func.func @transform_3(%arg0: i32) -> (i32, i32) {
    %c0_i32 = arith.constant 0 : i32
    %c0_i32_0 = arith.constant 0 : i32
    return %arg0, %c0_i32 : i32, i32
  }
}

module attributes {stable_mosaic.version = 14 : i64} {
  func.func @_l1_body(%arg0: i32, %arg1: memref<2x2000x128xf32, #tpu.memory_space<vmem>>, %arg2: memref<2000x128xf32, #tpu.memory_space<vmem>>, %arg3: memref<2000x1xf32, #tpu.memory_space<vmem>>, %arg4: memref<128x256xf32, #tpu.memory_space<vmem>>, %arg5: memref<1x256xf32, #tpu.memory_space<vmem>>, %arg6: memref<2000x256xf32, #tpu.memory_space<vmem>>, %arg7: memref<8x256xf32, #tpu.memory_space<vmem>>) attributes {dimension_semantics = [#tpu.dimension_semantics<arbitrary>], iteration_bounds = array<i64: 5>, scalar_prefetch = 0 : i64, scratch_operands = 0 : i64, tpu.core_type = #tpu.core_type<tc>, window_params = [{transform_indices = @transform_0, window_bounds = array<i64: 2, 2000, 128>}, {transform_indices = @transform_1, window_bounds = array<i64: 2000, 128>}, {transform_indices = @transform_2, window_bounds = array<i64: 2000, 1>}, {pipeline_mode = #tpu.pipeline_mode<synchronous>, transform_indices = @transform_3, window_bounds = array<i64: 128, 256>}, {pipeline_mode = #tpu.pipeline_mode<synchronous>, transform_indices = @transform_4, window_bounds = array<i64: 1, 256>}, {transform_indices = @transform_5, window_bounds = array<i64: 2000, 256>}, {pipeline_mode = #tpu.pipeline_mode<synchronous>, transform_indices = @transform_6, window_bounds = array<i64: 8, 256>}]} {
    %get3A = arith.constant 0 : index
    %get3A_0 = arith.constant 0 : index
    %get3A_1 = vector.load %arg3[%get3A, %get3A_0] : memref<2000x1xf32, #tpu.memory_space<vmem>>, vector<2000x1xf32>
    %get3A_2 = arith.constant 0 : index
    %get3A_3 = arith.constant 0 : index
    %get3A_4 = arith.constant 0 : index
    %get3A_5 = vector.load %arg1[%get3A_2, %get3A_3, %get3A_4] : memref<2x2000x128xf32, #tpu.memory_space<vmem>>, vector<1x2000x128xf32>
    %get3A_6 = vector.shape_cast %get3A_5 : vector<1x2000x128xf32> to vector<2000x128xf32>
    %get3A_7 = arith.constant 1 : index
    %get3A_8 = arith.constant 0 : index
    %get3A_9 = arith.constant 0 : index
    %get3A_10 = vector.load %arg1[%get3A_7, %get3A_8, %get3A_9] : memref<2x2000x128xf32, #tpu.memory_space<vmem>>, vector<1x2000x128xf32>
    %get3A_11 = vector.shape_cast %get3A_10 : vector<1x2000x128xf32> to vector<2000x128xf32>
    %add3A = arith.addf %get3A_6, %get3A_11 : vector<2000x128xf32>
    %get3A_12 = arith.constant 0 : index
    %get3A_13 = arith.constant 0 : index
    %get3A_14 = vector.load %arg2[%get3A_12, %get3A_13] : memref<2000x128xf32, #tpu.memory_space<vmem>>, vector<2000x128xf32>
    %add3A_15 = arith.addf %add3A, %get3A_14 : vector<2000x128xf32>
    %mul3A = vector.broadcast %get3A_1 : vector<2000x1xf32> to vector<2000x128xf32>
    %mul3A_16 = arith.mulf %mul3A, %add3A_15 : vector<2000x128xf32>
    %get3A_17 = arith.constant 0 : index
    %get3A_18 = arith.constant 0 : index
    %get3A_19 = vector.load %arg4[%get3A_17, %get3A_18] : memref<128x256xf32, #tpu.memory_space<vmem>>, vector<128x256xf32>
    %dot_general3A = arith.constant dense<0.000000e+00> : vector<2000x256xf32>
    %dot_general3A_20 = tpu.matmul %mul3A_16, %get3A_19, %dot_general3A {dimension_numbers = #tpu.dot_dimension_numbers<[1], [0], [0], [1], [0, 0, 1, 1], [], []>, transpose_lhs_hint = false} : vector<2000x128xf32>, vector<128x256xf32>, vector<2000x256xf32> -> vector<2000x256xf32>
    %get3A_21 = arith.constant 0 : index
    %get3A_22 = arith.constant 0 : index
    %get3A_23 = vector.load %arg5[%get3A_21, %get3A_22] : memref<1x256xf32, #tpu.memory_space<vmem>>, vector<1x256xf32>
    %add3A_24 = vector.broadcast %get3A_23 : vector<1x256xf32> to vector<2000x256xf32>
    %add3A_25 = arith.addf %dot_general3A_20, %add3A_24 : vector<2000x256xf32>
    %swap3A = arith.constant 0 : index
    %swap3A_26 = arith.constant 0 : index
    %swap3A_27 = vector.load %arg6[%swap3A, %swap3A_26] : memref<2000x256xf32, #tpu.memory_space<vmem>>, vector<2000x256xf32>
    tpu.vector_store %arg6[%swap3A, %swap3A_26], %add3A_25 {strides = array<i32>} : memref<2000x256xf32, #tpu.memory_space<vmem>>, vector<2000x256xf32>,
    %eq3A = arith.constant 0 : i32
    %eq3A_28 = arith.cmpi eq, %arg0, %eq3A : i32
    %convert_element_type3A = arith.extui %eq3A_28 : i1 to i32
    %cond3A = arith.constant 0 : i32
    %cond3A_29 = arith.cmpi ne, %convert_element_type3A, %cond3A : i32
    scf.if %cond3A_29 {
      %broadcast_in_dim3A_49 = arith.constant 0.000000e+00 : f32
      %broadcast_in_dim3A_50 = vector.broadcast %broadcast_in_dim3A_49 : f32 to vector<8x256xf32>
      %swap3A_51 = arith.constant 0 : index
      %swap3A_52 = arith.constant 0 : index
      %swap3A_53 = vector.load %arg7[%swap3A_51, %swap3A_52] : memref<8x256xf32, #tpu.memory_space<vmem>>, vector<8x256xf32>
      tpu.vector_store %arg7[%swap3A_51, %swap3A_52], %broadcast_in_dim3A_50 {strides = array<i32>} : memref<8x256xf32, #tpu.memory_space<vmem>>, vector<8x256xf32>,
    } else {
    }
    %get3A_30 = arith.constant 0 : index
    %get3A_31 = arith.constant 0 : index
    %get3A_32 = vector.load %arg7[%get3A_30, %get3A_31] : memref<8x256xf32, #tpu.memory_space<vmem>>, vector<1x256xf32>
    %reduce_sum3A = arith.constant dense<0.000000e+00> : vector<256xf32>
    %reduce_sum3A_33 = vector.multi_reduction <add>, %add3A_25, %reduce_sum3A [0] : vector<2000x256xf32> to vector<256xf32>
    %broadcast_in_dim3A = vector.shape_cast %reduce_sum3A_33 : vector<256xf32> to vector<1x256xf32>
    %add3A_34 = arith.addf %get3A_32, %broadcast_in_dim3A : vector<1x256xf32>
    %swap3A_35 = arith.constant 0 : index
    %swap3A_36 = arith.constant 0 : index
    %swap3A_37 = vector.load %arg7[%swap3A_35, %swap3A_36] : memref<8x256xf32, #tpu.memory_space<vmem>>, vector<1x256xf32>
    tpu.vector_store %arg7[%swap3A_35, %swap3A_36], %add3A_34 {strides = array<i32>} : memref<8x256xf32, #tpu.memory_space<vmem>>, vector<1x256xf32>,
    %get3A_38 = arith.constant 1 : index
    %get3A_39 = arith.constant 0 : index
    %get3A_40 = vector.load %arg7[%get3A_38, %get3A_39] : memref<8x256xf32, #tpu.memory_space<vmem>>, vector<1x256xf32>
    %mul3A_41 = arith.mulf %add3A_25, %add3A_25 : vector<2000x256xf32>
    %reduce_sum3A_42 = arith.constant dense<0.000000e+00> : vector<256xf32>
    %reduce_sum3A_43 = vector.multi_reduction <add>, %mul3A_41, %reduce_sum3A_42 [0] : vector<2000x256xf32> to vector<256xf32>
    %broadcast_in_dim3A_44 = vector.shape_cast %reduce_sum3A_43 : vector<256xf32> to vector<1x256xf32>
    %add3A_45 = arith.addf %get3A_40, %broadcast_in_dim3A_44 : vector<1x256xf32>
    %swap3A_46 = arith.constant 1 : index
    %swap3A_47 = arith.constant 0 : index
    %swap3A_48 = vector.load %arg7[%swap3A_46, %swap3A_47] : memref<8x256xf32, #tpu.memory_space<vmem>>, vector<1x256xf32>
    tpu.vector_store %arg7[%swap3A_46, %swap3A_47], %add3A_45 {strides = array<i32>} : memref<8x256xf32, #tpu.memory_space<vmem>>, vector<1x256xf32>,
    return
  }
  func.func @transform_0(%arg0: i32) -> (i32, i32, i32) {
    %c0_i32 = arith.constant 0 : i32
    %c0_i32_0 = arith.constant 0 : i32
    %c0_i32_1 = arith.constant 0 : i32
    return %c0_i32, %arg0, %c0_i32_0 : i32, i32, i32
  }
  func.func @transform_1(%arg0: i32) -> (i32, i32) {
    %c0_i32 = arith.constant 0 : i32
    %c0_i32_0 = arith.constant 0 : i32
    return %arg0, %c0_i32 : i32, i32
  }
  func.func @transform_2(%arg0: i32) -> (i32, i32) {
    %c0_i32 = arith.constant 0 : i32
    %c0_i32_0 = arith.constant 0 : i32
    return %arg0, %c0_i32 : i32, i32
  }
  func.func @transform_3(%arg0: i32) -> (i32, i32) {
    %c0_i32 = arith.constant 0 : i32
    %c0_i32_0 = arith.constant 0 : i32
    %c0_i32_1 = arith.constant 0 : i32
    return %c0_i32, %c0_i32_0 : i32, i32
  }
  func.func @transform_4(%arg0: i32) -> (i32, i32) {
    %c0_i32 = arith.constant 0 : i32
    %c0_i32_0 = arith.constant 0 : i32
    %c0_i32_1 = arith.constant 0 : i32
    return %c0_i32, %c0_i32_0 : i32, i32
  }
  func.func @transform_5(%arg0: i32) -> (i32, i32) {
    %c0_i32 = arith.constant 0 : i32
    %c0_i32_0 = arith.constant 0 : i32
    return %arg0, %c0_i32 : i32, i32
  }
  func.func @transform_6(%arg0: i32) -> (i32, i32) {
    %c0_i32 = arith.constant 0 : i32
    %c0_i32_0 = arith.constant 0 : i32
    %c0_i32_1 = arith.constant 0 : i32
    return %c0_i32, %c0_i32_0 : i32, i32
  }
}

module attributes {stable_mosaic.version = 14 : i64} {
  func.func @_l2_body(%arg0: i32, %arg1: memref<2000x256xf32, #tpu.memory_space<vmem>>, %arg2: memref<8x256xf32, #tpu.memory_space<vmem>>, %arg3: memref<1x256xf32, #tpu.memory_space<vmem>>, %arg4: memref<1x256xf32, #tpu.memory_space<vmem>>, %arg5: memref<2000x1xf32, #tpu.memory_space<vmem>>, %arg6: memref<256x128xf32, #tpu.memory_space<vmem>>, %arg7: memref<2000x128xf32, #tpu.memory_space<vmem>>) attributes {dimension_semantics = [#tpu.dimension_semantics<arbitrary>], iteration_bounds = array<i64: 5>, scalar_prefetch = 0 : i64, scratch_operands = 0 : i64, tpu.core_type = #tpu.core_type<tc>, window_params = [{transform_indices = @transform_0, window_bounds = array<i64: 2000, 256>}, {pipeline_mode = #tpu.pipeline_mode<synchronous>, transform_indices = @transform_1, window_bounds = array<i64: 8, 256>}, {pipeline_mode = #tpu.pipeline_mode<synchronous>, transform_indices = @transform_2, window_bounds = array<i64: 1, 256>}, {pipeline_mode = #tpu.pipeline_mode<synchronous>, transform_indices = @transform_3, window_bounds = array<i64: 1, 256>}, {transform_indices = @transform_4, window_bounds = array<i64: 2000, 1>}, {pipeline_mode = #tpu.pipeline_mode<synchronous>, transform_indices = @transform_5, window_bounds = array<i64: 256, 128>}, {transform_indices = @transform_6, window_bounds = array<i64: 2000, 128>}]} {
    %get3A = arith.constant 0 : index
    %get3A_0 = arith.constant 0 : index
    %get3A_1 = vector.load %arg2[%get3A, %get3A_0] : memref<8x256xf32, #tpu.memory_space<vmem>>, vector<1x256xf32>
    %mul3A = arith.constant 9.99999974E-5 : f32
    %mul3A_2 = vector.broadcast %mul3A : f32 to vector<1x256xf32>
    %mul3A_3 = arith.mulf %get3A_1, %mul3A_2 : vector<1x256xf32>
    %get3A_4 = arith.constant 1 : index
    %get3A_5 = arith.constant 0 : index
    %get3A_6 = vector.load %arg2[%get3A_4, %get3A_5] : memref<8x256xf32, #tpu.memory_space<vmem>>, vector<1x256xf32>
    %mul3A_7 = arith.constant 9.99999974E-5 : f32
    %mul3A_8 = vector.broadcast %mul3A_7 : f32 to vector<1x256xf32>
    %mul3A_9 = arith.mulf %get3A_6, %mul3A_8 : vector<1x256xf32>
    %mul3A_10 = arith.mulf %mul3A_3, %mul3A_3 : vector<1x256xf32>
    %sub3A = arith.subf %mul3A_9, %mul3A_10 : vector<1x256xf32>
    %get3A_11 = arith.constant 0 : index
    %get3A_12 = arith.constant 0 : index
    %get3A_13 = vector.load %arg3[%get3A_11, %get3A_12] : memref<1x256xf32, #tpu.memory_space<vmem>>, vector<1x256xf32>
    %add3A = arith.constant 9.99999974E-6 : f32
    %add3A_14 = vector.broadcast %add3A : f32 to vector<1x256xf32>
    %add3A_15 = arith.addf %sub3A, %add3A_14 : vector<1x256xf32>
    %rsqrt3A = math.rsqrt %add3A_15 : vector<1x256xf32>
    %mul3A_16 = arith.mulf %get3A_13, %rsqrt3A : vector<1x256xf32>
    %get3A_17 = arith.constant 0 : index
    %get3A_18 = arith.constant 0 : index
    %get3A_19 = vector.load %arg4[%get3A_17, %get3A_18] : memref<1x256xf32, #tpu.memory_space<vmem>>, vector<1x256xf32>
    %mul3A_20 = arith.mulf %mul3A_3, %mul3A_16 : vector<1x256xf32>
    %sub3A_21 = arith.subf %get3A_19, %mul3A_20 : vector<1x256xf32>
    %get3A_22 = arith.constant 0 : index
    %get3A_23 = arith.constant 0 : index
    %get3A_24 = vector.load %arg1[%get3A_22, %get3A_23] : memref<2000x256xf32, #tpu.memory_space<vmem>>, vector<2000x256xf32>
    %mul3A_25 = vector.broadcast %mul3A_16 : vector<1x256xf32> to vector<2000x256xf32>
    %mul3A_26 = arith.mulf %get3A_24, %mul3A_25 : vector<2000x256xf32>
    %add3A_27 = vector.broadcast %sub3A_21 : vector<1x256xf32> to vector<2000x256xf32>
    %add3A_28 = arith.addf %mul3A_26, %add3A_27 : vector<2000x256xf32>
    %max3A = arith.constant 0.000000e+00 : f32
    %max3A_29 = vector.broadcast %max3A : f32 to vector<2000x256xf32>
    %max3A_30 = arith.maximumf %add3A_28, %max3A_29 : vector<2000x256xf32>
    %get3A_31 = arith.constant 0 : index
    %get3A_32 = arith.constant 0 : index
    %get3A_33 = vector.load %arg6[%get3A_31, %get3A_32] : memref<256x128xf32, #tpu.memory_space<vmem>>, vector<256x128xf32>
    %dot_general3A = arith.constant dense<0.000000e+00> : vector<2000x128xf32>
    %dot_general3A_34 = tpu.matmul %max3A_30, %get3A_33, %dot_general3A {dimension_numbers = #tpu.dot_dimension_numbers<[1], [0], [0], [1], [0, 0, 1, 1], [], []>, transpose_lhs_hint = false} : vector<2000x256xf32>, vector<256x128xf32>, vector<2000x128xf32> -> vector<2000x128xf32>
    %get3A_35 = arith.constant 0 : index
    %get3A_36 = arith.constant 0 : index
    %get3A_37 = vector.load %arg5[%get3A_35, %get3A_36] : memref<2000x1xf32, #tpu.memory_space<vmem>>, vector<2000x1xf32>
    %mul3A_38 = vector.broadcast %get3A_37 : vector<2000x1xf32> to vector<2000x128xf32>
    %mul3A_39 = arith.mulf %dot_general3A_34, %mul3A_38 : vector<2000x128xf32>
    %swap3A = arith.constant 0 : index
    %swap3A_40 = arith.constant 0 : index
    %swap3A_41 = vector.load %arg7[%swap3A, %swap3A_40] : memref<2000x128xf32, #tpu.memory_space<vmem>>, vector<2000x128xf32>
    tpu.vector_store %arg7[%swap3A, %swap3A_40], %mul3A_39 {strides = array<i32>} : memref<2000x128xf32, #tpu.memory_space<vmem>>, vector<2000x128xf32>,
    return
  }
  func.func @transform_0(%arg0: i32) -> (i32, i32) {
    %c0_i32 = arith.constant 0 : i32
    %c0_i32_0 = arith.constant 0 : i32
    return %arg0, %c0_i32 : i32, i32
  }
  func.func @transform_1(%arg0: i32) -> (i32, i32) {
    %c0_i32 = arith.constant 0 : i32
    %c0_i32_0 = arith.constant 0 : i32
    %c0_i32_1 = arith.constant 0 : i32
    return %c0_i32, %c0_i32_0 : i32, i32
  }
  func.func @transform_2(%arg0: i32) -> (i32, i32) {
    %c0_i32 = arith.constant 0 : i32
    %c0_i32_0 = arith.constant 0 : i32
    %c0_i32_1 = arith.constant 0 : i32
    return %c0_i32, %c0_i32_0 : i32, i32
  }
  func.func @transform_3(%arg0: i32) -> (i32, i32) {
    %c0_i32 = arith.constant 0 : i32
    %c0_i32_0 = arith.constant 0 : i32
    %c0_i32_1 = arith.constant 0 : i32
    return %c0_i32, %c0_i32_0 : i32, i32
  }
  func.func @transform_4(%arg0: i32) -> (i32, i32) {
    %c0_i32 = arith.constant 0 : i32
    %c0_i32_0 = arith.constant 0 : i32
    return %arg0, %c0_i32 : i32, i32
  }
  func.func @transform_5(%arg0: i32) -> (i32, i32) {
    %c0_i32 = arith.constant 0 : i32
    %c0_i32_0 = arith.constant 0 : i32
    %c0_i32_1 = arith.constant 0 : i32
    return %c0_i32, %c0_i32_0 : i32, i32
  }
  func.func @transform_6(%arg0: i32) -> (i32, i32) {
    %c0_i32 = arith.constant 0 : i32
    %c0_i32_0 = arith.constant 0 : i32
    return %arg0, %c0_i32 : i32, i32
  }
}

module attributes {stable_mosaic.version = 14 : i64} {
  func.func @_fin_body(%arg0: i32, %arg1: memref<2x2000x128xf32, #tpu.memory_space<vmem>>, %arg2: memref<2000x128xf32, #tpu.memory_space<vmem>>, %arg3: memref<2000x1xf32, #tpu.memory_space<vmem>>, %arg4: memref<1x128xf32, #tpu.memory_space<vmem>>, %arg5: memref<2000x128xf32, #tpu.memory_space<vmem>>) attributes {dimension_semantics = [#tpu.dimension_semantics<arbitrary>], iteration_bounds = array<i64: 5>, scalar_prefetch = 0 : i64, scratch_operands = 0 : i64, tpu.core_type = #tpu.core_type<tc>, window_params = [{transform_indices = @transform_0, window_bounds = array<i64: 2, 2000, 128>}, {transform_indices = @transform_1, window_bounds = array<i64: 2000, 128>}, {transform_indices = @transform_2, window_bounds = array<i64: 2000, 1>}, {pipeline_mode = #tpu.pipeline_mode<synchronous>, transform_indices = @transform_3, window_bounds = array<i64: 1, 128>}, {transform_indices = @transform_4, window_bounds = array<i64: 2000, 128>}]} {
    %get3A = arith.constant 0 : index
    %get3A_0 = arith.constant 0 : index
    %get3A_1 = vector.load %arg3[%get3A, %get3A_0] : memref<2000x1xf32, #tpu.memory_space<vmem>>, vector<2000x1xf32>
    %get3A_2 = arith.constant 0 : index
    %get3A_3 = arith.constant 0 : index
    %get3A_4 = arith.constant 0 : index
    %get3A_5 = vector.load %arg1[%get3A_2, %get3A_3, %get3A_4] : memref<2x2000x128xf32, #tpu.memory_space<vmem>>, vector<1x2000x128xf32>
    %get3A_6 = vector.shape_cast %get3A_5 : vector<1x2000x128xf32> to vector<2000x128xf32>
    %get3A_7 = arith.constant 1 : index
    %get3A_8 = arith.constant 0 : index
    %get3A_9 = arith.constant 0 : index
    %get3A_10 = vector.load %arg1[%get3A_7, %get3A_8, %get3A_9] : memref<2x2000x128xf32, #tpu.memory_space<vmem>>, vector<1x2000x128xf32>
    %get3A_11 = vector.shape_cast %get3A_10 : vector<1x2000x128xf32> to vector<2000x128xf32>
    %add3A = arith.addf %get3A_6, %get3A_11 : vector<2000x128xf32>
    %get3A_12 = arith.constant 0 : index
    %get3A_13 = arith.constant 0 : index
    %get3A_14 = vector.load %arg2[%get3A_12, %get3A_13] : memref<2000x128xf32, #tpu.memory_space<vmem>>, vector<2000x128xf32>
    %add3A_15 = arith.addf %add3A, %get3A_14 : vector<2000x128xf32>
    %mul3A = vector.broadcast %get3A_1 : vector<2000x1xf32> to vector<2000x128xf32>
    %mul3A_16 = arith.mulf %mul3A, %add3A_15 : vector<2000x128xf32>
    %get3A_17 = arith.constant 0 : index
    %get3A_18 = arith.constant 0 : index
    %get3A_19 = vector.load %arg4[%get3A_17, %get3A_18] : memref<1x128xf32, #tpu.memory_space<vmem>>, vector<1x128xf32>
    %add3A_20 = vector.broadcast %get3A_19 : vector<1x128xf32> to vector<2000x128xf32>
    %add3A_21 = arith.addf %mul3A_16, %add3A_20 : vector<2000x128xf32>
    %swap3A = arith.constant 0 : index
    %swap3A_22 = arith.constant 0 : index
    %swap3A_23 = vector.load %arg5[%swap3A, %swap3A_22] : memref<2000x128xf32, #tpu.memory_space<vmem>>, vector<2000x128xf32>
    tpu.vector_store %arg5[%swap3A, %swap3A_22], %add3A_21 {strides = array<i32>} : memref<2000x128xf32, #tpu.memory_space<vmem>>, vector<2000x128xf32>,
    return
  }
  func.func @transform_0(%arg0: i32) -> (i32, i32, i32) {
    %c0_i32 = arith.constant 0 : i32
    %c0_i32_0 = arith.constant 0 : i32
    %c0_i32_1 = arith.constant 0 : i32
    return %c0_i32, %arg0, %c0_i32_0 : i32, i32, i32
  }
  func.func @transform_1(%arg0: i32) -> (i32, i32) {
    %c0_i32 = arith.constant 0 : i32
    %c0_i32_0 = arith.constant 0 : i32
    return %arg0, %c0_i32 : i32, i32
  }
  func.func @transform_2(%arg0: i32) -> (i32, i32) {
    %c0_i32 = arith.constant 0 : i32
    %c0_i32_0 = arith.constant 0 : i32
    return %arg0, %c0_i32 : i32, i32
  }
  func.func @transform_3(%arg0: i32) -> (i32, i32) {
    %c0_i32 = arith.constant 0 : i32
    %c0_i32_0 = arith.constant 0 : i32
    %c0_i32_1 = arith.constant 0 : i32
    return %c0_i32, %c0_i32_0 : i32, i32
  }
  func.func @transform_4(%arg0: i32) -> (i32, i32) {
    %c0_i32 = arith.constant 0 : i32
    %c0_i32_0 = arith.constant 0 : i32
    return %arg0, %c0_i32 : i32, i32
  }
}

</mosaic_0001>

<sc_bundles>
// kernel: kernel.12.cloned.1.call-start
scs
__scs_entry_jumppad:
0x0: {  	(pc) =	sbr.rel $0x88, $3  }
0x1: {  	(tag) =	ssettag $0x0;
	lr =	simm.s32 $0x1  }
0x2: {  	[smem:$0x3F99] =	sst lr;
	_ =	strace $0xD0000000  }
0x3: {  	_ = 	snop  }
0x4: {  	_ = 	snop  }
0x5: {  	_ = 	snop  }
0x6: {  	_ = 	snop  }
0x7: {  	_ = 	snop  }
__scs_overlays_trampoline_lowered:
0x8: {  	[smem:$0x3FA8] =	sst s0  }
0x9: {  	[smem:$0x3FA9] =	sst s1  }
0xa: {  	[smem:$0x3FAA] =	sst s2  }
0xb: {  	[smem:$0x3FAB] =	sst s3  }
0xc: {  	[smem:$0x3FAC] =	sst s4  }
0xd: {  	[smem:$0x3FAD] =	sst s5  }
0xe: {  	[smem:$0x3FAE] =	sst s6  }
0xf: {  	[smem:$0x3FAF] =	sst s7  }
0x10: {  	[smem:$0x3FB0] =	sst s8  }
0x11: {  	[smem:$0x3FB1] =	sst s9;
	s0 =	simm.s32 @!p0 $0x0  }
0x12: {  	s1 =	sld [smem:$0x3F97];
	s0 =	simm.s32 @p0 $0x1  }
0x13: {  	[smem:$0x3FB2] =	sst s0;
	s0 =	simm.s32 @!p1 $0x0  }
0x14: {  	s2 =	sld [smem:$0x3F96];
	s0 =	simm.s32 @p1 $0x1  }
0x15: {  	[smem:$0x3FB3] =	sst s0;
	s0 =	simm.s32 @!p2 $0x0  }
0x16: {  	s3 =	sld [smem:$0x3FDB];
	s0 =	simm.s32 @p2 $0x1  }
0x17: {  	s4 =	simm.s32 $0x1BF5;
	[smem:$0x3FB5] =	sst s0  }
0x18: {  	s0 =	sld [smem:$0x3F98];
	_ =	swait.ge [sflag:s4], $0x0  }
0x19: {  	s7 =	sld [smem:$0x3F99]  }
0x1a: {  	s8 =	sadd.s32 $0xFFFFE003, lr  }
0x1b: {  	s9 =	sadd.s32 $0xFFFFFEF7, lr;
	s5 =	simm.s32 $0xFFFFFFFF;
	p2 =	slt.u32 s8, $0xFFFFF086  }
0x1c: {  	p1 =	slt.u32 s9, $0xF7A;
	s5 =	simm.s32 @!p2 $0x0  }
0x1d: {  	s5 =	simm.s32 @p1 $0x1;
	p0 =	seq.s32 s7, s2  }
0x1e: {  	s7 =	smul.u32 @!p0 $0xF7A, s2;
	p2 =	seq.s32 @!p0 s5, $0x0  }
0x1f: {  	s9 =	smul.u32 $0xF7A, s1;
	s8 =	simm.s32 @!p0 $0x1BF5;
	p2 =	por !p2, p0  }
0x20: {  	[sflag:s8] =	ssyncset.s32 @!p0 $0xFFFFF086;
	s6 =	sadd.s32 @!p0 s3, s7;
	s7 =	simm.s32 @!p0 $0x108  }
0x21: {  	s3 =	sadd.s32 s3, s9;
	s6 =	sadd.s32 @!p0 $0x88, s6;
	s7 =	simm.s32 @p2 $0x1082  }
0x22: {  	[simem:s7], [sflag:s8] =	dma.local @!p0 [hbm:s6], $0xF7A  }
0x23: {  	s9 =	sor.u32 $0xD0000000, s2;
	s6 =	simm.s32 $0x108;
	_ =	swait.ge @!p0 [sflag:s8], $0x0  }
0x24: {  	s3 =	sadd.s32 $0x88, s3;
	s6 =	simm.s32 @!p1 $0x1082;
	[sflag:s4] =	ssyncset.s32 $0xFFFFF086  }
0x25: {  	[simem:s6], [sflag:s4] =	dma.local [hbm:s3], $0xF7A  }
0x26: {  	[smem:$0x3F99] =	sst s1;
	(tag) =	ssettag s2;
	_ =	strace s9  }
0x27: {  	s1 =	sld [smem:$0x3FA9]  }
0x28: {  	s2 =	sld [smem:$0x3FAA]  }
0x29: {  	s4 =	sld [smem:$0x3FAC]  }
0x2a: {  	p0 =	seq.s32 s5, $0x0;
	s5 =	sld [smem:$0x3FAD]  }
0x2b: {  	s6 =	sld [smem:$0x3FAE]  }
0x2c: {  	s7 =	sld [smem:$0x3FAF]  }
0x2d: {  	s3 =	simm.s32 $0x108;
	s8 =	sld [smem:$0x3FB0]  }
0x2e: {  	s3 =	simm.s32 @!p0 $0x1082;
	s9 =	sld [smem:$0x3FB1]  }
0x2f: {  	lr =	sadd.s32 s0, s3;
	s0 =	sld [smem:$0x3FA8]  }
0x30: {  	s3 =	sld [smem:$0x3FAB]  }
0x31: {  	[smem:$0x3FB4] =	sst s10  }
0x32: {  	s10 =	sld [smem:$0x3FB2];
	_ =	sdelay $0x3  }
0x33: {  	p0 =	seq.s32 s10, $0x1;
	s10 =	sld [smem:$0x3FB4];
	_ =	sdelay $0x3  }
0x34: {  	[smem:$0x3FB4] =	sst s10  }
0x35: {  	s10 =	sld [smem:$0x3FB3];
	_ =	sdelay $0x3  }
0x36: {  	p1 =	seq.s32 s10, $0x1;
	s10 =	sld [smem:$0x3FB4];
	_ =	sdelay $0x3  }
0x37: {  	[smem:$0x3FB4] =	sst s10  }
0x38: {  	s10 =	sld [smem:$0x3FB5]  }
0x39: {  	_ = 	snop;
	(pc) =	sbr.ind lr, $3  }
0x3a: {  	_ = 	snop  }
0x3b: {  	_ = 	snop  }
0x3c: {  	p2 =	seq.s32 s10, $0x1;
	s10 =	sld [smem:$0x3FB4]  }
0x3d: {  	_ =	shalt  }
0x3e: {  	_ =	shalt  }
0x3f: {  	_ =	shalt  }
0x40: {  	_ =	shalt  }
0x41: {  	_ =	shalt  }
0x42: {  	_ =	shalt  }
0x43: {  	_ =	shalt  }
0x44: {  	_ =	shalt  }
0x45: {  	_ =	shalt  }
0x46: {  	_ =	shalt  }
0x47: {  	_ =	shalt  }
0x48: {  	_ =	shalt  }
0x49: {  	_ =	shalt  }
0x4a: {  	_ =	shalt  }
0x4b: {  	_ =	shalt  }
0x4c: {  	_ =	shalt  }
0x4d: {  	_ =	shalt  }
0x4e: {  	_ =	shalt  }
0x4f: {  	_ =	shalt  }
0x50: {  	_ =	shalt  }
0x51: {  	_ =	shalt  }
0x52: {  	_ =	shalt  }
0x53: {  	_ =	shalt  }
0x54: {  	_ =	shalt  }
0x55: {  	_ =	shalt  }
0x56: {  	_ =	shalt  }
0x57: {  	_ =	shalt  }
0x58: {  	_ =	shalt  }
0x59: {  	_ =	shalt  }
0x5a: {  	_ =	shalt  }
0x5b: {  	_ =	shalt  }
0x5c: {  	_ =	shalt  }
0x5d: {  	_ =	shalt  }
0x5e: {  	_ =	shalt  }
0x5f: {  	_ =	shalt  }
0x60: {  	_ =	shalt  }
0x61: {  	_ =	shalt  }
0x62: {  	_ =	shalt  }
0x63: {  	_ =	shalt  }
0x64: {  	_ =	shalt  }
0x65: {  	_ =	shalt  }
0x66: {  	_ =	shalt  }
0x67: {  	_ =	shalt  }
0x68: {  	_ =	shalt  }
0x69: {  	_ =	shalt  }
0x6a: {  	_ =	shalt  }
0x6b: {  	_ =	shalt  }
0x6c: {  	_ =	shalt  }
0x6d: {  	_ =	shalt  }
0x6e: {  	_ =	shalt  }
0x6f: {  	_ =	shalt  }
0x70: {  	_ =	shalt  }
0x71: {  	_ =	shalt  }
0x72: {  	_ =	shalt  }
0x73: {  	_ =	shalt  }
0x74: {  	_ =	shalt  }
0x75: {  	_ =	shalt  }
0x76: {  	_ =	shalt  }
0x77: {  	_ =	shalt  }
0x78: {  	_ =	shalt  }
0x79: {  	_ =	shalt  }
0x7a: {  	_ =	shalt  }
0x7b: {  	_ =	shalt  }
0x7c: {  	_ =	shalt  }
0x7d: {  	_ =	shalt  }
0x7e: {  	_ =	shalt  }
0x7f: {  	_ =	shalt  }
0x80: {  	_ =	shalt  }
0x81: {  	_ =	shalt  }
0x82: {  	_ =	shalt  }
0x83: {  	_ =	shalt  }
0x84: {  	_ =	shalt  }
0x85: {  	_ =	shalt  }
0x86: {  	_ =	shalt  }
0x87: {  	_ =	shalt  }
.Lfunc_end0:
.L_simem_size_0:
called_computation.1_lowered:
.L_overlay_start_0:
0x88: {  	s2 =	sld [smem:$0x3FD9]  }
0x89: {  	s3 =	sld [smem:$0x3FFE];
	_ =	sdelay $0x1  }
0x8a: {  	s1 =	srdreg.scid  }
0x8b: {  	s0 =	sand.u32 $0x1, s1  }
0x8c: {  	s17 =	sshll.u32 s0, $0xA;
	s2 =	sadd.s32 s3, s2  }
0x8d: {  	s2 =	sadd.s32 s2, s17  }
0x8e: {  	[smem:$0x3FC0] =	sst s2  }
0x8f: {  	_ = 	snop  }
0x90: {  	s2 =	sld [smem:$0x3FD0];
	(tm) =	ssettm $0x1  }
0x91: {  	s18 =	sld [smem:$0x3FFB];
	_ =	sdelay $0x3  }
0x92: {  	_ =	strace s18  }
0x93: {  	s3 =	sld [smem:$0x3FFC];
	_ =	sdelay $0x3  }
0x94: {  	_ =	strace s3  }
0x95: {  	s3 =	sld [smem:$0x3FFD];
	_ =	sdelay $0x3  }
0x96: {  	_ =	strace s3  }
0x97: {  	_ =	strace $0x8FFFFFFF  }
0x98: {  	s19 =	sld [smem:$0x3FDB];
	_ =	sdelay $0x1  }
0x99: {  	s4 =	simm.s32 $_scs_section_size  }
0x9a: {  	s5 =	simm.s32 $_size__tile_overlayer_lowered;
	s6 =	simm.s32 $_tile_overlayer_lowered  }
0x9b: {  	s22 =	simm.s32 $0x1BFF;
	s21 =	sshll.u32 s6, $0x1;
	s3 =	sadd.s32 s4, s19  }
0x9c: {  	s7 =	simm.s32 $0x0;
	s20 =	sshll.u32 s5, $0x1;
	s5 =	sadd.s32 s21, s3  }
0x9d: {  	[timem:s7], [sflag:s22] =	dma.local [hbm:s5], s20  }
0x9e: {  	_ =	swait.ge [sflag:s22], s20  }
0x9f: {  	s4 =	ssub.s32 $0x0, s20;
	[sflag:s22] =	ssyncset.done $0x0  }
0xa0: {  	[sflag:s22] =	ssyncadd.s32 s4;
	_ =	sdelay $0x1  }
0xa1: {  	s23 =	simm.s32 $0x1B8B  }
0xa2: {  	_ =	swait.ge [sflag:s23], $0x1  }
0xa3: {  	[sflag:s23] =	ssyncset.done $0x0  }
0xa4: {  	s25 =	simm.s32 $0x1B8E;
	s24 =	sld [smem:$0x3FFE];
	[sflag:s23] =	ssyncadd.s32 $0xFFFFFFFF  }
0xa5: {  	s26 =	simm.s32 $execute0_lowered;
	[smem:$0x3FD2] =	sst s25  }
0xa6: {  	s5 =	sshll.u32 s26, $0x1;
	_ =	strace $0x80000049;
	[dreg:$0x1] =	wrdreg $0xFFFFFFFF  }
0xa7: {  	s28 =	simm.s32 $_size_execute0_lowered;
	s3 =	sadd.s32 s3, s5;
	[dreg:$0x0] =	wrdreg $0x0  }
0xa8: {  	s5 =	sshll.u32 s28, $0x1;
	[dreg:$0x2] =	wrdreg s3  }
0xa9: {  	[dreg:$0x3] =	wrdreg s5  }
0xaa: {  	[dreg:$0x4] =	wrdreg $0xC0  }
0xab: {  	_ =	task [dreg:s7], $0x5FFFF  }
0xac: {  	[dreg:$0x1] =	wrdreg $0xFFFFFFFF  }
0xad: {  	[dreg:$0x0] =	wrdreg $0x60  }
0xae: {  	[dreg:$0x2] =	wrdreg s2  }
0xaf: {  	[dreg:$0x3] =	wrdreg s24  }
0xb0: {  	[dreg:$0x4] =	wrdreg $0x91800  }
0xb1: {  	[dreg:$0x5] =	wrdreg $0x9  }
0xb2: {  	_ =	task.clear_ibuf [dreg:s7], $0x6FFFF;
	_ =	strace $0x90000049  }
0xb3: {  	s29 =	simm.s32 $0x9;
	_ =	strace $0x8000004B  }
0xb4: {  	_ =	swait.ge [sflag:s29], $0x1  }
0xb5: {  	[sflag:s29] =	ssyncadd.s32 $0xFFFFFFFF  }
0xb6: {  	_ =	strace $0x9000004B  }
0xb7: {  	_ =	sfence  }
0xb8: {  	s30 =	sld [smem:$0x0];
	_ =	sdelay $0x2  }
0xb9: {  	s31 =	sshll.u32 s1, $0xD;
	s1 =	sshrl.u32 s1, $0x2  }
0xba: {  	s3 =	sand.u32 $0x4000, s31;
	s1 =	sadd.s32 s1, s30  }
0xbb: {  	s0 =	sor.u32 s3, s0;
	s1 =	sshll.u32 s1, $0x11  }
0xbc: {  	s0 =	sor.u32 s1, s0  }
0xbd: {  	s0 =	sadd.s32 $0x8F2B, s0  }
0xbe: {  	[sflag:s0] =	ssyncadd.remote.s32 $0x1  }
0xbf: {  	_ =	sfence.sel $0xFFFF  }
0xc0: {  	[dreg:$0x0] =	wrdreg $0xFFFFFFFF;
	(pc) =	sbr.abs _section_cstart, $3  }
0xc1: {  	[dreg:$0x1] =	wrdreg $0xFFFFFFFF  }
0xc2: {  	_ =	task.clear_ibuf [dreg:s7], $0x2FFFF;
	_ =	strace $0x9FFFFFFF  }
0xc3: {  	(tm) =	ssettm $0x7FFFFFFF  }
tec
execute0_lowered:
.L_overlay_start_1:
0x0: {  	(tag) =	ssettag $0x1  }
0x1: {  	s1 =	rddreg [dreg:$0x0]  }
0x2: {  	s0 =	rddreg [dreg:$0x1]  }
0x3: {  	s2 =	rddreg [dreg:$0x2]  }
0x4: {  	s3 =	simm.s32 $0x0;
	s4 =	srdreg.scid;
	s9 =	stileid.u32  }
0x5: {  	s25 =	simm.s32 $0x880;
	s26 =	simm.s32 $0x100;
	s10 =	simm.s32 $0x900  }
0x6: {  	s11 =	simm.s32 $0x980;
	[smem:$0x7FF] =	sst s3;
	s5 =	sadd.s32 $0xD600, s0  }
0x7: {  	s15 =	sadd.s32 $0x17600, s0;
	_ =	strace $0x8000004A;
	[dreg:$0x4] =	wrdreg s5  }
0x8: {  	s12 =	simm.s32 $0x200;
	s8 =	sadd.s32 $0x21800, s0;
	[dreg:$0x5] =	wrdreg s15  }
0x9: {  	s13 =	simm.s32 $0x280;
	s17 =	sadd.s32 $0x21600, s0;
	[dreg:$0x17] =	wrdreg s8  }
0xa: {  	s14 =	simm.s32 $0xA00;
	s28 =	simm.s32 $0xD00;
	[dreg:$0x18] =	wrdreg s17  }
0xb: {  	s29 =	simm.s32 $0xD80;
	s30 =	simm.s32 $0x600;
	[dreg:$0x6] =	wrdreg s25  }
0xc: {  	s31 =	simm.s32 $0x680;
	s7 =	smul.u32 $0x14000, s9;
	[dreg:$0x7] =	wrdreg s26  }
0xd: {  	s4 =	sand.u32 $0x1, s4;
	s16 =	smul.u32 $0x50000, s9;
	[dreg:$0x9] =	wrdreg s10  }
0xe: {  	s9 =	sshll.u32 s9, $0x5;
	s6 =	smul.u32 $0x140000, s4;
	[dreg:$0xa] =	wrdreg s11  }
0xf: {  	s18 =	ssub.s32 $0x2, s4;
	s4 =	sshll.u32 s4, $0x7;
	[dreg:$0xb] =	wrdreg s12  }
0x10: {  	s8 =	simm.s32 $0x180;
	s15 =	simm.s32 $0x5;
	[dreg:$0xc] =	wrdreg s13  }
0x11: {  	[dreg:$0xd] =	wrdreg s14;
	s17 =	simm.s32 $0xA80;
	s25 =	simm.s32 $0xC00  }
0x12: {  	s26 =	simm.s32 $0xC80;
	s14 =	simm.s32 $0xE80;
	[dreg:$0x8] =	wrdreg s8  }
0x13: {  	s5 =	sshrl.u32 s16, $0x2;
	s19 =	sshrl.u32 s18, $0x1;
	[dreg:$0xe] =	wrdreg s17  }
0x14: {  	s4 =	sor.u32 $0x1000, s4;
	s16 =	simm.s32 $0x1180;
	[dreg:$0x15] =	wrdreg s25  }
0x15: {  	[dreg:$0x16] =	wrdreg s26;
	s25 =	simm.s32 $0x500;
	s26 =	simm.s32 $0x580  }
0x16: {  	s8 =	simm.s32 $0xF80;
	s6 =	sadd.s32 s7, s6;
	s7 =	sadd.s32 s5, s2  }
0x17: {  	s20 =	ssub.s32 s18, s19;
	s18 =	sshrl.u32 s9, $0x2;
	s19 =	simm.s32 $0x300  }
0x18: {  	s9 =	simm.s32 $0x0;
	s21 =	sadd.s32 $0x4000, s7;
	[dreg:$0xf] =	wrdreg s19  }
0x19: {  	s6 =	sshrl.u32 s6, $0x3;
	s22 =	sadd.s32 $0x8000, s7;
	[dreg:$0x19] =	wrdreg s21  }
0x1a: {  	s23 =	sadd.s32 $0xC000, s7;
	s24 =	sadd.s32 $0x10000, s7;
	[dreg:$0x1a] =	wrdreg s22  }
0x1b: {  	s5 =	smax.u32 s20, $0x1;
	s17 =	sadd.s32 s18, s4;
	[dreg:$0x1b] =	wrdreg s23  }
0x1c: {  	s20 =	simm.s32 $0x380;
	s18 =	simm.s32 $0x1;
	[dreg:$0x1c] =	wrdreg s24  }
0x1d: {  	s19 =	simm.s32 $0x800;
	s4 =	simm.s32 $0x700;
	[dreg:$0x1e] =	wrdreg s5  }
0x1e: {  	s0 =	sadd.s32 s6, s0;
	[dreg:$0x10] =	wrdreg s20;
	s21 =	simm.s32 $0xB00  }
0x1f: {  	s22 =	simm.s32 $0xB80;
	s20 =	simm.s32 $0x80;
	s23 =	simm.s32 $0x400  }
.Ltmp0:
0x20: {  	s24 =	simm.s32 $0x480;
	[dreg:$0x11] =	wrdreg s21;
	(pc) =	sbr.rel .LBB2_1-.Ltmp0, $4  }
0x21: {  	s5 =	simm.s32 $0x780;
	s6 =	simm.s32 $0xF00;
	[dreg:$0x12] =	wrdreg s22  }
0x22: {  	s0 =	sadd.s32 $0x22000, s0;
	s21 =	simm.s32 $0x5180;
	[dreg:$0x13] =	wrdreg s23  }
0x23: {  	s22 =	simm.s32 $0x2;
	[dreg:$0x14] =	wrdreg s24;
	s23 =	simm.s32 $0x3  }
0x24: {  	s24 =	simm.s32 $0x4;
	[dreg:$0x1d] =	wrdreg s0;
	s0 =	simm.s32 $0xE00  }
.LBB2_5:
0x25: {  	s10 =	sshrl.u32 s10, $0x3  }
0x26: {  	s10 =	sand.u32 $0x1FFFFF80, s10  }
0x27: {  	[sflag:s24] =	ssyncadd.s32 @p0 $0xFFFFC000;
	s11 =	sadd.s32 s12, s10  }
0x28: {  	[tilespmem:s3], [sflag:$0x5] =	stream.linear.gather [hbm4b:s11+s3], $0x800, $0x38;
	[tilespmem:$0x1D180] =	vst v63  }
0x29: {  	_ =	swait.ge [sflag:s15], $0x800  }
0x2a: {  	s12 =	rddreg [dreg:$0x5];
	[sflag:s15] =	ssyncset.done $0x0  }
0x2b: {  	[sflag:s15] =	ssyncadd.s32 $0xFFFFF800;
	s10 =	sadd.s32 s12, s10  }
0x2c: {  	[tilespmem:s19], [sflag:$0x5] =	stream.linear.gather [hbm4b:s10+s3], $0x800, $0x38;
	[tilespmem:$0x1D180] =	vst v63  }
0x2d: {  	_ =	swait.ge [sflag:s15], $0x800  }
0x2e: {  	[sflag:s15] =	ssyncset.done $0x0  }
0x2f: {  	[sflag:s15] =	ssyncadd.s32 $0xFFFFF800  }
0x30: {  	[tilespmem:s16], [sflag:$0x1] =	stream.indirect.gather [hbm4b:s1+s20], $0x80, s3, s20, $0xb8;
	[tilespmem:$0x1D180] =	vst v63  }
0x31: {  	_ = 	snop  }
0x32: {  	[tilespmem:s21], [sflag:$0x2] =	stream.indirect.gather [hbm4b:s1+s20], $0x80, s20, s20, $0xb8;
	[tilespmem:$0x1D180] =	vst v63  }
0x33: {  	_ =	swait.ge [sflag:s18], $0x4000  }
0x34: {  	[sflag:s18] =	ssyncset.done $0x0  }
0x35: {  	[sflag:s18] =	ssyncadd.s32 $0xFFFFC000  }
0x36: {  	[spmem:s2] =	stream.indirect.scatter.add.f32 [tilespmem:s16], [sflag:$0x3], $0x80, s19, s20, $0xb8;
	[tilespmem:$0x1D180] =	vst v63  }
0x37: {  	_ =	swait.ge [sflag:s22], $0x4000  }
0x38: {  	[sflag:s22] =	ssyncset.done $0x0  }
0x39: {  	s13 =	rddreg [dreg:$0x6];
	[sflag:s22] =	ssyncadd.s32 $0xFFFFC000  }
0x3a: {  	[spmem:s2] =	stream.indirect.scatter.add.f32 [tilespmem:s21], [sflag:$0x4], $0x80, s13, s20, $0xb8;
	[tilespmem:$0x1D180] =	vst v63  }
0x3b: {  	_ =	swait.ge [sflag:s23], $0x4000  }
0x3c: {  	[sflag:s23] =	ssyncset.done $0x0  }
0x3d: {  	[sflag:s23] =	ssyncadd.s32 $0xFFFFC000  }
0x3e: {  	_ =	swait.ge [sflag:s24], $0x4000  }
0x3f: {  	[sflag:s24] =	ssyncset.done $0x0  }
0x40: {  	s11 =	rddreg [dreg:$0x7];
	[sflag:s24] =	ssyncadd.s32 $0xFFFFC000  }
0x41: {  	[tilespmem:s16], [sflag:$0x1] =	stream.indirect.gather [hbm4b:s1+s20], $0x80, s11, s20, $0xb8;
	[tilespmem:$0x1D180] =	vst v63  }
0x42: {  	s12 =	rddreg [dreg:$0x8]  }
0x43: {  	[tilespmem:s21], [sflag:$0x2] =	stream.indirect.gather [hbm4b:s1+s20], $0x80, s12, s20, $0xb8;
	[tilespmem:$0x1D180] =	vst v63  }
0x44: {  	_ =	swait.ge [sflag:s18], $0x4000  }
0x45: {  	[sflag:s18] =	ssyncset.done $0x0  }
0x46: {  	s13 =	rddreg [dreg:$0x9];
	[sflag:s18] =	ssyncadd.s32 $0xFFFFC000  }
0x47: {  	[spmem:s2] =	stream.indirect.scatter.add.f32 [tilespmem:s16], [sflag:$0x3], $0x80, s13, s20, $0xb8;
	[tilespmem:$0x1D180] =	vst v63  }
0x48: {  	_ =	swait.ge [sflag:s22], $0x4000  }
0x49: {  	[sflag:s22] =	ssyncset.done $0x0  }
0x4a: {  	s11 =	rddreg [dreg:$0xa];
	[sflag:s22] =	ssyncadd.s32 $0xFFFFC000  }
0x4b: {  	[spmem:s2] =	stream.indirect.scatter.add.f32 [tilespmem:s21], [sflag:$0x4], $0x80, s11, s20, $0xb8;
	[tilespmem:$0x1D180] =	vst v63  }
0x4c: {  	_ =	swait.ge [sflag:s23], $0x4000  }
0x4d: {  	[sflag:s23] =	ssyncset.done $0x0  }
0x4e: {  	[sflag:s23] =	ssyncadd.s32 $0xFFFFC000  }
0x4f: {  	_ =	swait.ge [sflag:s24], $0x4000  }
0x50: {  	[sflag:s24] =	ssyncset.done $0x0  }
0x51: {  	s12 =	rddreg [dreg:$0xb];
	[sflag:s24] =	ssyncadd.s32 $0xFFFFC000  }
0x52: {  	[tilespmem:s16], [sflag:$0x1] =	stream.indirect.gather [hbm4b:s1+s20], $0x80, s12, s20, $0xb8;
	[tilespmem:$0x1D180] =	vst v63  }
0x53: {  	s13 =	rddreg [dreg:$0xc]  }
0x54: {  	[tilespmem:s21], [sflag:$0x2] =	stream.indirect.gather [hbm4b:s1+s20], $0x80, s13, s20, $0xb8;
	[tilespmem:$0x1D180] =	vst v63  }
0x55: {  	_ =	swait.ge [sflag:s18], $0x4000  }
0x56: {  	[sflag:s18] =	ssyncset.done $0x0  }
0x57: {  	s12 =	rddreg [dreg:$0xd];
	[sflag:s18] =	ssyncadd.s32 $0xFFFFC000  }
0x58: {  	[spmem:s2] =	stream.indirect.scatter.add.f32 [tilespmem:s16], [sflag:$0x3], $0x80, s12, s20, $0xb8;
	[tilespmem:$0x1D180] =	vst v63  }
0x59: {  	_ =	swait.ge [sflag:s22], $0x4000  }
0x5a: {  	[sflag:s22] =	ssyncset.done $0x0  }
0x5b: {  	s13 =	rddreg [dreg:$0xe];
	[sflag:s22] =	ssyncadd.s32 $0xFFFFC000  }
0x5c: {  	[spmem:s2] =	stream.indirect.scatter.add.f32 [tilespmem:s21], [sflag:$0x4], $0x80, s13, s20, $0xb8;
	[tilespmem:$0x1D180] =	vst v63  }
0x5d: {  	_ =	swait.ge [sflag:s23], $0x4000  }
0x5e: {  	[sflag:s23] =	ssyncset.done $0x0  }
0x5f: {  	[sflag:s23] =	ssyncadd.s32 $0xFFFFC000  }
0x60: {  	_ =	swait.ge [sflag:s24], $0x4000  }
0x61: {  	[sflag:s24] =	ssyncset.done $0x0  }
0x62: {  	s11 =	rddreg [dreg:$0xf];
	[sflag:s24] =	ssyncadd.s32 $0xFFFFC000  }
0x63: {  	[tilespmem:s16], [sflag:$0x1] =	stream.indirect.gather [hbm4b:s1+s20], $0x80, s11, s20, $0xb8;
	[tilespmem:$0x1D180] =	vst v63  }
0x64: {  	s12 =	rddreg [dreg:$0x10]  }
0x65: {  	[tilespmem:s21], [sflag:$0x2] =	stream.indirect.gather [hbm4b:s1+s20], $0x80, s12, s20, $0xb8;
	[tilespmem:$0x1D180] =	vst v63  }
0x66: {  	_ =	swait.ge [sflag:s18], $0x4000  }
0x67: {  	[sflag:s18] =	ssyncset.done $0x0  }
0x68: {  	s13 =	rddreg [dreg:$0x11];
	[sflag:s18] =	ssyncadd.s32 $0xFFFFC000  }
0x69: {  	[spmem:s2] =	stream.indirect.scatter.add.f32 [tilespmem:s16], [sflag:$0x3], $0x80, s13, s20, $0xb8;
	[tilespmem:$0x1D180] =	vst v63  }
0x6a: {  	_ =	swait.ge [sflag:s22], $0x4000  }
0x6b: {  	[sflag:s22] =	ssyncset.done $0x0  }
0x6c: {  	s11 =	rddreg [dreg:$0x12];
	[sflag:s22] =	ssyncadd.s32 $0xFFFFC000  }
0x6d: {  	[spmem:s2] =	stream.indirect.scatter.add.f32 [tilespmem:s21], [sflag:$0x4], $0x80, s11, s20, $0xb8;
	[tilespmem:$0x1D180] =	vst v63  }
0x6e: {  	_ =	swait.ge [sflag:s23], $0x4000  }
0x6f: {  	[sflag:s23] =	ssyncset.done $0x0  }
0x70: {  	[sflag:s23] =	ssyncadd.s32 $0xFFFFC000  }
0x71: {  	_ =	swait.ge [sflag:s24], $0x4000  }
0x72: {  	[sflag:s24] =	ssyncset.done $0x0  }
0x73: {  	s12 =	rddreg [dreg:$0x13];
	[sflag:s24] =	ssyncadd.s32 $0xFFFFC000  }
0x74: {  	[tilespmem:s16], [sflag:$0x1] =	stream.indirect.gather [hbm4b:s1+s20], $0x80, s12, s20, $0xb8;
	[tilespmem:$0x1D180] =	vst v63  }
0x75: {  	s13 =	rddreg [dreg:$0x14]  }
0x76: {  	[tilespmem:s21], [sflag:$0x2] =	stream.indirect.gather [hbm4b:s1+s20], $0x80, s13, s20, $0xb8;
	[tilespmem:$0x1D180] =	vst v63  }
0x77: {  	_ =	swait.ge [sflag:s18], $0x4000  }
0x78: {  	[sflag:s18] =	ssyncset.done $0x0  }
0x79: {  	s12 =	rddreg [dreg:$0x15];
	[sflag:s18] =	ssyncadd.s32 $0xFFFFC000  }
0x7a: {  	[spmem:s2] =	stream.indirect.scatter.add.f32 [tilespmem:s16], [sflag:$0x3], $0x80, s12, s20, $0xb8;
	[tilespmem:$0x1D180] =	vst v63  }
0x7b: {  	_ =	swait.ge [sflag:s22], $0x4000  }
0x7c: {  	[sflag:s22] =	ssyncset.done $0x0  }
0x7d: {  	s13 =	rddreg [dreg:$0x16];
	[sflag:s22] =	ssyncadd.s32 $0xFFFFC000  }
0x7e: {  	[spmem:s2] =	stream.indirect.scatter.add.f32 [tilespmem:s21], [sflag:$0x4], $0x80, s13, s20, $0xb8;
	[tilespmem:$0x1D180] =	vst v63  }
0x7f: {  	_ =	swait.ge [sflag:s23], $0x4000  }
0x80: {  	[sflag:s23] =	ssyncset.done $0x0  }
0x81: {  	[sflag:s23] =	ssyncadd.s32 $0xFFFFC000  }
0x82: {  	_ =	swait.ge [sflag:s24], $0x4000  }
0x83: {  	[sflag:s24] =	ssyncset.done $0x0  }
0x84: {  	[sflag:s24] =	ssyncadd.s32 $0xFFFFC000  }
0x85: {  	[tilespmem:s16], [sflag:$0x1] =	stream.indirect.gather [hbm4b:s1+s20], $0x80, s25, s20, $0xb8;
	[tilespmem:$0x1D180] =	vst v63  }
0x86: {  	_ = 	snop  }
0x87: {  	[tilespmem:s21], [sflag:$0x2] =	stream.indirect.gather [hbm4b:s1+s20], $0x80, s26, s20, $0xb8;
	[tilespmem:$0x1D180] =	vst v63  }
0x88: {  	_ =	swait.ge [sflag:s18], $0x4000  }
0x89: {  	[sflag:s18] =	ssyncset.done $0x0  }
0x8a: {  	[sflag:s18] =	ssyncadd.s32 $0xFFFFC000  }
0x8b: {  	[spmem:s2] =	stream.indirect.scatter.add.f32 [tilespmem:s16], [sflag:$0x3], $0x80, s28, s20, $0xb8;
	[tilespmem:$0x1D180] =	vst v63  }
0x8c: {  	_ =	swait.ge [sflag:s22], $0x4000  }
0x8d: {  	[sflag:s22] =	ssyncset.done $0x0  }
0x8e: {  	[sflag:s22] =	ssyncadd.s32 $0xFFFFC000  }
0x8f: {  	[spmem:s2] =	stream.indirect.scatter.add.f32 [tilespmem:s21], [sflag:$0x4], $0x80, s29, s20, $0xb8;
	[tilespmem:$0x1D180] =	vst v63  }
0x90: {  	_ =	swait.ge [sflag:s23], $0x4000  }
0x91: {  	[sflag:s23] =	ssyncset.done $0x0  }
0x92: {  	[sflag:s23] =	ssyncadd.s32 $0xFFFFC000  }
0x93: {  	_ =	swait.ge [sflag:s24], $0x4000  }
0x94: {  	[sflag:s24] =	ssyncset.done $0x0  }
0x95: {  	[sflag:s24] =	ssyncadd.s32 $0xFFFFC000  }
0x96: {  	[tilespmem:s16], [sflag:$0x1] =	stream.indirect.gather [hbm4b:s1+s20], $0x80, s30, s20, $0xb8;
	[tilespmem:$0x1D180] =	vst v63  }
0x97: {  	_ = 	snop  }
0x98: {  	[tilespmem:s21], [sflag:$0x2] =	stream.indirect.gather [hbm4b:s1+s20], $0x80, s31, s20, $0xb8;
	[tilespmem:$0x1D180] =	vst v63  }
0x99: {  	_ =	swait.ge [sflag:s18], $0x4000  }
0x9a: {  	[sflag:s18] =	ssyncset.done $0x0  }
0x9b: {  	[sflag:s18] =	ssyncadd.s32 $0xFFFFC000  }
0x9c: {  	[spmem:s2] =	stream.indirect.scatter.add.f32 [tilespmem:s16], [sflag:$0x3], $0x80, s0, s20, $0xb8;
	[tilespmem:$0x1D180] =	vst v63  }
0x9d: {  	_ =	swait.ge [sflag:s22], $0x4000  }
0x9e: {  	[sflag:s22] =	ssyncset.done $0x0  }
0x9f: {  	[sflag:s22] =	ssyncadd.s32 $0xFFFFC000  }
0xa0: {  	[spmem:s2] =	stream.indirect.scatter.add.f32 [tilespmem:s21], [sflag:$0x4], $0x80, s14, s20, $0xb8;
	[tilespmem:$0x1D180] =	vst v63  }
0xa1: {  	_ =	swait.ge [sflag:s23], $0x4000  }
0xa2: {  	[sflag:s23] =	ssyncset.done $0x0  }
0xa3: {  	[sflag:s23] =	ssyncadd.s32 $0xFFFFC000  }
0xa4: {  	_ =	swait.ge [sflag:s24], $0x4000  }
0xa5: {  	[sflag:s24] =	ssyncset.done $0x0  }
0xa6: {  	[sflag:s24] =	ssyncadd.s32 $0xFFFFC000  }
0xa7: {  	[tilespmem:s16], [sflag:$0x1] =	stream.indirect.gather [hbm4b:s1+s20], $0x80, s4, s20, $0xb8;
	[tilespmem:$0x1D180] =	vst v63  }
0xa8: {  	_ = 	snop  }
0xa9: {  	[tilespmem:s21], [sflag:$0x2] =	stream.indirect.gather [hbm4b:s1+s20], $0x80, s5, s20, $0xb8;
	[tilespmem:$0x1D180] =	vst v63  }
0xaa: {  	_ =	swait.ge [sflag:s18], $0x4000  }
0xab: {  	[sflag:s18] =	ssyncset.done $0x0  }
0xac: {  	[sflag:s18] =	ssyncadd.s32 $0xFFFFC000  }
0xad: {  	[spmem:s2] =	stream.indirect.scatter.add.f32 [tilespmem:s16], [sflag:$0x3], $0x80, s6, s20, $0xb8;
	[tilespmem:$0x1D180] =	vst v63  }
0xae: {  	_ =	swait.ge [sflag:s22], $0x4000  }
0xaf: {  	[sflag:s22] =	ssyncset.done $0x0  }
0xb0: {  	[sflag:s22] =	ssyncadd.s32 $0xFFFFC000  }
0xb1: {  	[spmem:s2] =	stream.indirect.scatter.add.f32 [tilespmem:s21], [sflag:$0x4], $0x80, s8, s20, $0xb8;
	[tilespmem:$0x1D180] =	vst v63  }
0xb2: {  	_ =	swait.ge [sflag:s23], $0x4000  }
0xb3: {  	[sflag:s23] =	ssyncset.done $0x0  }
0xb4: {  	[sflag:s23] =	ssyncadd.s32 $0xFFFFC000  }
0xb5: {  	_ =	swait.ge [sflag:s24], $0x4000  }
0xb6: {  	[sflag:s24] =	ssyncset.done $0x0  }
0xb7: {  	[sflag:s24] =	ssyncadd.s32 $0xFFFFC000  }
.LBB2_6:
0xb8: {  	s10 =	stileid.u32  }
0xb9: {  	[bflag:$0x0] =	sbarrier.arrive $0xFFFF;
	s10 =	sshll.u32 s10, $0x6  }
0xba: {  	s11 =	sshrl.u32 s7, $0x3;
	s12 =	rddreg [dreg:$0x1d];
	s10 =	sor.u32 $0x1C05, s10  }
0xbb: {  	[hbm:s12], [sflag:s10] =	dma.local [spmem:s11], $0x2800  }
0xbc: {  	_ =	swait.ge [sflag:s15], $0x2800  }
0xbd: {  	s9 =	sadd.s32 $0x1, s9;
	s13 =	rddreg [dreg:$0x1e]  }
0xbe: {  	p0 =	sne.s32 s9, s13  }
.Ltmp1:
0xbf: {  	_ = 	snop;
	(pc) =	sbr.rel @!p0 .LBB2_7-.Ltmp1, $3  }
0xc0: {  	_ =	sdelay $0x1  }
0xc1: {  	[sflag:s15] =	ssyncset.done $0x0  }
0xc2: {  	[sflag:s15] =	ssyncadd.s32 $0xFFFFD800  }
.LBB2_1:
0xc3: {  	s10 =	rddreg [dreg:$0x18];
	s11 =	simm.s32 $0x1000  }
0xc4: {  	[tilespmem:s11], [sflag:$0x5] =	stream.linear.gather [hbm4b:s10+s3], $0x180, $0x38;
	[tilespmem:$0x1D180] =	vst v63  }
0xc5: {  	_ =	swait.ge [sflag:s15], $0x180  }
0xc6: {  	[sflag:s15] =	ssyncset.done $0x0  }
0xc7: {  	s13 =	rddreg [dreg:$0x17];
	[sflag:s15] =	ssyncadd.s32 $0xFFFFFE80  }
0xc8: {  	[tilespmem:s16], [sflag:$0x5] =	stream.linear.gather [hbm4b:s13+s3], $0x4000, $0x38;
	[tilespmem:$0x1D180] =	vst v63  }
0xc9: {  	_ =	swait.ge [sflag:s15], $0x4000  }
0xca: {  	[sflag:s15] =	ssyncset.done $0x0  }
0xcb: {  	[sflag:s15] =	ssyncadd.s32 $0xFFFFC000  }
0xcc: {  	[spmem:s7] =	stream.linear.scatter [tilespmem:s16], [sflag:$0x5], $0x4000, $0x38;
	[tilespmem:$0x1D180] =	vst v63  }
0xcd: {  	_ =	swait.ge [sflag:s15], $0x4000  }
0xce: {  	[sflag:s15] =	ssyncset.done $0x0  }
0xcf: {  	s11 =	rddreg [dreg:$0x19];
	[sflag:s15] =	ssyncadd.s32 $0xFFFFC000  }
0xd0: {  	[spmem:s11] =	stream.linear.scatter [tilespmem:s16], [sflag:$0x5], $0x4000, $0x38;
	[tilespmem:$0x1D180] =	vst v63  }
0xd1: {  	_ =	swait.ge [sflag:s15], $0x4000  }
0xd2: {  	[sflag:s15] =	ssyncset.done $0x0  }
0xd3: {  	s12 =	rddreg [dreg:$0x1a];
	[sflag:s15] =	ssyncadd.s32 $0xFFFFC000  }
0xd4: {  	[spmem:s12] =	stream.linear.scatter [tilespmem:s16], [sflag:$0x5], $0x4000, $0x38;
	[tilespmem:$0x1D180] =	vst v63  }
0xd5: {  	_ =	swait.ge [sflag:s15], $0x4000  }
0xd6: {  	[sflag:s15] =	ssyncset.done $0x0  }
0xd7: {  	s13 =	rddreg [dreg:$0x1b];
	[sflag:s15] =	ssyncadd.s32 $0xFFFFC000  }
0xd8: {  	[spmem:s13] =	stream.linear.scatter [tilespmem:s16], [sflag:$0x5], $0x4000, $0x38;
	[tilespmem:$0x1D180] =	vst v63  }
0xd9: {  	_ =	swait.ge [sflag:s15], $0x4000  }
0xda: {  	[sflag:s15] =	ssyncset.done $0x0  }
0xdb: {  	s11 =	rddreg [dreg:$0x1c];
	[sflag:s15] =	ssyncadd.s32 $0xFFFFC000  }
0xdc: {  	[spmem:s11] =	stream.linear.scatter [tilespmem:s16], [sflag:$0x5], $0x4000, $0x38;
	[tilespmem:$0x1D180] =	vst v63  }
0xdd: {  	_ =	swait.ge [sflag:s15], $0x4000  }
0xde: {  	[sflag:s15] =	ssyncset.done $0x0  }
0xdf: {  	[sflag:s15] =	ssyncadd.s32 $0xFFFFC000  }
0xe0: {  	[bflag:$0x0] =	sbarrier.arrive $0xFFFF  }
0xe1: {  	v0 =	vld [tilespmem:s17+$0x0];
	_ =	sdelay $0x4  }
0xe2: {  	(v2sf) =	vpush v0, $0x1;
	_ =	sdelay $0xe  }
0xe3: {  	s10 =	spop (v2sf)  }
0xe4: {  	s12 =	sand.u32 $0xF, s10  }
0xe5: {  	s13 =	sshra.s32 s10, $0x1F;
	p1 =	slt.s32 s10, $0x1;
	p0 =	sne.s32 s12, $0x0  }
0xe6: {  	s11 =	sshrl.u32 s13, $0x1C;
	p0 =	por !p1, !p0  }
0xe7: {  	s10 =	sadd.s32 s11, s10;
	s11 =	simm.s32 $0x1;
	p0 =	por !p0, !p0  }
0xe8: {  	s10 =	sshra.s32 s10, $0x4;
	s11 =	simm.s32 @!p0 $0x0  }
0xe9: {  	s11 =	ssub.s32 s10, s11  }
0xea: {  	p0 =	slt.s32 s11, $0x1  }
.Ltmp2:
0xeb: {  	_ = 	snop;
	(pc) =	sbr.rel @p0 .LBB2_6-.Ltmp2, $1  }
0xec: {  	_ =	sdelay $0x3  }
0xed: {  	(v2sf) =	vpush v0, $0x0;
	_ =	sdelay $0xa  }
0xee: {  	p1 =	sne.s32 s11, $0x1  }
.Ltmp3:
0xef: {  	_ = 	snop;
	(pc) =	sbr.rel @!p1 .LBB2_5-.Ltmp3, $3  }
0xf0: {  	_ =	sdelay $0x1  }
0xf1: {  	s11 =	sadd.s32 $0xFFFFFFFF, s11;
	s10 =	spop (v2sf)  }
0xf2: {  	s12 =	rddreg [dreg:$0x4];
	p0 =	por $0x0, $0x0;
	s10 =	sshll.u32 s10, $0x7  }
0xf3: {  	s13 =	sshrl.u32 s10, $0x3  }
0xf4: {  	s13 =	sand.u32 $0x1FFFFF80, s13  }
0xf5: {  	s12 =	sadd.s32 s12, s13  }
0xf6: {  	[tilespmem:s3], [sflag:$0x5] =	stream.linear.gather [hbm4b:s12+s3], $0x800, $0x38;
	[tilespmem:$0x1D180] =	vst v63  }
0xf7: {  	_ =	swait.ge [sflag:s15], $0x800  }
0xf8: {  	s12 =	rddreg [dreg:$0x5];
	[sflag:s15] =	ssyncset.done $0x0  }
0xf9: {  	[sflag:s15] =	ssyncadd.s32 $0xFFFFF800;
	s12 =	sadd.s32 s12, s13  }
0xfa: {  	[tilespmem:s19], [sflag:$0x5] =	stream.linear.gather [hbm4b:s12+s3], $0x800, $0x38;
	[tilespmem:$0x1D180] =	vst v63  }
0xfb: {  	_ =	swait.ge [sflag:s15], $0x800  }
0xfc: {  	[sflag:s15] =	ssyncset.done $0x0  }
0xfd: {  	[sflag:s15] =	ssyncadd.s32 $0xFFFFF800  }
0xfe: {  	[tilespmem:s16], [sflag:$0x1] =	stream.indirect.gather [hbm4b:s1+s20], $0x80, s3, s20, $0xb8;
	[tilespmem:$0x1D180] =	vst v63  }
0xff: {  	_ = 	snop  }
0x100: {  	[tilespmem:s21], [sflag:$0x2] =	stream.indirect.gather [hbm4b:s1+s20], $0x80, s20, s20, $0xb8;
	[tilespmem:$0x1D180] =	vst v63  }
0x101: {  	_ =	swait.ge [sflag:s18], $0x4000  }
0x102: {  	[sflag:s18] =	ssyncset.done $0x0  }
0x103: {  	[sflag:s18] =	ssyncadd.s32 $0xFFFFC000  }
0x104: {  	[spmem:s2] =	stream.indirect.scatter.add.f32 [tilespmem:s16], [sflag:$0x3], $0x80, s19, s20, $0xb8;
	[tilespmem:$0x1D180] =	vst v63  }
0x105: {  	_ =	swait.ge [sflag:s22], $0x4000  }
0x106: {  	[sflag:s22] =	ssyncset.done $0x0  }
0x107: {  	s13 =	rddreg [dreg:$0x6];
	[sflag:s22] =	ssyncadd.s32 $0xFFFFC000  }
0x108: {  	[spmem:s2] =	stream.indirect.scatter.add.f32 [tilespmem:s21], [sflag:$0x4], $0x80, s13, s20, $0xb8;
	[tilespmem:$0x1D180] =	vst v63  }
0x109: {  	_ =	swait.ge [sflag:s23], $0x4000  }
0x10a: {  	[sflag:s23] =	ssyncset.done $0x0  }
0x10b: {  	[sflag:s23] =	ssyncadd.s32 $0xFFFFC000  }
0x10c: {  	_ =	swait.ge [sflag:s24], $0x4000  }
0x10d: {  	[sflag:s24] =	ssyncset.done $0x0  }
0x10e: {  	s12 =	rddreg [dreg:$0x7];
	[sflag:s24] =	ssyncadd.s32 $0xFFFFC000  }
0x10f: {  	[tilespmem:s16], [sflag:$0x1] =	stream.indirect.gather [hbm4b:s1+s20], $0x80, s12, s20, $0xb8;
	[tilespmem:$0x1D180] =	vst v63  }
0x110: {  	s13 =	rddreg [dreg:$0x8]  }
0x111: {  	[tilespmem:s21], [sflag:$0x2] =	stream.indirect.gather [hbm4b:s1+s20], $0x80, s13, s20, $0xb8;
	[tilespmem:$0x1D180] =	vst v63  }
0x112: {  	_ =	swait.ge [sflag:s18], $0x4000  }
0x113: {  	[sflag:s18] =	ssyncset.done $0x0  }
0x114: {  	s13 =	rddreg [dreg:$0x9];
	[sflag:s18] =	ssyncadd.s32 $0xFFFFC000  }
0x115: {  	[spmem:s2] =	stream.indirect.scatter.add.f32 [tilespmem:s16], [sflag:$0x3], $0x80, s13, s20, $0xb8;
	[tilespmem:$0x1D180] =	vst v63  }
0x116: {  	_ =	swait.ge [sflag:s22], $0x4000  }
0x117: {  	[sflag:s22] =	ssyncset.done $0x0  }
0x118: {  	s13 =	rddreg [dreg:$0xa];
	[sflag:s22] =	ssyncadd.s32 $0xFFFFC000  }
0x119: {  	[spmem:s2] =	stream.indirect.scatter.add.f32 [tilespmem:s21], [sflag:$0x4], $0x80, s13, s20, $0xb8;
	[tilespmem:$0x1D180] =	vst v63  }
0x11a: {  	_ =	swait.ge [sflag:s23], $0x4000  }
0x11b: {  	[sflag:s23] =	ssyncset.done $0x0  }
0x11c: {  	[sflag:s23] =	ssyncadd.s32 $0xFFFFC000  }
0x11d: {  	_ =	swait.ge [sflag:s24], $0x4000  }
0x11e: {  	[sflag:s24] =	ssyncset.done $0x0  }
0x11f: {  	s12 =	rddreg [dreg:$0xb];
	[sflag:s24] =	ssyncadd.s32 $0xFFFFC000  }
0x120: {  	[tilespmem:s16], [sflag:$0x1] =	stream.indirect.gather [hbm4b:s1+s20], $0x80, s12, s20, $0xb8;
	[tilespmem:$0x1D180] =	vst v63  }
0x121: {  	s13 =	rddreg [dreg:$0xc]  }
0x122: {  	[tilespmem:s21], [sflag:$0x2] =	stream.indirect.gather [hbm4b:s1+s20], $0x80, s13, s20, $0xb8;
	[tilespmem:$0x1D180] =	vst v63  }
0x123: {  	_ =	swait.ge [sflag:s18], $0x4000  }
0x124: {  	[sflag:s18] =	ssyncset.done $0x0  }
0x125: {  	s13 =	rddreg [dreg:$0xd];
	[sflag:s18] =	ssyncadd.s32 $0xFFFFC000  }
0x126: {  	[spmem:s2] =	stream.indirect.scatter.add.f32 [tilespmem:s16], [sflag:$0x3], $0x80, s13, s20, $0xb8;
	[tilespmem:$0x1D180] =	vst v63  }
0x127: {  	_ =	swait.ge [sflag:s22], $0x4000  }
0x128: {  	[sflag:s22] =	ssyncset.done $0x0  }
0x129: {  	s13 =	rddreg [dreg:$0xe];
	[sflag:s22] =	ssyncadd.s32 $0xFFFFC000  }
0x12a: {  	[spmem:s2] =	stream.indirect.scatter.add.f32 [tilespmem:s21], [sflag:$0x4], $0x80, s13, s20, $0xb8;
	[tilespmem:$0x1D180] =	vst v63  }
0x12b: {  	_ =	swait.ge [sflag:s23], $0x4000  }
0x12c: {  	[sflag:s23] =	ssyncset.done $0x0  }
0x12d: {  	[sflag:s23] =	ssyncadd.s32 $0xFFFFC000  }
0x12e: {  	_ =	swait.ge [sflag:s24], $0x4000  }
0x12f: {  	[sflag:s24] =	ssyncset.done $0x0  }
0x130: {  	s12 =	rddreg [dreg:$0xf];
	[sflag:s24] =	ssyncadd.s32 $0xFFFFC000  }
0x131: {  	[tilespmem:s16], [sflag:$0x1] =	stream.indirect.gather [hbm4b:s1+s20], $0x80, s12, s20, $0xb8;
	[tilespmem:$0x1D180] =	vst v63  }
0x132: {  	s13 =	rddreg [dreg:$0x10]  }
0x133: {  	[tilespmem:s21], [sflag:$0x2] =	stream.indirect.gather [hbm4b:s1+s20], $0x80, s13, s20, $0xb8;
	[tilespmem:$0x1D180] =	vst v63  }
0x134: {  	_ =	swait.ge [sflag:s18], $0x4000  }
0x135: {  	[sflag:s18] =	ssyncset.done $0x0  }
0x136: {  	s13 =	rddreg [dreg:$0x11];
	[sflag:s18] =	ssyncadd.s32 $0xFFFFC000  }
0x137: {  	[spmem:s2] =	stream.indirect.scatter.add.f32 [tilespmem:s16], [sflag:$0x3], $0x80, s13, s20, $0xb8;
	[tilespmem:$0x1D180] =	vst v63  }
0x138: {  	_ =	swait.ge [sflag:s22], $0x4000  }
0x139: {  	[sflag:s22] =	ssyncset.done $0x0  }
0x13a: {  	s13 =	rddreg [dreg:$0x12];
	[sflag:s22] =	ssyncadd.s32 $0xFFFFC000  }
0x13b: {  	[spmem:s2] =	stream.indirect.scatter.add.f32 [tilespmem:s21], [sflag:$0x4], $0x80, s13, s20, $0xb8;
	[tilespmem:$0x1D180] =	vst v63  }
0x13c: {  	_ =	swait.ge [sflag:s23], $0x4000  }
0x13d: {  	[sflag:s23] =	ssyncset.done $0x0  }
0x13e: {  	[sflag:s23] =	ssyncadd.s32 $0xFFFFC000  }
0x13f: {  	_ =	swait.ge [sflag:s24], $0x4000  }
0x140: {  	[sflag:s24] =	ssyncset.done $0x0  }
0x141: {  	s12 =	rddreg [dreg:$0x13];
	[sflag:s24] =	ssyncadd.s32 $0xFFFFC000  }
0x142: {  	[tilespmem:s16], [sflag:$0x1] =	stream.indirect.gather [hbm4b:s1+s20], $0x80, s12, s20, $0xb8;
	[tilespmem:$0x1D180] =	vst v63  }
0x143: {  	s13 =	rddreg [dreg:$0x14]  }
0x144: {  	[tilespmem:s21], [sflag:$0x2] =	stream.indirect.gather [hbm4b:s1+s20], $0x80, s13, s20, $0xb8;
	[tilespmem:$0x1D180] =	vst v63  }
0x145: {  	_ =	swait.ge [sflag:s18], $0x4000  }
0x146: {  	[sflag:s18] =	ssyncset.done $0x0  }
0x147: {  	s13 =	rddreg [dreg:$0x15];
	[sflag:s18] =	ssyncadd.s32 $0xFFFFC000  }
0x148: {  	[spmem:s2] =	stream.indirect.scatter.add.f32 [tilespmem:s16], [sflag:$0x3], $0x80, s13, s20, $0xb8;
	[tilespmem:$0x1D180] =	vst v63  }
0x149: {  	_ =	swait.ge [sflag:s22], $0x4000  }
0x14a: {  	[sflag:s22] =	ssyncset.done $0x0  }
0x14b: {  	s13 =	rddreg [dreg:$0x16];
	[sflag:s22] =	ssyncadd.s32 $0xFFFFC000  }
0x14c: {  	[spmem:s2] =	stream.indirect.scatter.add.f32 [tilespmem:s21], [sflag:$0x4], $0x80, s13, s20, $0xb8;
	[tilespmem:$0x1D180] =	vst v63  }
0x14d: {  	_ =	swait.ge [sflag:s23], $0x4000  }
0x14e: {  	[sflag:s23] =	ssyncset.done $0x0  }
0x14f: {  	[sflag:s23] =	ssyncadd.s32 $0xFFFFC000  }
0x150: {  	_ =	swait.ge [sflag:s24], $0x4000  }
0x151: {  	[sflag:s24] =	ssyncset.done $0x0  }
0x152: {  	[sflag:s24] =	ssyncadd.s32 $0xFFFFC000  }
0x153: {  	[tilespmem:s16], [sflag:$0x1] =	stream.indirect.gather [hbm4b:s1+s20], $0x80, s25, s20, $0xb8;
	[tilespmem:$0x1D180] =	vst v63  }
0x154: {  	_ = 	snop  }
0x155: {  	[tilespmem:s21], [sflag:$0x2] =	stream.indirect.gather [hbm4b:s1+s20], $0x80, s26, s20, $0xb8;
	[tilespmem:$0x1D180] =	vst v63  }
0x156: {  	_ =	swait.ge [sflag:s18], $0x4000  }
0x157: {  	[sflag:s18] =	ssyncset.done $0x0  }
0x158: {  	[sflag:s18] =	ssyncadd.s32 $0xFFFFC000  }
0x159: {  	[spmem:s2] =	stream.indirect.scatter.add.f32 [tilespmem:s16], [sflag:$0x3], $0x80, s28, s20, $0xb8;
	[tilespmem:$0x1D180] =	vst v63  }
0x15a: {  	_ =	swait.ge [sflag:s22], $0x4000  }
0x15b: {  	[sflag:s22] =	ssyncset.done $0x0  }
0x15c: {  	[sflag:s22] =	ssyncadd.s32 $0xFFFFC000  }
0x15d: {  	[spmem:s2] =	stream.indirect.scatter.add.f32 [tilespmem:s21], [sflag:$0x4], $0x80, s29, s20, $0xb8;
	[tilespmem:$0x1D180] =	vst v63  }
0x15e: {  	_ =	swait.ge [sflag:s23], $0x4000  }
0x15f: {  	[sflag:s23] =	ssyncset.done $0x0  }
0x160: {  	[sflag:s23] =	ssyncadd.s32 $0xFFFFC000  }
0x161: {  	_ =	swait.ge [sflag:s24], $0x4000  }
0x162: {  	[sflag:s24] =	ssyncset.done $0x0  }
0x163: {  	[sflag:s24] =	ssyncadd.s32 $0xFFFFC000  }
0x164: {  	[tilespmem:s16], [sflag:$0x1] =	stream.indirect.gather [hbm4b:s1+s20], $0x80, s30, s20, $0xb8;
	[tilespmem:$0x1D180] =	vst v63  }
0x165: {  	_ = 	snop  }
0x166: {  	[tilespmem:s21], [sflag:$0x2] =	stream.indirect.gather [hbm4b:s1+s20], $0x80, s31, s20, $0xb8;
	[tilespmem:$0x1D180] =	vst v63  }
0x167: {  	_ =	swait.ge [sflag:s18], $0x4000  }
0x168: {  	[sflag:s18] =	ssyncset.done $0x0  }
0x169: {  	[sflag:s18] =	ssyncadd.s32 $0xFFFFC000  }
0x16a: {  	[spmem:s2] =	stream.indirect.scatter.add.f32 [tilespmem:s16], [sflag:$0x3], $0x80, s0, s20, $0xb8;
	[tilespmem:$0x1D180] =	vst v63  }
0x16b: {  	_ =	swait.ge [sflag:s22], $0x4000  }
0x16c: {  	[sflag:s22] =	ssyncset.done $0x0  }
0x16d: {  	[sflag:s22] =	ssyncadd.s32 $0xFFFFC000  }
0x16e: {  	[spmem:s2] =	stream.indirect.scatter.add.f32 [tilespmem:s21], [sflag:$0x4], $0x80, s14, s20, $0xb8;
	[tilespmem:$0x1D180] =	vst v63  }
0x16f: {  	_ =	swait.ge [sflag:s23], $0x4000  }
0x170: {  	[sflag:s23] =	ssyncset.done $0x0  }
0x171: {  	[sflag:s23] =	ssyncadd.s32 $0xFFFFC000  }
0x172: {  	_ =	swait.ge [sflag:s24], $0x4000  }
0x173: {  	[sflag:s24] =	ssyncset.done $0x0  }
0x174: {  	[sflag:s24] =	ssyncadd.s32 $0xFFFFC000  }
0x175: {  	[tilespmem:s16], [sflag:$0x1] =	stream.indirect.gather [hbm4b:s1+s20], $0x80, s4, s20, $0xb8;
	[tilespmem:$0x1D180] =	vst v63  }
0x176: {  	_ = 	snop  }
0x177: {  	[tilespmem:s21], [sflag:$0x2] =	stream.indirect.gather [hbm4b:s1+s20], $0x80, s5, s20, $0xb8;
	[tilespmem:$0x1D180] =	vst v63  }
0x178: {  	_ =	swait.ge [sflag:s18], $0x4000  }
0x179: {  	[sflag:s18] =	ssyncset.done $0x0  }
0x17a: {  	[sflag:s18] =	ssyncadd.s32 $0xFFFFC000  }
0x17b: {  	[spmem:s2] =	stream.indirect.scatter.add.f32 [tilespmem:s16], [sflag:$0x3], $0x80, s6, s20, $0xb8;
	[tilespmem:$0x1D180] =	vst v63  }
0x17c: {  	_ =	swait.ge [sflag:s22], $0x4000  }
0x17d: {  	[sflag:s22] =	ssyncset.done $0x0  }
0x17e: {  	p1 =	sne.s32 s11, $0x1;
	[sflag:s22] =	ssyncadd.s32 $0xFFFFC000  }
0x17f: {  	[spmem:s2] =	stream.indirect.scatter.add.f32 [tilespmem:s21], [sflag:$0x4], $0x80, s8, s20, $0xb8;
	[tilespmem:$0x1D180] =	vst v63  }
.Ltmp4:
0x180: {  	_ =	swait.ge [sflag:s23], $0x4000;
	(pc) =	sbr.rel @!p1 .LBB2_5-.Ltmp4, $4  }
0x181: {  	[sflag:s23] =	ssyncset.done $0x0  }
0x182: {  	[sflag:s23] =	ssyncadd.s32 $0xFFFFC000  }
0x183: {  	s11 =	sadd.s32 $0xFFFFFFFF, s11;
	s10 =	sadd.s32 $0x800, s10;
	_ =	swait.ge [sflag:s24], $0x4000  }
0x184: {  	p0 =	por $0x1, $0x1;
	s12 =	rddreg [dreg:$0x4];
	[sflag:s24] =	ssyncset.done $0x0  }
.LBB2_4:
0x185: {  	s13 =	sshrl.u32 s10, $0x3  }
0x186: {  	s13 =	sand.u32 $0x1FFFFF80, s13  }
0x187: {  	[sflag:s24] =	ssyncadd.s32 $0xFFFFC000;
	s12 =	sadd.s32 s12, s13  }
0x188: {  	[tilespmem:s3], [sflag:$0x5] =	stream.linear.gather [hbm4b:s12+s3], $0x800, $0x38;
	[tilespmem:$0x1D180] =	vst v63  }
0x189: {  	_ =	swait.ge [sflag:s15], $0x800  }
0x18a: {  	s12 =	rddreg [dreg:$0x5];
	[sflag:s15] =	ssyncset.done $0x0  }
0x18b: {  	[sflag:s15] =	ssyncadd.s32 $0xFFFFF800;
	s12 =	sadd.s32 s12, s13  }
0x18c: {  	[tilespmem:s19], [sflag:$0x5] =	stream.linear.gather [hbm4b:s12+s3], $0x800, $0x38;
	[tilespmem:$0x1D180] =	vst v63  }
0x18d: {  	_ =	swait.ge [sflag:s15], $0x800  }
0x18e: {  	[sflag:s15] =	ssyncset.done $0x0  }
0x18f: {  	[sflag:s15] =	ssyncadd.s32 $0xFFFFF800  }
0x190: {  	[tilespmem:s16], [sflag:$0x1] =	stream.indirect.gather [hbm4b:s1+s20], $0x80, s3, s20, $0xb8;
	[tilespmem:$0x1D180] =	vst v63  }
0x191: {  	_ = 	snop  }
0x192: {  	[tilespmem:s21], [sflag:$0x2] =	stream.indirect.gather [hbm4b:s1+s20], $0x80, s20, s20, $0xb8;
	[tilespmem:$0x1D180] =	vst v63  }
0x193: {  	_ =	swait.ge [sflag:s18], $0x4000  }
0x194: {  	[sflag:s18] =	ssyncset.done $0x0  }
0x195: {  	[sflag:s18] =	ssyncadd.s32 $0xFFFFC000  }
0x196: {  	[spmem:s2] =	stream.indirect.scatter.add.f32 [tilespmem:s16], [sflag:$0x3], $0x80, s19, s20, $0xb8;
	[tilespmem:$0x1D180] =	vst v63  }
0x197: {  	_ =	swait.ge [sflag:s22], $0x4000  }
0x198: {  	[sflag:s22] =	ssyncset.done $0x0  }
0x199: {  	s13 =	rddreg [dreg:$0x6];
	[sflag:s22] =	ssyncadd.s32 $0xFFFFC000  }
0x19a: {  	[spmem:s2] =	stream.indirect.scatter.add.f32 [tilespmem:s21], [sflag:$0x4], $0x80, s13, s20, $0xb8;
	[tilespmem:$0x1D180] =	vst v63  }
0x19b: {  	_ =	swait.ge [sflag:s23], $0x4000  }
0x19c: {  	[sflag:s23] =	ssyncset.done $0x0  }
0x19d: {  	[sflag:s23] =	ssyncadd.s32 $0xFFFFC000  }
0x19e: {  	_ =	swait.ge [sflag:s24], $0x4000  }
0x19f: {  	[sflag:s24] =	ssyncset.done $0x0  }
0x1a0: {  	s12 =	rddreg [dreg:$0x7];
	[sflag:s24] =	ssyncadd.s32 $0xFFFFC000  }
0x1a1: {  	[tilespmem:s16], [sflag:$0x1] =	stream.indirect.gather [hbm4b:s1+s20], $0x80, s12, s20, $0xb8;
	[tilespmem:$0x1D180] =	vst v63  }
0x1a2: {  	s13 =	rddreg [dreg:$0x8]  }
0x1a3: {  	[tilespmem:s21], [sflag:$0x2] =	stream.indirect.gather [hbm4b:s1+s20], $0x80, s13, s20, $0xb8;
	[tilespmem:$0x1D180] =	vst v63  }
0x1a4: {  	_ =	swait.ge [sflag:s18], $0x4000  }
0x1a5: {  	[sflag:s18] =	ssyncset.done $0x0  }
0x1a6: {  	s13 =	rddreg [dreg:$0x9];
	[sflag:s18] =	ssyncadd.s32 $0xFFFFC000  }
0x1a7: {  	[spmem:s2] =	stream.indirect.scatter.add.f32 [tilespmem:s16], [sflag:$0x3], $0x80, s13, s20, $0xb8;
	[tilespmem:$0x1D180] =	vst v63  }
0x1a8: {  	_ =	swait.ge [sflag:s22], $0x4000  }
0x1a9: {  	[sflag:s22] =	ssyncset.done $0x0  }
0x1aa: {  	s13 =	rddreg [dreg:$0xa];
	[sflag:s22] =	ssyncadd.s32 $0xFFFFC000  }
0x1ab: {  	[spmem:s2] =	stream.indirect.scatter.add.f32 [tilespmem:s21], [sflag:$0x4], $0x80, s13, s20, $0xb8;
	[tilespmem:$0x1D180] =	vst v63  }
0x1ac: {  	_ =	swait.ge [sflag:s23], $0x4000  }
0x1ad: {  	[sflag:s23] =	ssyncset.done $0x0  }
0x1ae: {  	[sflag:s23] =	ssyncadd.s32 $0xFFFFC000  }
0x1af: {  	_ =	swait.ge [sflag:s24], $0x4000  }
0x1b0: {  	[sflag:s24] =	ssyncset.done $0x0  }
0x1b1: {  	s12 =	rddreg [dreg:$0xb];
	[sflag:s24] =	ssyncadd.s32 $0xFFFFC000  }
0x1b2: {  	[tilespmem:s16], [sflag:$0x1] =	stream.indirect.gather [hbm4b:s1+s20], $0x80, s12, s20, $0xb8;
	[tilespmem:$0x1D180] =	vst v63  }
0x1b3: {  	s13 =	rddreg [dreg:$0xc]  }
0x1b4: {  	[tilespmem:s21], [sflag:$0x2] =	stream.indirect.gather [hbm4b:s1+s20], $0x80, s13, s20, $0xb8;
	[tilespmem:$0x1D180] =	vst v63  }
0x1b5: {  	_ =	swait.ge [sflag:s18], $0x4000  }
0x1b6: {  	[sflag:s18] =	ssyncset.done $0x0  }
0x1b7: {  	s13 =	rddreg [dreg:$0xd];
	[sflag:s18] =	ssyncadd.s32 $0xFFFFC000  }
0x1b8: {  	[spmem:s2] =	stream.indirect.scatter.add.f32 [tilespmem:s16], [sflag:$0x3], $0x80, s13, s20, $0xb8;
	[tilespmem:$0x1D180] =	vst v63  }
0x1b9: {  	_ =	swait.ge [sflag:s22], $0x4000  }
0x1ba: {  	[sflag:s22] =	ssyncset.done $0x0  }
0x1bb: {  	s13 =	rddreg [dreg:$0xe];
	[sflag:s22] =	ssyncadd.s32 $0xFFFFC000  }
0x1bc: {  	[spmem:s2] =	stream.indirect.scatter.add.f32 [tilespmem:s21], [sflag:$0x4], $0x80, s13, s20, $0xb8;
	[tilespmem:$0x1D180] =	vst v63  }
0x1bd: {  	_ =	swait.ge [sflag:s23], $0x4000  }
0x1be: {  	[sflag:s23] =	ssyncset.done $0x0  }
0x1bf: {  	[sflag:s23] =	ssyncadd.s32 $0xFFFFC000  }
0x1c0: {  	_ =	swait.ge [sflag:s24], $0x4000  }
0x1c1: {  	[sflag:s24] =	ssyncset.done $0x0  }
0x1c2: {  	s12 =	rddreg [dreg:$0xf];
	[sflag:s24] =	ssyncadd.s32 $0xFFFFC000  }
0x1c3: {  	[tilespmem:s16], [sflag:$0x1] =	stream.indirect.gather [hbm4b:s1+s20], $0x80, s12, s20, $0xb8;
	[tilespmem:$0x1D180] =	vst v63  }
0x1c4: {  	s13 =	rddreg [dreg:$0x10]  }
0x1c5: {  	[tilespmem:s21], [sflag:$0x2] =	stream.indirect.gather [hbm4b:s1+s20], $0x80, s13, s20, $0xb8;
	[tilespmem:$0x1D180] =	vst v63  }
0x1c6: {  	_ =	swait.ge [sflag:s18], $0x4000  }
0x1c7: {  	[sflag:s18] =	ssyncset.done $0x0  }
0x1c8: {  	s13 =	rddreg [dreg:$0x11];
	[sflag:s18] =	ssyncadd.s32 $0xFFFFC000  }
0x1c9: {  	[spmem:s2] =	stream.indirect.scatter.add.f32 [tilespmem:s16], [sflag:$0x3], $0x80, s13, s20, $0xb8;
	[tilespmem:$0x1D180] =	vst v63  }
0x1ca: {  	_ =	swait.ge [sflag:s22], $0x4000  }
0x1cb: {  	[sflag:s22] =	ssyncset.done $0x0  }
0x1cc: {  	s13 =	rddreg [dreg:$0x12];
	[sflag:s22] =	ssyncadd.s32 $0xFFFFC000  }
0x1cd: {  	[spmem:s2] =	stream.indirect.scatter.add.f32 [tilespmem:s21], [sflag:$0x4], $0x80, s13, s20, $0xb8;
	[tilespmem:$0x1D180] =	vst v63  }
0x1ce: {  	_ =	swait.ge [sflag:s23], $0x4000  }
0x1cf: {  	[sflag:s23] =	ssyncset.done $0x0  }
0x1d0: {  	[sflag:s23] =	ssyncadd.s32 $0xFFFFC000  }
0x1d1: {  	_ =	swait.ge [sflag:s24], $0x4000  }
0x1d2: {  	[sflag:s24] =	ssyncset.done $0x0  }
0x1d3: {  	s12 =	rddreg [dreg:$0x13];
	[sflag:s24] =	ssyncadd.s32 $0xFFFFC000  }
0x1d4: {  	[tilespmem:s16], [sflag:$0x1] =	stream.indirect.gather [hbm4b:s1+s20], $0x80, s12, s20, $0xb8;
	[tilespmem:$0x1D180] =	vst v63  }
0x1d5: {  	s13 =	rddreg [dreg:$0x14]  }
0x1d6: {  	[tilespmem:s21], [sflag:$0x2] =	stream.indirect.gather [hbm4b:s1+s20], $0x80, s13, s20, $0xb8;
	[tilespmem:$0x1D180] =	vst v63  }
0x1d7: {  	_ =	swait.ge [sflag:s18], $0x4000  }
0x1d8: {  	[sflag:s18] =	ssyncset.done $0x0  }
0x1d9: {  	s13 =	rddreg [dreg:$0x15];
	[sflag:s18] =	ssyncadd.s32 $0xFFFFC000  }
0x1da: {  	[spmem:s2] =	stream.indirect.scatter.add.f32 [tilespmem:s16], [sflag:$0x3], $0x80, s13, s20, $0xb8;
	[tilespmem:$0x1D180] =	vst v63  }
0x1db: {  	_ =	swait.ge [sflag:s22], $0x4000  }
0x1dc: {  	[sflag:s22] =	ssyncset.done $0x0  }
0x1dd: {  	s13 =	rddreg [dreg:$0x16];
	[sflag:s22] =	ssyncadd.s32 $0xFFFFC000  }
0x1de: {  	[spmem:s2] =	stream.indirect.scatter.add.f32 [tilespmem:s21], [sflag:$0x4], $0x80, s13, s20, $0xb8;
	[tilespmem:$0x1D180] =	vst v63  }
0x1df: {  	_ =	swait.ge [sflag:s23], $0x4000  }
0x1e0: {  	[sflag:s23] =	ssyncset.done $0x0  }
0x1e1: {  	[sflag:s23] =	ssyncadd.s32 $0xFFFFC000  }
0x1e2: {  	_ =	swait.ge [sflag:s24], $0x4000  }
0x1e3: {  	[sflag:s24] =	ssyncset.done $0x0  }
0x1e4: {  	[sflag:s24] =	ssyncadd.s32 $0xFFFFC000  }
0x1e5: {  	[tilespmem:s16], [sflag:$0x1] =	stream.indirect.gather [hbm4b:s1+s20], $0x80, s25, s20, $0xb8;
	[tilespmem:$0x1D180] =	vst v63  }
0x1e6: {  	_ = 	snop  }
0x1e7: {  	[tilespmem:s21], [sflag:$0x2] =	stream.indirect.gather [hbm4b:s1+s20], $0x80, s26, s20, $0xb8;
	[tilespmem:$0x1D180] =	vst v63  }
0x1e8: {  	_ =	swait.ge [sflag:s18], $0x4000  }
0x1e9: {  	[sflag:s18] =	ssyncset.done $0x0  }
0x1ea: {  	[sflag:s18] =	ssyncadd.s32 $0xFFFFC000  }
0x1eb: {  	[spmem:s2] =	stream.indirect.scatter.add.f32 [tilespmem:s16], [sflag:$0x3], $0x80, s28, s20, $0xb8;
	[tilespmem:$0x1D180] =	vst v63  }
0x1ec: {  	_ =	swait.ge [sflag:s22], $0x4000  }
0x1ed: {  	[sflag:s22] =	ssyncset.done $0x0  }
0x1ee: {  	[sflag:s22] =	ssyncadd.s32 $0xFFFFC000  }
0x1ef: {  	[spmem:s2] =	stream.indirect.scatter.add.f32 [tilespmem:s21], [sflag:$0x4], $0x80, s29, s20, $0xb8;
	[tilespmem:$0x1D180] =	vst v63  }
0x1f0: {  	_ =	swait.ge [sflag:s23], $0x4000  }
0x1f1: {  	[sflag:s23] =	ssyncset.done $0x0  }
0x1f2: {  	[sflag:s23] =	ssyncadd.s32 $0xFFFFC000  }
0x1f3: {  	_ =	swait.ge [sflag:s24], $0x4000  }
0x1f4: {  	[sflag:s24] =	ssyncset.done $0x0  }
0x1f5: {  	[sflag:s24] =	ssyncadd.s32 $0xFFFFC000  }
0x1f6: {  	[tilespmem:s16], [sflag:$0x1] =	stream.indirect.gather [hbm4b:s1+s20], $0x80, s30, s20, $0xb8;
	[tilespmem:$0x1D180] =	vst v63  }
0x1f7: {  	_ = 	snop  }
0x1f8: {  	[tilespmem:s21], [sflag:$0x2] =	stream.indirect.gather [hbm4b:s1+s20], $0x80, s31, s20, $0xb8;
	[tilespmem:$0x1D180] =	vst v63  }
0x1f9: {  	_ =	swait.ge [sflag:s18], $0x4000  }
0x1fa: {  	[sflag:s18] =	ssyncset.done $0x0  }
0x1fb: {  	[sflag:s18] =	ssyncadd.s32 $0xFFFFC000  }
0x1fc: {  	[spmem:s2] =	stream.indirect.scatter.add.f32 [tilespmem:s16], [sflag:$0x3], $0x80, s0, s20, $0xb8;
	[tilespmem:$0x1D180] =	vst v63  }
0x1fd: {  	_ =	swait.ge [sflag:s22], $0x4000  }
0x1fe: {  	[sflag:s22] =	ssyncset.done $0x0  }
0x1ff: {  	[sflag:s22] =	ssyncadd.s32 $0xFFFFC000  }
0x200: {  	[spmem:s2] =	stream.indirect.scatter.add.f32 [tilespmem:s21], [sflag:$0x4], $0x80, s14, s20, $0xb8;
	[tilespmem:$0x1D180] =	vst v63  }
0x201: {  	_ =	swait.ge [sflag:s23], $0x4000  }
0x202: {  	[sflag:s23] =	ssyncset.done $0x0  }
0x203: {  	[sflag:s23] =	ssyncadd.s32 $0xFFFFC000  }
0x204: {  	_ =	swait.ge [sflag:s24], $0x4000  }
0x205: {  	[sflag:s24] =	ssyncset.done $0x0  }
0x206: {  	[sflag:s24] =	ssyncadd.s32 $0xFFFFC000  }
0x207: {  	[tilespmem:s16], [sflag:$0x1] =	stream.indirect.gather [hbm4b:s1+s20], $0x80, s4, s20, $0xb8;
	[tilespmem:$0x1D180] =	vst v63  }
0x208: {  	_ = 	snop  }
0x209: {  	[tilespmem:s21], [sflag:$0x2] =	stream.indirect.gather [hbm4b:s1+s20], $0x80, s5, s20, $0xb8;
	[tilespmem:$0x1D180] =	vst v63  }
0x20a: {  	_ =	swait.ge [sflag:s18], $0x4000  }
0x20b: {  	[sflag:s18] =	ssyncset.done $0x0  }
0x20c: {  	[sflag:s18] =	ssyncadd.s32 $0xFFFFC000  }
0x20d: {  	[spmem:s2] =	stream.indirect.scatter.add.f32 [tilespmem:s16], [sflag:$0x3], $0x80, s6, s20, $0xb8;
	[tilespmem:$0x1D180] =	vst v63  }
0x20e: {  	_ =	swait.ge [sflag:s22], $0x4000  }
0x20f: {  	[sflag:s22] =	ssyncset.done $0x0  }
0x210: {  	p1 =	sne.s32 s11, $0x1;
	[sflag:s22] =	ssyncadd.s32 $0xFFFFC000  }
0x211: {  	[spmem:s2] =	stream.indirect.scatter.add.f32 [tilespmem:s21], [sflag:$0x4], $0x80, s8, s20, $0xb8;
	[tilespmem:$0x1D180] =	vst v63  }
.Ltmp5:
0x212: {  	_ =	swait.ge [sflag:s23], $0x4000;
	(pc) =	sbr.rel @p1 .LBB2_4-.Ltmp5, $4  }
0x213: {  	[sflag:s23] =	ssyncset.done $0x0  }
0x214: {  	[sflag:s23] =	ssyncadd.s32 $0xFFFFC000  }
0x215: {  	s11 =	sadd.s32 $0xFFFFFFFF, s11;
	_ =	swait.ge [sflag:s24], $0x4000  }
0x216: {  	s10 =	sadd.s32 $0x800, s10;
	s12 =	rddreg [dreg:$0x4];
	[sflag:s24] =	ssyncset.done $0x0  }
.Ltmp6:
0x217: {  	_ = 	snop;
	(pc) =	sbr.rel .LBB2_5-.Ltmp6, $1  }
0x218: {  	_ =	sdelay $0x3  }
.LBB2_7:
0x219: {  	_ =	sfence.sel $0x180000  }
0x21a: {  	[bflag:$0x0] =	sbarrier.arrive $0xFFFF  }
0x21b: {  	_ =	strace $0x9000004A  }
0x21c: {  	s0 =	stileid.u32;
	[bflag:$0x2] =	sbarrier.arrive $0xFFFF  }
0x21d: {  	p0 =	sne.s32 s0, $0x0;
	s0 =	rddreg [dreg:$0x3]  }
0x21e: {  	s0 =	sadd.s32 @!p0 $0x100000, s0  }
0x21f: {  	[sflag:s0] =	ssyncadd.tile.s32 @!p0 $0x1;
	_ =	shalt  }
.Lfunc_end2:
_tile_overlayer_lowered:
.L_overlay_start_2:
0x220: {  	(tag) =	ssettag $0x2  }
0x221: {  	s0 =	rddreg [dreg:$0x0];
	s2 =	stileid.u32  }
0x222: {  	s1 =	rddreg [dreg:$0x1];
	p0 =	sne.s32 s2, $0x0  }
0x223: {  	s3 =	rddreg [dreg:$0x2];
	[bflag:$0x3] =	sbarrier.arrive $0xFFFF;
	s2 =	simm.s32 @!p0 $0x1C05  }
0x224: {  	[timem:s3], [sflag:s2] =	dma.local @!p0 [hbm:s0], s1  }
0x225: {  	s0 =	simm.s32 @!p0 $0x5  }
0x226: {  	_ =	swait.ge @!p0 [sflag:s0], s1  }
0x227: {  	s1 =	ssub.s32 @!p0 $0x0, s1;
	[sflag:s0] =	ssyncset.done @!p0 $0x0  }
0x228: {  	[sflag:s0] =	ssyncadd.s32 @!p0 s1  }
0x229: {  	[bflag:$0x3] =	sbarrier.arrive $0xFFFF  }
0x22a: {  	_ =	shalt  }

// kernel: kernel.15.cloned.1.call-start
scs
__scs_entry_jumppad:
0x0: {  	(pc) =	sbr.rel $0x88, $3  }
0x1: {  	(tag) =	ssettag $0x0;
	lr =	simm.s32 $0x1  }
0x2: {  	[smem:$0x3F99] =	sst lr;
	_ =	strace $0xD0000000  }
0x3: {  	_ = 	snop  }
0x4: {  	_ = 	snop  }
0x5: {  	_ = 	snop  }
0x6: {  	_ = 	snop  }
0x7: {  	_ = 	snop  }
__scs_overlays_trampoline_lowered:
0x8: {  	[smem:$0x3FA8] =	sst s0  }
0x9: {  	[smem:$0x3FA9] =	sst s1  }
0xa: {  	[smem:$0x3FAA] =	sst s2  }
0xb: {  	[smem:$0x3FAB] =	sst s3  }
0xc: {  	[smem:$0x3FAC] =	sst s4  }
0xd: {  	[smem:$0x3FAD] =	sst s5  }
0xe: {  	[smem:$0x3FAE] =	sst s6  }
0xf: {  	[smem:$0x3FAF] =	sst s7  }
0x10: {  	[smem:$0x3FB0] =	sst s8  }
0x11: {  	[smem:$0x3FB1] =	sst s9;
	s0 =	simm.s32 @!p0 $0x0  }
0x12: {  	s1 =	sld [smem:$0x3F97];
	s0 =	simm.s32 @p0 $0x1  }
0x13: {  	[smem:$0x3FB2] =	sst s0;
	s0 =	simm.s32 @!p1 $0x0  }
0x14: {  	s2 =	sld [smem:$0x3F96];
	s0 =	simm.s32 @p1 $0x1  }
0x15: {  	[smem:$0x3FB3] =	sst s0;
	s0 =	simm.s32 @!p2 $0x0  }
0x16: {  	s3 =	sld [smem:$0x3FDB];
	s0 =	simm.s32 @p2 $0x1  }
0x17: {  	s4 =	simm.s32 $0x1BF5;
	[smem:$0x3FB5] =	sst s0  }
0x18: {  	s0 =	sld [smem:$0x3F98];
	_ =	swait.ge [sflag:s4], $0x0  }
0x19: {  	s7 =	sld [smem:$0x3F99]  }
0x1a: {  	s8 =	sadd.s32 $0xFFFFE003, lr  }
0x1b: {  	s9 =	sadd.s32 $0xFFFFFEF7, lr;
	s5 =	simm.s32 $0xFFFFFFFF;
	p2 =	slt.u32 s8, $0xFFFFF086  }
0x1c: {  	p1 =	slt.u32 s9, $0xF7A;
	s5 =	simm.s32 @!p2 $0x0  }
0x1d: {  	s5 =	simm.s32 @p1 $0x1;
	p0 =	seq.s32 s7, s2  }
0x1e: {  	s7 =	smul.u32 @!p0 $0xF7A, s2;
	p2 =	seq.s32 @!p0 s5, $0x0  }
0x1f: {  	s9 =	smul.u32 $0xF7A, s1;
	s8 =	simm.s32 @!p0 $0x1BF5;
	p2 =	por !p2, p0  }
0x20: {  	[sflag:s8] =	ssyncset.s32 @!p0 $0xFFFFF086;
	s6 =	sadd.s32 @!p0 s3, s7;
	s7 =	simm.s32 @!p0 $0x108  }
0x21: {  	s3 =	sadd.s32 s3, s9;
	s6 =	sadd.s32 @!p0 $0x88, s6;
	s7 =	simm.s32 @p2 $0x1082  }
0x22: {  	[simem:s7], [sflag:s8] =	dma.local @!p0 [hbm:s6], $0xF7A  }
0x23: {  	s9 =	sor.u32 $0xD0000000, s2;
	s6 =	simm.s32 $0x108;
	_ =	swait.ge @!p0 [sflag:s8], $0x0  }
0x24: {  	s3 =	sadd.s32 $0x88, s3;
	s6 =	simm.s32 @!p1 $0x1082;
	[sflag:s4] =	ssyncset.s32 $0xFFFFF086  }
0x25: {  	[simem:s6], [sflag:s4] =	dma.local [hbm:s3], $0xF7A  }
0x26: {  	[smem:$0x3F99] =	sst s1;
	(tag) =	ssettag s2;
	_ =	strace s9  }
0x27: {  	s1 =	sld [smem:$0x3FA9]  }
0x28: {  	s2 =	sld [smem:$0x3FAA]  }
0x29: {  	s4 =	sld [smem:$0x3FAC]  }
0x2a: {  	p0 =	seq.s32 s5, $0x0;
	s5 =	sld [smem:$0x3FAD]  }
0x2b: {  	s6 =	sld [smem:$0x3FAE]  }
0x2c: {  	s7 =	sld [smem:$0x3FAF]  }
0x2d: {  	s3 =	simm.s32 $0x108;
	s8 =	sld [smem:$0x3FB0]  }
0x2e: {  	s3 =	simm.s32 @!p0 $0x1082;
	s9 =	sld [smem:$0x3FB1]  }
0x2f: {  	lr =	sadd.s32 s0, s3;
	s0 =	sld [smem:$0x3FA8]  }
0x30: {  	s3 =	sld [smem:$0x3FAB]  }
0x31: {  	[smem:$0x3FB4] =	sst s10  }
0x32: {  	s10 =	sld [smem:$0x3FB2];
	_ =	sdelay $0x3  }
0x33: {  	p0 =	seq.s32 s10, $0x1;
	s10 =	sld [smem:$0x3FB4];
	_ =	sdelay $0x3  }
0x34: {  	[smem:$0x3FB4] =	sst s10  }
0x35: {  	s10 =	sld [smem:$0x3FB3];
	_ =	sdelay $0x3  }
0x36: {  	p1 =	seq.s32 s10, $0x1;
	s10 =	sld [smem:$0x3FB4];
	_ =	sdelay $0x3  }
0x37: {  	[smem:$0x3FB4] =	sst s10  }
0x38: {  	s10 =	sld [smem:$0x3FB5]  }
0x39: {  	_ = 	snop;
	(pc) =	sbr.ind lr, $3  }
0x3a: {  	_ = 	snop  }
0x3b: {  	_ = 	snop  }
0x3c: {  	p2 =	seq.s32 s10, $0x1;
	s10 =	sld [smem:$0x3FB4]  }
0x3d: {  	_ =	shalt  }
0x3e: {  	_ =	shalt  }
0x3f: {  	_ =	shalt  }
0x40: {  	_ =	shalt  }
0x41: {  	_ =	shalt  }
0x42: {  	_ =	shalt  }
0x43: {  	_ =	shalt  }
0x44: {  	_ =	shalt  }
0x45: {  	_ =	shalt  }
0x46: {  	_ =	shalt  }
0x47: {  	_ =	shalt  }
0x48: {  	_ =	shalt  }
0x49: {  	_ =	shalt  }
0x4a: {  	_ =	shalt  }
0x4b: {  	_ =	shalt  }
0x4c: {  	_ =	shalt  }
0x4d: {  	_ =	shalt  }
0x4e: {  	_ =	shalt  }
0x4f: {  	_ =	shalt  }
0x50: {  	_ =	shalt  }
0x51: {  	_ =	shalt  }
0x52: {  	_ =	shalt  }
0x53: {  	_ =	shalt  }
0x54: {  	_ =	shalt  }
0x55: {  	_ =	shalt  }
0x56: {  	_ =	shalt  }
0x57: {  	_ =	shalt  }
0x58: {  	_ =	shalt  }
0x59: {  	_ =	shalt  }
0x5a: {  	_ =	shalt  }
0x5b: {  	_ =	shalt  }
0x5c: {  	_ =	shalt  }
0x5d: {  	_ =	shalt  }
0x5e: {  	_ =	shalt  }
0x5f: {  	_ =	shalt  }
0x60: {  	_ =	shalt  }
0x61: {  	_ =	shalt  }
0x62: {  	_ =	shalt  }
0x63: {  	_ =	shalt  }
0x64: {  	_ =	shalt  }
0x65: {  	_ =	shalt  }
0x66: {  	_ =	shalt  }
0x67: {  	_ =	shalt  }
0x68: {  	_ =	shalt  }
0x69: {  	_ =	shalt  }
0x6a: {  	_ =	shalt  }
0x6b: {  	_ =	shalt  }
0x6c: {  	_ =	shalt  }
0x6d: {  	_ =	shalt  }
0x6e: {  	_ =	shalt  }
0x6f: {  	_ =	shalt  }
0x70: {  	_ =	shalt  }
0x71: {  	_ =	shalt  }
0x72: {  	_ =	shalt  }
0x73: {  	_ =	shalt  }
0x74: {  	_ =	shalt  }
0x75: {  	_ =	shalt  }
0x76: {  	_ =	shalt  }
0x77: {  	_ =	shalt  }
0x78: {  	_ =	shalt  }
0x79: {  	_ =	shalt  }
0x7a: {  	_ =	shalt  }
0x7b: {  	_ =	shalt  }
0x7c: {  	_ =	shalt  }
0x7d: {  	_ =	shalt  }
0x7e: {  	_ =	shalt  }
0x7f: {  	_ =	shalt  }
0x80: {  	_ =	shalt  }
0x81: {  	_ =	shalt  }
0x82: {  	_ =	shalt  }
0x83: {  	_ =	shalt  }
0x84: {  	_ =	shalt  }
0x85: {  	_ =	shalt  }
0x86: {  	_ =	shalt  }
0x87: {  	_ =	shalt  }
.Lfunc_end0:
.L_simem_size_0:
called_computation.2_lowered:
.L_overlay_start_0:
0x88: {  	s2 =	sld [smem:$0x3FD9]  }
0x89: {  	s3 =	sld [smem:$0x3FFE];
	_ =	sdelay $0x1  }
0x8a: {  	s1 =	srdreg.scid  }
0x8b: {  	s0 =	sand.u32 $0x1, s1  }
0x8c: {  	s17 =	sshll.u32 s0, $0xA;
	s2 =	sadd.s32 s3, s2  }
0x8d: {  	s2 =	sadd.s32 s2, s17  }
0x8e: {  	[smem:$0x3FC0] =	sst s2  }
0x8f: {  	_ = 	snop  }
0x90: {  	s2 =	sld [smem:$0x3FD0];
	(tm) =	ssettm $0x1  }
0x91: {  	s18 =	sld [smem:$0x3FFB];
	_ =	sdelay $0x3  }
0x92: {  	_ =	strace s18  }
0x93: {  	s3 =	sld [smem:$0x3FFC];
	_ =	sdelay $0x3  }
0x94: {  	_ =	strace s3  }
0x95: {  	s3 =	sld [smem:$0x3FFD];
	_ =	sdelay $0x3  }
0x96: {  	_ =	strace s3  }
0x97: {  	_ =	strace $0x8FFFFFFF  }
0x98: {  	s19 =	sld [smem:$0x3FDB];
	_ =	sdelay $0x1  }
0x99: {  	s4 =	simm.s32 $_scs_section_size  }
0x9a: {  	s5 =	simm.s32 $_size__tile_overlayer_lowered;
	s6 =	simm.s32 $_tile_overlayer_lowered  }
0x9b: {  	s22 =	simm.s32 $0x1BFF;
	s21 =	sshll.u32 s6, $0x1;
	s3 =	sadd.s32 s4, s19  }
0x9c: {  	s7 =	simm.s32 $0x0;
	s20 =	sshll.u32 s5, $0x1;
	s5 =	sadd.s32 s21, s3  }
0x9d: {  	[timem:s7], [sflag:s22] =	dma.local [hbm:s5], s20  }
0x9e: {  	_ =	swait.ge [sflag:s22], s20  }
0x9f: {  	s4 =	ssub.s32 $0x0, s20;
	[sflag:s22] =	ssyncset.done $0x0  }
0xa0: {  	[sflag:s22] =	ssyncadd.s32 s4;
	_ =	sdelay $0x1  }
0xa1: {  	s23 =	simm.s32 $0x1B8B  }
0xa2: {  	_ =	swait.ge [sflag:s23], $0x1  }
0xa3: {  	[sflag:s23] =	ssyncset.done $0x0  }
0xa4: {  	s25 =	simm.s32 $0x1B8E;
	s24 =	sld [smem:$0x3FFE];
	[sflag:s23] =	ssyncadd.s32 $0xFFFFFFFF  }
0xa5: {  	s26 =	simm.s32 $execute0_lowered;
	[smem:$0x3FD2] =	sst s25  }
0xa6: {  	s5 =	sshll.u32 s26, $0x1;
	_ =	strace $0x8000004C;
	[dreg:$0x1] =	wrdreg $0xFFFFFFFF  }
0xa7: {  	s28 =	simm.s32 $_size_execute0_lowered;
	s3 =	sadd.s32 s3, s5;
	[dreg:$0x0] =	wrdreg $0x0  }
0xa8: {  	s5 =	sshll.u32 s28, $0x1;
	[dreg:$0x2] =	wrdreg s3  }
0xa9: {  	[dreg:$0x3] =	wrdreg s5  }
0xaa: {  	[dreg:$0x4] =	wrdreg $0xC0  }
0xab: {  	_ =	task [dreg:s7], $0x5FFFF  }
0xac: {  	[dreg:$0x1] =	wrdreg $0xFFFFFFFF  }
0xad: {  	[dreg:$0x0] =	wrdreg $0x60  }
0xae: {  	[dreg:$0x2] =	wrdreg s2  }
0xaf: {  	[dreg:$0x3] =	wrdreg s24  }
0xb0: {  	[dreg:$0x4] =	wrdreg $0x91800  }
0xb1: {  	[dreg:$0x5] =	wrdreg $0x9  }
0xb2: {  	_ =	task.clear_ibuf [dreg:s7], $0x6FFFF;
	_ =	strace $0x9000004C  }
0xb3: {  	s29 =	simm.s32 $0x9;
	_ =	strace $0x8000004E  }
0xb4: {  	_ =	swait.ge [sflag:s29], $0x1  }
0xb5: {  	[sflag:s29] =	ssyncadd.s32 $0xFFFFFFFF  }
0xb6: {  	_ =	strace $0x9000004E  }
0xb7: {  	_ =	sfence  }
0xb8: {  	s30 =	sld [smem:$0x0];
	_ =	sdelay $0x2  }
0xb9: {  	s31 =	sshll.u32 s1, $0xD;
	s1 =	sshrl.u32 s1, $0x2  }
0xba: {  	s3 =	sand.u32 $0x4000, s31;
	s1 =	sadd.s32 s1, s30  }
0xbb: {  	s0 =	sor.u32 s3, s0;
	s1 =	sshll.u32 s1, $0x11  }
0xbc: {  	s0 =	sor.u32 s1, s0  }
0xbd: {  	s0 =	sadd.s32 $0x8F2B, s0  }
0xbe: {  	[sflag:s0] =	ssyncadd.remote.s32 $0x1  }
0xbf: {  	_ =	sfence.sel $0xFFFF  }
0xc0: {  	[dreg:$0x0] =	wrdreg $0xFFFFFFFF;
	(pc) =	sbr.abs _section_cstart, $3  }
0xc1: {  	[dreg:$0x1] =	wrdreg $0xFFFFFFFF  }
0xc2: {  	_ =	task.clear_ibuf [dreg:s7], $0x2FFFF;
	_ =	strace $0x9FFFFFFF  }
0xc3: {  	(tm) =	ssettm $0x7FFFFFFF  }
tec
execute0_lowered:
.L_overlay_start_1:
0x0: {  	(tag) =	ssettag $0x1  }
0x1: {  	s1 =	rddreg [dreg:$0x0]  }
0x2: {  	s0 =	rddreg [dreg:$0x1]  }
0x3: {  	s2 =	rddreg [dreg:$0x2]  }
0x4: {  	s3 =	simm.s32 $0x0;
	s4 =	srdreg.scid;
	s9 =	stileid.u32  }
0x5: {  	s25 =	simm.s32 $0x880;
	s26 =	simm.s32 $0x100;
	s10 =	simm.s32 $0x900  }
0x6: {  	s11 =	simm.s32 $0x980;
	[smem:$0x7FF] =	sst s3;
	s5 =	sadd.s32 $0xD600, s0  }
0x7: {  	s15 =	sadd.s32 $0x17600, s0;
	_ =	strace $0x8000004D;
	[dreg:$0x4] =	wrdreg s5  }
0x8: {  	s12 =	simm.s32 $0x200;
	s8 =	sadd.s32 $0x21800, s0;
	[dreg:$0x5] =	wrdreg s15  }
0x9: {  	s13 =	simm.s32 $0x280;
	s17 =	sadd.s32 $0x3600, s0;
	[dreg:$0x17] =	wrdreg s8  }
0xa: {  	s14 =	simm.s32 $0xA00;
	s28 =	simm.s32 $0xD00;
	[dreg:$0x18] =	wrdreg s17  }
0xb: {  	s29 =	simm.s32 $0xD80;
	s30 =	simm.s32 $0x600;
	[dreg:$0x6] =	wrdreg s25  }
0xc: {  	s31 =	simm.s32 $0x680;
	s7 =	smul.u32 $0x14000, s9;
	[dreg:$0x7] =	wrdreg s26  }
0xd: {  	s4 =	sand.u32 $0x1, s4;
	s16 =	smul.u32 $0x50000, s9;
	[dreg:$0x9] =	wrdreg s10  }
0xe: {  	s9 =	sshll.u32 s9, $0x5;
	s6 =	smul.u32 $0x140000, s4;
	[dreg:$0xa] =	wrdreg s11  }
0xf: {  	s18 =	ssub.s32 $0x2, s4;
	s4 =	sshll.u32 s4, $0x7;
	[dreg:$0xb] =	wrdreg s12  }
0x10: {  	s8 =	simm.s32 $0x180;
	s15 =	simm.s32 $0x5;
	[dreg:$0xc] =	wrdreg s13  }
0x11: {  	[dreg:$0xd] =	wrdreg s14;
	s17 =	simm.s32 $0xA80;
	s25 =	simm.s32 $0xC00  }
0x12: {  	s26 =	simm.s32 $0xC80;
	s14 =	simm.s32 $0xE80;
	[dreg:$0x8] =	wrdreg s8  }
0x13: {  	s5 =	sshrl.u32 s16, $0x2;
	s19 =	sshrl.u32 s18, $0x1;
	[dreg:$0xe] =	wrdreg s17  }
0x14: {  	s4 =	sor.u32 $0x1000, s4;
	s16 =	simm.s32 $0x1180;
	[dreg:$0x15] =	wrdreg s25  }
0x15: {  	[dreg:$0x16] =	wrdreg s26;
	s25 =	simm.s32 $0x500;
	s26 =	simm.s32 $0x580  }
0x16: {  	s8 =	simm.s32 $0xF80;
	s6 =	sadd.s32 s7, s6;
	s7 =	sadd.s32 s5, s2  }
0x17: {  	s20 =	ssub.s32 s18, s19;
	s18 =	sshrl.u32 s9, $0x2;
	s19 =	simm.s32 $0x300  }
0x18: {  	s9 =	simm.s32 $0x0;
	s21 =	sadd.s32 $0x4000, s7;
	[dreg:$0xf] =	wrdreg s19  }
0x19: {  	s6 =	sshrl.u32 s6, $0x3;
	s22 =	sadd.s32 $0x8000, s7;
	[dreg:$0x19] =	wrdreg s21  }
0x1a: {  	s23 =	sadd.s32 $0xC000, s7;
	s24 =	sadd.s32 $0x10000, s7;
	[dreg:$0x1a] =	wrdreg s22  }
0x1b: {  	s5 =	smax.u32 s20, $0x1;
	s17 =	sadd.s32 s18, s4;
	[dreg:$0x1b] =	wrdreg s23  }
0x1c: {  	s20 =	simm.s32 $0x380;
	s18 =	simm.s32 $0x1;
	[dreg:$0x1c] =	wrdreg s24  }
0x1d: {  	s19 =	simm.s32 $0x800;
	s4 =	simm.s32 $0x700;
	[dreg:$0x1e] =	wrdreg s5  }
0x1e: {  	s0 =	sadd.s32 s6, s0;
	[dreg:$0x10] =	wrdreg s20;
	s21 =	simm.s32 $0xB00  }
0x1f: {  	s22 =	simm.s32 $0xB80;
	s20 =	simm.s32 $0x80;
	s23 =	simm.s32 $0x400  }
.Ltmp0:
0x20: {  	s24 =	simm.s32 $0x480;
	[dreg:$0x11] =	wrdreg s21;
	(pc) =	sbr.rel .LBB2_1-.Ltmp0, $4  }
0x21: {  	s5 =	simm.s32 $0x780;
	s6 =	simm.s32 $0xF00;
	[dreg:$0x12] =	wrdreg s22  }
0x22: {  	s0 =	sadd.s32 $0x22000, s0;
	s21 =	simm.s32 $0x5180;
	[dreg:$0x13] =	wrdreg s23  }
0x23: {  	s22 =	simm.s32 $0x2;
	[dreg:$0x14] =	wrdreg s24;
	s23 =	simm.s32 $0x3  }
0x24: {  	s24 =	simm.s32 $0x4;
	[dreg:$0x1d] =	wrdreg s0;
	s0 =	simm.s32 $0xE00  }
.LBB2_5:
0x25: {  	s10 =	sshrl.u32 s10, $0x3  }
0x26: {  	s10 =	sand.u32 $0x1FFFFF80, s10  }
0x27: {  	[sflag:s24] =	ssyncadd.s32 @p0 $0xFFFFC000;
	s11 =	sadd.s32 s12, s10  }
0x28: {  	[tilespmem:s3], [sflag:$0x5] =	stream.linear.gather [hbm4b:s11+s3], $0x800, $0x38;
	[tilespmem:$0x1D180] =	vst v63  }
0x29: {  	_ =	swait.ge [sflag:s15], $0x800  }
0x2a: {  	s12 =	rddreg [dreg:$0x5];
	[sflag:s15] =	ssyncset.done $0x0  }
0x2b: {  	[sflag:s15] =	ssyncadd.s32 $0xFFFFF800;
	s10 =	sadd.s32 s12, s10  }
0x2c: {  	[tilespmem:s19], [sflag:$0x5] =	stream.linear.gather [hbm4b:s10+s3], $0x800, $0x38;
	[tilespmem:$0x1D180] =	vst v63  }
0x2d: {  	_ =	swait.ge [sflag:s15], $0x800  }
0x2e: {  	[sflag:s15] =	ssyncset.done $0x0  }
0x2f: {  	[sflag:s15] =	ssyncadd.s32 $0xFFFFF800  }
0x30: {  	[tilespmem:s16], [sflag:$0x1] =	stream.indirect.gather [hbm4b:s1+s20], $0x80, s3, s20, $0xb8;
	[tilespmem:$0x1D180] =	vst v63  }
0x31: {  	_ = 	snop  }
0x32: {  	[tilespmem:s21], [sflag:$0x2] =	stream.indirect.gather [hbm4b:s1+s20], $0x80, s20, s20, $0xb8;
	[tilespmem:$0x1D180] =	vst v63  }
0x33: {  	_ =	swait.ge [sflag:s18], $0x4000  }
0x34: {  	[sflag:s18] =	ssyncset.done $0x0  }
0x35: {  	[sflag:s18] =	ssyncadd.s32 $0xFFFFC000  }
0x36: {  	[spmem:s2] =	stream.indirect.scatter.add.f32 [tilespmem:s16], [sflag:$0x3], $0x80, s19, s20, $0xb8;
	[tilespmem:$0x1D180] =	vst v63  }
0x37: {  	_ =	swait.ge [sflag:s22], $0x4000  }
0x38: {  	[sflag:s22] =	ssyncset.done $0x0  }
0x39: {  	s13 =	rddreg [dreg:$0x6];
	[sflag:s22] =	ssyncadd.s32 $0xFFFFC000  }
0x3a: {  	[spmem:s2] =	stream.indirect.scatter.add.f32 [tilespmem:s21], [sflag:$0x4], $0x80, s13, s20, $0xb8;
	[tilespmem:$0x1D180] =	vst v63  }
0x3b: {  	_ =	swait.ge [sflag:s23], $0x4000  }
0x3c: {  	[sflag:s23] =	ssyncset.done $0x0  }
0x3d: {  	[sflag:s23] =	ssyncadd.s32 $0xFFFFC000  }
0x3e: {  	_ =	swait.ge [sflag:s24], $0x4000  }
0x3f: {  	[sflag:s24] =	ssyncset.done $0x0  }
0x40: {  	s11 =	rddreg [dreg:$0x7];
	[sflag:s24] =	ssyncadd.s32 $0xFFFFC000  }
0x41: {  	[tilespmem:s16], [sflag:$0x1] =	stream.indirect.gather [hbm4b:s1+s20], $0x80, s11, s20, $0xb8;
	[tilespmem:$0x1D180] =	vst v63  }
0x42: {  	s12 =	rddreg [dreg:$0x8]  }
0x43: {  	[tilespmem:s21], [sflag:$0x2] =	stream.indirect.gather [hbm4b:s1+s20], $0x80, s12, s20, $0xb8;
	[tilespmem:$0x1D180] =	vst v63  }
0x44: {  	_ =	swait.ge [sflag:s18], $0x4000  }
0x45: {  	[sflag:s18] =	ssyncset.done $0x0  }
0x46: {  	s13 =	rddreg [dreg:$0x9];
	[sflag:s18] =	ssyncadd.s32 $0xFFFFC000  }
0x47: {  	[spmem:s2] =	stream.indirect.scatter.add.f32 [tilespmem:s16], [sflag:$0x3], $0x80, s13, s20, $0xb8;
	[tilespmem:$0x1D180] =	vst v63  }
0x48: {  	_ =	swait.ge [sflag:s22], $0x4000  }
0x49: {  	[sflag:s22] =	ssyncset.done $0x0  }
0x4a: {  	s11 =	rddreg [dreg:$0xa];
	[sflag:s22] =	ssyncadd.s32 $0xFFFFC000  }
0x4b: {  	[spmem:s2] =	stream.indirect.scatter.add.f32 [tilespmem:s21], [sflag:$0x4], $0x80, s11, s20, $0xb8;
	[tilespmem:$0x1D180] =	vst v63  }
0x4c: {  	_ =	swait.ge [sflag:s23], $0x4000  }
0x4d: {  	[sflag:s23] =	ssyncset.done $0x0  }
0x4e: {  	[sflag:s23] =	ssyncadd.s32 $0xFFFFC000  }
0x4f: {  	_ =	swait.ge [sflag:s24], $0x4000  }
0x50: {  	[sflag:s24] =	ssyncset.done $0x0  }
0x51: {  	s12 =	rddreg [dreg:$0xb];
	[sflag:s24] =	ssyncadd.s32 $0xFFFFC000  }
0x52: {  	[tilespmem:s16], [sflag:$0x1] =	stream.indirect.gather [hbm4b:s1+s20], $0x80, s12, s20, $0xb8;
	[tilespmem:$0x1D180] =	vst v63  }
0x53: {  	s13 =	rddreg [dreg:$0xc]  }
0x54: {  	[tilespmem:s21], [sflag:$0x2] =	stream.indirect.gather [hbm4b:s1+s20], $0x80, s13, s20, $0xb8;
	[tilespmem:$0x1D180] =	vst v63  }
0x55: {  	_ =	swait.ge [sflag:s18], $0x4000  }
0x56: {  	[sflag:s18] =	ssyncset.done $0x0  }
0x57: {  	s12 =	rddreg [dreg:$0xd];
	[sflag:s18] =	ssyncadd.s32 $0xFFFFC000  }
0x58: {  	[spmem:s2] =	stream.indirect.scatter.add.f32 [tilespmem:s16], [sflag:$0x3], $0x80, s12, s20, $0xb8;
	[tilespmem:$0x1D180] =	vst v63  }
0x59: {  	_ =	swait.ge [sflag:s22], $0x4000  }
0x5a: {  	[sflag:s22] =	ssyncset.done $0x0  }
0x5b: {  	s13 =	rddreg [dreg:$0xe];
	[sflag:s22] =	ssyncadd.s32 $0xFFFFC000  }
0x5c: {  	[spmem:s2] =	stream.indirect.scatter.add.f32 [tilespmem:s21], [sflag:$0x4], $0x80, s13, s20, $0xb8;
	[tilespmem:$0x1D180] =	vst v63  }
0x5d: {  	_ =	swait.ge [sflag:s23], $0x4000  }
0x5e: {  	[sflag:s23] =	ssyncset.done $0x0  }
0x5f: {  	[sflag:s23] =	ssyncadd.s32 $0xFFFFC000  }
0x60: {  	_ =	swait.ge [sflag:s24], $0x4000  }
0x61: {  	[sflag:s24] =	ssyncset.done $0x0  }
0x62: {  	s11 =	rddreg [dreg:$0xf];
	[sflag:s24] =	ssyncadd.s32 $0xFFFFC000  }
0x63: {  	[tilespmem:s16], [sflag:$0x1] =	stream.indirect.gather [hbm4b:s1+s20], $0x80, s11, s20, $0xb8;
	[tilespmem:$0x1D180] =	vst v63  }
0x64: {  	s12 =	rddreg [dreg:$0x10]  }
0x65: {  	[tilespmem:s21], [sflag:$0x2] =	stream.indirect.gather [hbm4b:s1+s20], $0x80, s12, s20, $0xb8;
	[tilespmem:$0x1D180] =	vst v63  }
0x66: {  	_ =	swait.ge [sflag:s18], $0x4000  }
0x67: {  	[sflag:s18] =	ssyncset.done $0x0  }
0x68: {  	s13 =	rddreg [dreg:$0x11];
	[sflag:s18] =	ssyncadd.s32 $0xFFFFC000  }
0x69: {  	[spmem:s2] =	stream.indirect.scatter.add.f32 [tilespmem:s16], [sflag:$0x3], $0x80, s13, s20, $0xb8;
	[tilespmem:$0x1D180] =	vst v63  }
0x6a: {  	_ =	swait.ge [sflag:s22], $0x4000  }
0x6b: {  	[sflag:s22] =	ssyncset.done $0x0  }
0x6c: {  	s11 =	rddreg [dreg:$0x12];
	[sflag:s22] =	ssyncadd.s32 $0xFFFFC000  }
0x6d: {  	[spmem:s2] =	stream.indirect.scatter.add.f32 [tilespmem:s21], [sflag:$0x4], $0x80, s11, s20, $0xb8;
	[tilespmem:$0x1D180] =	vst v63  }
0x6e: {  	_ =	swait.ge [sflag:s23], $0x4000  }
0x6f: {  	[sflag:s23] =	ssyncset.done $0x0  }
0x70: {  	[sflag:s23] =	ssyncadd.s32 $0xFFFFC000  }
0x71: {  	_ =	swait.ge [sflag:s24], $0x4000  }
0x72: {  	[sflag:s24] =	ssyncset.done $0x0  }
0x73: {  	s12 =	rddreg [dreg:$0x13];
	[sflag:s24] =	ssyncadd.s32 $0xFFFFC000  }
0x74: {  	[tilespmem:s16], [sflag:$0x1] =	stream.indirect.gather [hbm4b:s1+s20], $0x80, s12, s20, $0xb8;
	[tilespmem:$0x1D180] =	vst v63  }
0x75: {  	s13 =	rddreg [dreg:$0x14]  }
0x76: {  	[tilespmem:s21], [sflag:$0x2] =	stream.indirect.gather [hbm4b:s1+s20], $0x80, s13, s20, $0xb8;
	[tilespmem:$0x1D180] =	vst v63  }
0x77: {  	_ =	swait.ge [sflag:s18], $0x4000  }
0x78: {  	[sflag:s18] =	ssyncset.done $0x0  }
0x79: {  	s12 =	rddreg [dreg:$0x15];
	[sflag:s18] =	ssyncadd.s32 $0xFFFFC000  }
0x7a: {  	[spmem:s2] =	stream.indirect.scatter.add.f32 [tilespmem:s16], [sflag:$0x3], $0x80, s12, s20, $0xb8;
	[tilespmem:$0x1D180] =	vst v63  }
0x7b: {  	_ =	swait.ge [sflag:s22], $0x4000  }
0x7c: {  	[sflag:s22] =	ssyncset.done $0x0  }
0x7d: {  	s13 =	rddreg [dreg:$0x16];
	[sflag:s22] =	ssyncadd.s32 $0xFFFFC000  }
0x7e: {  	[spmem:s2] =	stream.indirect.scatter.add.f32 [tilespmem:s21], [sflag:$0x4], $0x80, s13, s20, $0xb8;
	[tilespmem:$0x1D180] =	vst v63  }
0x7f: {  	_ =	swait.ge [sflag:s23], $0x4000  }
0x80: {  	[sflag:s23] =	ssyncset.done $0x0  }
0x81: {  	[sflag:s23] =	ssyncadd.s32 $0xFFFFC000  }
0x82: {  	_ =	swait.ge [sflag:s24], $0x4000  }
0x83: {  	[sflag:s24] =	ssyncset.done $0x0  }
0x84: {  	[sflag:s24] =	ssyncadd.s32 $0xFFFFC000  }
0x85: {  	[tilespmem:s16], [sflag:$0x1] =	stream.indirect.gather [hbm4b:s1+s20], $0x80, s25, s20, $0xb8;
	[tilespmem:$0x1D180] =	vst v63  }
0x86: {  	_ = 	snop  }
0x87: {  	[tilespmem:s21], [sflag:$0x2] =	stream.indirect.gather [hbm4b:s1+s20], $0x80, s26, s20, $0xb8;
	[tilespmem:$0x1D180] =	vst v63  }
0x88: {  	_ =	swait.ge [sflag:s18], $0x4000  }
0x89: {  	[sflag:s18] =	ssyncset.done $0x0  }
0x8a: {  	[sflag:s18] =	ssyncadd.s32 $0xFFFFC000  }
0x8b: {  	[spmem:s2] =	stream.indirect.scatter.add.f32 [tilespmem:s16], [sflag:$0x3], $0x80, s28, s20, $0xb8;
	[tilespmem:$0x1D180] =	vst v63  }
0x8c: {  	_ =	swait.ge [sflag:s22], $0x4000  }
0x8d: {  	[sflag:s22] =	ssyncset.done $0x0  }
0x8e: {  	[sflag:s22] =	ssyncadd.s32 $0xFFFFC000  }
0x8f: {  	[spmem:s2] =	stream.indirect.scatter.add.f32 [tilespmem:s21], [sflag:$0x4], $0x80, s29, s20, $0xb8;
	[tilespmem:$0x1D180] =	vst v63  }
0x90: {  	_ =	swait.ge [sflag:s23], $0x4000  }
0x91: {  	[sflag:s23] =	ssyncset.done $0x0  }
0x92: {  	[sflag:s23] =	ssyncadd.s32 $0xFFFFC000  }
0x93: {  	_ =	swait.ge [sflag:s24], $0x4000  }
0x94: {  	[sflag:s24] =	ssyncset.done $0x0  }
0x95: {  	[sflag:s24] =	ssyncadd.s32 $0xFFFFC000  }
0x96: {  	[tilespmem:s16], [sflag:$0x1] =	stream.indirect.gather [hbm4b:s1+s20], $0x80, s30, s20, $0xb8;
	[tilespmem:$0x1D180] =	vst v63  }
0x97: {  	_ = 	snop  }
0x98: {  	[tilespmem:s21], [sflag:$0x2] =	stream.indirect.gather [hbm4b:s1+s20], $0x80, s31, s20, $0xb8;
	[tilespmem:$0x1D180] =	vst v63  }
0x99: {  	_ =	swait.ge [sflag:s18], $0x4000  }
0x9a: {  	[sflag:s18] =	ssyncset.done $0x0  }
0x9b: {  	[sflag:s18] =	ssyncadd.s32 $0xFFFFC000  }
0x9c: {  	[spmem:s2] =	stream.indirect.scatter.add.f32 [tilespmem:s16], [sflag:$0x3], $0x80, s0, s20, $0xb8;
	[tilespmem:$0x1D180] =	vst v63  }
0x9d: {  	_ =	swait.ge [sflag:s22], $0x4000  }
0x9e: {  	[sflag:s22] =	ssyncset.done $0x0  }
0x9f: {  	[sflag:s22] =	ssyncadd.s32 $0xFFFFC000  }
0xa0: {  	[spmem:s2] =	stream.indirect.scatter.add.f32 [tilespmem:s21], [sflag:$0x4], $0x80, s14, s20, $0xb8;
	[tilespmem:$0x1D180] =	vst v63  }
0xa1: {  	_ =	swait.ge [sflag:s23], $0x4000  }
0xa2: {  	[sflag:s23] =	ssyncset.done $0x0  }
0xa3: {  	[sflag:s23] =	ssyncadd.s32 $0xFFFFC000  }
0xa4: {  	_ =	swait.ge [sflag:s24], $0x4000  }
0xa5: {  	[sflag:s24] =	ssyncset.done $0x0  }
0xa6: {  	[sflag:s24] =	ssyncadd.s32 $0xFFFFC000  }
0xa7: {  	[tilespmem:s16], [sflag:$0x1] =	stream.indirect.gather [hbm4b:s1+s20], $0x80, s4, s20, $0xb8;
	[tilespmem:$0x1D180] =	vst v63  }
0xa8: {  	_ = 	snop  }
0xa9: {  	[tilespmem:s21], [sflag:$0x2] =	stream.indirect.gather [hbm4b:s1+s20], $0x80, s5, s20, $0xb8;
	[tilespmem:$0x1D180] =	vst v63  }
0xaa: {  	_ =	swait.ge [sflag:s18], $0x4000  }
0xab: {  	[sflag:s18] =	ssyncset.done $0x0  }
0xac: {  	[sflag:s18] =	ssyncadd.s32 $0xFFFFC000  }
0xad: {  	[spmem:s2] =	stream.indirect.scatter.add.f32 [tilespmem:s16], [sflag:$0x3], $0x80, s6, s20, $0xb8;
	[tilespmem:$0x1D180] =	vst v63  }
0xae: {  	_ =	swait.ge [sflag:s22], $0x4000  }
0xaf: {  	[sflag:s22] =	ssyncset.done $0x0  }
0xb0: {  	[sflag:s22] =	ssyncadd.s32 $0xFFFFC000  }
0xb1: {  	[spmem:s2] =	stream.indirect.scatter.add.f32 [tilespmem:s21], [sflag:$0x4], $0x80, s8, s20, $0xb8;
	[tilespmem:$0x1D180] =	vst v63  }
0xb2: {  	_ =	swait.ge [sflag:s23], $0x4000  }
0xb3: {  	[sflag:s23] =	ssyncset.done $0x0  }
0xb4: {  	[sflag:s23] =	ssyncadd.s32 $0xFFFFC000  }
0xb5: {  	_ =	swait.ge [sflag:s24], $0x4000  }
0xb6: {  	[sflag:s24] =	ssyncset.done $0x0  }
0xb7: {  	[sflag:s24] =	ssyncadd.s32 $0xFFFFC000  }
.LBB2_6:
0xb8: {  	s10 =	stileid.u32  }
0xb9: {  	[bflag:$0x0] =	sbarrier.arrive $0xFFFF;
	s10 =	sshll.u32 s10, $0x6  }
0xba: {  	s11 =	sshrl.u32 s7, $0x3;
	s12 =	rddreg [dreg:$0x1d];
	s10 =	sor.u32 $0x1C05, s10  }
0xbb: {  	[hbm:s12], [sflag:s10] =	dma.local [spmem:s11], $0x2800  }
0xbc: {  	_ =	swait.ge [sflag:s15], $0x2800  }
0xbd: {  	s9 =	sadd.s32 $0x1, s9;
	s13 =	rddreg [dreg:$0x1e]  }
0xbe: {  	p0 =	sne.s32 s9, s13  }
.Ltmp1:
0xbf: {  	_ = 	snop;
	(pc) =	sbr.rel @!p0 .LBB2_7-.Ltmp1, $3  }
0xc0: {  	_ =	sdelay $0x1  }
0xc1: {  	[sflag:s15] =	ssyncset.done $0x0  }
0xc2: {  	[sflag:s15] =	ssyncadd.s32 $0xFFFFD800  }
.LBB2_1:
0xc3: {  	s10 =	rddreg [dreg:$0x18];
	s11 =	simm.s32 $0x1000  }
0xc4: {  	[tilespmem:s11], [sflag:$0x5] =	stream.linear.gather [hbm4b:s10+s3], $0x180, $0x38;
	[tilespmem:$0x1D180] =	vst v63  }
0xc5: {  	_ =	swait.ge [sflag:s15], $0x180  }
0xc6: {  	[sflag:s15] =	ssyncset.done $0x0  }
0xc7: {  	s13 =	rddreg [dreg:$0x17];
	[sflag:s15] =	ssyncadd.s32 $0xFFFFFE80  }
0xc8: {  	[tilespmem:s16], [sflag:$0x5] =	stream.linear.gather [hbm4b:s13+s3], $0x4000, $0x38;
	[tilespmem:$0x1D180] =	vst v63  }
0xc9: {  	_ =	swait.ge [sflag:s15], $0x4000  }
0xca: {  	[sflag:s15] =	ssyncset.done $0x0  }
0xcb: {  	[sflag:s15] =	ssyncadd.s32 $0xFFFFC000  }
0xcc: {  	[spmem:s7] =	stream.linear.scatter [tilespmem:s16], [sflag:$0x5], $0x4000, $0x38;
	[tilespmem:$0x1D180] =	vst v63  }
0xcd: {  	_ =	swait.ge [sflag:s15], $0x4000  }
0xce: {  	[sflag:s15] =	ssyncset.done $0x0  }
0xcf: {  	s11 =	rddreg [dreg:$0x19];
	[sflag:s15] =	ssyncadd.s32 $0xFFFFC000  }
0xd0: {  	[spmem:s11] =	stream.linear.scatter [tilespmem:s16], [sflag:$0x5], $0x4000, $0x38;
	[tilespmem:$0x1D180] =	vst v63  }
0xd1: {  	_ =	swait.ge [sflag:s15], $0x4000  }
0xd2: {  	[sflag:s15] =	ssyncset.done $0x0  }
0xd3: {  	s12 =	rddreg [dreg:$0x1a];
	[sflag:s15] =	ssyncadd.s32 $0xFFFFC000  }
0xd4: {  	[spmem:s12] =	stream.linear.scatter [tilespmem:s16], [sflag:$0x5], $0x4000, $0x38;
	[tilespmem:$0x1D180] =	vst v63  }
0xd5: {  	_ =	swait.ge [sflag:s15], $0x4000  }
0xd6: {  	[sflag:s15] =	ssyncset.done $0x0  }
0xd7: {  	s13 =	rddreg [dreg:$0x1b];
	[sflag:s15] =	ssyncadd.s32 $0xFFFFC000  }
0xd8: {  	[spmem:s13] =	stream.linear.scatter [tilespmem:s16], [sflag:$0x5], $0x4000, $0x38;
	[tilespmem:$0x1D180] =	vst v63  }
0xd9: {  	_ =	swait.ge [sflag:s15], $0x4000  }
0xda: {  	[sflag:s15] =	ssyncset.done $0x0  }
0xdb: {  	s11 =	rddreg [dreg:$0x1c];
	[sflag:s15] =	ssyncadd.s32 $0xFFFFC000  }
0xdc: {  	[spmem:s11] =	stream.linear.scatter [tilespmem:s16], [sflag:$0x5], $0x4000, $0x38;
	[tilespmem:$0x1D180] =	vst v63  }
0xdd: {  	_ =	swait.ge [sflag:s15], $0x4000  }
0xde: {  	[sflag:s15] =	ssyncset.done $0x0  }
0xdf: {  	[sflag:s15] =	ssyncadd.s32 $0xFFFFC000  }
0xe0: {  	[bflag:$0x0] =	sbarrier.arrive $0xFFFF  }
0xe1: {  	v0 =	vld [tilespmem:s17+$0x0];
	_ =	sdelay $0x4  }
0xe2: {  	(v2sf) =	vpush v0, $0x1;
	_ =	sdelay $0xe  }
0xe3: {  	s10 =	spop (v2sf)  }
0xe4: {  	s12 =	sand.u32 $0xF, s10  }
0xe5: {  	s13 =	sshra.s32 s10, $0x1F;
	p1 =	slt.s32 s10, $0x1;
	p0 =	sne.s32 s12, $0x0  }
0xe6: {  	s11 =	sshrl.u32 s13, $0x1C;
	p0 =	por !p1, !p0  }
0xe7: {  	s10 =	sadd.s32 s11, s10;
	s11 =	simm.s32 $0x1;
	p0 =	por !p0, !p0  }
0xe8: {  	s10 =	sshra.s32 s10, $0x4;
	s11 =	simm.s32 @!p0 $0x0  }
0xe9: {  	s11 =	ssub.s32 s10, s11  }
0xea: {  	p0 =	slt.s32 s11, $0x1  }
.Ltmp2:
0xeb: {  	_ = 	snop;
	(pc) =	sbr.rel @p0 .LBB2_6-.Ltmp2, $1  }
0xec: {  	_ =	sdelay $0x3  }
0xed: {  	(v2sf) =	vpush v0, $0x0;
	_ =	sdelay $0xa  }
0xee: {  	p1 =	sne.s32 s11, $0x1  }
.Ltmp3:
0xef: {  	_ = 	snop;
	(pc) =	sbr.rel @!p1 .LBB2_5-.Ltmp3, $3  }
0xf0: {  	_ =	sdelay $0x1  }
0xf1: {  	s11 =	sadd.s32 $0xFFFFFFFF, s11;
	s10 =	spop (v2sf)  }
0xf2: {  	s12 =	rddreg [dreg:$0x4];
	p0 =	por $0x0, $0x0;
	s10 =	sshll.u32 s10, $0x7  }
0xf3: {  	s13 =	sshrl.u32 s10, $0x3  }
0xf4: {  	s13 =	sand.u32 $0x1FFFFF80, s13  }
0xf5: {  	s12 =	sadd.s32 s12, s13  }
0xf6: {  	[tilespmem:s3], [sflag:$0x5] =	stream.linear.gather [hbm4b:s12+s3], $0x800, $0x38;
	[tilespmem:$0x1D180] =	vst v63  }
0xf7: {  	_ =	swait.ge [sflag:s15], $0x800  }
0xf8: {  	s12 =	rddreg [dreg:$0x5];
	[sflag:s15] =	ssyncset.done $0x0  }
0xf9: {  	[sflag:s15] =	ssyncadd.s32 $0xFFFFF800;
	s12 =	sadd.s32 s12, s13  }
0xfa: {  	[tilespmem:s19], [sflag:$0x5] =	stream.linear.gather [hbm4b:s12+s3], $0x800, $0x38;
	[tilespmem:$0x1D180] =	vst v63  }
0xfb: {  	_ =	swait.ge [sflag:s15], $0x800  }
0xfc: {  	[sflag:s15] =	ssyncset.done $0x0  }
0xfd: {  	[sflag:s15] =	ssyncadd.s32 $0xFFFFF800  }
0xfe: {  	[tilespmem:s16], [sflag:$0x1] =	stream.indirect.gather [hbm4b:s1+s20], $0x80, s3, s20, $0xb8;
	[tilespmem:$0x1D180] =	vst v63  }
0xff: {  	_ = 	snop  }
0x100: {  	[tilespmem:s21], [sflag:$0x2] =	stream.indirect.gather [hbm4b:s1+s20], $0x80, s20, s20, $0xb8;
	[tilespmem:$0x1D180] =	vst v63  }
0x101: {  	_ =	swait.ge [sflag:s18], $0x4000  }
0x102: {  	[sflag:s18] =	ssyncset.done $0x0  }
0x103: {  	[sflag:s18] =	ssyncadd.s32 $0xFFFFC000  }
0x104: {  	[spmem:s2] =	stream.indirect.scatter.add.f32 [tilespmem:s16], [sflag:$0x3], $0x80, s19, s20, $0xb8;
	[tilespmem:$0x1D180] =	vst v63  }
0x105: {  	_ =	swait.ge [sflag:s22], $0x4000  }
0x106: {  	[sflag:s22] =	ssyncset.done $0x0  }
0x107: {  	s13 =	rddreg [dreg:$0x6];
	[sflag:s22] =	ssyncadd.s32 $0xFFFFC000  }
0x108: {  	[spmem:s2] =	stream.indirect.scatter.add.f32 [tilespmem:s21], [sflag:$0x4], $0x80, s13, s20, $0xb8;
	[tilespmem:$0x1D180] =	vst v63  }
0x109: {  	_ =	swait.ge [sflag:s23], $0x4000  }
0x10a: {  	[sflag:s23] =	ssyncset.done $0x0  }
0x10b: {  	[sflag:s23] =	ssyncadd.s32 $0xFFFFC000  }
0x10c: {  	_ =	swait.ge [sflag:s24], $0x4000  }
0x10d: {  	[sflag:s24] =	ssyncset.done $0x0  }
0x10e: {  	s12 =	rddreg [dreg:$0x7];
	[sflag:s24] =	ssyncadd.s32 $0xFFFFC000  }
0x10f: {  	[tilespmem:s16], [sflag:$0x1] =	stream.indirect.gather [hbm4b:s1+s20], $0x80, s12, s20, $0xb8;
	[tilespmem:$0x1D180] =	vst v63  }
0x110: {  	s13 =	rddreg [dreg:$0x8]  }
0x111: {  	[tilespmem:s21], [sflag:$0x2] =	stream.indirect.gather [hbm4b:s1+s20], $0x80, s13, s20, $0xb8;
	[tilespmem:$0x1D180] =	vst v63  }
0x112: {  	_ =	swait.ge [sflag:s18], $0x4000  }
0x113: {  	[sflag:s18] =	ssyncset.done $0x0  }
0x114: {  	s13 =	rddreg [dreg:$0x9];
	[sflag:s18] =	ssyncadd.s32 $0xFFFFC000  }
0x115: {  	[spmem:s2] =	stream.indirect.scatter.add.f32 [tilespmem:s16], [sflag:$0x3], $0x80, s13, s20, $0xb8;
	[tilespmem:$0x1D180] =	vst v63  }
0x116: {  	_ =	swait.ge [sflag:s22], $0x4000  }
0x117: {  	[sflag:s22] =	ssyncset.done $0x0  }
0x118: {  	s13 =	rddreg [dreg:$0xa];
	[sflag:s22] =	ssyncadd.s32 $0xFFFFC000  }
0x119: {  	[spmem:s2] =	stream.indirect.scatter.add.f32 [tilespmem:s21], [sflag:$0x4], $0x80, s13, s20, $0xb8;
	[tilespmem:$0x1D180] =	vst v63  }
0x11a: {  	_ =	swait.ge [sflag:s23], $0x4000  }
0x11b: {  	[sflag:s23] =	ssyncset.done $0x0  }
0x11c: {  	[sflag:s23] =	ssyncadd.s32 $0xFFFFC000  }
0x11d: {  	_ =	swait.ge [sflag:s24], $0x4000  }
0x11e: {  	[sflag:s24] =	ssyncset.done $0x0  }
0x11f: {  	s12 =	rddreg [dreg:$0xb];
	[sflag:s24] =	ssyncadd.s32 $0xFFFFC000  }
0x120: {  	[tilespmem:s16], [sflag:$0x1] =	stream.indirect.gather [hbm4b:s1+s20], $0x80, s12, s20, $0xb8;
	[tilespmem:$0x1D180] =	vst v63  }
0x121: {  	s13 =	rddreg [dreg:$0xc]  }
0x122: {  	[tilespmem:s21], [sflag:$0x2] =	stream.indirect.gather [hbm4b:s1+s20], $0x80, s13, s20, $0xb8;
	[tilespmem:$0x1D180] =	vst v63  }
0x123: {  	_ =	swait.ge [sflag:s18], $0x4000  }
0x124: {  	[sflag:s18] =	ssyncset.done $0x0  }
0x125: {  	s13 =	rddreg [dreg:$0xd];
	[sflag:s18] =	ssyncadd.s32 $0xFFFFC000  }
0x126: {  	[spmem:s2] =	stream.indirect.scatter.add.f32 [tilespmem:s16], [sflag:$0x3], $0x80, s13, s20, $0xb8;
	[tilespmem:$0x1D180] =	vst v63  }
0x127: {  	_ =	swait.ge [sflag:s22], $0x4000  }
0x128: {  	[sflag:s22] =	ssyncset.done $0x0  }
0x129: {  	s13 =	rddreg [dreg:$0xe];
	[sflag:s22] =	ssyncadd.s32 $0xFFFFC000  }
0x12a: {  	[spmem:s2] =	stream.indirect.scatter.add.f32 [tilespmem:s21], [sflag:$0x4], $0x80, s13, s20, $0xb8;
	[tilespmem:$0x1D180] =	vst v63  }
0x12b: {  	_ =	swait.ge [sflag:s23], $0x4000  }
0x12c: {  	[sflag:s23] =	ssyncset.done $0x0  }
0x12d: {  	[sflag:s23] =	ssyncadd.s32 $0xFFFFC000  }
0x12e: {  	_ =	swait.ge [sflag:s24], $0x4000  }
0x12f: {  	[sflag:s24] =	ssyncset.done $0x0  }
0x130: {  	s12 =	rddreg [dreg:$0xf];
	[sflag:s24] =	ssyncadd.s32 $0xFFFFC000  }
0x131: {  	[tilespmem:s16], [sflag:$0x1] =	stream.indirect.gather [hbm4b:s1+s20], $0x80, s12, s20, $0xb8;
	[tilespmem:$0x1D180] =	vst v63  }
0x132: {  	s13 =	rddreg [dreg:$0x10]  }
0x133: {  	[tilespmem:s21], [sflag:$0x2] =	stream.indirect.gather [hbm4b:s1+s20], $0x80, s13, s20, $0xb8;
	[tilespmem:$0x1D180] =	vst v63  }
0x134: {  	_ =	swait.ge [sflag:s18], $0x4000  }
0x135: {  	[sflag:s18] =	ssyncset.done $0x0  }
0x136: {  	s13 =	rddreg [dreg:$0x11];
	[sflag:s18] =	ssyncadd.s32 $0xFFFFC000  }
0x137: {  	[spmem:s2] =	stream.indirect.scatter.add.f32 [tilespmem:s16], [sflag:$0x3], $0x80, s13, s20, $0xb8;
	[tilespmem:$0x1D180] =	vst v63  }
0x138: {  	_ =	swait.ge [sflag:s22], $0x4000  }
0x139: {  	[sflag:s22] =	ssyncset.done $0x0  }
0x13a: {  	s13 =	rddreg [dreg:$0x12];
	[sflag:s22] =	ssyncadd.s32 $0xFFFFC000  }
0x13b: {  	[spmem:s2] =	stream.indirect.scatter.add.f32 [tilespmem:s21], [sflag:$0x4], $0x80, s13, s20, $0xb8;
	[tilespmem:$0x1D180] =	vst v63  }
0x13c: {  	_ =	swait.ge [sflag:s23], $0x4000  }
0x13d: {  	[sflag:s23] =	ssyncset.done $0x0  }
0x13e: {  	[sflag:s23] =	ssyncadd.s32 $0xFFFFC000  }
0x13f: {  	_ =	swait.ge [sflag:s24], $0x4000  }
0x140: {  	[sflag:s24] =	ssyncset.done $0x0  }
0x141: {  	s12 =	rddreg [dreg:$0x13];
	[sflag:s24] =	ssyncadd.s32 $0xFFFFC000  }
0x142: {  	[tilespmem:s16], [sflag:$0x1] =	stream.indirect.gather [hbm4b:s1+s20], $0x80, s12, s20, $0xb8;
	[tilespmem:$0x1D180] =	vst v63  }
0x143: {  	s13 =	rddreg [dreg:$0x14]  }
0x144: {  	[tilespmem:s21], [sflag:$0x2] =	stream.indirect.gather [hbm4b:s1+s20], $0x80, s13, s20, $0xb8;
	[tilespmem:$0x1D180] =	vst v63  }
0x145: {  	_ =	swait.ge [sflag:s18], $0x4000  }
0x146: {  	[sflag:s18] =	ssyncset.done $0x0  }
0x147: {  	s13 =	rddreg [dreg:$0x15];
	[sflag:s18] =	ssyncadd.s32 $0xFFFFC000  }
0x148: {  	[spmem:s2] =	stream.indirect.scatter.add.f32 [tilespmem:s16], [sflag:$0x3], $0x80, s13, s20, $0xb8;
	[tilespmem:$0x1D180] =	vst v63  }
0x149: {  	_ =	swait.ge [sflag:s22], $0x4000  }
0x14a: {  	[sflag:s22] =	ssyncset.done $0x0  }
0x14b: {  	s13 =	rddreg [dreg:$0x16];
	[sflag:s22] =	ssyncadd.s32 $0xFFFFC000  }
0x14c: {  	[spmem:s2] =	stream.indirect.scatter.add.f32 [tilespmem:s21], [sflag:$0x4], $0x80, s13, s20, $0xb8;
	[tilespmem:$0x1D180] =	vst v63  }
0x14d: {  	_ =	swait.ge [sflag:s23], $0x4000  }
0x14e: {  	[sflag:s23] =	ssyncset.done $0x0  }
0x14f: {  	[sflag:s23] =	ssyncadd.s32 $0xFFFFC000  }
0x150: {  	_ =	swait.ge [sflag:s24], $0x4000  }
0x151: {  	[sflag:s24] =	ssyncset.done $0x0  }
0x152: {  	[sflag:s24] =	ssyncadd.s32 $0xFFFFC000  }
0x153: {  	[tilespmem:s16], [sflag:$0x1] =	stream.indirect.gather [hbm4b:s1+s20], $0x80, s25, s20, $0xb8;
	[tilespmem:$0x1D180] =	vst v63  }
0x154: {  	_ = 	snop  }
0x155: {  	[tilespmem:s21], [sflag:$0x2] =	stream.indirect.gather [hbm4b:s1+s20], $0x80, s26, s20, $0xb8;
	[tilespmem:$0x1D180] =	vst v63  }
0x156: {  	_ =	swait.ge [sflag:s18], $0x4000  }
0x157: {  	[sflag:s18] =	ssyncset.done $0x0  }
0x158: {  	[sflag:s18] =	ssyncadd.s32 $0xFFFFC000  }
0x159: {  	[spmem:s2] =	stream.indirect.scatter.add.f32 [tilespmem:s16], [sflag:$0x3], $0x80, s28, s20, $0xb8;
	[tilespmem:$0x1D180] =	vst v63  }
0x15a: {  	_ =	swait.ge [sflag:s22], $0x4000  }
0x15b: {  	[sflag:s22] =	ssyncset.done $0x0  }
0x15c: {  	[sflag:s22] =	ssyncadd.s32 $0xFFFFC000  }
0x15d: {  	[spmem:s2] =	stream.indirect.scatter.add.f32 [tilespmem:s21], [sflag:$0x4], $0x80, s29, s20, $0xb8;
	[tilespmem:$0x1D180] =	vst v63  }
0x15e: {  	_ =	swait.ge [sflag:s23], $0x4000  }
0x15f: {  	[sflag:s23] =	ssyncset.done $0x0  }
0x160: {  	[sflag:s23] =	ssyncadd.s32 $0xFFFFC000  }
0x161: {  	_ =	swait.ge [sflag:s24], $0x4000  }
0x162: {  	[sflag:s24] =	ssyncset.done $0x0  }
0x163: {  	[sflag:s24] =	ssyncadd.s32 $0xFFFFC000  }
0x164: {  	[tilespmem:s16], [sflag:$0x1] =	stream.indirect.gather [hbm4b:s1+s20], $0x80, s30, s20, $0xb8;
	[tilespmem:$0x1D180] =	vst v63  }
0x165: {  	_ = 	snop  }
0x166: {  	[tilespmem:s21], [sflag:$0x2] =	stream.indirect.gather [hbm4b:s1+s20], $0x80, s31, s20, $0xb8;
	[tilespmem:$0x1D180] =	vst v63  }
0x167: {  	_ =	swait.ge [sflag:s18], $0x4000  }
0x168: {  	[sflag:s18] =	ssyncset.done $0x0  }
0x169: {  	[sflag:s18] =	ssyncadd.s32 $0xFFFFC000  }
0x16a: {  	[spmem:s2] =	stream.indirect.scatter.add.f32 [tilespmem:s16], [sflag:$0x3], $0x80, s0, s20, $0xb8;
	[tilespmem:$0x1D180] =	vst v63  }
0x16b: {  	_ =	swait.ge [sflag:s22], $0x4000  }
0x16c: {  	[sflag:s22] =	ssyncset.done $0x0  }
0x16d: {  	[sflag:s22] =	ssyncadd.s32 $0xFFFFC000  }
0x16e: {  	[spmem:s2] =	stream.indirect.scatter.add.f32 [tilespmem:s21], [sflag:$0x4], $0x80, s14, s20, $0xb8;
	[tilespmem:$0x1D180] =	vst v63  }
0x16f: {  	_ =	swait.ge [sflag:s23], $0x4000  }
0x170: {  	[sflag:s23] =	ssyncset.done $0x0  }
0x171: {  	[sflag:s23] =	ssyncadd.s32 $0xFFFFC000  }
0x172: {  	_ =	swait.ge [sflag:s24], $0x4000  }
0x173: {  	[sflag:s24] =	ssyncset.done $0x0  }
0x174: {  	[sflag:s24] =	ssyncadd.s32 $0xFFFFC000  }
0x175: {  	[tilespmem:s16], [sflag:$0x1] =	stream.indirect.gather [hbm4b:s1+s20], $0x80, s4, s20, $0xb8;
	[tilespmem:$0x1D180] =	vst v63  }
0x176: {  	_ = 	snop  }
0x177: {  	[tilespmem:s21], [sflag:$0x2] =	stream.indirect.gather [hbm4b:s1+s20], $0x80, s5, s20, $0xb8;
	[tilespmem:$0x1D180] =	vst v63  }
0x178: {  	_ =	swait.ge [sflag:s18], $0x4000  }
0x179: {  	[sflag:s18] =	ssyncset.done $0x0  }
0x17a: {  	[sflag:s18] =	ssyncadd.s32 $0xFFFFC000  }
0x17b: {  	[spmem:s2] =	stream.indirect.scatter.add.f32 [tilespmem:s16], [sflag:$0x3], $0x80, s6, s20, $0xb8;
	[tilespmem:$0x1D180] =	vst v63  }
0x17c: {  	_ =	swait.ge [sflag:s22], $0x4000  }
0x17d: {  	[sflag:s22] =	ssyncset.done $0x0  }
0x17e: {  	p1 =	sne.s32 s11, $0x1;
	[sflag:s22] =	ssyncadd.s32 $0xFFFFC000  }
0x17f: {  	[spmem:s2] =	stream.indirect.scatter.add.f32 [tilespmem:s21], [sflag:$0x4], $0x80, s8, s20, $0xb8;
	[tilespmem:$0x1D180] =	vst v63  }
.Ltmp4:
0x180: {  	_ =	swait.ge [sflag:s23], $0x4000;
	(pc) =	sbr.rel @!p1 .LBB2_5-.Ltmp4, $4  }
0x181: {  	[sflag:s23] =	ssyncset.done $0x0  }
0x182: {  	[sflag:s23] =	ssyncadd.s32 $0xFFFFC000  }
0x183: {  	s11 =	sadd.s32 $0xFFFFFFFF, s11;
	s10 =	sadd.s32 $0x800, s10;
	_ =	swait.ge [sflag:s24], $0x4000  }
0x184: {  	p0 =	por $0x1, $0x1;
	s12 =	rddreg [dreg:$0x4];
	[sflag:s24] =	ssyncset.done $0x0  }
.LBB2_4:
0x185: {  	s13 =	sshrl.u32 s10, $0x3  }
0x186: {  	s13 =	sand.u32 $0x1FFFFF80, s13  }
0x187: {  	[sflag:s24] =	ssyncadd.s32 $0xFFFFC000;
	s12 =	sadd.s32 s12, s13  }
0x188: {  	[tilespmem:s3], [sflag:$0x5] =	stream.linear.gather [hbm4b:s12+s3], $0x800, $0x38;
	[tilespmem:$0x1D180] =	vst v63  }
0x189: {  	_ =	swait.ge [sflag:s15], $0x800  }
0x18a: {  	s12 =	rddreg [dreg:$0x5];
	[sflag:s15] =	ssyncset.done $0x0  }
0x18b: {  	[sflag:s15] =	ssyncadd.s32 $0xFFFFF800;
	s12 =	sadd.s32 s12, s13  }
0x18c: {  	[tilespmem:s19], [sflag:$0x5] =	stream.linear.gather [hbm4b:s12+s3], $0x800, $0x38;
	[tilespmem:$0x1D180] =	vst v63  }
0x18d: {  	_ =	swait.ge [sflag:s15], $0x800  }
0x18e: {  	[sflag:s15] =	ssyncset.done $0x0  }
0x18f: {  	[sflag:s15] =	ssyncadd.s32 $0xFFFFF800  }
0x190: {  	[tilespmem:s16], [sflag:$0x1] =	stream.indirect.gather [hbm4b:s1+s20], $0x80, s3, s20, $0xb8;
	[tilespmem:$0x1D180] =	vst v63  }
0x191: {  	_ = 	snop  }
0x192: {  	[tilespmem:s21], [sflag:$0x2] =	stream.indirect.gather [hbm4b:s1+s20], $0x80, s20, s20, $0xb8;
	[tilespmem:$0x1D180] =	vst v63  }
0x193: {  	_ =	swait.ge [sflag:s18], $0x4000  }
0x194: {  	[sflag:s18] =	ssyncset.done $0x0  }
0x195: {  	[sflag:s18] =	ssyncadd.s32 $0xFFFFC000  }
0x196: {  	[spmem:s2] =	stream.indirect.scatter.add.f32 [tilespmem:s16], [sflag:$0x3], $0x80, s19, s20, $0xb8;
	[tilespmem:$0x1D180] =	vst v63  }
0x197: {  	_ =	swait.ge [sflag:s22], $0x4000  }
0x198: {  	[sflag:s22] =	ssyncset.done $0x0  }
0x199: {  	s13 =	rddreg [dreg:$0x6];
	[sflag:s22] =	ssyncadd.s32 $0xFFFFC000  }
0x19a: {  	[spmem:s2] =	stream.indirect.scatter.add.f32 [tilespmem:s21], [sflag:$0x4], $0x80, s13, s20, $0xb8;
	[tilespmem:$0x1D180] =	vst v63  }
0x19b: {  	_ =	swait.ge [sflag:s23], $0x4000  }
0x19c: {  	[sflag:s23] =	ssyncset.done $0x0  }
0x19d: {  	[sflag:s23] =	ssyncadd.s32 $0xFFFFC000  }
0x19e: {  	_ =	swait.ge [sflag:s24], $0x4000  }
0x19f: {  	[sflag:s24] =	ssyncset.done $0x0  }
0x1a0: {  	s12 =	rddreg [dreg:$0x7];
	[sflag:s24] =	ssyncadd.s32 $0xFFFFC000  }
0x1a1: {  	[tilespmem:s16], [sflag:$0x1] =	stream.indirect.gather [hbm4b:s1+s20], $0x80, s12, s20, $0xb8;
	[tilespmem:$0x1D180] =	vst v63  }
0x1a2: {  	s13 =	rddreg [dreg:$0x8]  }
0x1a3: {  	[tilespmem:s21], [sflag:$0x2] =	stream.indirect.gather [hbm4b:s1+s20], $0x80, s13, s20, $0xb8;
	[tilespmem:$0x1D180] =	vst v63  }
0x1a4: {  	_ =	swait.ge [sflag:s18], $0x4000  }
0x1a5: {  	[sflag:s18] =	ssyncset.done $0x0  }
0x1a6: {  	s13 =	rddreg [dreg:$0x9];
	[sflag:s18] =	ssyncadd.s32 $0xFFFFC000  }
0x1a7: {  	[spmem:s2] =	stream.indirect.scatter.add.f32 [tilespmem:s16], [sflag:$0x3], $0x80, s13, s20, $0xb8;
	[tilespmem:$0x1D180] =	vst v63  }
0x1a8: {  	_ =	swait.ge [sflag:s22], $0x4000  }
0x1a9: {  	[sflag:s22] =	ssyncset.done $0x0  }
0x1aa: {  	s13 =	rddreg [dreg:$0xa];
	[sflag:s22] =	ssyncadd.s32 $0xFFFFC000  }
0x1ab: {  	[spmem:s2] =	stream.indirect.scatter.add.f32 [tilespmem:s21], [sflag:$0x4], $0x80, s13, s20, $0xb8;
	[tilespmem:$0x1D180] =	vst v63  }
0x1ac: {  	_ =	swait.ge [sflag:s23], $0x4000  }
0x1ad: {  	[sflag:s23] =	ssyncset.done $0x0  }
0x1ae: {  	[sflag:s23] =	ssyncadd.s32 $0xFFFFC000  }
0x1af: {  	_ =	swait.ge [sflag:s24], $0x4000  }
0x1b0: {  	[sflag:s24] =	ssyncset.done $0x0  }
0x1b1: {  	s12 =	rddreg [dreg:$0xb];
	[sflag:s24] =	ssyncadd.s32 $0xFFFFC000  }
0x1b2: {  	[tilespmem:s16], [sflag:$0x1] =	stream.indirect.gather [hbm4b:s1+s20], $0x80, s12, s20, $0xb8;
	[tilespmem:$0x1D180] =	vst v63  }
0x1b3: {  	s13 =	rddreg [dreg:$0xc]  }
0x1b4: {  	[tilespmem:s21], [sflag:$0x2] =	stream.indirect.gather [hbm4b:s1+s20], $0x80, s13, s20, $0xb8;
	[tilespmem:$0x1D180] =	vst v63  }
0x1b5: {  	_ =	swait.ge [sflag:s18], $0x4000  }
0x1b6: {  	[sflag:s18] =	ssyncset.done $0x0  }
0x1b7: {  	s13 =	rddreg [dreg:$0xd];
	[sflag:s18] =	ssyncadd.s32 $0xFFFFC000  }
0x1b8: {  	[spmem:s2] =	stream.indirect.scatter.add.f32 [tilespmem:s16], [sflag:$0x3], $0x80, s13, s20, $0xb8;
	[tilespmem:$0x1D180] =	vst v63  }
0x1b9: {  	_ =	swait.ge [sflag:s22], $0x4000  }
0x1ba: {  	[sflag:s22] =	ssyncset.done $0x0  }
0x1bb: {  	s13 =	rddreg [dreg:$0xe];
	[sflag:s22] =	ssyncadd.s32 $0xFFFFC000  }
0x1bc: {  	[spmem:s2] =	stream.indirect.scatter.add.f32 [tilespmem:s21], [sflag:$0x4], $0x80, s13, s20, $0xb8;
	[tilespmem:$0x1D180] =	vst v63  }
0x1bd: {  	_ =	swait.ge [sflag:s23], $0x4000  }
0x1be: {  	[sflag:s23] =	ssyncset.done $0x0  }
0x1bf: {  	[sflag:s23] =	ssyncadd.s32 $0xFFFFC000  }
0x1c0: {  	_ =	swait.ge [sflag:s24], $0x4000  }
0x1c1: {  	[sflag:s24] =	ssyncset.done $0x0  }
0x1c2: {  	s12 =	rddreg [dreg:$0xf];
	[sflag:s24] =	ssyncadd.s32 $0xFFFFC000  }
0x1c3: {  	[tilespmem:s16], [sflag:$0x1] =	stream.indirect.gather [hbm4b:s1+s20], $0x80, s12, s20, $0xb8;
	[tilespmem:$0x1D180] =	vst v63  }
0x1c4: {  	s13 =	rddreg [dreg:$0x10]  }
0x1c5: {  	[tilespmem:s21], [sflag:$0x2] =	stream.indirect.gather [hbm4b:s1+s20], $0x80, s13, s20, $0xb8;
	[tilespmem:$0x1D180] =	vst v63  }
0x1c6: {  	_ =	swait.ge [sflag:s18], $0x4000  }
0x1c7: {  	[sflag:s18] =	ssyncset.done $0x0  }
0x1c8: {  	s13 =	rddreg [dreg:$0x11];
	[sflag:s18] =	ssyncadd.s32 $0xFFFFC000  }
0x1c9: {  	[spmem:s2] =	stream.indirect.scatter.add.f32 [tilespmem:s16], [sflag:$0x3], $0x80, s13, s20, $0xb8;
	[tilespmem:$0x1D180] =	vst v63  }
0x1ca: {  	_ =	swait.ge [sflag:s22], $0x4000  }
0x1cb: {  	[sflag:s22] =	ssyncset.done $0x0  }
0x1cc: {  	s13 =	rddreg [dreg:$0x12];
	[sflag:s22] =	ssyncadd.s32 $0xFFFFC000  }
0x1cd: {  	[spmem:s2] =	stream.indirect.scatter.add.f32 [tilespmem:s21], [sflag:$0x4], $0x80, s13, s20, $0xb8;
	[tilespmem:$0x1D180] =	vst v63  }
0x1ce: {  	_ =	swait.ge [sflag:s23], $0x4000  }
0x1cf: {  	[sflag:s23] =	ssyncset.done $0x0  }
0x1d0: {  	[sflag:s23] =	ssyncadd.s32 $0xFFFFC000  }
0x1d1: {  	_ =	swait.ge [sflag:s24], $0x4000  }
0x1d2: {  	[sflag:s24] =	ssyncset.done $0x0  }
0x1d3: {  	s12 =	rddreg [dreg:$0x13];
	[sflag:s24] =	ssyncadd.s32 $0xFFFFC000  }
0x1d4: {  	[tilespmem:s16], [sflag:$0x1] =	stream.indirect.gather [hbm4b:s1+s20], $0x80, s12, s20, $0xb8;
	[tilespmem:$0x1D180] =	vst v63  }
0x1d5: {  	s13 =	rddreg [dreg:$0x14]  }
0x1d6: {  	[tilespmem:s21], [sflag:$0x2] =	stream.indirect.gather [hbm4b:s1+s20], $0x80, s13, s20, $0xb8;
	[tilespmem:$0x1D180] =	vst v63  }
0x1d7: {  	_ =	swait.ge [sflag:s18], $0x4000  }
0x1d8: {  	[sflag:s18] =	ssyncset.done $0x0  }
0x1d9: {  	s13 =	rddreg [dreg:$0x15];
	[sflag:s18] =	ssyncadd.s32 $0xFFFFC000  }
0x1da: {  	[spmem:s2] =	stream.indirect.scatter.add.f32 [tilespmem:s16], [sflag:$0x3], $0x80, s13, s20, $0xb8;
	[tilespmem:$0x1D180] =	vst v63  }
0x1db: {  	_ =	swait.ge [sflag:s22], $0x4000  }
0x1dc: {  	[sflag:s22] =	ssyncset.done $0x0  }
0x1dd: {  	s13 =	rddreg [dreg:$0x16];
	[sflag:s22] =	ssyncadd.s32 $0xFFFFC000  }
0x1de: {  	[spmem:s2] =	stream.indirect.scatter.add.f32 [tilespmem:s21], [sflag:$0x4], $0x80, s13, s20, $0xb8;
	[tilespmem:$0x1D180] =	vst v63  }
0x1df: {  	_ =	swait.ge [sflag:s23], $0x4000  }
0x1e0: {  	[sflag:s23] =	ssyncset.done $0x0  }
0x1e1: {  	[sflag:s23] =	ssyncadd.s32 $0xFFFFC000  }
0x1e2: {  	_ =	swait.ge [sflag:s24], $0x4000  }
0x1e3: {  	[sflag:s24] =	ssyncset.done $0x0  }
0x1e4: {  	[sflag:s24] =	ssyncadd.s32 $0xFFFFC000  }
0x1e5: {  	[tilespmem:s16], [sflag:$0x1] =	stream.indirect.gather [hbm4b:s1+s20], $0x80, s25, s20, $0xb8;
	[tilespmem:$0x1D180] =	vst v63  }
0x1e6: {  	_ = 	snop  }
0x1e7: {  	[tilespmem:s21], [sflag:$0x2] =	stream.indirect.gather [hbm4b:s1+s20], $0x80, s26, s20, $0xb8;
	[tilespmem:$0x1D180] =	vst v63  }
0x1e8: {  	_ =	swait.ge [sflag:s18], $0x4000  }
0x1e9: {  	[sflag:s18] =	ssyncset.done $0x0  }
0x1ea: {  	[sflag:s18] =	ssyncadd.s32 $0xFFFFC000  }
0x1eb: {  	[spmem:s2] =	stream.indirect.scatter.add.f32 [tilespmem:s16], [sflag:$0x3], $0x80, s28, s20, $0xb8;
	[tilespmem:$0x1D180] =	vst v63  }
0x1ec: {  	_ =	swait.ge [sflag:s22], $0x4000  }
0x1ed: {  	[sflag:s22] =	ssyncset.done $0x0  }
0x1ee: {  	[sflag:s22] =	ssyncadd.s32 $0xFFFFC000  }
0x1ef: {  	[spmem:s2] =	stream.indirect.scatter.add.f32 [tilespmem:s21], [sflag:$0x4], $0x80, s29, s20, $0xb8;
	[tilespmem:$0x1D180] =	vst v63  }
0x1f0: {  	_ =	swait.ge [sflag:s23], $0x4000  }
0x1f1: {  	[sflag:s23] =	ssyncset.done $0x0  }
0x1f2: {  	[sflag:s23] =	ssyncadd.s32 $0xFFFFC000  }
0x1f3: {  	_ =	swait.ge [sflag:s24], $0x4000  }
0x1f4: {  	[sflag:s24] =	ssyncset.done $0x0  }
0x1f5: {  	[sflag:s24] =	ssyncadd.s32 $0xFFFFC000  }
0x1f6: {  	[tilespmem:s16], [sflag:$0x1] =	stream.indirect.gather [hbm4b:s1+s20], $0x80, s30, s20, $0xb8;
	[tilespmem:$0x1D180] =	vst v63  }
0x1f7: {  	_ = 	snop  }
0x1f8: {  	[tilespmem:s21], [sflag:$0x2] =	stream.indirect.gather [hbm4b:s1+s20], $0x80, s31, s20, $0xb8;
	[tilespmem:$0x1D180] =	vst v63  }
0x1f9: {  	_ =	swait.ge [sflag:s18], $0x4000  }
0x1fa: {  	[sflag:s18] =	ssyncset.done $0x0  }
0x1fb: {  	[sflag:s18] =	ssyncadd.s32 $0xFFFFC000  }
0x1fc: {  	[spmem:s2] =	stream.indirect.scatter.add.f32 [tilespmem:s16], [sflag:$0x3], $0x80, s0, s20, $0xb8;
	[tilespmem:$0x1D180] =	vst v63  }
0x1fd: {  	_ =	swait.ge [sflag:s22], $0x4000  }
0x1fe: {  	[sflag:s22] =	ssyncset.done $0x0  }
0x1ff: {  	[sflag:s22] =	ssyncadd.s32 $0xFFFFC000  }
0x200: {  	[spmem:s2] =	stream.indirect.scatter.add.f32 [tilespmem:s21], [sflag:$0x4], $0x80, s14, s20, $0xb8;
	[tilespmem:$0x1D180] =	vst v63  }
0x201: {  	_ =	swait.ge [sflag:s23], $0x4000  }
0x202: {  	[sflag:s23] =	ssyncset.done $0x0  }
0x203: {  	[sflag:s23] =	ssyncadd.s32 $0xFFFFC000  }
0x204: {  	_ =	swait.ge [sflag:s24], $0x4000  }
0x205: {  	[sflag:s24] =	ssyncset.done $0x0  }
0x206: {  	[sflag:s24] =	ssyncadd.s32 $0xFFFFC000  }
0x207: {  	[tilespmem:s16], [sflag:$0x1] =	stream.indirect.gather [hbm4b:s1+s20], $0x80, s4, s20, $0xb8;
	[tilespmem:$0x1D180] =	vst v63  }
0x208: {  	_ = 	snop  }
0x209: {  	[tilespmem:s21], [sflag:$0x2] =	stream.indirect.gather [hbm4b:s1+s20], $0x80, s5, s20, $0xb8;
	[tilespmem:$0x1D180] =	vst v63  }
0x20a: {  	_ =	swait.ge [sflag:s18], $0x4000  }
0x20b: {  	[sflag:s18] =	ssyncset.done $0x0  }
0x20c: {  	[sflag:s18] =	ssyncadd.s32 $0xFFFFC000  }
0x20d: {  	[spmem:s2] =	stream.indirect.scatter.add.f32 [tilespmem:s16], [sflag:$0x3], $0x80, s6, s20, $0xb8;
	[tilespmem:$0x1D180] =	vst v63  }
0x20e: {  	_ =	swait.ge [sflag:s22], $0x4000  }
0x20f: {  	[sflag:s22] =	ssyncset.done $0x0  }
0x210: {  	p1 =	sne.s32 s11, $0x1;
	[sflag:s22] =	ssyncadd.s32 $0xFFFFC000  }
0x211: {  	[spmem:s2] =	stream.indirect.scatter.add.f32 [tilespmem:s21], [sflag:$0x4], $0x80, s8, s20, $0xb8;
	[tilespmem:$0x1D180] =	vst v63  }
.Ltmp5:
0x212: {  	_ =	swait.ge [sflag:s23], $0x4000;
	(pc) =	sbr.rel @p1 .LBB2_4-.Ltmp5, $4  }
0x213: {  	[sflag:s23] =	ssyncset.done $0x0  }
0x214: {  	[sflag:s23] =	ssyncadd.s32 $0xFFFFC000  }
0x215: {  	s11 =	sadd.s32 $0xFFFFFFFF, s11;
	_ =	swait.ge [sflag:s24], $0x4000  }
0x216: {  	s10 =	sadd.s32 $0x800, s10;
	s12 =	rddreg [dreg:$0x4];
	[sflag:s24] =	ssyncset.done $0x0  }
.Ltmp6:
0x217: {  	_ = 	snop;
	(pc) =	sbr.rel .LBB2_5-.Ltmp6, $1  }
0x218: {  	_ =	sdelay $0x3  }
.LBB2_7:
0x219: {  	_ =	sfence.sel $0x180000  }
0x21a: {  	[bflag:$0x0] =	sbarrier.arrive $0xFFFF  }
0x21b: {  	_ =	strace $0x9000004D  }
0x21c: {  	s0 =	stileid.u32;
	[bflag:$0x2] =	sbarrier.arrive $0xFFFF  }
0x21d: {  	p0 =	sne.s32 s0, $0x0;
	s0 =	rddreg [dreg:$0x3]  }
0x21e: {  	s0 =	sadd.s32 @!p0 $0x100000, s0  }
0x21f: {  	[sflag:s0] =	ssyncadd.tile.s32 @!p0 $0x1;
	_ =	shalt  }
.Lfunc_end2:
_tile_overlayer_lowered:
.L_overlay_start_2:
0x220: {  	(tag) =	ssettag $0x2  }
0x221: {  	s0 =	rddreg [dreg:$0x0];
	s2 =	stileid.u32  }
0x222: {  	s1 =	rddreg [dreg:$0x1];
	p0 =	sne.s32 s2, $0x0  }
0x223: {  	s3 =	rddreg [dreg:$0x2];
	[bflag:$0x3] =	sbarrier.arrive $0xFFFF;
	s2 =	simm.s32 @!p0 $0x1C05  }
0x224: {  	[timem:s3], [sflag:s2] =	dma.local @!p0 [hbm:s0], s1  }
0x225: {  	s0 =	simm.s32 @!p0 $0x5  }
0x226: {  	_ =	swait.ge @!p0 [sflag:s0], s1  }
0x227: {  	s1 =	ssub.s32 @!p0 $0x0, s1;
	[sflag:s0] =	ssyncset.done @!p0 $0x0  }
0x228: {  	[sflag:s0] =	ssyncadd.s32 @!p0 s1  }
0x229: {  	[bflag:$0x3] =	sbarrier.arrive $0xFFFF  }
0x22a: {  	_ =	shalt  }

// kernel: kernel.9.cloned.1.call-start
scs
__scs_entry_jumppad:
0x0: {  	(pc) =	sbr.rel $0x88, $3  }
0x1: {  	(tag) =	ssettag $0x0;
	lr =	simm.s32 $0x1  }
0x2: {  	[smem:$0x3F99] =	sst lr;
	_ =	strace $0xD0000000  }
0x3: {  	_ = 	snop  }
0x4: {  	_ = 	snop  }
0x5: {  	_ = 	snop  }
0x6: {  	_ = 	snop  }
0x7: {  	_ = 	snop  }
__scs_overlays_trampoline_lowered:
0x8: {  	[smem:$0x3FA8] =	sst s0  }
0x9: {  	[smem:$0x3FA9] =	sst s1  }
0xa: {  	[smem:$0x3FAA] =	sst s2  }
0xb: {  	[smem:$0x3FAB] =	sst s3  }
0xc: {  	[smem:$0x3FAC] =	sst s4  }
0xd: {  	[smem:$0x3FAD] =	sst s5  }
0xe: {  	[smem:$0x3FAE] =	sst s6  }
0xf: {  	[smem:$0x3FAF] =	sst s7  }
0x10: {  	[smem:$0x3FB0] =	sst s8  }
0x11: {  	[smem:$0x3FB1] =	sst s9;
	s0 =	simm.s32 @!p0 $0x0  }
0x12: {  	s1 =	sld [smem:$0x3F97];
	s0 =	simm.s32 @p0 $0x1  }
0x13: {  	[smem:$0x3FB2] =	sst s0;
	s0 =	simm.s32 @!p1 $0x0  }
0x14: {  	s2 =	sld [smem:$0x3F96];
	s0 =	simm.s32 @p1 $0x1  }
0x15: {  	[smem:$0x3FB3] =	sst s0;
	s0 =	simm.s32 @!p2 $0x0  }
0x16: {  	s3 =	sld [smem:$0x3FDB];
	s0 =	simm.s32 @p2 $0x1  }
0x17: {  	s4 =	simm.s32 $0x1BF5;
	[smem:$0x3FB5] =	sst s0  }
0x18: {  	s0 =	sld [smem:$0x3F98];
	_ =	swait.ge [sflag:s4], $0x0  }
0x19: {  	s7 =	sld [smem:$0x3F99]  }
0x1a: {  	s8 =	sadd.s32 $0xFFFFE003, lr  }
0x1b: {  	s9 =	sadd.s32 $0xFFFFFEF7, lr;
	s5 =	simm.s32 $0xFFFFFFFF;
	p2 =	slt.u32 s8, $0xFFFFF086  }
0x1c: {  	p1 =	slt.u32 s9, $0xF7A;
	s5 =	simm.s32 @!p2 $0x0  }
0x1d: {  	s5 =	simm.s32 @p1 $0x1;
	p0 =	seq.s32 s7, s2  }
0x1e: {  	s7 =	smul.u32 @!p0 $0xF7A, s2;
	p2 =	seq.s32 @!p0 s5, $0x0  }
0x1f: {  	s9 =	smul.u32 $0xF7A, s1;
	s8 =	simm.s32 @!p0 $0x1BF5;
	p2 =	por !p2, p0  }
0x20: {  	[sflag:s8] =	ssyncset.s32 @!p0 $0xFFFFF086;
	s6 =	sadd.s32 @!p0 s3, s7;
	s7 =	simm.s32 @!p0 $0x108  }
0x21: {  	s3 =	sadd.s32 s3, s9;
	s6 =	sadd.s32 @!p0 $0x88, s6;
	s7 =	simm.s32 @p2 $0x1082  }
0x22: {  	[simem:s7], [sflag:s8] =	dma.local @!p0 [hbm:s6], $0xF7A  }
0x23: {  	s9 =	sor.u32 $0xD0000000, s2;
	s6 =	simm.s32 $0x108;
	_ =	swait.ge @!p0 [sflag:s8], $0x0  }
0x24: {  	s3 =	sadd.s32 $0x88, s3;
	s6 =	simm.s32 @!p1 $0x1082;
	[sflag:s4] =	ssyncset.s32 $0xFFFFF086  }
0x25: {  	[simem:s6], [sflag:s4] =	dma.local [hbm:s3], $0xF7A  }
0x26: {  	[smem:$0x3F99] =	sst s1;
	(tag) =	ssettag s2;
	_ =	strace s9  }
0x27: {  	s1 =	sld [smem:$0x3FA9]  }
0x28: {  	s2 =	sld [smem:$0x3FAA]  }
0x29: {  	s4 =	sld [smem:$0x3FAC]  }
0x2a: {  	p0 =	seq.s32 s5, $0x0;
	s5 =	sld [smem:$0x3FAD]  }
0x2b: {  	s6 =	sld [smem:$0x3FAE]  }
0x2c: {  	s7 =	sld [smem:$0x3FAF]  }
0x2d: {  	s3 =	simm.s32 $0x108;
	s8 =	sld [smem:$0x3FB0]  }
0x2e: {  	s3 =	simm.s32 @!p0 $0x1082;
	s9 =	sld [smem:$0x3FB1]  }
0x2f: {  	lr =	sadd.s32 s0, s3;
	s0 =	sld [smem:$0x3FA8]  }
0x30: {  	s3 =	sld [smem:$0x3FAB]  }
0x31: {  	[smem:$0x3FB4] =	sst s10  }
0x32: {  	s10 =	sld [smem:$0x3FB2];
	_ =	sdelay $0x3  }
0x33: {  	p0 =	seq.s32 s10, $0x1;
	s10 =	sld [smem:$0x3FB4];
	_ =	sdelay $0x3  }
0x34: {  	[smem:$0x3FB4] =	sst s10  }
0x35: {  	s10 =	sld [smem:$0x3FB3];
	_ =	sdelay $0x3  }
0x36: {  	p1 =	seq.s32 s10, $0x1;
	s10 =	sld [smem:$0x3FB4];
	_ =	sdelay $0x3  }
0x37: {  	[smem:$0x3FB4] =	sst s10  }
0x38: {  	s10 =	sld [smem:$0x3FB5]  }
0x39: {  	_ = 	snop;
	(pc) =	sbr.ind lr, $3  }
0x3a: {  	_ = 	snop  }
0x3b: {  	_ = 	snop  }
0x3c: {  	p2 =	seq.s32 s10, $0x1;
	s10 =	sld [smem:$0x3FB4]  }
0x3d: {  	_ =	shalt  }
0x3e: {  	_ =	shalt  }
0x3f: {  	_ =	shalt  }
0x40: {  	_ =	shalt  }
0x41: {  	_ =	shalt  }
0x42: {  	_ =	shalt  }
0x43: {  	_ =	shalt  }
0x44: {  	_ =	shalt  }
0x45: {  	_ =	shalt  }
0x46: {  	_ =	shalt  }
0x47: {  	_ =	shalt  }
0x48: {  	_ =	shalt  }
0x49: {  	_ =	shalt  }
0x4a: {  	_ =	shalt  }
0x4b: {  	_ =	shalt  }
0x4c: {  	_ =	shalt  }
0x4d: {  	_ =	shalt  }
0x4e: {  	_ =	shalt  }
0x4f: {  	_ =	shalt  }
0x50: {  	_ =	shalt  }
0x51: {  	_ =	shalt  }
0x52: {  	_ =	shalt  }
0x53: {  	_ =	shalt  }
0x54: {  	_ =	shalt  }
0x55: {  	_ =	shalt  }
0x56: {  	_ =	shalt  }
0x57: {  	_ =	shalt  }
0x58: {  	_ =	shalt  }
0x59: {  	_ =	shalt  }
0x5a: {  	_ =	shalt  }
0x5b: {  	_ =	shalt  }
0x5c: {  	_ =	shalt  }
0x5d: {  	_ =	shalt  }
0x5e: {  	_ =	shalt  }
0x5f: {  	_ =	shalt  }
0x60: {  	_ =	shalt  }
0x61: {  	_ =	shalt  }
0x62: {  	_ =	shalt  }
0x63: {  	_ =	shalt  }
0x64: {  	_ =	shalt  }
0x65: {  	_ =	shalt  }
0x66: {  	_ =	shalt  }
0x67: {  	_ =	shalt  }
0x68: {  	_ =	shalt  }
0x69: {  	_ =	shalt  }
0x6a: {  	_ =	shalt  }
0x6b: {  	_ =	shalt  }
0x6c: {  	_ =	shalt  }
0x6d: {  	_ =	shalt  }
0x6e: {  	_ =	shalt  }
0x6f: {  	_ =	shalt  }
0x70: {  	_ =	shalt  }
0x71: {  	_ =	shalt  }
0x72: {  	_ =	shalt  }
0x73: {  	_ =	shalt  }
0x74: {  	_ =	shalt  }
0x75: {  	_ =	shalt  }
0x76: {  	_ =	shalt  }
0x77: {  	_ =	shalt  }
0x78: {  	_ =	shalt  }
0x79: {  	_ =	shalt  }
0x7a: {  	_ =	shalt  }
0x7b: {  	_ =	shalt  }
0x7c: {  	_ =	shalt  }
0x7d: {  	_ =	shalt  }
0x7e: {  	_ =	shalt  }
0x7f: {  	_ =	shalt  }
0x80: {  	_ =	shalt  }
0x81: {  	_ =	shalt  }
0x82: {  	_ =	shalt  }
0x83: {  	_ =	shalt  }
0x84: {  	_ =	shalt  }
0x85: {  	_ =	shalt  }
0x86: {  	_ =	shalt  }
0x87: {  	_ =	shalt  }
.Lfunc_end0:
.L_simem_size_0:
called_computation_lowered:
.L_overlay_start_0:
0x88: {  	s2 =	sld [smem:$0x3FD9]  }
0x89: {  	s3 =	sld [smem:$0x3FFE];
	_ =	sdelay $0x1  }
0x8a: {  	s1 =	srdreg.scid  }
0x8b: {  	s0 =	sand.u32 $0x1, s1  }
0x8c: {  	s17 =	sshll.u32 s0, $0xA;
	s2 =	sadd.s32 s3, s2  }
0x8d: {  	s2 =	sadd.s32 s2, s17  }
0x8e: {  	[smem:$0x3FC0] =	sst s2  }
0x8f: {  	_ = 	snop  }
0x90: {  	s2 =	sld [smem:$0x3FD0];
	(tm) =	ssettm $0x1  }
0x91: {  	s18 =	sld [smem:$0x3FFB];
	_ =	sdelay $0x3  }
0x92: {  	_ =	strace s18  }
0x93: {  	s3 =	sld [smem:$0x3FFC];
	_ =	sdelay $0x3  }
0x94: {  	_ =	strace s3  }
0x95: {  	s3 =	sld [smem:$0x3FFD];
	_ =	sdelay $0x3  }
0x96: {  	_ =	strace s3  }
0x97: {  	_ =	strace $0x8FFFFFFF  }
0x98: {  	s19 =	sld [smem:$0x3FDB];
	_ =	sdelay $0x1  }
0x99: {  	s4 =	simm.s32 $_scs_section_size  }
0x9a: {  	s5 =	simm.s32 $_size__tile_overlayer_lowered;
	s6 =	simm.s32 $_tile_overlayer_lowered  }
0x9b: {  	s22 =	simm.s32 $0x1BFF;
	s21 =	sshll.u32 s6, $0x1;
	s3 =	sadd.s32 s4, s19  }
0x9c: {  	s7 =	simm.s32 $0x0;
	s20 =	sshll.u32 s5, $0x1;
	s5 =	sadd.s32 s21, s3  }
0x9d: {  	[timem:s7], [sflag:s22] =	dma.local [hbm:s5], s20  }
0x9e: {  	_ =	swait.ge [sflag:s22], s20  }
0x9f: {  	s4 =	ssub.s32 $0x0, s20;
	[sflag:s22] =	ssyncset.done $0x0  }
0xa0: {  	[sflag:s22] =	ssyncadd.s32 s4;
	_ =	sdelay $0x1  }
0xa1: {  	s23 =	simm.s32 $0x1B8B  }
0xa2: {  	_ =	swait.ge [sflag:s23], $0x1  }
0xa3: {  	[sflag:s23] =	ssyncset.done $0x0  }
0xa4: {  	s25 =	simm.s32 $0x1B8E;
	s24 =	sld [smem:$0x3FFE];
	[sflag:s23] =	ssyncadd.s32 $0xFFFFFFFF  }
0xa5: {  	s26 =	simm.s32 $execute0_lowered;
	[smem:$0x3FD2] =	sst s25  }
0xa6: {  	s5 =	sshll.u32 s26, $0x1;
	_ =	strace $0x80000046;
	[dreg:$0x1] =	wrdreg $0xFFFFFFFF  }
0xa7: {  	s28 =	simm.s32 $_size_execute0_lowered;
	s3 =	sadd.s32 s3, s5;
	[dreg:$0x0] =	wrdreg $0x0  }
0xa8: {  	s5 =	sshll.u32 s28, $0x1;
	[dreg:$0x2] =	wrdreg s3  }
0xa9: {  	[dreg:$0x3] =	wrdreg s5  }
0xaa: {  	[dreg:$0x4] =	wrdreg $0xC0  }
0xab: {  	_ =	task [dreg:s7], $0x5FFFF  }
0xac: {  	[dreg:$0x1] =	wrdreg $0xFFFFFFFF  }
0xad: {  	[dreg:$0x0] =	wrdreg $0x60  }
0xae: {  	[dreg:$0x2] =	wrdreg s2  }
0xaf: {  	[dreg:$0x3] =	wrdreg s24  }
0xb0: {  	[dreg:$0x4] =	wrdreg $0x91800  }
0xb1: {  	[dreg:$0x5] =	wrdreg $0x9  }
0xb2: {  	_ =	task.clear_ibuf [dreg:s7], $0x6FFFF;
	_ =	strace $0x90000046  }
0xb3: {  	s29 =	simm.s32 $0x9;
	_ =	strace $0x80000048  }
0xb4: {  	_ =	swait.ge [sflag:s29], $0x1  }
0xb5: {  	[sflag:s29] =	ssyncadd.s32 $0xFFFFFFFF  }
0xb6: {  	_ =	strace $0x90000048  }
0xb7: {  	_ =	sfence  }
0xb8: {  	s30 =	sld [smem:$0x0];
	_ =	sdelay $0x2  }
0xb9: {  	s31 =	sshll.u32 s1, $0xD;
	s1 =	sshrl.u32 s1, $0x2  }
0xba: {  	s3 =	sand.u32 $0x4000, s31;
	s1 =	sadd.s32 s1, s30  }
0xbb: {  	s0 =	sor.u32 s3, s0;
	s1 =	sshll.u32 s1, $0x11  }
0xbc: {  	s0 =	sor.u32 s1, s0  }
0xbd: {  	s0 =	sadd.s32 $0x8F2B, s0  }
0xbe: {  	[sflag:s0] =	ssyncadd.remote.s32 $0x1  }
0xbf: {  	_ =	sfence.sel $0xFFFF  }
0xc0: {  	[dreg:$0x0] =	wrdreg $0xFFFFFFFF;
	(pc) =	sbr.abs _section_cstart, $3  }
0xc1: {  	[dreg:$0x1] =	wrdreg $0xFFFFFFFF  }
0xc2: {  	_ =	task.clear_ibuf [dreg:s7], $0x2FFFF;
	_ =	strace $0x9FFFFFFF  }
0xc3: {  	(tm) =	ssettm $0x7FFFFFFF  }
tec
execute0_lowered:
.L_overlay_start_1:
0x0: {  	(tag) =	ssettag $0x1  }
0x1: {  	s1 =	rddreg [dreg:$0x0]  }
0x2: {  	s0 =	rddreg [dreg:$0x1]  }
0x3: {  	s2 =	rddreg [dreg:$0x2]  }
0x4: {  	s3 =	simm.s32 $0x0;
	s4 =	srdreg.scid;
	s9 =	stileid.u32  }
0x5: {  	s25 =	simm.s32 $0x880;
	s26 =	simm.s32 $0x100;
	s10 =	simm.s32 $0x900  }
0x6: {  	s11 =	simm.s32 $0x980;
	[smem:$0x7FF] =	sst s3;
	s5 =	sadd.s32 $0x3600, s0  }
0x7: {  	s15 =	sadd.s32 $0x17600, s0;
	_ =	strace $0x80000047;
	[dreg:$0x4] =	wrdreg s5  }
0x8: {  	s12 =	simm.s32 $0x200;
	s8 =	sadd.s32 $0x21800, s0;
	[dreg:$0x5] =	wrdreg s15  }
0x9: {  	s13 =	simm.s32 $0x280;
	s17 =	sadd.s32 $0x21600, s0;
	[dreg:$0x17] =	wrdreg s8  }
0xa: {  	s14 =	simm.s32 $0xA00;
	s28 =	simm.s32 $0xD00;
	[dreg:$0x18] =	wrdreg s17  }
0xb: {  	s29 =	simm.s32 $0xD80;
	s30 =	simm.s32 $0x600;
	[dreg:$0x6] =	wrdreg s25  }
0xc: {  	s31 =	simm.s32 $0x680;
	s7 =	smul.u32 $0x14000, s9;
	[dreg:$0x7] =	wrdreg s26  }
0xd: {  	s4 =	sand.u32 $0x1, s4;
	s16 =	smul.u32 $0x50000, s9;
	[dreg:$0x9] =	wrdreg s10  }
0xe: {  	s9 =	sshll.u32 s9, $0x5;
	s6 =	smul.u32 $0x140000, s4;
	[dreg:$0xa] =	wrdreg s11  }
0xf: {  	s18 =	ssub.s32 $0x2, s4;
	s4 =	sshll.u32 s4, $0x7;
	[dreg:$0xb] =	wrdreg s12  }
0x10: {  	s8 =	simm.s32 $0x180;
	s15 =	simm.s32 $0x5;
	[dreg:$0xc] =	wrdreg s13  }
0x11: {  	[dreg:$0xd] =	wrdreg s14;
	s17 =	simm.s32 $0xA80;
	s25 =	simm.s32 $0xC00  }
0x12: {  	s26 =	simm.s32 $0xC80;
	s14 =	simm.s32 $0xE80;
	[dreg:$0x8] =	wrdreg s8  }
0x13: {  	s5 =	sshrl.u32 s16, $0x2;
	s19 =	sshrl.u32 s18, $0x1;
	[dreg:$0xe] =	wrdreg s17  }
0x14: {  	s4 =	sor.u32 $0x1000, s4;
	s16 =	simm.s32 $0x1180;
	[dreg:$0x15] =	wrdreg s25  }
0x15: {  	[dreg:$0x16] =	wrdreg s26;
	s25 =	simm.s32 $0x500;
	s26 =	simm.s32 $0x580  }
0x16: {  	s8 =	simm.s32 $0xF80;
	s6 =	sadd.s32 s7, s6;
	s7 =	sadd.s32 s5, s2  }
0x17: {  	s20 =	ssub.s32 s18, s19;
	s18 =	sshrl.u32 s9, $0x2;
	s19 =	simm.s32 $0x300  }
0x18: {  	s9 =	simm.s32 $0x0;
	s21 =	sadd.s32 $0x4000, s7;
	[dreg:$0xf] =	wrdreg s19  }
0x19: {  	s6 =	sshrl.u32 s6, $0x3;
	s22 =	sadd.s32 $0x8000, s7;
	[dreg:$0x19] =	wrdreg s21  }
0x1a: {  	s23 =	sadd.s32 $0xC000, s7;
	s24 =	sadd.s32 $0x10000, s7;
	[dreg:$0x1a] =	wrdreg s22  }
0x1b: {  	s5 =	smax.u32 s20, $0x1;
	s17 =	sadd.s32 s18, s4;
	[dreg:$0x1b] =	wrdreg s23  }
0x1c: {  	s20 =	simm.s32 $0x380;
	s18 =	simm.s32 $0x1;
	[dreg:$0x1c] =	wrdreg s24  }
0x1d: {  	s19 =	simm.s32 $0x800;
	s4 =	simm.s32 $0x700;
	[dreg:$0x1e] =	wrdreg s5  }
0x1e: {  	s0 =	sadd.s32 s6, s0;
	[dreg:$0x10] =	wrdreg s20;
	s21 =	simm.s32 $0xB00  }
0x1f: {  	s22 =	simm.s32 $0xB80;
	s20 =	simm.s32 $0x80;
	s23 =	simm.s32 $0x400  }
.Ltmp0:
0x20: {  	s24 =	simm.s32 $0x480;
	[dreg:$0x11] =	wrdreg s21;
	(pc) =	sbr.rel .LBB2_1-.Ltmp0, $4  }
0x21: {  	s5 =	simm.s32 $0x780;
	s6 =	simm.s32 $0xF00;
	[dreg:$0x12] =	wrdreg s22  }
0x22: {  	s0 =	sadd.s32 $0x22000, s0;
	s21 =	simm.s32 $0x5180;
	[dreg:$0x13] =	wrdreg s23  }
0x23: {  	s22 =	simm.s32 $0x2;
	[dreg:$0x14] =	wrdreg s24;
	s23 =	simm.s32 $0x3  }
0x24: {  	s24 =	simm.s32 $0x4;
	[dreg:$0x1d] =	wrdreg s0;
	s0 =	simm.s32 $0xE00  }
.LBB2_5:
0x25: {  	s10 =	sshrl.u32 s10, $0x3  }
0x26: {  	s10 =	sand.u32 $0x1FFFFF80, s10  }
0x27: {  	[sflag:s24] =	ssyncadd.s32 @p0 $0xFFFFC000;
	s11 =	sadd.s32 s12, s10  }
0x28: {  	[tilespmem:s3], [sflag:$0x5] =	stream.linear.gather [hbm4b:s11+s3], $0x800, $0x38;
	[tilespmem:$0x1D180] =	vst v63  }
0x29: {  	_ =	swait.ge [sflag:s15], $0x800  }
0x2a: {  	s12 =	rddreg [dreg:$0x5];
	[sflag:s15] =	ssyncset.done $0x0  }
0x2b: {  	[sflag:s15] =	ssyncadd.s32 $0xFFFFF800;
	s10 =	sadd.s32 s12, s10  }
0x2c: {  	[tilespmem:s19], [sflag:$0x5] =	stream.linear.gather [hbm4b:s10+s3], $0x800, $0x38;
	[tilespmem:$0x1D180] =	vst v63  }
0x2d: {  	_ =	swait.ge [sflag:s15], $0x800  }
0x2e: {  	[sflag:s15] =	ssyncset.done $0x0  }
0x2f: {  	[sflag:s15] =	ssyncadd.s32 $0xFFFFF800  }
0x30: {  	[tilespmem:s16], [sflag:$0x1] =	stream.indirect.gather [hbm4b:s1+s20], $0x80, s3, s20, $0xb8;
	[tilespmem:$0x1D180] =	vst v63  }
0x31: {  	_ = 	snop  }
0x32: {  	[tilespmem:s21], [sflag:$0x2] =	stream.indirect.gather [hbm4b:s1+s20], $0x80, s20, s20, $0xb8;
	[tilespmem:$0x1D180] =	vst v63  }
0x33: {  	_ =	swait.ge [sflag:s18], $0x4000  }
0x34: {  	[sflag:s18] =	ssyncset.done $0x0  }
0x35: {  	[sflag:s18] =	ssyncadd.s32 $0xFFFFC000  }
0x36: {  	[spmem:s2] =	stream.indirect.scatter.add.f32 [tilespmem:s16], [sflag:$0x3], $0x80, s19, s20, $0xb8;
	[tilespmem:$0x1D180] =	vst v63  }
0x37: {  	_ =	swait.ge [sflag:s22], $0x4000  }
0x38: {  	[sflag:s22] =	ssyncset.done $0x0  }
0x39: {  	s13 =	rddreg [dreg:$0x6];
	[sflag:s22] =	ssyncadd.s32 $0xFFFFC000  }
0x3a: {  	[spmem:s2] =	stream.indirect.scatter.add.f32 [tilespmem:s21], [sflag:$0x4], $0x80, s13, s20, $0xb8;
	[tilespmem:$0x1D180] =	vst v63  }
0x3b: {  	_ =	swait.ge [sflag:s23], $0x4000  }
0x3c: {  	[sflag:s23] =	ssyncset.done $0x0  }
0x3d: {  	[sflag:s23] =	ssyncadd.s32 $0xFFFFC000  }
0x3e: {  	_ =	swait.ge [sflag:s24], $0x4000  }
0x3f: {  	[sflag:s24] =	ssyncset.done $0x0  }
0x40: {  	s11 =	rddreg [dreg:$0x7];
	[sflag:s24] =	ssyncadd.s32 $0xFFFFC000  }
0x41: {  	[tilespmem:s16], [sflag:$0x1] =	stream.indirect.gather [hbm4b:s1+s20], $0x80, s11, s20, $0xb8;
	[tilespmem:$0x1D180] =	vst v63  }
0x42: {  	s12 =	rddreg [dreg:$0x8]  }
0x43: {  	[tilespmem:s21], [sflag:$0x2] =	stream.indirect.gather [hbm4b:s1+s20], $0x80, s12, s20, $0xb8;
	[tilespmem:$0x1D180] =	vst v63  }
0x44: {  	_ =	swait.ge [sflag:s18], $0x4000  }
0x45: {  	[sflag:s18] =	ssyncset.done $0x0  }
0x46: {  	s13 =	rddreg [dreg:$0x9];
	[sflag:s18] =	ssyncadd.s32 $0xFFFFC000  }
0x47: {  	[spmem:s2] =	stream.indirect.scatter.add.f32 [tilespmem:s16], [sflag:$0x3], $0x80, s13, s20, $0xb8;
	[tilespmem:$0x1D180] =	vst v63  }
0x48: {  	_ =	swait.ge [sflag:s22], $0x4000  }
0x49: {  	[sflag:s22] =	ssyncset.done $0x0  }
0x4a: {  	s11 =	rddreg [dreg:$0xa];
	[sflag:s22] =	ssyncadd.s32 $0xFFFFC000  }
0x4b: {  	[spmem:s2] =	stream.indirect.scatter.add.f32 [tilespmem:s21], [sflag:$0x4], $0x80, s11, s20, $0xb8;
	[tilespmem:$0x1D180] =	vst v63  }
0x4c: {  	_ =	swait.ge [sflag:s23], $0x4000  }
0x4d: {  	[sflag:s23] =	ssyncset.done $0x0  }
0x4e: {  	[sflag:s23] =	ssyncadd.s32 $0xFFFFC000  }
0x4f: {  	_ =	swait.ge [sflag:s24], $0x4000  }
0x50: {  	[sflag:s24] =	ssyncset.done $0x0  }
0x51: {  	s12 =	rddreg [dreg:$0xb];
	[sflag:s24] =	ssyncadd.s32 $0xFFFFC000  }
0x52: {  	[tilespmem:s16], [sflag:$0x1] =	stream.indirect.gather [hbm4b:s1+s20], $0x80, s12, s20, $0xb8;
	[tilespmem:$0x1D180] =	vst v63  }
0x53: {  	s13 =	rddreg [dreg:$0xc]  }
0x54: {  	[tilespmem:s21], [sflag:$0x2] =	stream.indirect.gather [hbm4b:s1+s20], $0x80, s13, s20, $0xb8;
	[tilespmem:$0x1D180] =	vst v63  }
0x55: {  	_ =	swait.ge [sflag:s18], $0x4000  }
0x56: {  	[sflag:s18] =	ssyncset.done $0x0  }
0x57: {  	s12 =	rddreg [dreg:$0xd];
	[sflag:s18] =	ssyncadd.s32 $0xFFFFC000  }
0x58: {  	[spmem:s2] =	stream.indirect.scatter.add.f32 [tilespmem:s16], [sflag:$0x3], $0x80, s12, s20, $0xb8;
	[tilespmem:$0x1D180] =	vst v63  }
0x59: {  	_ =	swait.ge [sflag:s22], $0x4000  }
0x5a: {  	[sflag:s22] =	ssyncset.done $0x0  }
0x5b: {  	s13 =	rddreg [dreg:$0xe];
	[sflag:s22] =	ssyncadd.s32 $0xFFFFC000  }
0x5c: {  	[spmem:s2] =	stream.indirect.scatter.add.f32 [tilespmem:s21], [sflag:$0x4], $0x80, s13, s20, $0xb8;
	[tilespmem:$0x1D180] =	vst v63  }
0x5d: {  	_ =	swait.ge [sflag:s23], $0x4000  }
0x5e: {  	[sflag:s23] =	ssyncset.done $0x0  }
0x5f: {  	[sflag:s23] =	ssyncadd.s32 $0xFFFFC000  }
0x60: {  	_ =	swait.ge [sflag:s24], $0x4000  }
0x61: {  	[sflag:s24] =	ssyncset.done $0x0  }
0x62: {  	s11 =	rddreg [dreg:$0xf];
	[sflag:s24] =	ssyncadd.s32 $0xFFFFC000  }
0x63: {  	[tilespmem:s16], [sflag:$0x1] =	stream.indirect.gather [hbm4b:s1+s20], $0x80, s11, s20, $0xb8;
	[tilespmem:$0x1D180] =	vst v63  }
0x64: {  	s12 =	rddreg [dreg:$0x10]  }
0x65: {  	[tilespmem:s21], [sflag:$0x2] =	stream.indirect.gather [hbm4b:s1+s20], $0x80, s12, s20, $0xb8;
	[tilespmem:$0x1D180] =	vst v63  }
0x66: {  	_ =	swait.ge [sflag:s18], $0x4000  }
0x67: {  	[sflag:s18] =	ssyncset.done $0x0  }
0x68: {  	s13 =	rddreg [dreg:$0x11];
	[sflag:s18] =	ssyncadd.s32 $0xFFFFC000  }
0x69: {  	[spmem:s2] =	stream.indirect.scatter.add.f32 [tilespmem:s16], [sflag:$0x3], $0x80, s13, s20, $0xb8;
	[tilespmem:$0x1D180] =	vst v63  }
0x6a: {  	_ =	swait.ge [sflag:s22], $0x4000  }
0x6b: {  	[sflag:s22] =	ssyncset.done $0x0  }
0x6c: {  	s11 =	rddreg [dreg:$0x12];
	[sflag:s22] =	ssyncadd.s32 $0xFFFFC000  }
0x6d: {  	[spmem:s2] =	stream.indirect.scatter.add.f32 [tilespmem:s21], [sflag:$0x4], $0x80, s11, s20, $0xb8;
	[tilespmem:$0x1D180] =	vst v63  }
0x6e: {  	_ =	swait.ge [sflag:s23], $0x4000  }
0x6f: {  	[sflag:s23] =	ssyncset.done $0x0  }
0x70: {  	[sflag:s23] =	ssyncadd.s32 $0xFFFFC000  }
0x71: {  	_ =	swait.ge [sflag:s24], $0x4000  }
0x72: {  	[sflag:s24] =	ssyncset.done $0x0  }
0x73: {  	s12 =	rddreg [dreg:$0x13];
	[sflag:s24] =	ssyncadd.s32 $0xFFFFC000  }
0x74: {  	[tilespmem:s16], [sflag:$0x1] =	stream.indirect.gather [hbm4b:s1+s20], $0x80, s12, s20, $0xb8;
	[tilespmem:$0x1D180] =	vst v63  }
0x75: {  	s13 =	rddreg [dreg:$0x14]  }
0x76: {  	[tilespmem:s21], [sflag:$0x2] =	stream.indirect.gather [hbm4b:s1+s20], $0x80, s13, s20, $0xb8;
	[tilespmem:$0x1D180] =	vst v63  }
0x77: {  	_ =	swait.ge [sflag:s18], $0x4000  }
0x78: {  	[sflag:s18] =	ssyncset.done $0x0  }
0x79: {  	s12 =	rddreg [dreg:$0x15];
	[sflag:s18] =	ssyncadd.s32 $0xFFFFC000  }
0x7a: {  	[spmem:s2] =	stream.indirect.scatter.add.f32 [tilespmem:s16], [sflag:$0x3], $0x80, s12, s20, $0xb8;
	[tilespmem:$0x1D180] =	vst v63  }
0x7b: {  	_ =	swait.ge [sflag:s22], $0x4000  }
0x7c: {  	[sflag:s22] =	ssyncset.done $0x0  }
0x7d: {  	s13 =	rddreg [dreg:$0x16];
	[sflag:s22] =	ssyncadd.s32 $0xFFFFC000  }
0x7e: {  	[spmem:s2] =	stream.indirect.scatter.add.f32 [tilespmem:s21], [sflag:$0x4], $0x80, s13, s20, $0xb8;
	[tilespmem:$0x1D180] =	vst v63  }
0x7f: {  	_ =	swait.ge [sflag:s23], $0x4000  }
0x80: {  	[sflag:s23] =	ssyncset.done $0x0  }
0x81: {  	[sflag:s23] =	ssyncadd.s32 $0xFFFFC000  }
0x82: {  	_ =	swait.ge [sflag:s24], $0x4000  }
0x83: {  	[sflag:s24] =	ssyncset.done $0x0  }
0x84: {  	[sflag:s24] =	ssyncadd.s32 $0xFFFFC000  }
0x85: {  	[tilespmem:s16], [sflag:$0x1] =	stream.indirect.gather [hbm4b:s1+s20], $0x80, s25, s20, $0xb8;
	[tilespmem:$0x1D180] =	vst v63  }
0x86: {  	_ = 	snop  }
0x87: {  	[tilespmem:s21], [sflag:$0x2] =	stream.indirect.gather [hbm4b:s1+s20], $0x80, s26, s20, $0xb8;
	[tilespmem:$0x1D180] =	vst v63  }
0x88: {  	_ =	swait.ge [sflag:s18], $0x4000  }
0x89: {  	[sflag:s18] =	ssyncset.done $0x0  }
0x8a: {  	[sflag:s18] =	ssyncadd.s32 $0xFFFFC000  }
0x8b: {  	[spmem:s2] =	stream.indirect.scatter.add.f32 [tilespmem:s16], [sflag:$0x3], $0x80, s28, s20, $0xb8;
	[tilespmem:$0x1D180] =	vst v63  }
0x8c: {  	_ =	swait.ge [sflag:s22], $0x4000  }
0x8d: {  	[sflag:s22] =	ssyncset.done $0x0  }
0x8e: {  	[sflag:s22] =	ssyncadd.s32 $0xFFFFC000  }
0x8f: {  	[spmem:s2] =	stream.indirect.scatter.add.f32 [tilespmem:s21], [sflag:$0x4], $0x80, s29, s20, $0xb8;
	[tilespmem:$0x1D180] =	vst v63  }
0x90: {  	_ =	swait.ge [sflag:s23], $0x4000  }
0x91: {  	[sflag:s23] =	ssyncset.done $0x0  }
0x92: {  	[sflag:s23] =	ssyncadd.s32 $0xFFFFC000  }
0x93: {  	_ =	swait.ge [sflag:s24], $0x4000  }
0x94: {  	[sflag:s24] =	ssyncset.done $0x0  }
0x95: {  	[sflag:s24] =	ssyncadd.s32 $0xFFFFC000  }
0x96: {  	[tilespmem:s16], [sflag:$0x1] =	stream.indirect.gather [hbm4b:s1+s20], $0x80, s30, s20, $0xb8;
	[tilespmem:$0x1D180] =	vst v63  }
0x97: {  	_ = 	snop  }
0x98: {  	[tilespmem:s21], [sflag:$0x2] =	stream.indirect.gather [hbm4b:s1+s20], $0x80, s31, s20, $0xb8;
	[tilespmem:$0x1D180] =	vst v63  }
0x99: {  	_ =	swait.ge [sflag:s18], $0x4000  }
0x9a: {  	[sflag:s18] =	ssyncset.done $0x0  }
0x9b: {  	[sflag:s18] =	ssyncadd.s32 $0xFFFFC000  }
0x9c: {  	[spmem:s2] =	stream.indirect.scatter.add.f32 [tilespmem:s16], [sflag:$0x3], $0x80, s0, s20, $0xb8;
	[tilespmem:$0x1D180] =	vst v63  }
0x9d: {  	_ =	swait.ge [sflag:s22], $0x4000  }
0x9e: {  	[sflag:s22] =	ssyncset.done $0x0  }
0x9f: {  	[sflag:s22] =	ssyncadd.s32 $0xFFFFC000  }
0xa0: {  	[spmem:s2] =	stream.indirect.scatter.add.f32 [tilespmem:s21], [sflag:$0x4], $0x80, s14, s20, $0xb8;
	[tilespmem:$0x1D180] =	vst v63  }
0xa1: {  	_ =	swait.ge [sflag:s23], $0x4000  }
0xa2: {  	[sflag:s23] =	ssyncset.done $0x0  }
0xa3: {  	[sflag:s23] =	ssyncadd.s32 $0xFFFFC000  }
0xa4: {  	_ =	swait.ge [sflag:s24], $0x4000  }
0xa5: {  	[sflag:s24] =	ssyncset.done $0x0  }
0xa6: {  	[sflag:s24] =	ssyncadd.s32 $0xFFFFC000  }
0xa7: {  	[tilespmem:s16], [sflag:$0x1] =	stream.indirect.gather [hbm4b:s1+s20], $0x80, s4, s20, $0xb8;
	[tilespmem:$0x1D180] =	vst v63  }
0xa8: {  	_ = 	snop  }
0xa9: {  	[tilespmem:s21], [sflag:$0x2] =	stream.indirect.gather [hbm4b:s1+s20], $0x80, s5, s20, $0xb8;
	[tilespmem:$0x1D180] =	vst v63  }
0xaa: {  	_ =	swait.ge [sflag:s18], $0x4000  }
0xab: {  	[sflag:s18] =	ssyncset.done $0x0  }
0xac: {  	[sflag:s18] =	ssyncadd.s32 $0xFFFFC000  }
0xad: {  	[spmem:s2] =	stream.indirect.scatter.add.f32 [tilespmem:s16], [sflag:$0x3], $0x80, s6, s20, $0xb8;
	[tilespmem:$0x1D180] =	vst v63  }
0xae: {  	_ =	swait.ge [sflag:s22], $0x4000  }
0xaf: {  	[sflag:s22] =	ssyncset.done $0x0  }
0xb0: {  	[sflag:s22] =	ssyncadd.s32 $0xFFFFC000  }
0xb1: {  	[spmem:s2] =	stream.indirect.scatter.add.f32 [tilespmem:s21], [sflag:$0x4], $0x80, s8, s20, $0xb8;
	[tilespmem:$0x1D180] =	vst v63  }
0xb2: {  	_ =	swait.ge [sflag:s23], $0x4000  }
0xb3: {  	[sflag:s23] =	ssyncset.done $0x0  }
0xb4: {  	[sflag:s23] =	ssyncadd.s32 $0xFFFFC000  }
0xb5: {  	_ =	swait.ge [sflag:s24], $0x4000  }
0xb6: {  	[sflag:s24] =	ssyncset.done $0x0  }
0xb7: {  	[sflag:s24] =	ssyncadd.s32 $0xFFFFC000  }
.LBB2_6:
0xb8: {  	s10 =	stileid.u32  }
0xb9: {  	[bflag:$0x0] =	sbarrier.arrive $0xFFFF;
	s10 =	sshll.u32 s10, $0x6  }
0xba: {  	s11 =	sshrl.u32 s7, $0x3;
	s12 =	rddreg [dreg:$0x1d];
	s10 =	sor.u32 $0x1C05, s10  }
0xbb: {  	[hbm:s12], [sflag:s10] =	dma.local [spmem:s11], $0x2800  }
0xbc: {  	_ =	swait.ge [sflag:s15], $0x2800  }
0xbd: {  	s9 =	sadd.s32 $0x1, s9;
	s13 =	rddreg [dreg:$0x1e]  }
0xbe: {  	p0 =	sne.s32 s9, s13  }
.Ltmp1:
0xbf: {  	_ = 	snop;
	(pc) =	sbr.rel @!p0 .LBB2_7-.Ltmp1, $3  }
0xc0: {  	_ =	sdelay $0x1  }
0xc1: {  	[sflag:s15] =	ssyncset.done $0x0  }
0xc2: {  	[sflag:s15] =	ssyncadd.s32 $0xFFFFD800  }
.LBB2_1:
0xc3: {  	s10 =	rddreg [dreg:$0x18];
	s11 =	simm.s32 $0x1000  }
0xc4: {  	[tilespmem:s11], [sflag:$0x5] =	stream.linear.gather [hbm4b:s10+s3], $0x180, $0x38;
	[tilespmem:$0x1D180] =	vst v63  }
0xc5: {  	_ =	swait.ge [sflag:s15], $0x180  }
0xc6: {  	[sflag:s15] =	ssyncset.done $0x0  }
0xc7: {  	s13 =	rddreg [dreg:$0x17];
	[sflag:s15] =	ssyncadd.s32 $0xFFFFFE80  }
0xc8: {  	[tilespmem:s16], [sflag:$0x5] =	stream.linear.gather [hbm4b:s13+s3], $0x4000, $0x38;
	[tilespmem:$0x1D180] =	vst v63  }
0xc9: {  	_ =	swait.ge [sflag:s15], $0x4000  }
0xca: {  	[sflag:s15] =	ssyncset.done $0x0  }
0xcb: {  	[sflag:s15] =	ssyncadd.s32 $0xFFFFC000  }
0xcc: {  	[spmem:s7] =	stream.linear.scatter [tilespmem:s16], [sflag:$0x5], $0x4000, $0x38;
	[tilespmem:$0x1D180] =	vst v63  }
0xcd: {  	_ =	swait.ge [sflag:s15], $0x4000  }
0xce: {  	[sflag:s15] =	ssyncset.done $0x0  }
0xcf: {  	s11 =	rddreg [dreg:$0x19];
	[sflag:s15] =	ssyncadd.s32 $0xFFFFC000  }
0xd0: {  	[spmem:s11] =	stream.linear.scatter [tilespmem:s16], [sflag:$0x5], $0x4000, $0x38;
	[tilespmem:$0x1D180] =	vst v63  }
0xd1: {  	_ =	swait.ge [sflag:s15], $0x4000  }
0xd2: {  	[sflag:s15] =	ssyncset.done $0x0  }
0xd3: {  	s12 =	rddreg [dreg:$0x1a];
	[sflag:s15] =	ssyncadd.s32 $0xFFFFC000  }
0xd4: {  	[spmem:s12] =	stream.linear.scatter [tilespmem:s16], [sflag:$0x5], $0x4000, $0x38;
	[tilespmem:$0x1D180] =	vst v63  }
0xd5: {  	_ =	swait.ge [sflag:s15], $0x4000  }
0xd6: {  	[sflag:s15] =	ssyncset.done $0x0  }
0xd7: {  	s13 =	rddreg [dreg:$0x1b];
	[sflag:s15] =	ssyncadd.s32 $0xFFFFC000  }
0xd8: {  	[spmem:s13] =	stream.linear.scatter [tilespmem:s16], [sflag:$0x5], $0x4000, $0x38;
	[tilespmem:$0x1D180] =	vst v63  }
0xd9: {  	_ =	swait.ge [sflag:s15], $0x4000  }
0xda: {  	[sflag:s15] =	ssyncset.done $0x0  }
0xdb: {  	s11 =	rddreg [dreg:$0x1c];
	[sflag:s15] =	ssyncadd.s32 $0xFFFFC000  }
0xdc: {  	[spmem:s11] =	stream.linear.scatter [tilespmem:s16], [sflag:$0x5], $0x4000, $0x38;
	[tilespmem:$0x1D180] =	vst v63  }
0xdd: {  	_ =	swait.ge [sflag:s15], $0x4000  }
0xde: {  	[sflag:s15] =	ssyncset.done $0x0  }
0xdf: {  	[sflag:s15] =	ssyncadd.s32 $0xFFFFC000  }
0xe0: {  	[bflag:$0x0] =	sbarrier.arrive $0xFFFF  }
0xe1: {  	v0 =	vld [tilespmem:s17+$0x0];
	_ =	sdelay $0x4  }
0xe2: {  	(v2sf) =	vpush v0, $0x1;
	_ =	sdelay $0xe  }
0xe3: {  	s10 =	spop (v2sf)  }
0xe4: {  	s12 =	sand.u32 $0xF, s10  }
0xe5: {  	s13 =	sshra.s32 s10, $0x1F;
	p1 =	slt.s32 s10, $0x1;
	p0 =	sne.s32 s12, $0x0  }
0xe6: {  	s11 =	sshrl.u32 s13, $0x1C;
	p0 =	por !p1, !p0  }
0xe7: {  	s10 =	sadd.s32 s11, s10;
	s11 =	simm.s32 $0x1;
	p0 =	por !p0, !p0  }
0xe8: {  	s10 =	sshra.s32 s10, $0x4;
	s11 =	simm.s32 @!p0 $0x0  }
0xe9: {  	s11 =	ssub.s32 s10, s11  }
0xea: {  	p0 =	slt.s32 s11, $0x1  }
.Ltmp2:
0xeb: {  	_ = 	snop;
	(pc) =	sbr.rel @p0 .LBB2_6-.Ltmp2, $1  }
0xec: {  	_ =	sdelay $0x3  }
0xed: {  	(v2sf) =	vpush v0, $0x0;
	_ =	sdelay $0xa  }
0xee: {  	p1 =	sne.s32 s11, $0x1  }
.Ltmp3:
0xef: {  	_ = 	snop;
	(pc) =	sbr.rel @!p1 .LBB2_5-.Ltmp3, $3  }
0xf0: {  	_ =	sdelay $0x1  }
0xf1: {  	s11 =	sadd.s32 $0xFFFFFFFF, s11;
	s10 =	spop (v2sf)  }
0xf2: {  	s12 =	rddreg [dreg:$0x4];
	p0 =	por $0x0, $0x0;
	s10 =	sshll.u32 s10, $0x7  }
0xf3: {  	s13 =	sshrl.u32 s10, $0x3  }
0xf4: {  	s13 =	sand.u32 $0x1FFFFF80, s13  }
0xf5: {  	s12 =	sadd.s32 s12, s13  }
0xf6: {  	[tilespmem:s3], [sflag:$0x5] =	stream.linear.gather [hbm4b:s12+s3], $0x800, $0x38;
	[tilespmem:$0x1D180] =	vst v63  }
0xf7: {  	_ =	swait.ge [sflag:s15], $0x800  }
0xf8: {  	s12 =	rddreg [dreg:$0x5];
	[sflag:s15] =	ssyncset.done $0x0  }
0xf9: {  	[sflag:s15] =	ssyncadd.s32 $0xFFFFF800;
	s12 =	sadd.s32 s12, s13  }
0xfa: {  	[tilespmem:s19], [sflag:$0x5] =	stream.linear.gather [hbm4b:s12+s3], $0x800, $0x38;
	[tilespmem:$0x1D180] =	vst v63  }
0xfb: {  	_ =	swait.ge [sflag:s15], $0x800  }
0xfc: {  	[sflag:s15] =	ssyncset.done $0x0  }
0xfd: {  	[sflag:s15] =	ssyncadd.s32 $0xFFFFF800  }
0xfe: {  	[tilespmem:s16], [sflag:$0x1] =	stream.indirect.gather [hbm4b:s1+s20], $0x80, s3, s20, $0xb8;
	[tilespmem:$0x1D180] =	vst v63  }
0xff: {  	_ = 	snop  }
0x100: {  	[tilespmem:s21], [sflag:$0x2] =	stream.indirect.gather [hbm4b:s1+s20], $0x80, s20, s20, $0xb8;
	[tilespmem:$0x1D180] =	vst v63  }
0x101: {  	_ =	swait.ge [sflag:s18], $0x4000  }
0x102: {  	[sflag:s18] =	ssyncset.done $0x0  }
0x103: {  	[sflag:s18] =	ssyncadd.s32 $0xFFFFC000  }
0x104: {  	[spmem:s2] =	stream.indirect.scatter.add.f32 [tilespmem:s16], [sflag:$0x3], $0x80, s19, s20, $0xb8;
	[tilespmem:$0x1D180] =	vst v63  }
0x105: {  	_ =	swait.ge [sflag:s22], $0x4000  }
0x106: {  	[sflag:s22] =	ssyncset.done $0x0  }
0x107: {  	s13 =	rddreg [dreg:$0x6];
	[sflag:s22] =	ssyncadd.s32 $0xFFFFC000  }
0x108: {  	[spmem:s2] =	stream.indirect.scatter.add.f32 [tilespmem:s21], [sflag:$0x4], $0x80, s13, s20, $0xb8;
	[tilespmem:$0x1D180] =	vst v63  }
0x109: {  	_ =	swait.ge [sflag:s23], $0x4000  }
0x10a: {  	[sflag:s23] =	ssyncset.done $0x0  }
0x10b: {  	[sflag:s23] =	ssyncadd.s32 $0xFFFFC000  }
0x10c: {  	_ =	swait.ge [sflag:s24], $0x4000  }
0x10d: {  	[sflag:s24] =	ssyncset.done $0x0  }
0x10e: {  	s12 =	rddreg [dreg:$0x7];
	[sflag:s24] =	ssyncadd.s32 $0xFFFFC000  }
0x10f: {  	[tilespmem:s16], [sflag:$0x1] =	stream.indirect.gather [hbm4b:s1+s20], $0x80, s12, s20, $0xb8;
	[tilespmem:$0x1D180] =	vst v63  }
0x110: {  	s13 =	rddreg [dreg:$0x8]  }
0x111: {  	[tilespmem:s21], [sflag:$0x2] =	stream.indirect.gather [hbm4b:s1+s20], $0x80, s13, s20, $0xb8;
	[tilespmem:$0x1D180] =	vst v63  }
0x112: {  	_ =	swait.ge [sflag:s18], $0x4000  }
0x113: {  	[sflag:s18] =	ssyncset.done $0x0  }
0x114: {  	s13 =	rddreg [dreg:$0x9];
	[sflag:s18] =	ssyncadd.s32 $0xFFFFC000  }
0x115: {  	[spmem:s2] =	stream.indirect.scatter.add.f32 [tilespmem:s16], [sflag:$0x3], $0x80, s13, s20, $0xb8;
	[tilespmem:$0x1D180] =	vst v63  }
0x116: {  	_ =	swait.ge [sflag:s22], $0x4000  }
0x117: {  	[sflag:s22] =	ssyncset.done $0x0  }
0x118: {  	s13 =	rddreg [dreg:$0xa];
	[sflag:s22] =	ssyncadd.s32 $0xFFFFC000  }
0x119: {  	[spmem:s2] =	stream.indirect.scatter.add.f32 [tilespmem:s21], [sflag:$0x4], $0x80, s13, s20, $0xb8;
	[tilespmem:$0x1D180] =	vst v63  }
0x11a: {  	_ =	swait.ge [sflag:s23], $0x4000  }
0x11b: {  	[sflag:s23] =	ssyncset.done $0x0  }
0x11c: {  	[sflag:s23] =	ssyncadd.s32 $0xFFFFC000  }
0x11d: {  	_ =	swait.ge [sflag:s24], $0x4000  }
0x11e: {  	[sflag:s24] =	ssyncset.done $0x0  }
0x11f: {  	s12 =	rddreg [dreg:$0xb];
	[sflag:s24] =	ssyncadd.s32 $0xFFFFC000  }
0x120: {  	[tilespmem:s16], [sflag:$0x1] =	stream.indirect.gather [hbm4b:s1+s20], $0x80, s12, s20, $0xb8;
	[tilespmem:$0x1D180] =	vst v63  }
0x121: {  	s13 =	rddreg [dreg:$0xc]  }
0x122: {  	[tilespmem:s21], [sflag:$0x2] =	stream.indirect.gather [hbm4b:s1+s20], $0x80, s13, s20, $0xb8;
	[tilespmem:$0x1D180] =	vst v63  }
0x123: {  	_ =	swait.ge [sflag:s18], $0x4000  }
0x124: {  	[sflag:s18] =	ssyncset.done $0x0  }
0x125: {  	s13 =	rddreg [dreg:$0xd];
	[sflag:s18] =	ssyncadd.s32 $0xFFFFC000  }
0x126: {  	[spmem:s2] =	stream.indirect.scatter.add.f32 [tilespmem:s16], [sflag:$0x3], $0x80, s13, s20, $0xb8;
	[tilespmem:$0x1D180] =	vst v63  }
0x127: {  	_ =	swait.ge [sflag:s22], $0x4000  }
0x128: {  	[sflag:s22] =	ssyncset.done $0x0  }
0x129: {  	s13 =	rddreg [dreg:$0xe];
	[sflag:s22] =	ssyncadd.s32 $0xFFFFC000  }
0x12a: {  	[spmem:s2] =	stream.indirect.scatter.add.f32 [tilespmem:s21], [sflag:$0x4], $0x80, s13, s20, $0xb8;
	[tilespmem:$0x1D180] =	vst v63  }
0x12b: {  	_ =	swait.ge [sflag:s23], $0x4000  }
0x12c: {  	[sflag:s23] =	ssyncset.done $0x0  }
0x12d: {  	[sflag:s23] =	ssyncadd.s32 $0xFFFFC000  }
0x12e: {  	_ =	swait.ge [sflag:s24], $0x4000  }
0x12f: {  	[sflag:s24] =	ssyncset.done $0x0  }
0x130: {  	s12 =	rddreg [dreg:$0xf];
	[sflag:s24] =	ssyncadd.s32 $0xFFFFC000  }
0x131: {  	[tilespmem:s16], [sflag:$0x1] =	stream.indirect.gather [hbm4b:s1+s20], $0x80, s12, s20, $0xb8;
	[tilespmem:$0x1D180] =	vst v63  }
0x132: {  	s13 =	rddreg [dreg:$0x10]  }
0x133: {  	[tilespmem:s21], [sflag:$0x2] =	stream.indirect.gather [hbm4b:s1+s20], $0x80, s13, s20, $0xb8;
	[tilespmem:$0x1D180] =	vst v63  }
0x134: {  	_ =	swait.ge [sflag:s18], $0x4000  }
0x135: {  	[sflag:s18] =	ssyncset.done $0x0  }
0x136: {  	s13 =	rddreg [dreg:$0x11];
	[sflag:s18] =	ssyncadd.s32 $0xFFFFC000  }
0x137: {  	[spmem:s2] =	stream.indirect.scatter.add.f32 [tilespmem:s16], [sflag:$0x3], $0x80, s13, s20, $0xb8;
	[tilespmem:$0x1D180] =	vst v63  }
0x138: {  	_ =	swait.ge [sflag:s22], $0x4000  }
0x139: {  	[sflag:s22] =	ssyncset.done $0x0  }
0x13a: {  	s13 =	rddreg [dreg:$0x12];
	[sflag:s22] =	ssyncadd.s32 $0xFFFFC000  }
0x13b: {  	[spmem:s2] =	stream.indirect.scatter.add.f32 [tilespmem:s21], [sflag:$0x4], $0x80, s13, s20, $0xb8;
	[tilespmem:$0x1D180] =	vst v63  }
0x13c: {  	_ =	swait.ge [sflag:s23], $0x4000  }
0x13d: {  	[sflag:s23] =	ssyncset.done $0x0  }
0x13e: {  	[sflag:s23] =	ssyncadd.s32 $0xFFFFC000  }
0x13f: {  	_ =	swait.ge [sflag:s24], $0x4000  }
0x140: {  	[sflag:s24] =	ssyncset.done $0x0  }
0x141: {  	s12 =	rddreg [dreg:$0x13];
	[sflag:s24] =	ssyncadd.s32 $0xFFFFC000  }
0x142: {  	[tilespmem:s16], [sflag:$0x1] =	stream.indirect.gather [hbm4b:s1+s20], $0x80, s12, s20, $0xb8;
	[tilespmem:$0x1D180] =	vst v63  }
0x143: {  	s13 =	rddreg [dreg:$0x14]  }
0x144: {  	[tilespmem:s21], [sflag:$0x2] =	stream.indirect.gather [hbm4b:s1+s20], $0x80, s13, s20, $0xb8;
	[tilespmem:$0x1D180] =	vst v63  }
0x145: {  	_ =	swait.ge [sflag:s18], $0x4000  }
0x146: {  	[sflag:s18] =	ssyncset.done $0x0  }
0x147: {  	s13 =	rddreg [dreg:$0x15];
	[sflag:s18] =	ssyncadd.s32 $0xFFFFC000  }
0x148: {  	[spmem:s2] =	stream.indirect.scatter.add.f32 [tilespmem:s16], [sflag:$0x3], $0x80, s13, s20, $0xb8;
	[tilespmem:$0x1D180] =	vst v63  }
0x149: {  	_ =	swait.ge [sflag:s22], $0x4000  }
0x14a: {  	[sflag:s22] =	ssyncset.done $0x0  }
0x14b: {  	s13 =	rddreg [dreg:$0x16];
	[sflag:s22] =	ssyncadd.s32 $0xFFFFC000  }
0x14c: {  	[spmem:s2] =	stream.indirect.scatter.add.f32 [tilespmem:s21], [sflag:$0x4], $0x80, s13, s20, $0xb8;
	[tilespmem:$0x1D180] =	vst v63  }
0x14d: {  	_ =	swait.ge [sflag:s23], $0x4000  }
0x14e: {  	[sflag:s23] =	ssyncset.done $0x0  }
0x14f: {  	[sflag:s23] =	ssyncadd.s32 $0xFFFFC000  }
0x150: {  	_ =	swait.ge [sflag:s24], $0x4000  }
0x151: {  	[sflag:s24] =	ssyncset.done $0x0  }
0x152: {  	[sflag:s24] =	ssyncadd.s32 $0xFFFFC000  }
0x153: {  	[tilespmem:s16], [sflag:$0x1] =	stream.indirect.gather [hbm4b:s1+s20], $0x80, s25, s20, $0xb8;
	[tilespmem:$0x1D180] =	vst v63  }
0x154: {  	_ = 	snop  }
0x155: {  	[tilespmem:s21], [sflag:$0x2] =	stream.indirect.gather [hbm4b:s1+s20], $0x80, s26, s20, $0xb8;
	[tilespmem:$0x1D180] =	vst v63  }
0x156: {  	_ =	swait.ge [sflag:s18], $0x4000  }
0x157: {  	[sflag:s18] =	ssyncset.done $0x0  }
0x158: {  	[sflag:s18] =	ssyncadd.s32 $0xFFFFC000  }
0x159: {  	[spmem:s2] =	stream.indirect.scatter.add.f32 [tilespmem:s16], [sflag:$0x3], $0x80, s28, s20, $0xb8;
	[tilespmem:$0x1D180] =	vst v63  }
0x15a: {  	_ =	swait.ge [sflag:s22], $0x4000  }
0x15b: {  	[sflag:s22] =	ssyncset.done $0x0  }
0x15c: {  	[sflag:s22] =	ssyncadd.s32 $0xFFFFC000  }
0x15d: {  	[spmem:s2] =	stream.indirect.scatter.add.f32 [tilespmem:s21], [sflag:$0x4], $0x80, s29, s20, $0xb8;
	[tilespmem:$0x1D180] =	vst v63  }
0x15e: {  	_ =	swait.ge [sflag:s23], $0x4000  }
0x15f: {  	[sflag:s23] =	ssyncset.done $0x0  }
0x160: {  	[sflag:s23] =	ssyncadd.s32 $0xFFFFC000  }
0x161: {  	_ =	swait.ge [sflag:s24], $0x4000  }
0x162: {  	[sflag:s24] =	ssyncset.done $0x0  }
0x163: {  	[sflag:s24] =	ssyncadd.s32 $0xFFFFC000  }
0x164: {  	[tilespmem:s16], [sflag:$0x1] =	stream.indirect.gather [hbm4b:s1+s20], $0x80, s30, s20, $0xb8;
	[tilespmem:$0x1D180] =	vst v63  }
0x165: {  	_ = 	snop  }
0x166: {  	[tilespmem:s21], [sflag:$0x2] =	stream.indirect.gather [hbm4b:s1+s20], $0x80, s31, s20, $0xb8;
	[tilespmem:$0x1D180] =	vst v63  }
0x167: {  	_ =	swait.ge [sflag:s18], $0x4000  }
0x168: {  	[sflag:s18] =	ssyncset.done $0x0  }
0x169: {  	[sflag:s18] =	ssyncadd.s32 $0xFFFFC000  }
0x16a: {  	[spmem:s2] =	stream.indirect.scatter.add.f32 [tilespmem:s16], [sflag:$0x3], $0x80, s0, s20, $0xb8;
	[tilespmem:$0x1D180] =	vst v63  }
0x16b: {  	_ =	swait.ge [sflag:s22], $0x4000  }
0x16c: {  	[sflag:s22] =	ssyncset.done $0x0  }
0x16d: {  	[sflag:s22] =	ssyncadd.s32 $0xFFFFC000  }
0x16e: {  	[spmem:s2] =	stream.indirect.scatter.add.f32 [tilespmem:s21], [sflag:$0x4], $0x80, s14, s20, $0xb8;
	[tilespmem:$0x1D180] =	vst v63  }
0x16f: {  	_ =	swait.ge [sflag:s23], $0x4000  }
0x170: {  	[sflag:s23] =	ssyncset.done $0x0  }
0x171: {  	[sflag:s23] =	ssyncadd.s32 $0xFFFFC000  }
0x172: {  	_ =	swait.ge [sflag:s24], $0x4000  }
0x173: {  	[sflag:s24] =	ssyncset.done $0x0  }
0x174: {  	[sflag:s24] =	ssyncadd.s32 $0xFFFFC000  }
0x175: {  	[tilespmem:s16], [sflag:$0x1] =	stream.indirect.gather [hbm4b:s1+s20], $0x80, s4, s20, $0xb8;
	[tilespmem:$0x1D180] =	vst v63  }
0x176: {  	_ = 	snop  }
0x177: {  	[tilespmem:s21], [sflag:$0x2] =	stream.indirect.gather [hbm4b:s1+s20], $0x80, s5, s20, $0xb8;
	[tilespmem:$0x1D180] =	vst v63  }
0x178: {  	_ =	swait.ge [sflag:s18], $0x4000  }
0x179: {  	[sflag:s18] =	ssyncset.done $0x0  }
0x17a: {  	[sflag:s18] =	ssyncadd.s32 $0xFFFFC000  }
0x17b: {  	[spmem:s2] =	stream.indirect.scatter.add.f32 [tilespmem:s16], [sflag:$0x3], $0x80, s6, s20, $0xb8;
	[tilespmem:$0x1D180] =	vst v63  }
0x17c: {  	_ =	swait.ge [sflag:s22], $0x4000  }
0x17d: {  	[sflag:s22] =	ssyncset.done $0x0  }
0x17e: {  	p1 =	sne.s32 s11, $0x1;
	[sflag:s22] =	ssyncadd.s32 $0xFFFFC000  }
0x17f: {  	[spmem:s2] =	stream.indirect.scatter.add.f32 [tilespmem:s21], [sflag:$0x4], $0x80, s8, s20, $0xb8;
	[tilespmem:$0x1D180] =	vst v63  }
.Ltmp4:
0x180: {  	_ =	swait.ge [sflag:s23], $0x4000;
	(pc) =	sbr.rel @!p1 .LBB2_5-.Ltmp4, $4  }
0x181: {  	[sflag:s23] =	ssyncset.done $0x0  }
0x182: {  	[sflag:s23] =	ssyncadd.s32 $0xFFFFC000  }
0x183: {  	s11 =	sadd.s32 $0xFFFFFFFF, s11;
	s10 =	sadd.s32 $0x800, s10;
	_ =	swait.ge [sflag:s24], $0x4000  }
0x184: {  	p0 =	por $0x1, $0x1;
	s12 =	rddreg [dreg:$0x4];
	[sflag:s24] =	ssyncset.done $0x0  }
.LBB2_4:
0x185: {  	s13 =	sshrl.u32 s10, $0x3  }
0x186: {  	s13 =	sand.u32 $0x1FFFFF80, s13  }
0x187: {  	[sflag:s24] =	ssyncadd.s32 $0xFFFFC000;
	s12 =	sadd.s32 s12, s13  }
0x188: {  	[tilespmem:s3], [sflag:$0x5] =	stream.linear.gather [hbm4b:s12+s3], $0x800, $0x38;
	[tilespmem:$0x1D180] =	vst v63  }
0x189: {  	_ =	swait.ge [sflag:s15], $0x800  }
0x18a: {  	s12 =	rddreg [dreg:$0x5];
	[sflag:s15] =	ssyncset.done $0x0  }
0x18b: {  	[sflag:s15] =	ssyncadd.s32 $0xFFFFF800;
	s12 =	sadd.s32 s12, s13  }
0x18c: {  	[tilespmem:s19], [sflag:$0x5] =	stream.linear.gather [hbm4b:s12+s3], $0x800, $0x38;
	[tilespmem:$0x1D180] =	vst v63  }
0x18d: {  	_ =	swait.ge [sflag:s15], $0x800  }
0x18e: {  	[sflag:s15] =	ssyncset.done $0x0  }
0x18f: {  	[sflag:s15] =	ssyncadd.s32 $0xFFFFF800  }
0x190: {  	[tilespmem:s16], [sflag:$0x1] =	stream.indirect.gather [hbm4b:s1+s20], $0x80, s3, s20, $0xb8;
	[tilespmem:$0x1D180] =	vst v63  }
0x191: {  	_ = 	snop  }
0x192: {  	[tilespmem:s21], [sflag:$0x2] =	stream.indirect.gather [hbm4b:s1+s20], $0x80, s20, s20, $0xb8;
	[tilespmem:$0x1D180] =	vst v63  }
0x193: {  	_ =	swait.ge [sflag:s18], $0x4000  }
0x194: {  	[sflag:s18] =	ssyncset.done $0x0  }
0x195: {  	[sflag:s18] =	ssyncadd.s32 $0xFFFFC000  }
0x196: {  	[spmem:s2] =	stream.indirect.scatter.add.f32 [tilespmem:s16], [sflag:$0x3], $0x80, s19, s20, $0xb8;
	[tilespmem:$0x1D180] =	vst v63  }
0x197: {  	_ =	swait.ge [sflag:s22], $0x4000  }
0x198: {  	[sflag:s22] =	ssyncset.done $0x0  }
0x199: {  	s13 =	rddreg [dreg:$0x6];
	[sflag:s22] =	ssyncadd.s32 $0xFFFFC000  }
0x19a: {  	[spmem:s2] =	stream.indirect.scatter.add.f32 [tilespmem:s21], [sflag:$0x4], $0x80, s13, s20, $0xb8;
	[tilespmem:$0x1D180] =	vst v63  }
0x19b: {  	_ =	swait.ge [sflag:s23], $0x4000  }
0x19c: {  	[sflag:s23] =	ssyncset.done $0x0  }
0x19d: {  	[sflag:s23] =	ssyncadd.s32 $0xFFFFC000  }
0x19e: {  	_ =	swait.ge [sflag:s24], $0x4000  }
0x19f: {  	[sflag:s24] =	ssyncset.done $0x0  }
0x1a0: {  	s12 =	rddreg [dreg:$0x7];
	[sflag:s24] =	ssyncadd.s32 $0xFFFFC000  }
0x1a1: {  	[tilespmem:s16], [sflag:$0x1] =	stream.indirect.gather [hbm4b:s1+s20], $0x80, s12, s20, $0xb8;
	[tilespmem:$0x1D180] =	vst v63  }
0x1a2: {  	s13 =	rddreg [dreg:$0x8]  }
0x1a3: {  	[tilespmem:s21], [sflag:$0x2] =	stream.indirect.gather [hbm4b:s1+s20], $0x80, s13, s20, $0xb8;
	[tilespmem:$0x1D180] =	vst v63  }
0x1a4: {  	_ =	swait.ge [sflag:s18], $0x4000  }
0x1a5: {  	[sflag:s18] =	ssyncset.done $0x0  }
0x1a6: {  	s13 =	rddreg [dreg:$0x9];
	[sflag:s18] =	ssyncadd.s32 $0xFFFFC000  }
0x1a7: {  	[spmem:s2] =	stream.indirect.scatter.add.f32 [tilespmem:s16], [sflag:$0x3], $0x80, s13, s20, $0xb8;
	[tilespmem:$0x1D180] =	vst v63  }
0x1a8: {  	_ =	swait.ge [sflag:s22], $0x4000  }
0x1a9: {  	[sflag:s22] =	ssyncset.done $0x0  }
0x1aa: {  	s13 =	rddreg [dreg:$0xa];
	[sflag:s22] =	ssyncadd.s32 $0xFFFFC000  }
0x1ab: {  	[spmem:s2] =	stream.indirect.scatter.add.f32 [tilespmem:s21], [sflag:$0x4], $0x80, s13, s20, $0xb8;
	[tilespmem:$0x1D180] =	vst v63  }
0x1ac: {  	_ =	swait.ge [sflag:s23], $0x4000  }
0x1ad: {  	[sflag:s23] =	ssyncset.done $0x0  }
0x1ae: {  	[sflag:s23] =	ssyncadd.s32 $0xFFFFC000  }
0x1af: {  	_ =	swait.ge [sflag:s24], $0x4000  }
0x1b0: {  	[sflag:s24] =	ssyncset.done $0x0  }
0x1b1: {  	s12 =	rddreg [dreg:$0xb];
	[sflag:s24] =	ssyncadd.s32 $0xFFFFC000  }
0x1b2: {  	[tilespmem:s16], [sflag:$0x1] =	stream.indirect.gather [hbm4b:s1+s20], $0x80, s12, s20, $0xb8;
	[tilespmem:$0x1D180] =	vst v63  }
0x1b3: {  	s13 =	rddreg [dreg:$0xc]  }
0x1b4: {  	[tilespmem:s21], [sflag:$0x2] =	stream.indirect.gather [hbm4b:s1+s20], $0x80, s13, s20, $0xb8;
	[tilespmem:$0x1D180] =	vst v63  }
0x1b5: {  	_ =	swait.ge [sflag:s18], $0x4000  }
0x1b6: {  	[sflag:s18] =	ssyncset.done $0x0  }
0x1b7: {  	s13 =	rddreg [dreg:$0xd];
	[sflag:s18] =	ssyncadd.s32 $0xFFFFC000  }
0x1b8: {  	[spmem:s2] =	stream.indirect.scatter.add.f32 [tilespmem:s16], [sflag:$0x3], $0x80, s13, s20, $0xb8;
	[tilespmem:$0x1D180] =	vst v63  }
0x1b9: {  	_ =	swait.ge [sflag:s22], $0x4000  }
0x1ba: {  	[sflag:s22] =	ssyncset.done $0x0  }
0x1bb: {  	s13 =	rddreg [dreg:$0xe];
	[sflag:s22] =	ssyncadd.s32 $0xFFFFC000  }
0x1bc: {  	[spmem:s2] =	stream.indirect.scatter.add.f32 [tilespmem:s21], [sflag:$0x4], $0x80, s13, s20, $0xb8;
	[tilespmem:$0x1D180] =	vst v63  }
0x1bd: {  	_ =	swait.ge [sflag:s23], $0x4000  }
0x1be: {  	[sflag:s23] =	ssyncset.done $0x0  }
0x1bf: {  	[sflag:s23] =	ssyncadd.s32 $0xFFFFC000  }
0x1c0: {  	_ =	swait.ge [sflag:s24], $0x4000  }
0x1c1: {  	[sflag:s24] =	ssyncset.done $0x0  }
0x1c2: {  	s12 =	rddreg [dreg:$0xf];
	[sflag:s24] =	ssyncadd.s32 $0xFFFFC000  }
0x1c3: {  	[tilespmem:s16], [sflag:$0x1] =	stream.indirect.gather [hbm4b:s1+s20], $0x80, s12, s20, $0xb8;
	[tilespmem:$0x1D180] =	vst v63  }
0x1c4: {  	s13 =	rddreg [dreg:$0x10]  }
0x1c5: {  	[tilespmem:s21], [sflag:$0x2] =	stream.indirect.gather [hbm4b:s1+s20], $0x80, s13, s20, $0xb8;
	[tilespmem:$0x1D180] =	vst v63  }
0x1c6: {  	_ =	swait.ge [sflag:s18], $0x4000  }
0x1c7: {  	[sflag:s18] =	ssyncset.done $0x0  }
0x1c8: {  	s13 =	rddreg [dreg:$0x11];
	[sflag:s18] =	ssyncadd.s32 $0xFFFFC000  }
0x1c9: {  	[spmem:s2] =	stream.indirect.scatter.add.f32 [tilespmem:s16], [sflag:$0x3], $0x80, s13, s20, $0xb8;
	[tilespmem:$0x1D180] =	vst v63  }
0x1ca: {  	_ =	swait.ge [sflag:s22], $0x4000  }
0x1cb: {  	[sflag:s22] =	ssyncset.done $0x0  }
0x1cc: {  	s13 =	rddreg [dreg:$0x12];
	[sflag:s22] =	ssyncadd.s32 $0xFFFFC000  }
0x1cd: {  	[spmem:s2] =	stream.indirect.scatter.add.f32 [tilespmem:s21], [sflag:$0x4], $0x80, s13, s20, $0xb8;
	[tilespmem:$0x1D180] =	vst v63  }
0x1ce: {  	_ =	swait.ge [sflag:s23], $0x4000  }
0x1cf: {  	[sflag:s23] =	ssyncset.done $0x0  }
0x1d0: {  	[sflag:s23] =	ssyncadd.s32 $0xFFFFC000  }
0x1d1: {  	_ =	swait.ge [sflag:s24], $0x4000  }
0x1d2: {  	[sflag:s24] =	ssyncset.done $0x0  }
0x1d3: {  	s12 =	rddreg [dreg:$0x13];
	[sflag:s24] =	ssyncadd.s32 $0xFFFFC000  }
0x1d4: {  	[tilespmem:s16], [sflag:$0x1] =	stream.indirect.gather [hbm4b:s1+s20], $0x80, s12, s20, $0xb8;
	[tilespmem:$0x1D180] =	vst v63  }
0x1d5: {  	s13 =	rddreg [dreg:$0x14]  }
0x1d6: {  	[tilespmem:s21], [sflag:$0x2] =	stream.indirect.gather [hbm4b:s1+s20], $0x80, s13, s20, $0xb8;
	[tilespmem:$0x1D180] =	vst v63  }
0x1d7: {  	_ =	swait.ge [sflag:s18], $0x4000  }
0x1d8: {  	[sflag:s18] =	ssyncset.done $0x0  }
0x1d9: {  	s13 =	rddreg [dreg:$0x15];
	[sflag:s18] =	ssyncadd.s32 $0xFFFFC000  }
0x1da: {  	[spmem:s2] =	stream.indirect.scatter.add.f32 [tilespmem:s16], [sflag:$0x3], $0x80, s13, s20, $0xb8;
	[tilespmem:$0x1D180] =	vst v63  }
0x1db: {  	_ =	swait.ge [sflag:s22], $0x4000  }
0x1dc: {  	[sflag:s22] =	ssyncset.done $0x0  }
0x1dd: {  	s13 =	rddreg [dreg:$0x16];
	[sflag:s22] =	ssyncadd.s32 $0xFFFFC000  }
0x1de: {  	[spmem:s2] =	stream.indirect.scatter.add.f32 [tilespmem:s21], [sflag:$0x4], $0x80, s13, s20, $0xb8;
	[tilespmem:$0x1D180] =	vst v63  }
0x1df: {  	_ =	swait.ge [sflag:s23], $0x4000  }
0x1e0: {  	[sflag:s23] =	ssyncset.done $0x0  }
0x1e1: {  	[sflag:s23] =	ssyncadd.s32 $0xFFFFC000  }
0x1e2: {  	_ =	swait.ge [sflag:s24], $0x4000  }
0x1e3: {  	[sflag:s24] =	ssyncset.done $0x0  }
0x1e4: {  	[sflag:s24] =	ssyncadd.s32 $0xFFFFC000  }
0x1e5: {  	[tilespmem:s16], [sflag:$0x1] =	stream.indirect.gather [hbm4b:s1+s20], $0x80, s25, s20, $0xb8;
	[tilespmem:$0x1D180] =	vst v63  }
0x1e6: {  	_ = 	snop  }
0x1e7: {  	[tilespmem:s21], [sflag:$0x2] =	stream.indirect.gather [hbm4b:s1+s20], $0x80, s26, s20, $0xb8;
	[tilespmem:$0x1D180] =	vst v63  }
0x1e8: {  	_ =	swait.ge [sflag:s18], $0x4000  }
0x1e9: {  	[sflag:s18] =	ssyncset.done $0x0  }
0x1ea: {  	[sflag:s18] =	ssyncadd.s32 $0xFFFFC000  }
0x1eb: {  	[spmem:s2] =	stream.indirect.scatter.add.f32 [tilespmem:s16], [sflag:$0x3], $0x80, s28, s20, $0xb8;
	[tilespmem:$0x1D180] =	vst v63  }
0x1ec: {  	_ =	swait.ge [sflag:s22], $0x4000  }
0x1ed: {  	[sflag:s22] =	ssyncset.done $0x0  }
0x1ee: {  	[sflag:s22] =	ssyncadd.s32 $0xFFFFC000  }
0x1ef: {  	[spmem:s2] =	stream.indirect.scatter.add.f32 [tilespmem:s21], [sflag:$0x4], $0x80, s29, s20, $0xb8;
	[tilespmem:$0x1D180] =	vst v63  }
0x1f0: {  	_ =	swait.ge [sflag:s23], $0x4000  }
0x1f1: {  	[sflag:s23] =	ssyncset.done $0x0  }
0x1f2: {  	[sflag:s23] =	ssyncadd.s32 $0xFFFFC000  }
0x1f3: {  	_ =	swait.ge [sflag:s24], $0x4000  }
0x1f4: {  	[sflag:s24] =	ssyncset.done $0x0  }
0x1f5: {  	[sflag:s24] =	ssyncadd.s32 $0xFFFFC000  }
0x1f6: {  	[tilespmem:s16], [sflag:$0x1] =	stream.indirect.gather [hbm4b:s1+s20], $0x80, s30, s20, $0xb8;
	[tilespmem:$0x1D180] =	vst v63  }
0x1f7: {  	_ = 	snop  }
0x1f8: {  	[tilespmem:s21], [sflag:$0x2] =	stream.indirect.gather [hbm4b:s1+s20], $0x80, s31, s20, $0xb8;
	[tilespmem:$0x1D180] =	vst v63  }
0x1f9: {  	_ =	swait.ge [sflag:s18], $0x4000  }
0x1fa: {  	[sflag:s18] =	ssyncset.done $0x0  }
0x1fb: {  	[sflag:s18] =	ssyncadd.s32 $0xFFFFC000  }
0x1fc: {  	[spmem:s2] =	stream.indirect.scatter.add.f32 [tilespmem:s16], [sflag:$0x3], $0x80, s0, s20, $0xb8;
	[tilespmem:$0x1D180] =	vst v63  }
0x1fd: {  	_ =	swait.ge [sflag:s22], $0x4000  }
0x1fe: {  	[sflag:s22] =	ssyncset.done $0x0  }
0x1ff: {  	[sflag:s22] =	ssyncadd.s32 $0xFFFFC000  }
0x200: {  	[spmem:s2] =	stream.indirect.scatter.add.f32 [tilespmem:s21], [sflag:$0x4], $0x80, s14, s20, $0xb8;
	[tilespmem:$0x1D180] =	vst v63  }
0x201: {  	_ =	swait.ge [sflag:s23], $0x4000  }
0x202: {  	[sflag:s23] =	ssyncset.done $0x0  }
0x203: {  	[sflag:s23] =	ssyncadd.s32 $0xFFFFC000  }
0x204: {  	_ =	swait.ge [sflag:s24], $0x4000  }
0x205: {  	[sflag:s24] =	ssyncset.done $0x0  }
0x206: {  	[sflag:s24] =	ssyncadd.s32 $0xFFFFC000  }
0x207: {  	[tilespmem:s16], [sflag:$0x1] =	stream.indirect.gather [hbm4b:s1+s20], $0x80, s4, s20, $0xb8;
	[tilespmem:$0x1D180] =	vst v63  }
0x208: {  	_ = 	snop  }
0x209: {  	[tilespmem:s21], [sflag:$0x2] =	stream.indirect.gather [hbm4b:s1+s20], $0x80, s5, s20, $0xb8;
	[tilespmem:$0x1D180] =	vst v63  }
0x20a: {  	_ =	swait.ge [sflag:s18], $0x4000  }
0x20b: {  	[sflag:s18] =	ssyncset.done $0x0  }
0x20c: {  	[sflag:s18] =	ssyncadd.s32 $0xFFFFC000  }
0x20d: {  	[spmem:s2] =	stream.indirect.scatter.add.f32 [tilespmem:s16], [sflag:$0x3], $0x80, s6, s20, $0xb8;
	[tilespmem:$0x1D180] =	vst v63  }
0x20e: {  	_ =	swait.ge [sflag:s22], $0x4000  }
0x20f: {  	[sflag:s22] =	ssyncset.done $0x0  }
0x210: {  	p1 =	sne.s32 s11, $0x1;
	[sflag:s22] =	ssyncadd.s32 $0xFFFFC000  }
0x211: {  	[spmem:s2] =	stream.indirect.scatter.add.f32 [tilespmem:s21], [sflag:$0x4], $0x80, s8, s20, $0xb8;
	[tilespmem:$0x1D180] =	vst v63  }
.Ltmp5:
0x212: {  	_ =	swait.ge [sflag:s23], $0x4000;
	(pc) =	sbr.rel @p1 .LBB2_4-.Ltmp5, $4  }
0x213: {  	[sflag:s23] =	ssyncset.done $0x0  }
0x214: {  	[sflag:s23] =	ssyncadd.s32 $0xFFFFC000  }
0x215: {  	s11 =	sadd.s32 $0xFFFFFFFF, s11;
	_ =	swait.ge [sflag:s24], $0x4000  }
0x216: {  	s10 =	sadd.s32 $0x800, s10;
	s12 =	rddreg [dreg:$0x4];
	[sflag:s24] =	ssyncset.done $0x0  }
.Ltmp6:
0x217: {  	_ = 	snop;
	(pc) =	sbr.rel .LBB2_5-.Ltmp6, $1  }
0x218: {  	_ =	sdelay $0x3  }
.LBB2_7:
0x219: {  	_ =	sfence.sel $0x180000  }
0x21a: {  	[bflag:$0x0] =	sbarrier.arrive $0xFFFF  }
0x21b: {  	_ =	strace $0x90000047  }
0x21c: {  	s0 =	stileid.u32;
	[bflag:$0x2] =	sbarrier.arrive $0xFFFF  }
0x21d: {  	p0 =	sne.s32 s0, $0x0;
	s0 =	rddreg [dreg:$0x3]  }
0x21e: {  	s0 =	sadd.s32 @!p0 $0x100000, s0  }
0x21f: {  	[sflag:s0] =	ssyncadd.tile.s32 @!p0 $0x1;
	_ =	shalt  }
.Lfunc_end2:
_tile_overlayer_lowered:
.L_overlay_start_2:
0x220: {  	(tag) =	ssettag $0x2  }
0x221: {  	s0 =	rddreg [dreg:$0x0];
	s2 =	stileid.u32  }
0x222: {  	s1 =	rddreg [dreg:$0x1];
	p0 =	sne.s32 s2, $0x0  }
0x223: {  	s3 =	rddreg [dreg:$0x2];
	[bflag:$0x3] =	sbarrier.arrive $0xFFFF;
	s2 =	simm.s32 @!p0 $0x1C05  }
0x224: {  	[timem:s3], [sflag:s2] =	dma.local @!p0 [hbm:s0], s1  }
0x225: {  	s0 =	simm.s32 @!p0 $0x5  }
0x226: {  	_ =	swait.ge @!p0 [sflag:s0], s1  }
0x227: {  	s1 =	ssub.s32 @!p0 $0x0, s1;
	[sflag:s0] =	ssyncset.done @!p0 $0x0  }
0x228: {  	[sflag:s0] =	ssyncadd.s32 @!p0 s1  }
0x229: {  	[bflag:$0x3] =	sbarrier.arrive $0xFFFF  }
0x22a: {  	_ =	shalt  }

</sc_bundles>
